<compile_context>
chip_gen: v7x
topology: tpu7x:2x2x1
jax: 0.10.2.dev20260603
libtpu: 0.0.44.dev20260713+nightly
codegen_flags: <defaults>
</compile_context>

<pallas_src>
import functools

import jax
import jax.numpy as jnp
from jax import lax
from jax.experimental import pallas as pl
from jax.experimental.pallas import tpu as pltpu
from jax.experimental.pallas import tpu_sc as plsc

NC, NS = 2, 16
NW = NC * NS
K = 64
CB = 32
RB = 512


DW = 128


def _deg_kernel(npad, nb):
    chunk = npad // NS
    nz = chunk // K
    mesh = plsc.VectorSubcoreMesh(core_axis_name="c", subcore_axis_name="s")

    @functools.partial(
        pl.kernel,
        out_type=jax.ShapeDtypeStruct((NC, npad, DW), jnp.float32),
        mesh=mesh,
        scratch_types=[
            pltpu.VMEM((nb, K), jnp.int32),
            pltpu.VMEM((K, DW), jnp.float32),
            pltpu.VMEM_SHARED((npad, DW), jnp.float32),
            pltpu.SemaphoreType.DMA,
            pltpu.SemaphoreType.DMA,
            pltpu.SemaphoreType.DMA,
            pltpu.SemaphoreType.DMA,
            pltpu.SemaphoreType.DMA,
            pltpu.SemaphoreType.DMA,
            pltpu.SemaphoreType.DMA,
            pltpu.SemaphoreType.DMA,
        ],
    )
    def deg(dst_hbm, zeros_hbm, ones_hbm, out_hbm, dst_v, rows_v, acc,
            d0, d1, d2, d3, d4, d5, d6, d7):
        c = lax.axis_index("c")
        s = lax.axis_index("s")
        pltpu.sync_copy(dst_hbm.at[c, s, pl.ds(0, nb // 2)],
                        dst_v.at[pl.ds(0, nb // 2)])
        pltpu.sync_copy(dst_hbm.at[c, s, pl.ds(nb // 2, nb // 2)],
                        dst_v.at[pl.ds(nb // 2, nb // 2)])
        pltpu.sync_copy(zeros_hbm, rows_v)
        for t in range(nz):
            pltpu.sync_copy(rows_v, acc.at[pl.ds(s * chunk + t * K, K)])
        plsc.subcore_barrier()
        pltpu.sync_copy(ones_hbm, rows_v)
        sems = (d0, d1, d2, d3, d4, d5, d6, d7)

        def body(i, carry):
            j = i * 8
            cps = [pltpu.async_copy(rows_v, acc.at[dst_v.at[j + t]], sems[t],
                                    add=True)
                   for t in range(8)]
            for t in range(8):
                cps[t].wait()
            return carry

        lax.fori_loop(0, nb // 8, body, 0)
        plsc.subcore_barrier()
        for t in range(nz):
            pltpu.sync_copy(acc.at[pl.ds(s * chunk + t * K, K)], rows_v)
            pltpu.sync_copy(rows_v, out_hbm.at[c, pl.ds(s * chunk + t * K, K)])

    return deg


def _scatter_kernel(npad, d, nb):
    chunk = npad // NS
    nz = chunk // K
    mesh = plsc.VectorSubcoreMesh(core_axis_name="c", subcore_axis_name="s")

    @functools.partial(
        pl.kernel,
        out_type=jax.ShapeDtypeStruct((NC, npad, d), jnp.float32),
        mesh=mesh,
        scratch_types=[
            pltpu.VMEM((CB, K), jnp.int32),
            pltpu.VMEM((4, K), jnp.int32),
            pltpu.VMEM((4, K), jnp.int32),
            pltpu.VMEM((K, d), jnp.float32),
            pltpu.VMEM((K, d), jnp.float32),
            pltpu.VMEM((K, d), jnp.float32),
            pltpu.VMEM_SHARED((npad, d), jnp.float32),
            pltpu.SemaphoreType.DMA,
            pltpu.SemaphoreType.DMA,
            pltpu.SemaphoreType.DMA,
            pltpu.SemaphoreType.DMA,
            pltpu.SemaphoreType.DMA,
            pltpu.SemaphoreType.DMA,
        ],
    )
    def scat(g_hbm, ei_hbm, zeros_hbm, out_hbm,
             pk_v, sidx, didx, r0, r1, r2, acc, s0, s1, s2, s3, s4, s5):
        c = lax.axis_index("c")
        s = lax.axis_index("s")
        pltpu.sync_copy(zeros_hbm, r0)
        for t in range(nz):
            pltpu.sync_copy(r0, acc.at[pl.ds(s * chunk + t * K, K)])
        plsc.subcore_barrier()

        def inner(i, o):
            j = i * 4
            for t in range(4):
                for u in range(K // 16):
                    v = pk_v[j + t, pl.ds(u * 16, 16)]
                    sidx[t, pl.ds(u * 16, 16)] = jnp.bitwise_and(v, 0xFFFF)
                    didx[t, pl.ds(u * 16, 16)] = jnp.right_shift(v, 16)
            cp0 = pltpu.async_copy(g_hbm.at[sidx.at[0]], r0, s0)
            cp1 = pltpu.async_copy(g_hbm.at[sidx.at[1]], r1, s1)
            cp2 = pltpu.async_copy(g_hbm.at[sidx.at[2]], r2, s2)
            cp0.wait()
            a0 = pltpu.async_copy(r0, acc.at[didx.at[0]], s3, add=True)
            a0.wait()
            cp3 = pltpu.async_copy(g_hbm.at[sidx.at[3]], r0, s0)
            cp1.wait()
            a1 = pltpu.async_copy(r1, acc.at[didx.at[1]], s4, add=True)
            cp2.wait()
            a2 = pltpu.async_copy(r2, acc.at[didx.at[2]], s5, add=True)
            cp3.wait()
            a3 = pltpu.async_copy(r0, acc.at[didx.at[3]], s3, add=True)
            a1.wait()
            a2.wait()
            a3.wait()
            return o

        def outer(o, carry):
            pltpu.sync_copy(ei_hbm.at[c, s, pl.ds(o * CB, CB)],
                            pk_v)
            lax.fori_loop(0, CB // 4, inner, o)
            return carry

        lax.fori_loop(0, nb // CB, outer, 0)
        plsc.subcore_barrier()
        for t in range(nz):
            pltpu.sync_copy(acc.at[pl.ds(s * chunk + t * K, K)], r0)
            pltpu.sync_copy(r0, out_hbm.at[c, pl.ds(s * chunk + t * K, K)])

    return scat


def _prescale_call(npad, d):
    def body(deg_ref, x_ref, g_ref, dinv_ref):
        degs = (deg_ref[0] + deg_ref[1])[:, :1]
        dinv = lax.rsqrt(degs + 1.0)
        dinv_ref[...] = dinv
        g_ref[...] = x_ref[...] * dinv

    return pl.pallas_call(
        body,
        grid=(npad // RB,),
        in_specs=[
            pl.BlockSpec((NC, RB, DW), lambda i: (0, i, 0)),
            pl.BlockSpec((RB, d), lambda i: (i, 0)),
        ],
        out_specs=[
            pl.BlockSpec((RB, d), lambda i: (i, 0)),
            pl.BlockSpec((RB, 1), lambda i: (i, 0)),
        ],
        out_shape=[
            jax.ShapeDtypeStruct((npad, d), jnp.float32),
            jax.ShapeDtypeStruct((npad, 1), jnp.float32),
        ],
    )


def _mid_call(npad, d, dh):
    def body(p_ref, g1_ref, dinv_ref, w1_ref, b1_ref, w2_ref, g2_ref):
        p = p_ref[0] + p_ref[1] + g1_ref[...]
        a = p * dinv_ref[...]
        h = jnp.dot(a, w1_ref[...], preferred_element_type=jnp.float32)
        h = jnp.maximum(h + b1_ref[...], 0.0)
        g2 = jnp.dot(h, w2_ref[...], preferred_element_type=jnp.float32)
        g2_ref[...] = g2 * dinv_ref[...]

    return pl.pallas_call(
        body,
        grid=(npad // RB,),
        in_specs=[
            pl.BlockSpec((NC, RB, d), lambda i: (0, i, 0)),
            pl.BlockSpec((RB, d), lambda i: (i, 0)),
            pl.BlockSpec((RB, 1), lambda i: (i, 0)),
            pl.BlockSpec((d, dh), lambda i: (0, 0)),
            pl.BlockSpec((1, dh), lambda i: (0, 0)),
            pl.BlockSpec((dh, d), lambda i: (0, 0)),
        ],
        out_specs=pl.BlockSpec((RB, d), lambda i: (i, 0)),
        out_shape=jax.ShapeDtypeStruct((npad, d), jnp.float32),
    )


def _out_call(n, d):
    r = 400

    def body(p_ref, g2_ref, dinv_ref, b2_ref, o_ref):
        t = (p_ref[0] + p_ref[1] + g2_ref[...]) * dinv_ref[...] + b2_ref[...]
        o_ref[...] = jnp.maximum(t, 0.0)

    return pl.pallas_call(
        body,
        grid=(n // r,),
        in_specs=[
            pl.BlockSpec((NC, r, d), lambda i: (0, i, 0)),
            pl.BlockSpec((r, d), lambda i: (i, 0)),
            pl.BlockSpec((r, 1), lambda i: (i, 0)),
            pl.BlockSpec((1, d), lambda i: (0, 0)),
        ],
        out_specs=pl.BlockSpec((r, d), lambda i: (i, 0)),
        out_shape=jax.ShapeDtypeStruct((n, d), jnp.float32),
    )


def kernel(x, edge_index, W1, b1, W2, b2):
    n, d = x.shape
    dh = W1.shape[1]
    e = edge_index.shape[1]
    npad = ((n + 1 + NS * K - 1) // (NS * K)) * (NS * K)
    nb = (e + NW * K - 1) // (NW * K)
    nb = (nb + CB - 1) // CB * CB
    pad_e = NW * nb * K - e

    src = edge_index[0].astype(jnp.int32)
    dst = edge_index[1].astype(jnp.int32)
    fill = n + (jnp.arange(pad_e, dtype=jnp.int32) % (npad - n))
    srcf = jnp.concatenate([src, fill])
    dstf = jnp.concatenate([dst, fill])
    pk = jnp.bitwise_or(srcf, jnp.left_shift(dstf, 16)).reshape(NC, NS, nb, K)
    dstp = dstf.reshape(NC, NS, nb, K)
    x_pad = jnp.concatenate([x, jnp.zeros((npad - n, d), x.dtype)])
    zerosd = jnp.zeros((K, d), jnp.float32)
    zerosw = jnp.zeros((K, DW), jnp.float32)
    onesw = jnp.ones((K, DW), jnp.float32)

    deg = _deg_kernel(npad, nb)(dstp, zerosw, onesw)
    g1, dinv = _prescale_call(npad, d)(deg, x_pad)
    parts1 = _scatter_kernel(npad, d, nb)(g1, pk, zerosd)
    g2 = _mid_call(npad, d, dh)(parts1, g1, dinv, W1, b1.reshape(1, dh), W2)
    parts2 = _scatter_kernel(npad, d, nb)(g2, pk, zerosd)
    out = _out_call(n, d)(parts2, g2, dinv, b2.reshape(1, d))
    return out

# --- scband reference (transcript-rebuilt; emitter-appended) ---
"""Pipeline reference for scband-dcmsl-86423331930409 (READ-ONLY COPY).

The authoritative reference and input builder live on the scoring server;
editing this copy changes nothing except your own understanding.
"""

import jax, jax.numpy as jnp
import numpy as np

N_NODES = 10000
N_EDGES = 320000
D_IN = 128
D_OUT = 128  # out_channels == num_hidden
D_HID = 2 * D_OUT  # first GCN layer outputs 2*out_channels (skip=False, k=2)


def gcn_conv(x, edge_index, W, b, n_nodes):
    # Faithful PyG GCNConv: add self-loops, symmetric normalization, linear, scatter-add
    src = edge_index[0]
    dst = edge_index[1]
    loop = jnp.arange(n_nodes, dtype=edge_index.dtype)
    src = jnp.concatenate([src, loop])
    dst = jnp.concatenate([dst, loop])
    h = x @ W
    deg = jnp.zeros((n_nodes,), dtype=h.dtype).at[dst].add(1.0)
    deg_inv_sqrt = jnp.where(deg > 0, jax.lax.rsqrt(jnp.maximum(deg, 1e-12)), 0.0)
    norm = deg_inv_sqrt[src] * deg_inv_sqrt[dst]
    msg = h[src] * norm[:, None]
    out = jnp.zeros((n_nodes, h.shape[1]), dtype=h.dtype).at[dst].add(msg)
    return out + b


def setup_inputs(seed: int = 0) -> dict:
    key = jax.random.key(seed)
    k1, k2, k3, k4, k5, k6 = jax.random.split(key, 6)
    x = jax.random.normal(k1, (N_NODES, D_IN), dtype=jnp.float32)
    edge_index = jax.random.randint(k2, (2, N_EDGES), 0, N_NODES, dtype=jnp.int64)
    # GCN layer params (glorot-like init)
    W1 = jax.random.normal(k3, (D_IN, D_HID), dtype=jnp.float32) * (1.0 / np.sqrt(D_IN))
    b1 = jnp.zeros((D_HID,), dtype=jnp.float32)
    W2 = jax.random.normal(k4, (D_HID, D_OUT), dtype=jnp.float32) * (1.0 / np.sqrt(D_HID))
    b2 = jnp.zeros((D_OUT,), dtype=jnp.float32)
    return {"x": x, "edge_index": edge_index, "W1": W1, "b1": b1, "W2": W2, "b2": b2}


def reference(x, edge_index, W1, b1, W2, b2):
    # DCMSL.forward -> Encoder.forward (skip=False, k=2):
    # x = act(conv1(x, edge_index)); x = act(conv2(x, edge_index))
    n = x.shape[0]
    h = jax.nn.relu(gcn_conv(x, edge_index, W1, b1, n))
    out = jax.nn.relu(gcn_conv(h, edge_index, W2, b2, n))
    return out

if __name__ == "__main__":
    import jax
    _d = setup_inputs()
    print(jax.jit(kernel)(*tuple(_d.values())))

</pallas_src>

<mosaic_0001>
#map = affine_map<(d0, d1) -> (0, 0, 0, 0)>
#map1 = affine_map<(d0, d1) -> (0, 0)>
#map2 = affine_map<(d0, d1) -> (0, 0, 0)>
module attributes {stable_mosaic.version = 14 : i64} {
  func.func @deg(%arg0: i32, %arg1: i32, %arg2: memref<2x16x160x64xi32, #tpu.memory_space<hbm>>, %arg3: memref<64x128xf32, #tpu.memory_space<hbm>>, %arg4: memref<64x128xf32, #tpu.memory_space<hbm>>, %arg5: memref<2x10240x128xf32, #tpu.memory_space<hbm>>, %arg6: memref<160x64xi32, #tpu.memory_space<vmem>>, %arg7: memref<64x128xf32, #tpu.memory_space<vmem>>, %arg8: memref<10240x128xf32, #tpu.memory_space<vmem_shared>>, %arg9: memref<!tpu.dma_semaphore, #tpu.memory_space<semaphore_mem>>, %arg10: memref<!tpu.dma_semaphore, #tpu.memory_space<semaphore_mem>>, %arg11: memref<!tpu.dma_semaphore, #tpu.memory_space<semaphore_mem>>, %arg12: memref<!tpu.dma_semaphore, #tpu.memory_space<semaphore_mem>>, %arg13: memref<!tpu.dma_semaphore, #tpu.memory_space<semaphore_mem>>, %arg14: memref<!tpu.dma_semaphore, #tpu.memory_space<semaphore_mem>>, %arg15: memref<!tpu.dma_semaphore, #tpu.memory_space<semaphore_mem>>, %arg16: memref<!tpu.dma_semaphore, #tpu.memory_space<semaphore_mem>>) attributes {dimension_semantics = [#tpu.dimension_semantics<core_parallel>, #tpu.dimension_semantics<subcore_parallel>], iteration_bounds = array<i64: 2, 16>, scalar_prefetch = 0 : i64, scratch_operands = 11 : i64, tpu.core_type = #tpu.core_type<sc_vector_subcore>, window_params = [{transform_indices = #map}, {transform_indices = #map1}, {transform_indices = #map1}, {transform_indices = #map2}]} {
    "tpu.region"() ({
      %run_scoped3A = tpu.sem_alloc : memref<!tpu.dma_semaphore, #tpu.memory_space<semaphore_mem>>
      %dma_start3A = arith.constant 0 : i32
      %dma_start3A_124 = arith.constant 0 : i32
      %dma_start3A_125 = tpu.memref_slice %arg6[%dma_start3A, %dma_start3A_124] : memref<160x64xi32, #tpu.memory_space<vmem>> -> memref<80x64xi32, #tpu.memory_space<vmem>>
      %dma_start3A_126 = arith.constant 0 : i32
      %dma_start3A_127 = arith.constant 0 : i32
      %dma_start3A_128 = tpu.memref_slice %arg2[%arg0, %arg1, %dma_start3A_126, %dma_start3A_127] : memref<2x16x160x64xi32, #tpu.memory_space<hbm>> -> memref<1x1x80x64xi32, #tpu.memory_space<hbm>>
      %dma_start3A_129 = tpu.memref_squeeze %dma_start3A_128 : memref<1x1x80x64xi32, #tpu.memory_space<hbm>> -> memref<80x64xi32, #tpu.memory_space<hbm>>
      %dma_start3A_130 = arith.constant 0 : i32
      %dma_start3A_131 = arith.constant 0 : i32
      %dma_start3A_132 = tpu.memref_slice %arg6[%dma_start3A_130, %dma_start3A_131] : memref<160x64xi32, #tpu.memory_space<vmem>> -> memref<80x64xi32, #tpu.memory_space<vmem>>
      %dma_start3A_133 = arith.constant 0 : i32
      %dma_start3A_134 = arith.constant 0 : i32
      %dma_start3A_135 = tpu.memref_slice %arg2[%arg0, %arg1, %dma_start3A_133, %dma_start3A_134] : memref<2x16x160x64xi32, #tpu.memory_space<hbm>> -> memref<1x1x80x64xi32, #tpu.memory_space<hbm>>
      %dma_start3A_136 = tpu.memref_squeeze %dma_start3A_135 : memref<1x1x80x64xi32, #tpu.memory_space<hbm>> -> memref<80x64xi32, #tpu.memory_space<hbm>>
      tpu.enqueue_dma source(%dma_start3A_136 : memref<80x64xi32, #tpu.memory_space<hbm>>) target(%dma_start3A_132 : memref<80x64xi32, #tpu.memory_space<vmem>>) target_semaphore(%run_scoped3A : memref<!tpu.dma_semaphore, #tpu.memory_space<semaphore_mem>>)
      %dma_wait3A = arith.constant 0 : i32
      %dma_wait3A_137 = arith.constant 0 : i32
      %dma_wait3A_138 = tpu.memref_slice %arg6[%dma_wait3A, %dma_wait3A_137] : memref<160x64xi32, #tpu.memory_space<vmem>> -> memref<80x64xi32, #tpu.memory_space<vmem>>
      %dma_wait3A_139 = arith.constant 0 : i32
      %dma_wait3A_140 = arith.constant 0 : i32
      %dma_wait3A_141 = tpu.memref_slice %arg2[%arg0, %arg1, %dma_wait3A_139, %dma_wait3A_140] : memref<2x16x160x64xi32, #tpu.memory_space<hbm>> -> memref<1x1x80x64xi32, #tpu.memory_space<hbm>>
      %dma_wait3A_142 = tpu.memref_squeeze %dma_wait3A_141 : memref<1x1x80x64xi32, #tpu.memory_space<hbm>> -> memref<80x64xi32, #tpu.memory_space<hbm>>
      %dma_wait3A_143 = arith.constant 0 : i32
      %dma_wait3A_144 = arith.constant 0 : i32
      %dma_wait3A_145 = tpu.memref_slice %arg6[%dma_wait3A_143, %dma_wait3A_144] : memref<160x64xi32, #tpu.memory_space<vmem>> -> memref<80x64xi32, #tpu.memory_space<vmem>>
      %dma_wait3A_146 = arith.constant 0 : i32
      %dma_wait3A_147 = arith.constant 0 : i32
      %dma_wait3A_148 = tpu.memref_slice %arg2[%arg0, %arg1, %dma_wait3A_146, %dma_wait3A_147] : memref<2x16x160x64xi32, #tpu.memory_space<hbm>> -> memref<1x1x80x64xi32, #tpu.memory_space<hbm>>
      %dma_wait3A_149 = tpu.memref_squeeze %dma_wait3A_148 : memref<1x1x80x64xi32, #tpu.memory_space<hbm>> -> memref<80x64xi32, #tpu.memory_space<hbm>>
      tpu.wait_dma2 semaphore(%run_scoped3A : memref<!tpu.dma_semaphore, #tpu.memory_space<semaphore_mem>>) src(%dma_wait3A_149 : memref<80x64xi32, #tpu.memory_space<hbm>>) dst(%dma_wait3A_145 : memref<80x64xi32, #tpu.memory_space<vmem>>)
      tpu.yield
    }) : () -> ()
    "tpu.region"() ({
      %run_scoped3A = tpu.sem_alloc : memref<!tpu.dma_semaphore, #tpu.memory_space<semaphore_mem>>
      %dma_start3A = arith.constant 80 : i32
      %dma_start3A_124 = arith.constant 0 : i32
      %dma_start3A_125 = tpu.memref_slice %arg6[%dma_start3A, %dma_start3A_124] : memref<160x64xi32, #tpu.memory_space<vmem>> -> memref<80x64xi32, #tpu.memory_space<vmem>>
      %dma_start3A_126 = arith.constant 80 : i32
      %dma_start3A_127 = arith.constant 0 : i32
      %dma_start3A_128 = tpu.memref_slice %arg2[%arg0, %arg1, %dma_start3A_126, %dma_start3A_127] : memref<2x16x160x64xi32, #tpu.memory_space<hbm>> -> memref<1x1x80x64xi32, #tpu.memory_space<hbm>>
      %dma_start3A_129 = tpu.memref_squeeze %dma_start3A_128 : memref<1x1x80x64xi32, #tpu.memory_space<hbm>> -> memref<80x64xi32, #tpu.memory_space<hbm>>
      %dma_start3A_130 = arith.constant 80 : i32
      %dma_start3A_131 = arith.constant 0 : i32
      %dma_start3A_132 = tpu.memref_slice %arg6[%dma_start3A_130, %dma_start3A_131] : memref<160x64xi32, #tpu.memory_space<vmem>> -> memref<80x64xi32, #tpu.memory_space<vmem>>
      %dma_start3A_133 = arith.constant 80 : i32
      %dma_start3A_134 = arith.constant 0 : i32
      %dma_start3A_135 = tpu.memref_slice %arg2[%arg0, %arg1, %dma_start3A_133, %dma_start3A_134] : memref<2x16x160x64xi32, #tpu.memory_space<hbm>> -> memref<1x1x80x64xi32, #tpu.memory_space<hbm>>
      %dma_start3A_136 = tpu.memref_squeeze %dma_start3A_135 : memref<1x1x80x64xi32, #tpu.memory_space<hbm>> -> memref<80x64xi32, #tpu.memory_space<hbm>>
      tpu.enqueue_dma source(%dma_start3A_136 : memref<80x64xi32, #tpu.memory_space<hbm>>) target(%dma_start3A_132 : memref<80x64xi32, #tpu.memory_space<vmem>>) target_semaphore(%run_scoped3A : memref<!tpu.dma_semaphore, #tpu.memory_space<semaphore_mem>>)
      %dma_wait3A = arith.constant 80 : i32
      %dma_wait3A_137 = arith.constant 0 : i32
      %dma_wait3A_138 = tpu.memref_slice %arg6[%dma_wait3A, %dma_wait3A_137] : memref<160x64xi32, #tpu.memory_space<vmem>> -> memref<80x64xi32, #tpu.memory_space<vmem>>
      %dma_wait3A_139 = arith.constant 80 : i32
      %dma_wait3A_140 = arith.constant 0 : i32
      %dma_wait3A_141 = tpu.memref_slice %arg2[%arg0, %arg1, %dma_wait3A_139, %dma_wait3A_140] : memref<2x16x160x64xi32, #tpu.memory_space<hbm>> -> memref<1x1x80x64xi32, #tpu.memory_space<hbm>>
      %dma_wait3A_142 = tpu.memref_squeeze %dma_wait3A_141 : memref<1x1x80x64xi32, #tpu.memory_space<hbm>> -> memref<80x64xi32, #tpu.memory_space<hbm>>
      %dma_wait3A_143 = arith.constant 80 : i32
      %dma_wait3A_144 = arith.constant 0 : i32
      %dma_wait3A_145 = tpu.memref_slice %arg6[%dma_wait3A_143, %dma_wait3A_144] : memref<160x64xi32, #tpu.memory_space<vmem>> -> memref<80x64xi32, #tpu.memory_space<vmem>>
      %dma_wait3A_146 = arith.constant 80 : i32
      %dma_wait3A_147 = arith.constant 0 : i32
      %dma_wait3A_148 = tpu.memref_slice %arg2[%arg0, %arg1, %dma_wait3A_146, %dma_wait3A_147] : memref<2x16x160x64xi32, #tpu.memory_space<hbm>> -> memref<1x1x80x64xi32, #tpu.memory_space<hbm>>
      %dma_wait3A_149 = tpu.memref_squeeze %dma_wait3A_148 : memref<1x1x80x64xi32, #tpu.memory_space<hbm>> -> memref<80x64xi32, #tpu.memory_space<hbm>>
      tpu.wait_dma2 semaphore(%run_scoped3A : memref<!tpu.dma_semaphore, #tpu.memory_space<semaphore_mem>>) src(%dma_wait3A_149 : memref<80x64xi32, #tpu.memory_space<hbm>>) dst(%dma_wait3A_145 : memref<80x64xi32, #tpu.memory_space<vmem>>)
      tpu.yield
    }) : () -> ()
    "tpu.region"() ({
      %run_scoped3A = tpu.sem_alloc : memref<!tpu.dma_semaphore, #tpu.memory_space<semaphore_mem>>
      tpu.enqueue_dma source(%arg3 : memref<64x128xf32, #tpu.memory_space<hbm>>) target(%arg7 : memref<64x128xf32, #tpu.memory_space<vmem>>) target_semaphore(%run_scoped3A : memref<!tpu.dma_semaphore, #tpu.memory_space<semaphore_mem>>)
      tpu.wait_dma2 semaphore(%run_scoped3A : memref<!tpu.dma_semaphore, #tpu.memory_space<semaphore_mem>>) src(%arg3 : memref<64x128xf32, #tpu.memory_space<hbm>>) dst(%arg7 : memref<64x128xf32, #tpu.memory_space<vmem>>)
      tpu.yield
    }) : () -> ()
    %mul3A = arith.constant 640 : i32
    %mul3A_0 = arith.muli %arg1, %mul3A : i32
    %add3A = arith.constant 0 : i32
    %add3A_1 = arith.addi %mul3A_0, %add3A : i32
    "tpu.region"() ({
      %run_scoped3A = tpu.sem_alloc : memref<!tpu.dma_semaphore, #tpu.memory_space<semaphore_mem>>
      %dma_start3A = arith.constant 0 : i32
      %dma_start3A_124 = tpu.memref_slice %arg8[%add3A_1, %dma_start3A] : memref<10240x128xf32, #tpu.memory_space<vmem_shared>> -> memref<64x128xf32, #tpu.memory_space<vmem_shared>>
      %dma_start3A_125 = arith.constant 0 : i32
      %dma_start3A_126 = tpu.memref_slice %arg8[%add3A_1, %dma_start3A_125] : memref<10240x128xf32, #tpu.memory_space<vmem_shared>> -> memref<64x128xf32, #tpu.memory_space<vmem_shared>>
      tpu.enqueue_dma source(%arg7 : memref<64x128xf32, #tpu.memory_space<vmem>>) target(%dma_start3A_126 : memref<64x128xf32, #tpu.memory_space<vmem_shared>>) target_semaphore(%run_scoped3A : memref<!tpu.dma_semaphore, #tpu.memory_space<semaphore_mem>>)
      %dma_wait3A = arith.constant 0 : i32
      %dma_wait3A_127 = tpu.memref_slice %arg8[%add3A_1, %dma_wait3A] : memref<10240x128xf32, #tpu.memory_space<vmem_shared>> -> memref<64x128xf32, #tpu.memory_space<vmem_shared>>
      %dma_wait3A_128 = arith.constant 0 : i32
      %dma_wait3A_129 = tpu.memref_slice %arg8[%add3A_1, %dma_wait3A_128] : memref<10240x128xf32, #tpu.memory_space<vmem_shared>> -> memref<64x128xf32, #tpu.memory_space<vmem_shared>>
      tpu.wait_dma2 semaphore(%run_scoped3A : memref<!tpu.dma_semaphore, #tpu.memory_space<semaphore_mem>>) src(%arg7 : memref<64x128xf32, #tpu.memory_space<vmem>>) dst(%dma_wait3A_129 : memref<64x128xf32, #tpu.memory_space<vmem_shared>>)
      tpu.yield
    }) : () -> ()
    %mul3A_2 = arith.constant 640 : i32
    %mul3A_3 = arith.muli %arg1, %mul3A_2 : i32
    %add3A_4 = arith.constant 64 : i32
    %add3A_5 = arith.addi %mul3A_3, %add3A_4 : i32
    "tpu.region"() ({
      %run_scoped3A = tpu.sem_alloc : memref<!tpu.dma_semaphore, #tpu.memory_space<semaphore_mem>>
      %dma_start3A = arith.constant 0 : i32
      %dma_start3A_124 = tpu.memref_slice %arg8[%add3A_5, %dma_start3A] : memref<10240x128xf32, #tpu.memory_space<vmem_shared>> -> memref<64x128xf32, #tpu.memory_space<vmem_shared>>
      %dma_start3A_125 = arith.constant 0 : i32
      %dma_start3A_126 = tpu.memref_slice %arg8[%add3A_5, %dma_start3A_125] : memref<10240x128xf32, #tpu.memory_space<vmem_shared>> -> memref<64x128xf32, #tpu.memory_space<vmem_shared>>
      tpu.enqueue_dma source(%arg7 : memref<64x128xf32, #tpu.memory_space<vmem>>) target(%dma_start3A_126 : memref<64x128xf32, #tpu.memory_space<vmem_shared>>) target_semaphore(%run_scoped3A : memref<!tpu.dma_semaphore, #tpu.memory_space<semaphore_mem>>)
      %dma_wait3A = arith.constant 0 : i32
      %dma_wait3A_127 = tpu.memref_slice %arg8[%add3A_5, %dma_wait3A] : memref<10240x128xf32, #tpu.memory_space<vmem_shared>> -> memref<64x128xf32, #tpu.memory_space<vmem_shared>>
      %dma_wait3A_128 = arith.constant 0 : i32
      %dma_wait3A_129 = tpu.memref_slice %arg8[%add3A_5, %dma_wait3A_128] : memref<10240x128xf32, #tpu.memory_space<vmem_shared>> -> memref<64x128xf32, #tpu.memory_space<vmem_shared>>
      tpu.wait_dma2 semaphore(%run_scoped3A : memref<!tpu.dma_semaphore, #tpu.memory_space<semaphore_mem>>) src(%arg7 : memref<64x128xf32, #tpu.memory_space<vmem>>) dst(%dma_wait3A_129 : memref<64x128xf32, #tpu.memory_space<vmem_shared>>)
      tpu.yield
    }) : () -> ()
    %mul3A_6 = arith.constant 640 : i32
    %mul3A_7 = arith.muli %arg1, %mul3A_6 : i32
    %add3A_8 = arith.constant 128 : i32
    %add3A_9 = arith.addi %mul3A_7, %add3A_8 : i32
    "tpu.region"() ({
      %run_scoped3A = tpu.sem_alloc : memref<!tpu.dma_semaphore, #tpu.memory_space<semaphore_mem>>
      %dma_start3A = arith.constant 0 : i32
      %dma_start3A_124 = tpu.memref_slice %arg8[%add3A_9, %dma_start3A] : memref<10240x128xf32, #tpu.memory_space<vmem_shared>> -> memref<64x128xf32, #tpu.memory_space<vmem_shared>>
      %dma_start3A_125 = arith.constant 0 : i32
      %dma_start3A_126 = tpu.memref_slice %arg8[%add3A_9, %dma_start3A_125] : memref<10240x128xf32, #tpu.memory_space<vmem_shared>> -> memref<64x128xf32, #tpu.memory_space<vmem_shared>>
      tpu.enqueue_dma source(%arg7 : memref<64x128xf32, #tpu.memory_space<vmem>>) target(%dma_start3A_126 : memref<64x128xf32, #tpu.memory_space<vmem_shared>>) target_semaphore(%run_scoped3A : memref<!tpu.dma_semaphore, #tpu.memory_space<semaphore_mem>>)
      %dma_wait3A = arith.constant 0 : i32
      %dma_wait3A_127 = tpu.memref_slice %arg8[%add3A_9, %dma_wait3A] : memref<10240x128xf32, #tpu.memory_space<vmem_shared>> -> memref<64x128xf32, #tpu.memory_space<vmem_shared>>
      %dma_wait3A_128 = arith.constant 0 : i32
      %dma_wait3A_129 = tpu.memref_slice %arg8[%add3A_9, %dma_wait3A_128] : memref<10240x128xf32, #tpu.memory_space<vmem_shared>> -> memref<64x128xf32, #tpu.memory_space<vmem_shared>>
      tpu.wait_dma2 semaphore(%run_scoped3A : memref<!tpu.dma_semaphore, #tpu.memory_space<semaphore_mem>>) src(%arg7 : memref<64x128xf32, #tpu.memory_space<vmem>>) dst(%dma_wait3A_129 : memref<64x128xf32, #tpu.memory_space<vmem_shared>>)
      tpu.yield
    }) : () -> ()
    %mul3A_10 = arith.constant 640 : i32
    %mul3A_11 = arith.muli %arg1, %mul3A_10 : i32
    %add3A_12 = arith.constant 192 : i32
    %add3A_13 = arith.addi %mul3A_11, %add3A_12 : i32
    "tpu.region"() ({
      %run_scoped3A = tpu.sem_alloc : memref<!tpu.dma_semaphore, #tpu.memory_space<semaphore_mem>>
      %dma_start3A = arith.constant 0 : i32
      %dma_start3A_124 = tpu.memref_slice %arg8[%add3A_13, %dma_start3A] : memref<10240x128xf32, #tpu.memory_space<vmem_shared>> -> memref<64x128xf32, #tpu.memory_space<vmem_shared>>
      %dma_start3A_125 = arith.constant 0 : i32
      %dma_start3A_126 = tpu.memref_slice %arg8[%add3A_13, %dma_start3A_125] : memref<10240x128xf32, #tpu.memory_space<vmem_shared>> -> memref<64x128xf32, #tpu.memory_space<vmem_shared>>
      tpu.enqueue_dma source(%arg7 : memref<64x128xf32, #tpu.memory_space<vmem>>) target(%dma_start3A_126 : memref<64x128xf32, #tpu.memory_space<vmem_shared>>) target_semaphore(%run_scoped3A : memref<!tpu.dma_semaphore, #tpu.memory_space<semaphore_mem>>)
      %dma_wait3A = arith.constant 0 : i32
      %dma_wait3A_127 = tpu.memref_slice %arg8[%add3A_13, %dma_wait3A] : memref<10240x128xf32, #tpu.memory_space<vmem_shared>> -> memref<64x128xf32, #tpu.memory_space<vmem_shared>>
      %dma_wait3A_128 = arith.constant 0 : i32
      %dma_wait3A_129 = tpu.memref_slice %arg8[%add3A_13, %dma_wait3A_128] : memref<10240x128xf32, #tpu.memory_space<vmem_shared>> -> memref<64x128xf32, #tpu.memory_space<vmem_shared>>
      tpu.wait_dma2 semaphore(%run_scoped3A : memref<!tpu.dma_semaphore, #tpu.memory_space<semaphore_mem>>) src(%arg7 : memref<64x128xf32, #tpu.memory_space<vmem>>) dst(%dma_wait3A_129 : memref<64x128xf32, #tpu.memory_space<vmem_shared>>)
      tpu.yield
    }) : () -> ()
    %mul3A_14 = arith.constant 640 : i32
    %mul3A_15 = arith.muli %arg1, %mul3A_14 : i32
    %add3A_16 = arith.constant 256 : i32
    %add3A_17 = arith.addi %mul3A_15, %add3A_16 : i32
    "tpu.region"() ({
      %run_scoped3A = tpu.sem_alloc : memref<!tpu.dma_semaphore, #tpu.memory_space<semaphore_mem>>
      %dma_start3A = arith.constant 0 : i32
      %dma_start3A_124 = tpu.memref_slice %arg8[%add3A_17, %dma_start3A] : memref<10240x128xf32, #tpu.memory_space<vmem_shared>> -> memref<64x128xf32, #tpu.memory_space<vmem_shared>>
      %dma_start3A_125 = arith.constant 0 : i32
      %dma_start3A_126 = tpu.memref_slice %arg8[%add3A_17, %dma_start3A_125] : memref<10240x128xf32, #tpu.memory_space<vmem_shared>> -> memref<64x128xf32, #tpu.memory_space<vmem_shared>>
      tpu.enqueue_dma source(%arg7 : memref<64x128xf32, #tpu.memory_space<vmem>>) target(%dma_start3A_126 : memref<64x128xf32, #tpu.memory_space<vmem_shared>>) target_semaphore(%run_scoped3A : memref<!tpu.dma_semaphore, #tpu.memory_space<semaphore_mem>>)
      %dma_wait3A = arith.constant 0 : i32
      %dma_wait3A_127 = tpu.memref_slice %arg8[%add3A_17, %dma_wait3A] : memref<10240x128xf32, #tpu.memory_space<vmem_shared>> -> memref<64x128xf32, #tpu.memory_space<vmem_shared>>
      %dma_wait3A_128 = arith.constant 0 : i32
      %dma_wait3A_129 = tpu.memref_slice %arg8[%add3A_17, %dma_wait3A_128] : memref<10240x128xf32, #tpu.memory_space<vmem_shared>> -> memref<64x128xf32, #tpu.memory_space<vmem_shared>>
      tpu.wait_dma2 semaphore(%run_scoped3A : memref<!tpu.dma_semaphore, #tpu.memory_space<semaphore_mem>>) src(%arg7 : memref<64x128xf32, #tpu.memory_space<vmem>>) dst(%dma_wait3A_129 : memref<64x128xf32, #tpu.memory_space<vmem_shared>>)
      tpu.yield
    }) : () -> ()
    %mul3A_18 = arith.constant 640 : i32
    %mul3A_19 = arith.muli %arg1, %mul3A_18 : i32
    %add3A_20 = arith.constant 320 : i32
    %add3A_21 = arith.addi %mul3A_19, %add3A_20 : i32
    "tpu.region"() ({
      %run_scoped3A = tpu.sem_alloc : memref<!tpu.dma_semaphore, #tpu.memory_space<semaphore_mem>>
      %dma_start3A = arith.constant 0 : i32
      %dma_start3A_124 = tpu.memref_slice %arg8[%add3A_21, %dma_start3A] : memref<10240x128xf32, #tpu.memory_space<vmem_shared>> -> memref<64x128xf32, #tpu.memory_space<vmem_shared>>
      %dma_start3A_125 = arith.constant 0 : i32
      %dma_start3A_126 = tpu.memref_slice %arg8[%add3A_21, %dma_start3A_125] : memref<10240x128xf32, #tpu.memory_space<vmem_shared>> -> memref<64x128xf32, #tpu.memory_space<vmem_shared>>
      tpu.enqueue_dma source(%arg7 : memref<64x128xf32, #tpu.memory_space<vmem>>) target(%dma_start3A_126 : memref<64x128xf32, #tpu.memory_space<vmem_shared>>) target_semaphore(%run_scoped3A : memref<!tpu.dma_semaphore, #tpu.memory_space<semaphore_mem>>)
      %dma_wait3A = arith.constant 0 : i32
      %dma_wait3A_127 = tpu.memref_slice %arg8[%add3A_21, %dma_wait3A] : memref<10240x128xf32, #tpu.memory_space<vmem_shared>> -> memref<64x128xf32, #tpu.memory_space<vmem_shared>>
      %dma_wait3A_128 = arith.constant 0 : i32
      %dma_wait3A_129 = tpu.memref_slice %arg8[%add3A_21, %dma_wait3A_128] : memref<10240x128xf32, #tpu.memory_space<vmem_shared>> -> memref<64x128xf32, #tpu.memory_space<vmem_shared>>
      tpu.wait_dma2 semaphore(%run_scoped3A : memref<!tpu.dma_semaphore, #tpu.memory_space<semaphore_mem>>) src(%arg7 : memref<64x128xf32, #tpu.memory_space<vmem>>) dst(%dma_wait3A_129 : memref<64x128xf32, #tpu.memory_space<vmem_shared>>)
      tpu.yield
    }) : () -> ()
    %mul3A_22 = arith.constant 640 : i32
    %mul3A_23 = arith.muli %arg1, %mul3A_22 : i32
    %add3A_24 = arith.constant 384 : i32
    %add3A_25 = arith.addi %mul3A_23, %add3A_24 : i32
    "tpu.region"() ({
      %run_scoped3A = tpu.sem_alloc : memref<!tpu.dma_semaphore, #tpu.memory_space<semaphore_mem>>
      %dma_start3A = arith.constant 0 : i32
      %dma_start3A_124 = tpu.memref_slice %arg8[%add3A_25, %dma_start3A] : memref<10240x128xf32, #tpu.memory_space<vmem_shared>> -> memref<64x128xf32, #tpu.memory_space<vmem_shared>>
      %dma_start3A_125 = arith.constant 0 : i32
      %dma_start3A_126 = tpu.memref_slice %arg8[%add3A_25, %dma_start3A_125] : memref<10240x128xf32, #tpu.memory_space<vmem_shared>> -> memref<64x128xf32, #tpu.memory_space<vmem_shared>>
      tpu.enqueue_dma source(%arg7 : memref<64x128xf32, #tpu.memory_space<vmem>>) target(%dma_start3A_126 : memref<64x128xf32, #tpu.memory_space<vmem_shared>>) target_semaphore(%run_scoped3A : memref<!tpu.dma_semaphore, #tpu.memory_space<semaphore_mem>>)
      %dma_wait3A = arith.constant 0 : i32
      %dma_wait3A_127 = tpu.memref_slice %arg8[%add3A_25, %dma_wait3A] : memref<10240x128xf32, #tpu.memory_space<vmem_shared>> -> memref<64x128xf32, #tpu.memory_space<vmem_shared>>
      %dma_wait3A_128 = arith.constant 0 : i32
      %dma_wait3A_129 = tpu.memref_slice %arg8[%add3A_25, %dma_wait3A_128] : memref<10240x128xf32, #tpu.memory_space<vmem_shared>> -> memref<64x128xf32, #tpu.memory_space<vmem_shared>>
      tpu.wait_dma2 semaphore(%run_scoped3A : memref<!tpu.dma_semaphore, #tpu.memory_space<semaphore_mem>>) src(%arg7 : memref<64x128xf32, #tpu.memory_space<vmem>>) dst(%dma_wait3A_129 : memref<64x128xf32, #tpu.memory_space<vmem_shared>>)
      tpu.yield
    }) : () -> ()
    %mul3A_26 = arith.constant 640 : i32
    %mul3A_27 = arith.muli %arg1, %mul3A_26 : i32
    %add3A_28 = arith.constant 448 : i32
    %add3A_29 = arith.addi %mul3A_27, %add3A_28 : i32
    "tpu.region"() ({
      %run_scoped3A = tpu.sem_alloc : memref<!tpu.dma_semaphore, #tpu.memory_space<semaphore_mem>>
      %dma_start3A = arith.constant 0 : i32
      %dma_start3A_124 = tpu.memref_slice %arg8[%add3A_29, %dma_start3A] : memref<10240x128xf32, #tpu.memory_space<vmem_shared>> -> memref<64x128xf32, #tpu.memory_space<vmem_shared>>
      %dma_start3A_125 = arith.constant 0 : i32
      %dma_start3A_126 = tpu.memref_slice %arg8[%add3A_29, %dma_start3A_125] : memref<10240x128xf32, #tpu.memory_space<vmem_shared>> -> memref<64x128xf32, #tpu.memory_space<vmem_shared>>
      tpu.enqueue_dma source(%arg7 : memref<64x128xf32, #tpu.memory_space<vmem>>) target(%dma_start3A_126 : memref<64x128xf32, #tpu.memory_space<vmem_shared>>) target_semaphore(%run_scoped3A : memref<!tpu.dma_semaphore, #tpu.memory_space<semaphore_mem>>)
      %dma_wait3A = arith.constant 0 : i32
      %dma_wait3A_127 = tpu.memref_slice %arg8[%add3A_29, %dma_wait3A] : memref<10240x128xf32, #tpu.memory_space<vmem_shared>> -> memref<64x128xf32, #tpu.memory_space<vmem_shared>>
      %dma_wait3A_128 = arith.constant 0 : i32
      %dma_wait3A_129 = tpu.memref_slice %arg8[%add3A_29, %dma_wait3A_128] : memref<10240x128xf32, #tpu.memory_space<vmem_shared>> -> memref<64x128xf32, #tpu.memory_space<vmem_shared>>
      tpu.wait_dma2 semaphore(%run_scoped3A : memref<!tpu.dma_semaphore, #tpu.memory_space<semaphore_mem>>) src(%arg7 : memref<64x128xf32, #tpu.memory_space<vmem>>) dst(%dma_wait3A_129 : memref<64x128xf32, #tpu.memory_space<vmem_shared>>)
      tpu.yield
    }) : () -> ()
    %mul3A_30 = arith.constant 640 : i32
    %mul3A_31 = arith.muli %arg1, %mul3A_30 : i32
    %add3A_32 = arith.constant 512 : i32
    %add3A_33 = arith.addi %mul3A_31, %add3A_32 : i32
    "tpu.region"() ({
      %run_scoped3A = tpu.sem_alloc : memref<!tpu.dma_semaphore, #tpu.memory_space<semaphore_mem>>
      %dma_start3A = arith.constant 0 : i32
      %dma_start3A_124 = tpu.memref_slice %arg8[%add3A_33, %dma_start3A] : memref<10240x128xf32, #tpu.memory_space<vmem_shared>> -> memref<64x128xf32, #tpu.memory_space<vmem_shared>>
      %dma_start3A_125 = arith.constant 0 : i32
      %dma_start3A_126 = tpu.memref_slice %arg8[%add3A_33, %dma_start3A_125] : memref<10240x128xf32, #tpu.memory_space<vmem_shared>> -> memref<64x128xf32, #tpu.memory_space<vmem_shared>>
      tpu.enqueue_dma source(%arg7 : memref<64x128xf32, #tpu.memory_space<vmem>>) target(%dma_start3A_126 : memref<64x128xf32, #tpu.memory_space<vmem_shared>>) target_semaphore(%run_scoped3A : memref<!tpu.dma_semaphore, #tpu.memory_space<semaphore_mem>>)
      %dma_wait3A = arith.constant 0 : i32
      %dma_wait3A_127 = tpu.memref_slice %arg8[%add3A_33, %dma_wait3A] : memref<10240x128xf32, #tpu.memory_space<vmem_shared>> -> memref<64x128xf32, #tpu.memory_space<vmem_shared>>
      %dma_wait3A_128 = arith.constant 0 : i32
      %dma_wait3A_129 = tpu.memref_slice %arg8[%add3A_33, %dma_wait3A_128] : memref<10240x128xf32, #tpu.memory_space<vmem_shared>> -> memref<64x128xf32, #tpu.memory_space<vmem_shared>>
      tpu.wait_dma2 semaphore(%run_scoped3A : memref<!tpu.dma_semaphore, #tpu.memory_space<semaphore_mem>>) src(%arg7 : memref<64x128xf32, #tpu.memory_space<vmem>>) dst(%dma_wait3A_129 : memref<64x128xf32, #tpu.memory_space<vmem_shared>>)
      tpu.yield
    }) : () -> ()
    %mul3A_34 = arith.constant 640 : i32
    %mul3A_35 = arith.muli %arg1, %mul3A_34 : i32
    %add3A_36 = arith.constant 576 : i32
    %add3A_37 = arith.addi %mul3A_35, %add3A_36 : i32
    "tpu.region"() ({
      %run_scoped3A = tpu.sem_alloc : memref<!tpu.dma_semaphore, #tpu.memory_space<semaphore_mem>>
      %dma_start3A = arith.constant 0 : i32
      %dma_start3A_124 = tpu.memref_slice %arg8[%add3A_37, %dma_start3A] : memref<10240x128xf32, #tpu.memory_space<vmem_shared>> -> memref<64x128xf32, #tpu.memory_space<vmem_shared>>
      %dma_start3A_125 = arith.constant 0 : i32
      %dma_start3A_126 = tpu.memref_slice %arg8[%add3A_37, %dma_start3A_125] : memref<10240x128xf32, #tpu.memory_space<vmem_shared>> -> memref<64x128xf32, #tpu.memory_space<vmem_shared>>
      tpu.enqueue_dma source(%arg7 : memref<64x128xf32, #tpu.memory_space<vmem>>) target(%dma_start3A_126 : memref<64x128xf32, #tpu.memory_space<vmem_shared>>) target_semaphore(%run_scoped3A : memref<!tpu.dma_semaphore, #tpu.memory_space<semaphore_mem>>)
      %dma_wait3A = arith.constant 0 : i32
      %dma_wait3A_127 = tpu.memref_slice %arg8[%add3A_37, %dma_wait3A] : memref<10240x128xf32, #tpu.memory_space<vmem_shared>> -> memref<64x128xf32, #tpu.memory_space<vmem_shared>>
      %dma_wait3A_128 = arith.constant 0 : i32
      %dma_wait3A_129 = tpu.memref_slice %arg8[%add3A_37, %dma_wait3A_128] : memref<10240x128xf32, #tpu.memory_space<vmem_shared>> -> memref<64x128xf32, #tpu.memory_space<vmem_shared>>
      tpu.wait_dma2 semaphore(%run_scoped3A : memref<!tpu.dma_semaphore, #tpu.memory_space<semaphore_mem>>) src(%arg7 : memref<64x128xf32, #tpu.memory_space<vmem>>) dst(%dma_wait3A_129 : memref<64x128xf32, #tpu.memory_space<vmem_shared>>)
      tpu.yield
    }) : () -> ()
    %barrier3A = arith.constant 0 : index
    tpu.barrier barrier_id(%barrier3A)
    "tpu.region"() ({
      %run_scoped3A = tpu.sem_alloc : memref<!tpu.dma_semaphore, #tpu.memory_space<semaphore_mem>>
      tpu.enqueue_dma source(%arg4 : memref<64x128xf32, #tpu.memory_space<hbm>>) target(%arg7 : memref<64x128xf32, #tpu.memory_space<vmem>>) target_semaphore(%run_scoped3A : memref<!tpu.dma_semaphore, #tpu.memory_space<semaphore_mem>>)
      tpu.wait_dma2 semaphore(%run_scoped3A : memref<!tpu.dma_semaphore, #tpu.memory_space<semaphore_mem>>) src(%arg4 : memref<64x128xf32, #tpu.memory_space<hbm>>) dst(%arg7 : memref<64x128xf32, #tpu.memory_space<vmem>>)
      tpu.yield
    }) : () -> ()
    %scan3A = arith.constant 0 : i32
    %scan3A_38 = arith.constant 0 : i32
    %scan3A_39 = arith.constant 20 : i32
    %scan3A_40 = arith.addi %scan3A_38, %scan3A_39 : i32
    %scan3A_41 = arith.constant 1 : i32
    scf.for %scan3A_124 = %scan3A_38 to %scan3A_40 step %scan3A_41  : i32 {
      %mul3A_125 = arith.constant 8 : i32
      %mul3A_126 = arith.muli %scan3A_124, %mul3A_125 : i32
      %add3A_127 = arith.constant 0 : i32
      %add3A_128 = arith.addi %mul3A_126, %add3A_127 : i32
      %dma_start3A = arith.constant 0 : i32
      %dma_start3A_129 = tpu.memref_slice %arg6[%add3A_128, %dma_start3A] : memref<160x64xi32, #tpu.memory_space<vmem>> -> memref<1x64xi32, #tpu.memory_space<vmem>>
      %dma_start3A_130 = tpu.memref_squeeze %dma_start3A_129 : memref<1x64xi32, #tpu.memory_space<vmem>> -> memref<64xi32, #tpu.memory_space<vmem>>
      %dma_start3A_131 = arith.constant 0 : i32
      %dma_start3A_132 = arith.constant 0 : i32
      %dma_start3A_133 = tpu.memref_slice %arg8[%dma_start3A_131, %dma_start3A_132] : memref<10240x128xf32, #tpu.memory_space<vmem_shared>> -> memref<10240x128xf32, #tpu.memory_space<vmem_shared>>
      tpu.enqueue_indirect_dma source(%arg7 : memref<64x128xf32, #tpu.memory_space<vmem>>) target(%dma_start3A_133 : memref<10240x128xf32, #tpu.memory_space<vmem_shared>>) offsets(%dma_start3A_130 : memref<64xi32, #tpu.memory_space<vmem>>) semaphore(%arg9 : memref<!tpu.dma_semaphore, #tpu.memory_space<semaphore_mem>>) {add = true}
      %add3A_134 = arith.constant 1 : i32
      %add3A_135 = arith.addi %mul3A_126, %add3A_134 : i32
      %dma_start3A_136 = arith.constant 0 : i32
      %dma_start3A_137 = tpu.memref_slice %arg6[%add3A_135, %dma_start3A_136] : memref<160x64xi32, #tpu.memory_space<vmem>> -> memref<1x64xi32, #tpu.memory_space<vmem>>
      %dma_start3A_138 = tpu.memref_squeeze %dma_start3A_137 : memref<1x64xi32, #tpu.memory_space<vmem>> -> memref<64xi32, #tpu.memory_space<vmem>>
      %dma_start3A_139 = arith.constant 0 : i32
      %dma_start3A_140 = arith.constant 0 : i32
      %dma_start3A_141 = tpu.memref_slice %arg8[%dma_start3A_139, %dma_start3A_140] : memref<10240x128xf32, #tpu.memory_space<vmem_shared>> -> memref<10240x128xf32, #tpu.memory_space<vmem_shared>>
      tpu.enqueue_indirect_dma source(%arg7 : memref<64x128xf32, #tpu.memory_space<vmem>>) target(%dma_start3A_141 : memref<10240x128xf32, #tpu.memory_space<vmem_shared>>) offsets(%dma_start3A_138 : memref<64xi32, #tpu.memory_space<vmem>>) semaphore(%arg10 : memref<!tpu.dma_semaphore, #tpu.memory_space<semaphore_mem>>) {add = true}
      %add3A_142 = arith.constant 2 : i32
      %add3A_143 = arith.addi %mul3A_126, %add3A_142 : i32
      %dma_start3A_144 = arith.constant 0 : i32
      %dma_start3A_145 = tpu.memref_slice %arg6[%add3A_143, %dma_start3A_144] : memref<160x64xi32, #tpu.memory_space<vmem>> -> memref<1x64xi32, #tpu.memory_space<vmem>>
      %dma_start3A_146 = tpu.memref_squeeze %dma_start3A_145 : memref<1x64xi32, #tpu.memory_space<vmem>> -> memref<64xi32, #tpu.memory_space<vmem>>
      %dma_start3A_147 = arith.constant 0 : i32
      %dma_start3A_148 = arith.constant 0 : i32
      %dma_start3A_149 = tpu.memref_slice %arg8[%dma_start3A_147, %dma_start3A_148] : memref<10240x128xf32, #tpu.memory_space<vmem_shared>> -> memref<10240x128xf32, #tpu.memory_space<vmem_shared>>
      tpu.enqueue_indirect_dma source(%arg7 : memref<64x128xf32, #tpu.memory_space<vmem>>) target(%dma_start3A_149 : memref<10240x128xf32, #tpu.memory_space<vmem_shared>>) offsets(%dma_start3A_146 : memref<64xi32, #tpu.memory_space<vmem>>) semaphore(%arg11 : memref<!tpu.dma_semaphore, #tpu.memory_space<semaphore_mem>>) {add = true}
      %add3A_150 = arith.constant 3 : i32
      %add3A_151 = arith.addi %mul3A_126, %add3A_150 : i32
      %dma_start3A_152 = arith.constant 0 : i32
      %dma_start3A_153 = tpu.memref_slice %arg6[%add3A_151, %dma_start3A_152] : memref<160x64xi32, #tpu.memory_space<vmem>> -> memref<1x64xi32, #tpu.memory_space<vmem>>
      %dma_start3A_154 = tpu.memref_squeeze %dma_start3A_153 : memref<1x64xi32, #tpu.memory_space<vmem>> -> memref<64xi32, #tpu.memory_space<vmem>>
      %dma_start3A_155 = arith.constant 0 : i32
      %dma_start3A_156 = arith.constant 0 : i32
      %dma_start3A_157 = tpu.memref_slice %arg8[%dma_start3A_155, %dma_start3A_156] : memref<10240x128xf32, #tpu.memory_space<vmem_shared>> -> memref<10240x128xf32, #tpu.memory_space<vmem_shared>>
      tpu.enqueue_indirect_dma source(%arg7 : memref<64x128xf32, #tpu.memory_space<vmem>>) target(%dma_start3A_157 : memref<10240x128xf32, #tpu.memory_space<vmem_shared>>) offsets(%dma_start3A_154 : memref<64xi32, #tpu.memory_space<vmem>>) semaphore(%arg12 : memref<!tpu.dma_semaphore, #tpu.memory_space<semaphore_mem>>) {add = true}
      %add3A_158 = arith.constant 4 : i32
      %add3A_159 = arith.addi %mul3A_126, %add3A_158 : i32
      %dma_start3A_160 = arith.constant 0 : i32
      %dma_start3A_161 = tpu.memref_slice %arg6[%add3A_159, %dma_start3A_160] : memref<160x64xi32, #tpu.memory_space<vmem>> -> memref<1x64xi32, #tpu.memory_space<vmem>>
      %dma_start3A_162 = tpu.memref_squeeze %dma_start3A_161 : memref<1x64xi32, #tpu.memory_space<vmem>> -> memref<64xi32, #tpu.memory_space<vmem>>
      %dma_start3A_163 = arith.constant 0 : i32
      %dma_start3A_164 = arith.constant 0 : i32
      %dma_start3A_165 = tpu.memref_slice %arg8[%dma_start3A_163, %dma_start3A_164] : memref<10240x128xf32, #tpu.memory_space<vmem_shared>> -> memref<10240x128xf32, #tpu.memory_space<vmem_shared>>
      tpu.enqueue_indirect_dma source(%arg7 : memref<64x128xf32, #tpu.memory_space<vmem>>) target(%dma_start3A_165 : memref<10240x128xf32, #tpu.memory_space<vmem_shared>>) offsets(%dma_start3A_162 : memref<64xi32, #tpu.memory_space<vmem>>) semaphore(%arg13 : memref<!tpu.dma_semaphore, #tpu.memory_space<semaphore_mem>>) {add = true}
      %add3A_166 = arith.constant 5 : i32
      %add3A_167 = arith.addi %mul3A_126, %add3A_166 : i32
      %dma_start3A_168 = arith.constant 0 : i32
      %dma_start3A_169 = tpu.memref_slice %arg6[%add3A_167, %dma_start3A_168] : memref<160x64xi32, #tpu.memory_space<vmem>> -> memref<1x64xi32, #tpu.memory_space<vmem>>
      %dma_start3A_170 = tpu.memref_squeeze %dma_start3A_169 : memref<1x64xi32, #tpu.memory_space<vmem>> -> memref<64xi32, #tpu.memory_space<vmem>>
      %dma_start3A_171 = arith.constant 0 : i32
      %dma_start3A_172 = arith.constant 0 : i32
      %dma_start3A_173 = tpu.memref_slice %arg8[%dma_start3A_171, %dma_start3A_172] : memref<10240x128xf32, #tpu.memory_space<vmem_shared>> -> memref<10240x128xf32, #tpu.memory_space<vmem_shared>>
      tpu.enqueue_indirect_dma source(%arg7 : memref<64x128xf32, #tpu.memory_space<vmem>>) target(%dma_start3A_173 : memref<10240x128xf32, #tpu.memory_space<vmem_shared>>) offsets(%dma_start3A_170 : memref<64xi32, #tpu.memory_space<vmem>>) semaphore(%arg14 : memref<!tpu.dma_semaphore, #tpu.memory_space<semaphore_mem>>) {add = true}
      %add3A_174 = arith.constant 6 : i32
      %add3A_175 = arith.addi %mul3A_126, %add3A_174 : i32
      %dma_start3A_176 = arith.constant 0 : i32
      %dma_start3A_177 = tpu.memref_slice %arg6[%add3A_175, %dma_start3A_176] : memref<160x64xi32, #tpu.memory_space<vmem>> -> memref<1x64xi32, #tpu.memory_space<vmem>>
      %dma_start3A_178 = tpu.memref_squeeze %dma_start3A_177 : memref<1x64xi32, #tpu.memory_space<vmem>> -> memref<64xi32, #tpu.memory_space<vmem>>
      %dma_start3A_179 = arith.constant 0 : i32
      %dma_start3A_180 = arith.constant 0 : i32
      %dma_start3A_181 = tpu.memref_slice %arg8[%dma_start3A_179, %dma_start3A_180] : memref<10240x128xf32, #tpu.memory_space<vmem_shared>> -> memref<10240x128xf32, #tpu.memory_space<vmem_shared>>
      tpu.enqueue_indirect_dma source(%arg7 : memref<64x128xf32, #tpu.memory_space<vmem>>) target(%dma_start3A_181 : memref<10240x128xf32, #tpu.memory_space<vmem_shared>>) offsets(%dma_start3A_178 : memref<64xi32, #tpu.memory_space<vmem>>) semaphore(%arg15 : memref<!tpu.dma_semaphore, #tpu.memory_space<semaphore_mem>>) {add = true}
      %add3A_182 = arith.constant 7 : i32
      %add3A_183 = arith.addi %mul3A_126, %add3A_182 : i32
      %dma_start3A_184 = arith.constant 0 : i32
      %dma_start3A_185 = tpu.memref_slice %arg6[%add3A_183, %dma_start3A_184] : memref<160x64xi32, #tpu.memory_space<vmem>> -> memref<1x64xi32, #tpu.memory_space<vmem>>
      %dma_start3A_186 = tpu.memref_squeeze %dma_start3A_185 : memref<1x64xi32, #tpu.memory_space<vmem>> -> memref<64xi32, #tpu.memory_space<vmem>>
      %dma_start3A_187 = arith.constant 0 : i32
      %dma_start3A_188 = arith.constant 0 : i32
      %dma_start3A_189 = tpu.memref_slice %arg8[%dma_start3A_187, %dma_start3A_188] : memref<10240x128xf32, #tpu.memory_space<vmem_shared>> -> memref<10240x128xf32, #tpu.memory_space<vmem_shared>>
      tpu.enqueue_indirect_dma source(%arg7 : memref<64x128xf32, #tpu.memory_space<vmem>>) target(%dma_start3A_189 : memref<10240x128xf32, #tpu.memory_space<vmem_shared>>) offsets(%dma_start3A_186 : memref<64xi32, #tpu.memory_space<vmem>>) semaphore(%arg16 : memref<!tpu.dma_semaphore, #tpu.memory_space<semaphore_mem>>) {add = true}
      %dma_wait3A = arith.constant 0 : i32
      %dma_wait3A_190 = tpu.memref_slice %arg6[%add3A_128, %dma_wait3A] : memref<160x64xi32, #tpu.memory_space<vmem>> -> memref<1x64xi32, #tpu.memory_space<vmem>>
      %dma_wait3A_191 = tpu.memref_squeeze %dma_wait3A_190 : memref<1x64xi32, #tpu.memory_space<vmem>> -> memref<64xi32, #tpu.memory_space<vmem>>
      %dma_wait3A_192 = arith.constant 0 : i32
      %dma_wait3A_193 = arith.constant 0 : i32
      %dma_wait3A_194 = tpu.memref_slice %arg8[%dma_wait3A_192, %dma_wait3A_193] : memref<10240x128xf32, #tpu.memory_space<vmem_shared>> -> memref<10240x128xf32, #tpu.memory_space<vmem_shared>>
      tpu.wait_indirect_dma semaphore(%arg9 : memref<!tpu.dma_semaphore, #tpu.memory_space<semaphore_mem>>) src(%arg7 : memref<64x128xf32, #tpu.memory_space<vmem>>) dst(%dma_wait3A_194 : memref<10240x128xf32, #tpu.memory_space<vmem_shared>>)
      %dma_wait3A_195 = arith.constant 0 : i32
      %dma_wait3A_196 = tpu.memref_slice %arg6[%add3A_135, %dma_wait3A_195] : memref<160x64xi32, #tpu.memory_space<vmem>> -> memref<1x64xi32, #tpu.memory_space<vmem>>
      %dma_wait3A_197 = tpu.memref_squeeze %dma_wait3A_196 : memref<1x64xi32, #tpu.memory_space<vmem>> -> memref<64xi32, #tpu.memory_space<vmem>>
      %dma_wait3A_198 = arith.constant 0 : i32
      %dma_wait3A_199 = arith.constant 0 : i32
      %dma_wait3A_200 = tpu.memref_slice %arg8[%dma_wait3A_198, %dma_wait3A_199] : memref<10240x128xf32, #tpu.memory_space<vmem_shared>> -> memref<10240x128xf32, #tpu.memory_space<vmem_shared>>
      tpu.wait_indirect_dma semaphore(%arg10 : memref<!tpu.dma_semaphore, #tpu.memory_space<semaphore_mem>>) src(%arg7 : memref<64x128xf32, #tpu.memory_space<vmem>>) dst(%dma_wait3A_200 : memref<10240x128xf32, #tpu.memory_space<vmem_shared>>)
      %dma_wait3A_201 = arith.constant 0 : i32
      %dma_wait3A_202 = tpu.memref_slice %arg6[%add3A_143, %dma_wait3A_201] : memref<160x64xi32, #tpu.memory_space<vmem>> -> memref<1x64xi32, #tpu.memory_space<vmem>>
      %dma_wait3A_203 = tpu.memref_squeeze %dma_wait3A_202 : memref<1x64xi32, #tpu.memory_space<vmem>> -> memref<64xi32, #tpu.memory_space<vmem>>
      %dma_wait3A_204 = arith.constant 0 : i32
      %dma_wait3A_205 = arith.constant 0 : i32
      %dma_wait3A_206 = tpu.memref_slice %arg8[%dma_wait3A_204, %dma_wait3A_205] : memref<10240x128xf32, #tpu.memory_space<vmem_shared>> -> memref<10240x128xf32, #tpu.memory_space<vmem_shared>>
      tpu.wait_indirect_dma semaphore(%arg11 : memref<!tpu.dma_semaphore, #tpu.memory_space<semaphore_mem>>) src(%arg7 : memref<64x128xf32, #tpu.memory_space<vmem>>) dst(%dma_wait3A_206 : memref<10240x128xf32, #tpu.memory_space<vmem_shared>>)
      %dma_wait3A_207 = arith.constant 0 : i32
      %dma_wait3A_208 = tpu.memref_slice %arg6[%add3A_151, %dma_wait3A_207] : memref<160x64xi32, #tpu.memory_space<vmem>> -> memref<1x64xi32, #tpu.memory_space<vmem>>
      %dma_wait3A_209 = tpu.memref_squeeze %dma_wait3A_208 : memref<1x64xi32, #tpu.memory_space<vmem>> -> memref<64xi32, #tpu.memory_space<vmem>>
      %dma_wait3A_210 = arith.constant 0 : i32
      %dma_wait3A_211 = arith.constant 0 : i32
      %dma_wait3A_212 = tpu.memref_slice %arg8[%dma_wait3A_210, %dma_wait3A_211] : memref<10240x128xf32, #tpu.memory_space<vmem_shared>> -> memref<10240x128xf32, #tpu.memory_space<vmem_shared>>
      tpu.wait_indirect_dma semaphore(%arg12 : memref<!tpu.dma_semaphore, #tpu.memory_space<semaphore_mem>>) src(%arg7 : memref<64x128xf32, #tpu.memory_space<vmem>>) dst(%dma_wait3A_212 : memref<10240x128xf32, #tpu.memory_space<vmem_shared>>)
      %dma_wait3A_213 = arith.constant 0 : i32
      %dma_wait3A_214 = tpu.memref_slice %arg6[%add3A_159, %dma_wait3A_213] : memref<160x64xi32, #tpu.memory_space<vmem>> -> memref<1x64xi32, #tpu.memory_space<vmem>>
      %dma_wait3A_215 = tpu.memref_squeeze %dma_wait3A_214 : memref<1x64xi32, #tpu.memory_space<vmem>> -> memref<64xi32, #tpu.memory_space<vmem>>
      %dma_wait3A_216 = arith.constant 0 : i32
      %dma_wait3A_217 = arith.constant 0 : i32
      %dma_wait3A_218 = tpu.memref_slice %arg8[%dma_wait3A_216, %dma_wait3A_217] : memref<10240x128xf32, #tpu.memory_space<vmem_shared>> -> memref<10240x128xf32, #tpu.memory_space<vmem_shared>>
      tpu.wait_indirect_dma semaphore(%arg13 : memref<!tpu.dma_semaphore, #tpu.memory_space<semaphore_mem>>) src(%arg7 : memref<64x128xf32, #tpu.memory_space<vmem>>) dst(%dma_wait3A_218 : memref<10240x128xf32, #tpu.memory_space<vmem_shared>>)
      %dma_wait3A_219 = arith.constant 0 : i32
      %dma_wait3A_220 = tpu.memref_slice %arg6[%add3A_167, %dma_wait3A_219] : memref<160x64xi32, #tpu.memory_space<vmem>> -> memref<1x64xi32, #tpu.memory_space<vmem>>
      %dma_wait3A_221 = tpu.memref_squeeze %dma_wait3A_220 : memref<1x64xi32, #tpu.memory_space<vmem>> -> memref<64xi32, #tpu.memory_space<vmem>>
      %dma_wait3A_222 = arith.constant 0 : i32
      %dma_wait3A_223 = arith.constant 0 : i32
      %dma_wait3A_224 = tpu.memref_slice %arg8[%dma_wait3A_222, %dma_wait3A_223] : memref<10240x128xf32, #tpu.memory_space<vmem_shared>> -> memref<10240x128xf32, #tpu.memory_space<vmem_shared>>
      tpu.wait_indirect_dma semaphore(%arg14 : memref<!tpu.dma_semaphore, #tpu.memory_space<semaphore_mem>>) src(%arg7 : memref<64x128xf32, #tpu.memory_space<vmem>>) dst(%dma_wait3A_224 : memref<10240x128xf32, #tpu.memory_space<vmem_shared>>)
      %dma_wait3A_225 = arith.constant 0 : i32
      %dma_wait3A_226 = tpu.memref_slice %arg6[%add3A_175, %dma_wait3A_225] : memref<160x64xi32, #tpu.memory_space<vmem>> -> memref<1x64xi32, #tpu.memory_space<vmem>>
      %dma_wait3A_227 = tpu.memref_squeeze %dma_wait3A_226 : memref<1x64xi32, #tpu.memory_space<vmem>> -> memref<64xi32, #tpu.memory_space<vmem>>
      %dma_wait3A_228 = arith.constant 0 : i32
      %dma_wait3A_229 = arith.constant 0 : i32
      %dma_wait3A_230 = tpu.memref_slice %arg8[%dma_wait3A_228, %dma_wait3A_229] : memref<10240x128xf32, #tpu.memory_space<vmem_shared>> -> memref<10240x128xf32, #tpu.memory_space<vmem_shared>>
      tpu.wait_indirect_dma semaphore(%arg15 : memref<!tpu.dma_semaphore, #tpu.memory_space<semaphore_mem>>) src(%arg7 : memref<64x128xf32, #tpu.memory_space<vmem>>) dst(%dma_wait3A_230 : memref<10240x128xf32, #tpu.memory_space<vmem_shared>>)
      %dma_wait3A_231 = arith.constant 0 : i32
      %dma_wait3A_232 = tpu.memref_slice %arg6[%add3A_183, %dma_wait3A_231] : memref<160x64xi32, #tpu.memory_space<vmem>> -> memref<1x64xi32, #tpu.memory_space<vmem>>
      %dma_wait3A_233 = tpu.memref_squeeze %dma_wait3A_232 : memref<1x64xi32, #tpu.memory_space<vmem>> -> memref<64xi32, #tpu.memory_space<vmem>>
      %dma_wait3A_234 = arith.constant 0 : i32
      %dma_wait3A_235 = arith.constant 0 : i32
      %dma_wait3A_236 = tpu.memref_slice %arg8[%dma_wait3A_234, %dma_wait3A_235] : memref<10240x128xf32, #tpu.memory_space<vmem_shared>> -> memref<10240x128xf32, #tpu.memory_space<vmem_shared>>
      tpu.wait_indirect_dma semaphore(%arg16 : memref<!tpu.dma_semaphore, #tpu.memory_space<semaphore_mem>>) src(%arg7 : memref<64x128xf32, #tpu.memory_space<vmem>>) dst(%dma_wait3A_236 : memref<10240x128xf32, #tpu.memory_space<vmem_shared>>)
    }
    %scan3A_42 = arith.constant 20 : i32
    %barrier3A_43 = arith.constant 0 : index
    tpu.barrier barrier_id(%barrier3A_43)
    %mul3A_44 = arith.constant 640 : i32
    %mul3A_45 = arith.muli %arg1, %mul3A_44 : i32
    %add3A_46 = arith.constant 0 : i32
    %add3A_47 = arith.addi %mul3A_45, %add3A_46 : i32
    "tpu.region"() ({
      %run_scoped3A = tpu.sem_alloc : memref<!tpu.dma_semaphore, #tpu.memory_space<semaphore_mem>>
      %dma_start3A = arith.constant 0 : i32
      %dma_start3A_124 = tpu.memref_slice %arg8[%add3A_47, %dma_start3A] : memref<10240x128xf32, #tpu.memory_space<vmem_shared>> -> memref<64x128xf32, #tpu.memory_space<vmem_shared>>
      %dma_start3A_125 = arith.constant 0 : i32
      %dma_start3A_126 = tpu.memref_slice %arg8[%add3A_47, %dma_start3A_125] : memref<10240x128xf32, #tpu.memory_space<vmem_shared>> -> memref<64x128xf32, #tpu.memory_space<vmem_shared>>
      tpu.enqueue_dma source(%dma_start3A_126 : memref<64x128xf32, #tpu.memory_space<vmem_shared>>) target(%arg7 : memref<64x128xf32, #tpu.memory_space<vmem>>) target_semaphore(%run_scoped3A : memref<!tpu.dma_semaphore, #tpu.memory_space<semaphore_mem>>)
      %dma_wait3A = arith.constant 0 : i32
      %dma_wait3A_127 = tpu.memref_slice %arg8[%add3A_47, %dma_wait3A] : memref<10240x128xf32, #tpu.memory_space<vmem_shared>> -> memref<64x128xf32, #tpu.memory_space<vmem_shared>>
      %dma_wait3A_128 = arith.constant 0 : i32
      %dma_wait3A_129 = tpu.memref_slice %arg8[%add3A_47, %dma_wait3A_128] : memref<10240x128xf32, #tpu.memory_space<vmem_shared>> -> memref<64x128xf32, #tpu.memory_space<vmem_shared>>
      tpu.wait_dma2 semaphore(%run_scoped3A : memref<!tpu.dma_semaphore, #tpu.memory_space<semaphore_mem>>) src(%dma_wait3A_129 : memref<64x128xf32, #tpu.memory_space<vmem_shared>>) dst(%arg7 : memref<64x128xf32, #tpu.memory_space<vmem>>)
      tpu.yield
    }) : () -> ()
    %mul3A_48 = arith.constant 640 : i32
    %mul3A_49 = arith.muli %arg1, %mul3A_48 : i32
    %add3A_50 = arith.constant 0 : i32
    %add3A_51 = arith.addi %mul3A_49, %add3A_50 : i32
    "tpu.region"() ({
      %run_scoped3A = tpu.sem_alloc : memref<!tpu.dma_semaphore, #tpu.memory_space<semaphore_mem>>
      %dma_start3A = arith.constant 0 : i32
      %dma_start3A_124 = tpu.memref_slice %arg5[%arg0, %add3A_51, %dma_start3A] : memref<2x10240x128xf32, #tpu.memory_space<hbm>> -> memref<1x64x128xf32, #tpu.memory_space<hbm>>
      %dma_start3A_125 = tpu.memref_squeeze %dma_start3A_124 : memref<1x64x128xf32, #tpu.memory_space<hbm>> -> memref<64x128xf32, #tpu.memory_space<hbm>>
      %dma_start3A_126 = arith.constant 0 : i32
      %dma_start3A_127 = tpu.memref_slice %arg5[%arg0, %add3A_51, %dma_start3A_126] : memref<2x10240x128xf32, #tpu.memory_space<hbm>> -> memref<1x64x128xf32, #tpu.memory_space<hbm>>
      %dma_start3A_128 = tpu.memref_squeeze %dma_start3A_127 : memref<1x64x128xf32, #tpu.memory_space<hbm>> -> memref<64x128xf32, #tpu.memory_space<hbm>>
      tpu.enqueue_dma source(%arg7 : memref<64x128xf32, #tpu.memory_space<vmem>>) target(%dma_start3A_128 : memref<64x128xf32, #tpu.memory_space<hbm>>) target_semaphore(%run_scoped3A : memref<!tpu.dma_semaphore, #tpu.memory_space<semaphore_mem>>)
      %dma_wait3A = arith.constant 0 : i32
      %dma_wait3A_129 = tpu.memref_slice %arg5[%arg0, %add3A_51, %dma_wait3A] : memref<2x10240x128xf32, #tpu.memory_space<hbm>> -> memref<1x64x128xf32, #tpu.memory_space<hbm>>
      %dma_wait3A_130 = tpu.memref_squeeze %dma_wait3A_129 : memref<1x64x128xf32, #tpu.memory_space<hbm>> -> memref<64x128xf32, #tpu.memory_space<hbm>>
      %dma_wait3A_131 = arith.constant 0 : i32
      %dma_wait3A_132 = tpu.memref_slice %arg5[%arg0, %add3A_51, %dma_wait3A_131] : memref<2x10240x128xf32, #tpu.memory_space<hbm>> -> memref<1x64x128xf32, #tpu.memory_space<hbm>>
      %dma_wait3A_133 = tpu.memref_squeeze %dma_wait3A_132 : memref<1x64x128xf32, #tpu.memory_space<hbm>> -> memref<64x128xf32, #tpu.memory_space<hbm>>
      tpu.wait_dma2 semaphore(%run_scoped3A : memref<!tpu.dma_semaphore, #tpu.memory_space<semaphore_mem>>) src(%arg7 : memref<64x128xf32, #tpu.memory_space<vmem>>) dst(%dma_wait3A_133 : memref<64x128xf32, #tpu.memory_space<hbm>>)
      tpu.yield
    }) : () -> ()
    %mul3A_52 = arith.constant 640 : i32
    %mul3A_53 = arith.muli %arg1, %mul3A_52 : i32
    %add3A_54 = arith.constant 64 : i32
    %add3A_55 = arith.addi %mul3A_53, %add3A_54 : i32
    "tpu.region"() ({
      %run_scoped3A = tpu.sem_alloc : memref<!tpu.dma_semaphore, #tpu.memory_space<semaphore_mem>>
      %dma_start3A = arith.constant 0 : i32
      %dma_start3A_124 = tpu.memref_slice %arg8[%add3A_55, %dma_start3A] : memref<10240x128xf32, #tpu.memory_space<vmem_shared>> -> memref<64x128xf32, #tpu.memory_space<vmem_shared>>
      %dma_start3A_125 = arith.constant 0 : i32
      %dma_start3A_126 = tpu.memref_slice %arg8[%add3A_55, %dma_start3A_125] : memref<10240x128xf32, #tpu.memory_space<vmem_shared>> -> memref<64x128xf32, #tpu.memory_space<vmem_shared>>
      tpu.enqueue_dma source(%dma_start3A_126 : memref<64x128xf32, #tpu.memory_space<vmem_shared>>) target(%arg7 : memref<64x128xf32, #tpu.memory_space<vmem>>) target_semaphore(%run_scoped3A : memref<!tpu.dma_semaphore, #tpu.memory_space<semaphore_mem>>)
      %dma_wait3A = arith.constant 0 : i32
      %dma_wait3A_127 = tpu.memref_slice %arg8[%add3A_55, %dma_wait3A] : memref<10240x128xf32, #tpu.memory_space<vmem_shared>> -> memref<64x128xf32, #tpu.memory_space<vmem_shared>>
      %dma_wait3A_128 = arith.constant 0 : i32
      %dma_wait3A_129 = tpu.memref_slice %arg8[%add3A_55, %dma_wait3A_128] : memref<10240x128xf32, #tpu.memory_space<vmem_shared>> -> memref<64x128xf32, #tpu.memory_space<vmem_shared>>
      tpu.wait_dma2 semaphore(%run_scoped3A : memref<!tpu.dma_semaphore, #tpu.memory_space<semaphore_mem>>) src(%dma_wait3A_129 : memref<64x128xf32, #tpu.memory_space<vmem_shared>>) dst(%arg7 : memref<64x128xf32, #tpu.memory_space<vmem>>)
      tpu.yield
    }) : () -> ()
    %mul3A_56 = arith.constant 640 : i32
    %mul3A_57 = arith.muli %arg1, %mul3A_56 : i32
    %add3A_58 = arith.constant 64 : i32
    %add3A_59 = arith.addi %mul3A_57, %add3A_58 : i32
    "tpu.region"() ({
      %run_scoped3A = tpu.sem_alloc : memref<!tpu.dma_semaphore, #tpu.memory_space<semaphore_mem>>
      %dma_start3A = arith.constant 0 : i32
      %dma_start3A_124 = tpu.memref_slice %arg5[%arg0, %add3A_59, %dma_start3A] : memref<2x10240x128xf32, #tpu.memory_space<hbm>> -> memref<1x64x128xf32, #tpu.memory_space<hbm>>
      %dma_start3A_125 = tpu.memref_squeeze %dma_start3A_124 : memref<1x64x128xf32, #tpu.memory_space<hbm>> -> memref<64x128xf32, #tpu.memory_space<hbm>>
      %dma_start3A_126 = arith.constant 0 : i32
      %dma_start3A_127 = tpu.memref_slice %arg5[%arg0, %add3A_59, %dma_start3A_126] : memref<2x10240x128xf32, #tpu.memory_space<hbm>> -> memref<1x64x128xf32, #tpu.memory_space<hbm>>
      %dma_start3A_128 = tpu.memref_squeeze %dma_start3A_127 : memref<1x64x128xf32, #tpu.memory_space<hbm>> -> memref<64x128xf32, #tpu.memory_space<hbm>>
      tpu.enqueue_dma source(%arg7 : memref<64x128xf32, #tpu.memory_space<vmem>>) target(%dma_start3A_128 : memref<64x128xf32, #tpu.memory_space<hbm>>) target_semaphore(%run_scoped3A : memref<!tpu.dma_semaphore, #tpu.memory_space<semaphore_mem>>)
      %dma_wait3A = arith.constant 0 : i32
      %dma_wait3A_129 = tpu.memref_slice %arg5[%arg0, %add3A_59, %dma_wait3A] : memref<2x10240x128xf32, #tpu.memory_space<hbm>> -> memref<1x64x128xf32, #tpu.memory_space<hbm>>
      %dma_wait3A_130 = tpu.memref_squeeze %dma_wait3A_129 : memref<1x64x128xf32, #tpu.memory_space<hbm>> -> memref<64x128xf32, #tpu.memory_space<hbm>>
      %dma_wait3A_131 = arith.constant 0 : i32
      %dma_wait3A_132 = tpu.memref_slice %arg5[%arg0, %add3A_59, %dma_wait3A_131] : memref<2x10240x128xf32, #tpu.memory_space<hbm>> -> memref<1x64x128xf32, #tpu.memory_space<hbm>>
      %dma_wait3A_133 = tpu.memref_squeeze %dma_wait3A_132 : memref<1x64x128xf32, #tpu.memory_space<hbm>> -> memref<64x128xf32, #tpu.memory_space<hbm>>
      tpu.wait_dma2 semaphore(%run_scoped3A : memref<!tpu.dma_semaphore, #tpu.memory_space<semaphore_mem>>) src(%arg7 : memref<64x128xf32, #tpu.memory_space<vmem>>) dst(%dma_wait3A_133 : memref<64x128xf32, #tpu.memory_space<hbm>>)
      tpu.yield
    }) : () -> ()
    %mul3A_60 = arith.constant 640 : i32
    %mul3A_61 = arith.muli %arg1, %mul3A_60 : i32
    %add3A_62 = arith.constant 128 : i32
    %add3A_63 = arith.addi %mul3A_61, %add3A_62 : i32
    "tpu.region"() ({
      %run_scoped3A = tpu.sem_alloc : memref<!tpu.dma_semaphore, #tpu.memory_space<semaphore_mem>>
      %dma_start3A = arith.constant 0 : i32
      %dma_start3A_124 = tpu.memref_slice %arg8[%add3A_63, %dma_start3A] : memref<10240x128xf32, #tpu.memory_space<vmem_shared>> -> memref<64x128xf32, #tpu.memory_space<vmem_shared>>
      %dma_start3A_125 = arith.constant 0 : i32
      %dma_start3A_126 = tpu.memref_slice %arg8[%add3A_63, %dma_start3A_125] : memref<10240x128xf32, #tpu.memory_space<vmem_shared>> -> memref<64x128xf32, #tpu.memory_space<vmem_shared>>
      tpu.enqueue_dma source(%dma_start3A_126 : memref<64x128xf32, #tpu.memory_space<vmem_shared>>) target(%arg7 : memref<64x128xf32, #tpu.memory_space<vmem>>) target_semaphore(%run_scoped3A : memref<!tpu.dma_semaphore, #tpu.memory_space<semaphore_mem>>)
      %dma_wait3A = arith.constant 0 : i32
      %dma_wait3A_127 = tpu.memref_slice %arg8[%add3A_63, %dma_wait3A] : memref<10240x128xf32, #tpu.memory_space<vmem_shared>> -> memref<64x128xf32, #tpu.memory_space<vmem_shared>>
      %dma_wait3A_128 = arith.constant 0 : i32
      %dma_wait3A_129 = tpu.memref_slice %arg8[%add3A_63, %dma_wait3A_128] : memref<10240x128xf32, #tpu.memory_space<vmem_shared>> -> memref<64x128xf32, #tpu.memory_space<vmem_shared>>
      tpu.wait_dma2 semaphore(%run_scoped3A : memref<!tpu.dma_semaphore, #tpu.memory_space<semaphore_mem>>) src(%dma_wait3A_129 : memref<64x128xf32, #tpu.memory_space<vmem_shared>>) dst(%arg7 : memref<64x128xf32, #tpu.memory_space<vmem>>)
      tpu.yield
    }) : () -> ()
    %mul3A_64 = arith.constant 640 : i32
    %mul3A_65 = arith.muli %arg1, %mul3A_64 : i32
    %add3A_66 = arith.constant 128 : i32
    %add3A_67 = arith.addi %mul3A_65, %add3A_66 : i32
    "tpu.region"() ({
      %run_scoped3A = tpu.sem_alloc : memref<!tpu.dma_semaphore, #tpu.memory_space<semaphore_mem>>
      %dma_start3A = arith.constant 0 : i32
      %dma_start3A_124 = tpu.memref_slice %arg5[%arg0, %add3A_67, %dma_start3A] : memref<2x10240x128xf32, #tpu.memory_space<hbm>> -> memref<1x64x128xf32, #tpu.memory_space<hbm>>
      %dma_start3A_125 = tpu.memref_squeeze %dma_start3A_124 : memref<1x64x128xf32, #tpu.memory_space<hbm>> -> memref<64x128xf32, #tpu.memory_space<hbm>>
      %dma_start3A_126 = arith.constant 0 : i32
      %dma_start3A_127 = tpu.memref_slice %arg5[%arg0, %add3A_67, %dma_start3A_126] : memref<2x10240x128xf32, #tpu.memory_space<hbm>> -> memref<1x64x128xf32, #tpu.memory_space<hbm>>
      %dma_start3A_128 = tpu.memref_squeeze %dma_start3A_127 : memref<1x64x128xf32, #tpu.memory_space<hbm>> -> memref<64x128xf32, #tpu.memory_space<hbm>>
      tpu.enqueue_dma source(%arg7 : memref<64x128xf32, #tpu.memory_space<vmem>>) target(%dma_start3A_128 : memref<64x128xf32, #tpu.memory_space<hbm>>) target_semaphore(%run_scoped3A : memref<!tpu.dma_semaphore, #tpu.memory_space<semaphore_mem>>)
      %dma_wait3A = arith.constant 0 : i32
      %dma_wait3A_129 = tpu.memref_slice %arg5[%arg0, %add3A_67, %dma_wait3A] : memref<2x10240x128xf32, #tpu.memory_space<hbm>> -> memref<1x64x128xf32, #tpu.memory_space<hbm>>
      %dma_wait3A_130 = tpu.memref_squeeze %dma_wait3A_129 : memref<1x64x128xf32, #tpu.memory_space<hbm>> -> memref<64x128xf32, #tpu.memory_space<hbm>>
      %dma_wait3A_131 = arith.constant 0 : i32
      %dma_wait3A_132 = tpu.memref_slice %arg5[%arg0, %add3A_67, %dma_wait3A_131] : memref<2x10240x128xf32, #tpu.memory_space<hbm>> -> memref<1x64x128xf32, #tpu.memory_space<hbm>>
      %dma_wait3A_133 = tpu.memref_squeeze %dma_wait3A_132 : memref<1x64x128xf32, #tpu.memory_space<hbm>> -> memref<64x128xf32, #tpu.memory_space<hbm>>
      tpu.wait_dma2 semaphore(%run_scoped3A : memref<!tpu.dma_semaphore, #tpu.memory_space<semaphore_mem>>) src(%arg7 : memref<64x128xf32, #tpu.memory_space<vmem>>) dst(%dma_wait3A_133 : memref<64x128xf32, #tpu.memory_space<hbm>>)
      tpu.yield
    }) : () -> ()
    %mul3A_68 = arith.constant 640 : i32
    %mul3A_69 = arith.muli %arg1, %mul3A_68 : i32
    %add3A_70 = arith.constant 192 : i32
    %add3A_71 = arith.addi %mul3A_69, %add3A_70 : i32
    "tpu.region"() ({
      %run_scoped3A = tpu.sem_alloc : memref<!tpu.dma_semaphore, #tpu.memory_space<semaphore_mem>>
      %dma_start3A = arith.constant 0 : i32
      %dma_start3A_124 = tpu.memref_slice %arg8[%add3A_71, %dma_start3A] : memref<10240x128xf32, #tpu.memory_space<vmem_shared>> -> memref<64x128xf32, #tpu.memory_space<vmem_shared>>
      %dma_start3A_125 = arith.constant 0 : i32
      %dma_start3A_126 = tpu.memref_slice %arg8[%add3A_71, %dma_start3A_125] : memref<10240x128xf32, #tpu.memory_space<vmem_shared>> -> memref<64x128xf32, #tpu.memory_space<vmem_shared>>
      tpu.enqueue_dma source(%dma_start3A_126 : memref<64x128xf32, #tpu.memory_space<vmem_shared>>) target(%arg7 : memref<64x128xf32, #tpu.memory_space<vmem>>) target_semaphore(%run_scoped3A : memref<!tpu.dma_semaphore, #tpu.memory_space<semaphore_mem>>)
      %dma_wait3A = arith.constant 0 : i32
      %dma_wait3A_127 = tpu.memref_slice %arg8[%add3A_71, %dma_wait3A] : memref<10240x128xf32, #tpu.memory_space<vmem_shared>> -> memref<64x128xf32, #tpu.memory_space<vmem_shared>>
      %dma_wait3A_128 = arith.constant 0 : i32
      %dma_wait3A_129 = tpu.memref_slice %arg8[%add3A_71, %dma_wait3A_128] : memref<10240x128xf32, #tpu.memory_space<vmem_shared>> -> memref<64x128xf32, #tpu.memory_space<vmem_shared>>
      tpu.wait_dma2 semaphore(%run_scoped3A : memref<!tpu.dma_semaphore, #tpu.memory_space<semaphore_mem>>) src(%dma_wait3A_129 : memref<64x128xf32, #tpu.memory_space<vmem_shared>>) dst(%arg7 : memref<64x128xf32, #tpu.memory_space<vmem>>)
      tpu.yield
    }) : () -> ()
    %mul3A_72 = arith.constant 640 : i32
    %mul3A_73 = arith.muli %arg1, %mul3A_72 : i32
    %add3A_74 = arith.constant 192 : i32
    %add3A_75 = arith.addi %mul3A_73, %add3A_74 : i32
    "tpu.region"() ({
      %run_scoped3A = tpu.sem_alloc : memref<!tpu.dma_semaphore, #tpu.memory_space<semaphore_mem>>
      %dma_start3A = arith.constant 0 : i32
      %dma_start3A_124 = tpu.memref_slice %arg5[%arg0, %add3A_75, %dma_start3A] : memref<2x10240x128xf32, #tpu.memory_space<hbm>> -> memref<1x64x128xf32, #tpu.memory_space<hbm>>
      %dma_start3A_125 = tpu.memref_squeeze %dma_start3A_124 : memref<1x64x128xf32, #tpu.memory_space<hbm>> -> memref<64x128xf32, #tpu.memory_space<hbm>>
      %dma_start3A_126 = arith.constant 0 : i32
      %dma_start3A_127 = tpu.memref_slice %arg5[%arg0, %add3A_75, %dma_start3A_126] : memref<2x10240x128xf32, #tpu.memory_space<hbm>> -> memref<1x64x128xf32, #tpu.memory_space<hbm>>
      %dma_start3A_128 = tpu.memref_squeeze %dma_start3A_127 : memref<1x64x128xf32, #tpu.memory_space<hbm>> -> memref<64x128xf32, #tpu.memory_space<hbm>>
      tpu.enqueue_dma source(%arg7 : memref<64x128xf32, #tpu.memory_space<vmem>>) target(%dma_start3A_128 : memref<64x128xf32, #tpu.memory_space<hbm>>) target_semaphore(%run_scoped3A : memref<!tpu.dma_semaphore, #tpu.memory_space<semaphore_mem>>)
      %dma_wait3A = arith.constant 0 : i32
      %dma_wait3A_129 = tpu.memref_slice %arg5[%arg0, %add3A_75, %dma_wait3A] : memref<2x10240x128xf32, #tpu.memory_space<hbm>> -> memref<1x64x128xf32, #tpu.memory_space<hbm>>
      %dma_wait3A_130 = tpu.memref_squeeze %dma_wait3A_129 : memref<1x64x128xf32, #tpu.memory_space<hbm>> -> memref<64x128xf32, #tpu.memory_space<hbm>>
      %dma_wait3A_131 = arith.constant 0 : i32
      %dma_wait3A_132 = tpu.memref_slice %arg5[%arg0, %add3A_75, %dma_wait3A_131] : memref<2x10240x128xf32, #tpu.memory_space<hbm>> -> memref<1x64x128xf32, #tpu.memory_space<hbm>>
      %dma_wait3A_133 = tpu.memref_squeeze %dma_wait3A_132 : memref<1x64x128xf32, #tpu.memory_space<hbm>> -> memref<64x128xf32, #tpu.memory_space<hbm>>
      tpu.wait_dma2 semaphore(%run_scoped3A : memref<!tpu.dma_semaphore, #tpu.memory_space<semaphore_mem>>) src(%arg7 : memref<64x128xf32, #tpu.memory_space<vmem>>) dst(%dma_wait3A_133 : memref<64x128xf32, #tpu.memory_space<hbm>>)
      tpu.yield
    }) : () -> ()
    %mul3A_76 = arith.constant 640 : i32
    %mul3A_77 = arith.muli %arg1, %mul3A_76 : i32
    %add3A_78 = arith.constant 256 : i32
    %add3A_79 = arith.addi %mul3A_77, %add3A_78 : i32
    "tpu.region"() ({
      %run_scoped3A = tpu.sem_alloc : memref<!tpu.dma_semaphore, #tpu.memory_space<semaphore_mem>>
      %dma_start3A = arith.constant 0 : i32
      %dma_start3A_124 = tpu.memref_slice %arg8[%add3A_79, %dma_start3A] : memref<10240x128xf32, #tpu.memory_space<vmem_shared>> -> memref<64x128xf32, #tpu.memory_space<vmem_shared>>
      %dma_start3A_125 = arith.constant 0 : i32
      %dma_start3A_126 = tpu.memref_slice %arg8[%add3A_79, %dma_start3A_125] : memref<10240x128xf32, #tpu.memory_space<vmem_shared>> -> memref<64x128xf32, #tpu.memory_space<vmem_shared>>
      tpu.enqueue_dma source(%dma_start3A_126 : memref<64x128xf32, #tpu.memory_space<vmem_shared>>) target(%arg7 : memref<64x128xf32, #tpu.memory_space<vmem>>) target_semaphore(%run_scoped3A : memref<!tpu.dma_semaphore, #tpu.memory_space<semaphore_mem>>)
      %dma_wait3A = arith.constant 0 : i32
      %dma_wait3A_127 = tpu.memref_slice %arg8[%add3A_79, %dma_wait3A] : memref<10240x128xf32, #tpu.memory_space<vmem_shared>> -> memref<64x128xf32, #tpu.memory_space<vmem_shared>>
      %dma_wait3A_128 = arith.constant 0 : i32
      %dma_wait3A_129 = tpu.memref_slice %arg8[%add3A_79, %dma_wait3A_128] : memref<10240x128xf32, #tpu.memory_space<vmem_shared>> -> memref<64x128xf32, #tpu.memory_space<vmem_shared>>
      tpu.wait_dma2 semaphore(%run_scoped3A : memref<!tpu.dma_semaphore, #tpu.memory_space<semaphore_mem>>) src(%dma_wait3A_129 : memref<64x128xf32, #tpu.memory_space<vmem_shared>>) dst(%arg7 : memref<64x128xf32, #tpu.memory_space<vmem>>)
      tpu.yield
    }) : () -> ()
    %mul3A_80 = arith.constant 640 : i32
    %mul3A_81 = arith.muli %arg1, %mul3A_80 : i32
    %add3A_82 = arith.constant 256 : i32
    %add3A_83 = arith.addi %mul3A_81, %add3A_82 : i32
    "tpu.region"() ({
      %run_scoped3A = tpu.sem_alloc : memref<!tpu.dma_semaphore, #tpu.memory_space<semaphore_mem>>
      %dma_start3A = arith.constant 0 : i32
      %dma_start3A_124 = tpu.memref_slice %arg5[%arg0, %add3A_83, %dma_start3A] : memref<2x10240x128xf32, #tpu.memory_space<hbm>> -> memref<1x64x128xf32, #tpu.memory_space<hbm>>
      %dma_start3A_125 = tpu.memref_squeeze %dma_start3A_124 : memref<1x64x128xf32, #tpu.memory_space<hbm>> -> memref<64x128xf32, #tpu.memory_space<hbm>>
      %dma_start3A_126 = arith.constant 0 : i32
      %dma_start3A_127 = tpu.memref_slice %arg5[%arg0, %add3A_83, %dma_start3A_126] : memref<2x10240x128xf32, #tpu.memory_space<hbm>> -> memref<1x64x128xf32, #tpu.memory_space<hbm>>
      %dma_start3A_128 = tpu.memref_squeeze %dma_start3A_127 : memref<1x64x128xf32, #tpu.memory_space<hbm>> -> memref<64x128xf32, #tpu.memory_space<hbm>>
      tpu.enqueue_dma source(%arg7 : memref<64x128xf32, #tpu.memory_space<vmem>>) target(%dma_start3A_128 : memref<64x128xf32, #tpu.memory_space<hbm>>) target_semaphore(%run_scoped3A : memref<!tpu.dma_semaphore, #tpu.memory_space<semaphore_mem>>)
      %dma_wait3A = arith.constant 0 : i32
      %dma_wait3A_129 = tpu.memref_slice %arg5[%arg0, %add3A_83, %dma_wait3A] : memref<2x10240x128xf32, #tpu.memory_space<hbm>> -> memref<1x64x128xf32, #tpu.memory_space<hbm>>
      %dma_wait3A_130 = tpu.memref_squeeze %dma_wait3A_129 : memref<1x64x128xf32, #tpu.memory_space<hbm>> -> memref<64x128xf32, #tpu.memory_space<hbm>>
      %dma_wait3A_131 = arith.constant 0 : i32
      %dma_wait3A_132 = tpu.memref_slice %arg5[%arg0, %add3A_83, %dma_wait3A_131] : memref<2x10240x128xf32, #tpu.memory_space<hbm>> -> memref<1x64x128xf32, #tpu.memory_space<hbm>>
      %dma_wait3A_133 = tpu.memref_squeeze %dma_wait3A_132 : memref<1x64x128xf32, #tpu.memory_space<hbm>> -> memref<64x128xf32, #tpu.memory_space<hbm>>
      tpu.wait_dma2 semaphore(%run_scoped3A : memref<!tpu.dma_semaphore, #tpu.memory_space<semaphore_mem>>) src(%arg7 : memref<64x128xf32, #tpu.memory_space<vmem>>) dst(%dma_wait3A_133 : memref<64x128xf32, #tpu.memory_space<hbm>>)
      tpu.yield
    }) : () -> ()
    %mul3A_84 = arith.constant 640 : i32
    %mul3A_85 = arith.muli %arg1, %mul3A_84 : i32
    %add3A_86 = arith.constant 320 : i32
    %add3A_87 = arith.addi %mul3A_85, %add3A_86 : i32
    "tpu.region"() ({
      %run_scoped3A = tpu.sem_alloc : memref<!tpu.dma_semaphore, #tpu.memory_space<semaphore_mem>>
      %dma_start3A = arith.constant 0 : i32
      %dma_start3A_124 = tpu.memref_slice %arg8[%add3A_87, %dma_start3A] : memref<10240x128xf32, #tpu.memory_space<vmem_shared>> -> memref<64x128xf32, #tpu.memory_space<vmem_shared>>
      %dma_start3A_125 = arith.constant 0 : i32
      %dma_start3A_126 = tpu.memref_slice %arg8[%add3A_87, %dma_start3A_125] : memref<10240x128xf32, #tpu.memory_space<vmem_shared>> -> memref<64x128xf32, #tpu.memory_space<vmem_shared>>
      tpu.enqueue_dma source(%dma_start3A_126 : memref<64x128xf32, #tpu.memory_space<vmem_shared>>) target(%arg7 : memref<64x128xf32, #tpu.memory_space<vmem>>) target_semaphore(%run_scoped3A : memref<!tpu.dma_semaphore, #tpu.memory_space<semaphore_mem>>)
      %dma_wait3A = arith.constant 0 : i32
      %dma_wait3A_127 = tpu.memref_slice %arg8[%add3A_87, %dma_wait3A] : memref<10240x128xf32, #tpu.memory_space<vmem_shared>> -> memref<64x128xf32, #tpu.memory_space<vmem_shared>>
      %dma_wait3A_128 = arith.constant 0 : i32
      %dma_wait3A_129 = tpu.memref_slice %arg8[%add3A_87, %dma_wait3A_128] : memref<10240x128xf32, #tpu.memory_space<vmem_shared>> -> memref<64x128xf32, #tpu.memory_space<vmem_shared>>
      tpu.wait_dma2 semaphore(%run_scoped3A : memref<!tpu.dma_semaphore, #tpu.memory_space<semaphore_mem>>) src(%dma_wait3A_129 : memref<64x128xf32, #tpu.memory_space<vmem_shared>>) dst(%arg7 : memref<64x128xf32, #tpu.memory_space<vmem>>)
      tpu.yield
    }) : () -> ()
    %mul3A_88 = arith.constant 640 : i32
    %mul3A_89 = arith.muli %arg1, %mul3A_88 : i32
    %add3A_90 = arith.constant 320 : i32
    %add3A_91 = arith.addi %mul3A_89, %add3A_90 : i32
    "tpu.region"() ({
      %run_scoped3A = tpu.sem_alloc : memref<!tpu.dma_semaphore, #tpu.memory_space<semaphore_mem>>
      %dma_start3A = arith.constant 0 : i32
      %dma_start3A_124 = tpu.memref_slice %arg5[%arg0, %add3A_91, %dma_start3A] : memref<2x10240x128xf32, #tpu.memory_space<hbm>> -> memref<1x64x128xf32, #tpu.memory_space<hbm>>
      %dma_start3A_125 = tpu.memref_squeeze %dma_start3A_124 : memref<1x64x128xf32, #tpu.memory_space<hbm>> -> memref<64x128xf32, #tpu.memory_space<hbm>>
      %dma_start3A_126 = arith.constant 0 : i32
      %dma_start3A_127 = tpu.memref_slice %arg5[%arg0, %add3A_91, %dma_start3A_126] : memref<2x10240x128xf32, #tpu.memory_space<hbm>> -> memref<1x64x128xf32, #tpu.memory_space<hbm>>
      %dma_start3A_128 = tpu.memref_squeeze %dma_start3A_127 : memref<1x64x128xf32, #tpu.memory_space<hbm>> -> memref<64x128xf32, #tpu.memory_space<hbm>>
      tpu.enqueue_dma source(%arg7 : memref<64x128xf32, #tpu.memory_space<vmem>>) target(%dma_start3A_128 : memref<64x128xf32, #tpu.memory_space<hbm>>) target_semaphore(%run_scoped3A : memref<!tpu.dma_semaphore, #tpu.memory_space<semaphore_mem>>)
      %dma_wait3A = arith.constant 0 : i32
      %dma_wait3A_129 = tpu.memref_slice %arg5[%arg0, %add3A_91, %dma_wait3A] : memref<2x10240x128xf32, #tpu.memory_space<hbm>> -> memref<1x64x128xf32, #tpu.memory_space<hbm>>
      %dma_wait3A_130 = tpu.memref_squeeze %dma_wait3A_129 : memref<1x64x128xf32, #tpu.memory_space<hbm>> -> memref<64x128xf32, #tpu.memory_space<hbm>>
      %dma_wait3A_131 = arith.constant 0 : i32
      %dma_wait3A_132 = tpu.memref_slice %arg5[%arg0, %add3A_91, %dma_wait3A_131] : memref<2x10240x128xf32, #tpu.memory_space<hbm>> -> memref<1x64x128xf32, #tpu.memory_space<hbm>>
      %dma_wait3A_133 = tpu.memref_squeeze %dma_wait3A_132 : memref<1x64x128xf32, #tpu.memory_space<hbm>> -> memref<64x128xf32, #tpu.memory_space<hbm>>
      tpu.wait_dma2 semaphore(%run_scoped3A : memref<!tpu.dma_semaphore, #tpu.memory_space<semaphore_mem>>) src(%arg7 : memref<64x128xf32, #tpu.memory_space<vmem>>) dst(%dma_wait3A_133 : memref<64x128xf32, #tpu.memory_space<hbm>>)
      tpu.yield
    }) : () -> ()
    %mul3A_92 = arith.constant 640 : i32
    %mul3A_93 = arith.muli %arg1, %mul3A_92 : i32
    %add3A_94 = arith.constant 384 : i32
    %add3A_95 = arith.addi %mul3A_93, %add3A_94 : i32
    "tpu.region"() ({
      %run_scoped3A = tpu.sem_alloc : memref<!tpu.dma_semaphore, #tpu.memory_space<semaphore_mem>>
      %dma_start3A = arith.constant 0 : i32
      %dma_start3A_124 = tpu.memref_slice %arg8[%add3A_95, %dma_start3A] : memref<10240x128xf32, #tpu.memory_space<vmem_shared>> -> memref<64x128xf32, #tpu.memory_space<vmem_shared>>
      %dma_start3A_125 = arith.constant 0 : i32
      %dma_start3A_126 = tpu.memref_slice %arg8[%add3A_95, %dma_start3A_125] : memref<10240x128xf32, #tpu.memory_space<vmem_shared>> -> memref<64x128xf32, #tpu.memory_space<vmem_shared>>
      tpu.enqueue_dma source(%dma_start3A_126 : memref<64x128xf32, #tpu.memory_space<vmem_shared>>) target(%arg7 : memref<64x128xf32, #tpu.memory_space<vmem>>) target_semaphore(%run_scoped3A : memref<!tpu.dma_semaphore, #tpu.memory_space<semaphore_mem>>)
      %dma_wait3A = arith.constant 0 : i32
      %dma_wait3A_127 = tpu.memref_slice %arg8[%add3A_95, %dma_wait3A] : memref<10240x128xf32, #tpu.memory_space<vmem_shared>> -> memref<64x128xf32, #tpu.memory_space<vmem_shared>>
      %dma_wait3A_128 = arith.constant 0 : i32
      %dma_wait3A_129 = tpu.memref_slice %arg8[%add3A_95, %dma_wait3A_128] : memref<10240x128xf32, #tpu.memory_space<vmem_shared>> -> memref<64x128xf32, #tpu.memory_space<vmem_shared>>
      tpu.wait_dma2 semaphore(%run_scoped3A : memref<!tpu.dma_semaphore, #tpu.memory_space<semaphore_mem>>) src(%dma_wait3A_129 : memref<64x128xf32, #tpu.memory_space<vmem_shared>>) dst(%arg7 : memref<64x128xf32, #tpu.memory_space<vmem>>)
      tpu.yield
    }) : () -> ()
    %mul3A_96 = arith.constant 640 : i32
    %mul3A_97 = arith.muli %arg1, %mul3A_96 : i32
    %add3A_98 = arith.constant 384 : i32
    %add3A_99 = arith.addi %mul3A_97, %add3A_98 : i32
    "tpu.region"() ({
      %run_scoped3A = tpu.sem_alloc : memref<!tpu.dma_semaphore, #tpu.memory_space<semaphore_mem>>
      %dma_start3A = arith.constant 0 : i32
      %dma_start3A_124 = tpu.memref_slice %arg5[%arg0, %add3A_99, %dma_start3A] : memref<2x10240x128xf32, #tpu.memory_space<hbm>> -> memref<1x64x128xf32, #tpu.memory_space<hbm>>
      %dma_start3A_125 = tpu.memref_squeeze %dma_start3A_124 : memref<1x64x128xf32, #tpu.memory_space<hbm>> -> memref<64x128xf32, #tpu.memory_space<hbm>>
      %dma_start3A_126 = arith.constant 0 : i32
      %dma_start3A_127 = tpu.memref_slice %arg5[%arg0, %add3A_99, %dma_start3A_126] : memref<2x10240x128xf32, #tpu.memory_space<hbm>> -> memref<1x64x128xf32, #tpu.memory_space<hbm>>
      %dma_start3A_128 = tpu.memref_squeeze %dma_start3A_127 : memref<1x64x128xf32, #tpu.memory_space<hbm>> -> memref<64x128xf32, #tpu.memory_space<hbm>>
      tpu.enqueue_dma source(%arg7 : memref<64x128xf32, #tpu.memory_space<vmem>>) target(%dma_start3A_128 : memref<64x128xf32, #tpu.memory_space<hbm>>) target_semaphore(%run_scoped3A : memref<!tpu.dma_semaphore, #tpu.memory_space<semaphore_mem>>)
      %dma_wait3A = arith.constant 0 : i32
      %dma_wait3A_129 = tpu.memref_slice %arg5[%arg0, %add3A_99, %dma_wait3A] : memref<2x10240x128xf32, #tpu.memory_space<hbm>> -> memref<1x64x128xf32, #tpu.memory_space<hbm>>
      %dma_wait3A_130 = tpu.memref_squeeze %dma_wait3A_129 : memref<1x64x128xf32, #tpu.memory_space<hbm>> -> memref<64x128xf32, #tpu.memory_space<hbm>>
      %dma_wait3A_131 = arith.constant 0 : i32
      %dma_wait3A_132 = tpu.memref_slice %arg5[%arg0, %add3A_99, %dma_wait3A_131] : memref<2x10240x128xf32, #tpu.memory_space<hbm>> -> memref<1x64x128xf32, #tpu.memory_space<hbm>>
      %dma_wait3A_133 = tpu.memref_squeeze %dma_wait3A_132 : memref<1x64x128xf32, #tpu.memory_space<hbm>> -> memref<64x128xf32, #tpu.memory_space<hbm>>
      tpu.wait_dma2 semaphore(%run_scoped3A : memref<!tpu.dma_semaphore, #tpu.memory_space<semaphore_mem>>) src(%arg7 : memref<64x128xf32, #tpu.memory_space<vmem>>) dst(%dma_wait3A_133 : memref<64x128xf32, #tpu.memory_space<hbm>>)
      tpu.yield
    }) : () -> ()
    %mul3A_100 = arith.constant 640 : i32
    %mul3A_101 = arith.muli %arg1, %mul3A_100 : i32
    %add3A_102 = arith.constant 448 : i32
    %add3A_103 = arith.addi %mul3A_101, %add3A_102 : i32
    "tpu.region"() ({
      %run_scoped3A = tpu.sem_alloc : memref<!tpu.dma_semaphore, #tpu.memory_space<semaphore_mem>>
      %dma_start3A = arith.constant 0 : i32
      %dma_start3A_124 = tpu.memref_slice %arg8[%add3A_103, %dma_start3A] : memref<10240x128xf32, #tpu.memory_space<vmem_shared>> -> memref<64x128xf32, #tpu.memory_space<vmem_shared>>
      %dma_start3A_125 = arith.constant 0 : i32
      %dma_start3A_126 = tpu.memref_slice %arg8[%add3A_103, %dma_start3A_125] : memref<10240x128xf32, #tpu.memory_space<vmem_shared>> -> memref<64x128xf32, #tpu.memory_space<vmem_shared>>
      tpu.enqueue_dma source(%dma_start3A_126 : memref<64x128xf32, #tpu.memory_space<vmem_shared>>) target(%arg7 : memref<64x128xf32, #tpu.memory_space<vmem>>) target_semaphore(%run_scoped3A : memref<!tpu.dma_semaphore, #tpu.memory_space<semaphore_mem>>)
      %dma_wait3A = arith.constant 0 : i32
      %dma_wait3A_127 = tpu.memref_slice %arg8[%add3A_103, %dma_wait3A] : memref<10240x128xf32, #tpu.memory_space<vmem_shared>> -> memref<64x128xf32, #tpu.memory_space<vmem_shared>>
      %dma_wait3A_128 = arith.constant 0 : i32
      %dma_wait3A_129 = tpu.memref_slice %arg8[%add3A_103, %dma_wait3A_128] : memref<10240x128xf32, #tpu.memory_space<vmem_shared>> -> memref<64x128xf32, #tpu.memory_space<vmem_shared>>
      tpu.wait_dma2 semaphore(%run_scoped3A : memref<!tpu.dma_semaphore, #tpu.memory_space<semaphore_mem>>) src(%dma_wait3A_129 : memref<64x128xf32, #tpu.memory_space<vmem_shared>>) dst(%arg7 : memref<64x128xf32, #tpu.memory_space<vmem>>)
      tpu.yield
    }) : () -> ()
    %mul3A_104 = arith.constant 640 : i32
    %mul3A_105 = arith.muli %arg1, %mul3A_104 : i32
    %add3A_106 = arith.constant 448 : i32
    %add3A_107 = arith.addi %mul3A_105, %add3A_106 : i32
    "tpu.region"() ({
      %run_scoped3A = tpu.sem_alloc : memref<!tpu.dma_semaphore, #tpu.memory_space<semaphore_mem>>
      %dma_start3A = arith.constant 0 : i32
      %dma_start3A_124 = tpu.memref_slice %arg5[%arg0, %add3A_107, %dma_start3A] : memref<2x10240x128xf32, #tpu.memory_space<hbm>> -> memref<1x64x128xf32, #tpu.memory_space<hbm>>
      %dma_start3A_125 = tpu.memref_squeeze %dma_start3A_124 : memref<1x64x128xf32, #tpu.memory_space<hbm>> -> memref<64x128xf32, #tpu.memory_space<hbm>>
      %dma_start3A_126 = arith.constant 0 : i32
      %dma_start3A_127 = tpu.memref_slice %arg5[%arg0, %add3A_107, %dma_start3A_126] : memref<2x10240x128xf32, #tpu.memory_space<hbm>> -> memref<1x64x128xf32, #tpu.memory_space<hbm>>
      %dma_start3A_128 = tpu.memref_squeeze %dma_start3A_127 : memref<1x64x128xf32, #tpu.memory_space<hbm>> -> memref<64x128xf32, #tpu.memory_space<hbm>>
      tpu.enqueue_dma source(%arg7 : memref<64x128xf32, #tpu.memory_space<vmem>>) target(%dma_start3A_128 : memref<64x128xf32, #tpu.memory_space<hbm>>) target_semaphore(%run_scoped3A : memref<!tpu.dma_semaphore, #tpu.memory_space<semaphore_mem>>)
      %dma_wait3A = arith.constant 0 : i32
      %dma_wait3A_129 = tpu.memref_slice %arg5[%arg0, %add3A_107, %dma_wait3A] : memref<2x10240x128xf32, #tpu.memory_space<hbm>> -> memref<1x64x128xf32, #tpu.memory_space<hbm>>
      %dma_wait3A_130 = tpu.memref_squeeze %dma_wait3A_129 : memref<1x64x128xf32, #tpu.memory_space<hbm>> -> memref<64x128xf32, #tpu.memory_space<hbm>>
      %dma_wait3A_131 = arith.constant 0 : i32
      %dma_wait3A_132 = tpu.memref_slice %arg5[%arg0, %add3A_107, %dma_wait3A_131] : memref<2x10240x128xf32, #tpu.memory_space<hbm>> -> memref<1x64x128xf32, #tpu.memory_space<hbm>>
      %dma_wait3A_133 = tpu.memref_squeeze %dma_wait3A_132 : memref<1x64x128xf32, #tpu.memory_space<hbm>> -> memref<64x128xf32, #tpu.memory_space<hbm>>
      tpu.wait_dma2 semaphore(%run_scoped3A : memref<!tpu.dma_semaphore, #tpu.memory_space<semaphore_mem>>) src(%arg7 : memref<64x128xf32, #tpu.memory_space<vmem>>) dst(%dma_wait3A_133 : memref<64x128xf32, #tpu.memory_space<hbm>>)
      tpu.yield
    }) : () -> ()
    %mul3A_108 = arith.constant 640 : i32
    %mul3A_109 = arith.muli %arg1, %mul3A_108 : i32
    %add3A_110 = arith.constant 512 : i32
    %add3A_111 = arith.addi %mul3A_109, %add3A_110 : i32
    "tpu.region"() ({
      %run_scoped3A = tpu.sem_alloc : memref<!tpu.dma_semaphore, #tpu.memory_space<semaphore_mem>>
      %dma_start3A = arith.constant 0 : i32
      %dma_start3A_124 = tpu.memref_slice %arg8[%add3A_111, %dma_start3A] : memref<10240x128xf32, #tpu.memory_space<vmem_shared>> -> memref<64x128xf32, #tpu.memory_space<vmem_shared>>
      %dma_start3A_125 = arith.constant 0 : i32
      %dma_start3A_126 = tpu.memref_slice %arg8[%add3A_111, %dma_start3A_125] : memref<10240x128xf32, #tpu.memory_space<vmem_shared>> -> memref<64x128xf32, #tpu.memory_space<vmem_shared>>
      tpu.enqueue_dma source(%dma_start3A_126 : memref<64x128xf32, #tpu.memory_space<vmem_shared>>) target(%arg7 : memref<64x128xf32, #tpu.memory_space<vmem>>) target_semaphore(%run_scoped3A : memref<!tpu.dma_semaphore, #tpu.memory_space<semaphore_mem>>)
      %dma_wait3A = arith.constant 0 : i32
      %dma_wait3A_127 = tpu.memref_slice %arg8[%add3A_111, %dma_wait3A] : memref<10240x128xf32, #tpu.memory_space<vmem_shared>> -> memref<64x128xf32, #tpu.memory_space<vmem_shared>>
      %dma_wait3A_128 = arith.constant 0 : i32
      %dma_wait3A_129 = tpu.memref_slice %arg8[%add3A_111, %dma_wait3A_128] : memref<10240x128xf32, #tpu.memory_space<vmem_shared>> -> memref<64x128xf32, #tpu.memory_space<vmem_shared>>
      tpu.wait_dma2 semaphore(%run_scoped3A : memref<!tpu.dma_semaphore, #tpu.memory_space<semaphore_mem>>) src(%dma_wait3A_129 : memref<64x128xf32, #tpu.memory_space<vmem_shared>>) dst(%arg7 : memref<64x128xf32, #tpu.memory_space<vmem>>)
      tpu.yield
    }) : () -> ()
    %mul3A_112 = arith.constant 640 : i32
    %mul3A_113 = arith.muli %arg1, %mul3A_112 : i32
    %add3A_114 = arith.constant 512 : i32
    %add3A_115 = arith.addi %mul3A_113, %add3A_114 : i32
    "tpu.region"() ({
      %run_scoped3A = tpu.sem_alloc : memref<!tpu.dma_semaphore, #tpu.memory_space<semaphore_mem>>
      %dma_start3A = arith.constant 0 : i32
      %dma_start3A_124 = tpu.memref_slice %arg5[%arg0, %add3A_115, %dma_start3A] : memref<2x10240x128xf32, #tpu.memory_space<hbm>> -> memref<1x64x128xf32, #tpu.memory_space<hbm>>
      %dma_start3A_125 = tpu.memref_squeeze %dma_start3A_124 : memref<1x64x128xf32, #tpu.memory_space<hbm>> -> memref<64x128xf32, #tpu.memory_space<hbm>>
      %dma_start3A_126 = arith.constant 0 : i32
      %dma_start3A_127 = tpu.memref_slice %arg5[%arg0, %add3A_115, %dma_start3A_126] : memref<2x10240x128xf32, #tpu.memory_space<hbm>> -> memref<1x64x128xf32, #tpu.memory_space<hbm>>
      %dma_start3A_128 = tpu.memref_squeeze %dma_start3A_127 : memref<1x64x128xf32, #tpu.memory_space<hbm>> -> memref<64x128xf32, #tpu.memory_space<hbm>>
      tpu.enqueue_dma source(%arg7 : memref<64x128xf32, #tpu.memory_space<vmem>>) target(%dma_start3A_128 : memref<64x128xf32, #tpu.memory_space<hbm>>) target_semaphore(%run_scoped3A : memref<!tpu.dma_semaphore, #tpu.memory_space<semaphore_mem>>)
      %dma_wait3A = arith.constant 0 : i32
      %dma_wait3A_129 = tpu.memref_slice %arg5[%arg0, %add3A_115, %dma_wait3A] : memref<2x10240x128xf32, #tpu.memory_space<hbm>> -> memref<1x64x128xf32, #tpu.memory_space<hbm>>
      %dma_wait3A_130 = tpu.memref_squeeze %dma_wait3A_129 : memref<1x64x128xf32, #tpu.memory_space<hbm>> -> memref<64x128xf32, #tpu.memory_space<hbm>>
      %dma_wait3A_131 = arith.constant 0 : i32
      %dma_wait3A_132 = tpu.memref_slice %arg5[%arg0, %add3A_115, %dma_wait3A_131] : memref<2x10240x128xf32, #tpu.memory_space<hbm>> -> memref<1x64x128xf32, #tpu.memory_space<hbm>>
      %dma_wait3A_133 = tpu.memref_squeeze %dma_wait3A_132 : memref<1x64x128xf32, #tpu.memory_space<hbm>> -> memref<64x128xf32, #tpu.memory_space<hbm>>
      tpu.wait_dma2 semaphore(%run_scoped3A : memref<!tpu.dma_semaphore, #tpu.memory_space<semaphore_mem>>) src(%arg7 : memref<64x128xf32, #tpu.memory_space<vmem>>) dst(%dma_wait3A_133 : memref<64x128xf32, #tpu.memory_space<hbm>>)
      tpu.yield
    }) : () -> ()
    %mul3A_116 = arith.constant 640 : i32
    %mul3A_117 = arith.muli %arg1, %mul3A_116 : i32
    %add3A_118 = arith.constant 576 : i32
    %add3A_119 = arith.addi %mul3A_117, %add3A_118 : i32
    "tpu.region"() ({
      %run_scoped3A = tpu.sem_alloc : memref<!tpu.dma_semaphore, #tpu.memory_space<semaphore_mem>>
      %dma_start3A = arith.constant 0 : i32
      %dma_start3A_124 = tpu.memref_slice %arg8[%add3A_119, %dma_start3A] : memref<10240x128xf32, #tpu.memory_space<vmem_shared>> -> memref<64x128xf32, #tpu.memory_space<vmem_shared>>
      %dma_start3A_125 = arith.constant 0 : i32
      %dma_start3A_126 = tpu.memref_slice %arg8[%add3A_119, %dma_start3A_125] : memref<10240x128xf32, #tpu.memory_space<vmem_shared>> -> memref<64x128xf32, #tpu.memory_space<vmem_shared>>
      tpu.enqueue_dma source(%dma_start3A_126 : memref<64x128xf32, #tpu.memory_space<vmem_shared>>) target(%arg7 : memref<64x128xf32, #tpu.memory_space<vmem>>) target_semaphore(%run_scoped3A : memref<!tpu.dma_semaphore, #tpu.memory_space<semaphore_mem>>)
      %dma_wait3A = arith.constant 0 : i32
      %dma_wait3A_127 = tpu.memref_slice %arg8[%add3A_119, %dma_wait3A] : memref<10240x128xf32, #tpu.memory_space<vmem_shared>> -> memref<64x128xf32, #tpu.memory_space<vmem_shared>>
      %dma_wait3A_128 = arith.constant 0 : i32
      %dma_wait3A_129 = tpu.memref_slice %arg8[%add3A_119, %dma_wait3A_128] : memref<10240x128xf32, #tpu.memory_space<vmem_shared>> -> memref<64x128xf32, #tpu.memory_space<vmem_shared>>
      tpu.wait_dma2 semaphore(%run_scoped3A : memref<!tpu.dma_semaphore, #tpu.memory_space<semaphore_mem>>) src(%dma_wait3A_129 : memref<64x128xf32, #tpu.memory_space<vmem_shared>>) dst(%arg7 : memref<64x128xf32, #tpu.memory_space<vmem>>)
      tpu.yield
    }) : () -> ()
    %mul3A_120 = arith.constant 640 : i32
    %mul3A_121 = arith.muli %arg1, %mul3A_120 : i32
    %add3A_122 = arith.constant 576 : i32
    %add3A_123 = arith.addi %mul3A_121, %add3A_122 : i32
    "tpu.region"() ({
      %run_scoped3A = tpu.sem_alloc : memref<!tpu.dma_semaphore, #tpu.memory_space<semaphore_mem>>
      %dma_start3A = arith.constant 0 : i32
      %dma_start3A_124 = tpu.memref_slice %arg5[%arg0, %add3A_123, %dma_start3A] : memref<2x10240x128xf32, #tpu.memory_space<hbm>> -> memref<1x64x128xf32, #tpu.memory_space<hbm>>
      %dma_start3A_125 = tpu.memref_squeeze %dma_start3A_124 : memref<1x64x128xf32, #tpu.memory_space<hbm>> -> memref<64x128xf32, #tpu.memory_space<hbm>>
      %dma_start3A_126 = arith.constant 0 : i32
      %dma_start3A_127 = tpu.memref_slice %arg5[%arg0, %add3A_123, %dma_start3A_126] : memref<2x10240x128xf32, #tpu.memory_space<hbm>> -> memref<1x64x128xf32, #tpu.memory_space<hbm>>
      %dma_start3A_128 = tpu.memref_squeeze %dma_start3A_127 : memref<1x64x128xf32, #tpu.memory_space<hbm>> -> memref<64x128xf32, #tpu.memory_space<hbm>>
      tpu.enqueue_dma source(%arg7 : memref<64x128xf32, #tpu.memory_space<vmem>>) target(%dma_start3A_128 : memref<64x128xf32, #tpu.memory_space<hbm>>) target_semaphore(%run_scoped3A : memref<!tpu.dma_semaphore, #tpu.memory_space<semaphore_mem>>)
      %dma_wait3A = arith.constant 0 : i32
      %dma_wait3A_129 = tpu.memref_slice %arg5[%arg0, %add3A_123, %dma_wait3A] : memref<2x10240x128xf32, #tpu.memory_space<hbm>> -> memref<1x64x128xf32, #tpu.memory_space<hbm>>
      %dma_wait3A_130 = tpu.memref_squeeze %dma_wait3A_129 : memref<1x64x128xf32, #tpu.memory_space<hbm>> -> memref<64x128xf32, #tpu.memory_space<hbm>>
      %dma_wait3A_131 = arith.constant 0 : i32
      %dma_wait3A_132 = tpu.memref_slice %arg5[%arg0, %add3A_123, %dma_wait3A_131] : memref<2x10240x128xf32, #tpu.memory_space<hbm>> -> memref<1x64x128xf32, #tpu.memory_space<hbm>>
      %dma_wait3A_133 = tpu.memref_squeeze %dma_wait3A_132 : memref<1x64x128xf32, #tpu.memory_space<hbm>> -> memref<64x128xf32, #tpu.memory_space<hbm>>
      tpu.wait_dma2 semaphore(%run_scoped3A : memref<!tpu.dma_semaphore, #tpu.memory_space<semaphore_mem>>) src(%arg7 : memref<64x128xf32, #tpu.memory_space<vmem>>) dst(%dma_wait3A_133 : memref<64x128xf32, #tpu.memory_space<hbm>>)
      tpu.yield
    }) : () -> ()
    return
  }
}

#map = affine_map<(d0, d1) -> (0, 0)>
#map1 = affine_map<(d0, d1) -> (0, 0, 0, 0)>
#map2 = affine_map<(d0, d1) -> (0, 0, 0)>
module attributes {stable_mosaic.version = 14 : i64} {
  func.func @scat(%arg0: i32, %arg1: i32, %arg2: memref<10240x128xf32, #tpu.memory_space<hbm>>, %arg3: memref<2x16x160x64xi32, #tpu.memory_space<hbm>>, %arg4: memref<64x128xf32, #tpu.memory_space<hbm>>, %arg5: memref<2x10240x128xf32, #tpu.memory_space<hbm>>, %arg6: memref<32x64xi32, #tpu.memory_space<vmem>>, %arg7: memref<4x64xi32, #tpu.memory_space<vmem>>, %arg8: memref<4x64xi32, #tpu.memory_space<vmem>>, %arg9: memref<64x128xf32, #tpu.memory_space<vmem>>, %arg10: memref<64x128xf32, #tpu.memory_space<vmem>>, %arg11: memref<64x128xf32, #tpu.memory_space<vmem>>, %arg12: memref<10240x128xf32, #tpu.memory_space<vmem_shared>>, %arg13: memref<!tpu.dma_semaphore, #tpu.memory_space<semaphore_mem>>, %arg14: memref<!tpu.dma_semaphore, #tpu.memory_space<semaphore_mem>>, %arg15: memref<!tpu.dma_semaphore, #tpu.memory_space<semaphore_mem>>, %arg16: memref<!tpu.dma_semaphore, #tpu.memory_space<semaphore_mem>>, %arg17: memref<!tpu.dma_semaphore, #tpu.memory_space<semaphore_mem>>, %arg18: memref<!tpu.dma_semaphore, #tpu.memory_space<semaphore_mem>>) attributes {dimension_semantics = [#tpu.dimension_semantics<core_parallel>, #tpu.dimension_semantics<subcore_parallel>], iteration_bounds = array<i64: 2, 16>, scalar_prefetch = 0 : i64, scratch_operands = 13 : i64, tpu.core_type = #tpu.core_type<sc_vector_subcore>, window_params = [{transform_indices = #map}, {transform_indices = #map1}, {transform_indices = #map}, {transform_indices = #map2}]} {
    "tpu.region"() ({
      %run_scoped3A = tpu.sem_alloc : memref<!tpu.dma_semaphore, #tpu.memory_space<semaphore_mem>>
      tpu.enqueue_dma source(%arg4 : memref<64x128xf32, #tpu.memory_space<hbm>>) target(%arg9 : memref<64x128xf32, #tpu.memory_space<vmem>>) target_semaphore(%run_scoped3A : memref<!tpu.dma_semaphore, #tpu.memory_space<semaphore_mem>>)
      tpu.wait_dma2 semaphore(%run_scoped3A : memref<!tpu.dma_semaphore, #tpu.memory_space<semaphore_mem>>) src(%arg4 : memref<64x128xf32, #tpu.memory_space<hbm>>) dst(%arg9 : memref<64x128xf32, #tpu.memory_space<vmem>>)
      tpu.yield
    }) : () -> ()
    %mul3A = arith.constant 640 : i32
    %mul3A_0 = arith.muli %arg1, %mul3A : i32
    %add3A = arith.constant 0 : i32
    %add3A_1 = arith.addi %mul3A_0, %add3A : i32
    "tpu.region"() ({
      %run_scoped3A = tpu.sem_alloc : memref<!tpu.dma_semaphore, #tpu.memory_space<semaphore_mem>>
      %dma_start3A = arith.constant 0 : i32
      %dma_start3A_124 = tpu.memref_slice %arg12[%add3A_1, %dma_start3A] : memref<10240x128xf32, #tpu.memory_space<vmem_shared>> -> memref<64x128xf32, #tpu.memory_space<vmem_shared>>
      %dma_start3A_125 = arith.constant 0 : i32
      %dma_start3A_126 = tpu.memref_slice %arg12[%add3A_1, %dma_start3A_125] : memref<10240x128xf32, #tpu.memory_space<vmem_shared>> -> memref<64x128xf32, #tpu.memory_space<vmem_shared>>
      tpu.enqueue_dma source(%arg9 : memref<64x128xf32, #tpu.memory_space<vmem>>) target(%dma_start3A_126 : memref<64x128xf32, #tpu.memory_space<vmem_shared>>) target_semaphore(%run_scoped3A : memref<!tpu.dma_semaphore, #tpu.memory_space<semaphore_mem>>)
      %dma_wait3A = arith.constant 0 : i32
      %dma_wait3A_127 = tpu.memref_slice %arg12[%add3A_1, %dma_wait3A] : memref<10240x128xf32, #tpu.memory_space<vmem_shared>> -> memref<64x128xf32, #tpu.memory_space<vmem_shared>>
      %dma_wait3A_128 = arith.constant 0 : i32
      %dma_wait3A_129 = tpu.memref_slice %arg12[%add3A_1, %dma_wait3A_128] : memref<10240x128xf32, #tpu.memory_space<vmem_shared>> -> memref<64x128xf32, #tpu.memory_space<vmem_shared>>
      tpu.wait_dma2 semaphore(%run_scoped3A : memref<!tpu.dma_semaphore, #tpu.memory_space<semaphore_mem>>) src(%arg9 : memref<64x128xf32, #tpu.memory_space<vmem>>) dst(%dma_wait3A_129 : memref<64x128xf32, #tpu.memory_space<vmem_shared>>)
      tpu.yield
    }) : () -> ()
    %mul3A_2 = arith.constant 640 : i32
    %mul3A_3 = arith.muli %arg1, %mul3A_2 : i32
    %add3A_4 = arith.constant 64 : i32
    %add3A_5 = arith.addi %mul3A_3, %add3A_4 : i32
    "tpu.region"() ({
      %run_scoped3A = tpu.sem_alloc : memref<!tpu.dma_semaphore, #tpu.memory_space<semaphore_mem>>
      %dma_start3A = arith.constant 0 : i32
      %dma_start3A_124 = tpu.memref_slice %arg12[%add3A_5, %dma_start3A] : memref<10240x128xf32, #tpu.memory_space<vmem_shared>> -> memref<64x128xf32, #tpu.memory_space<vmem_shared>>
      %dma_start3A_125 = arith.constant 0 : i32
      %dma_start3A_126 = tpu.memref_slice %arg12[%add3A_5, %dma_start3A_125] : memref<10240x128xf32, #tpu.memory_space<vmem_shared>> -> memref<64x128xf32, #tpu.memory_space<vmem_shared>>
      tpu.enqueue_dma source(%arg9 : memref<64x128xf32, #tpu.memory_space<vmem>>) target(%dma_start3A_126 : memref<64x128xf32, #tpu.memory_space<vmem_shared>>) target_semaphore(%run_scoped3A : memref<!tpu.dma_semaphore, #tpu.memory_space<semaphore_mem>>)
      %dma_wait3A = arith.constant 0 : i32
      %dma_wait3A_127 = tpu.memref_slice %arg12[%add3A_5, %dma_wait3A] : memref<10240x128xf32, #tpu.memory_space<vmem_shared>> -> memref<64x128xf32, #tpu.memory_space<vmem_shared>>
      %dma_wait3A_128 = arith.constant 0 : i32
      %dma_wait3A_129 = tpu.memref_slice %arg12[%add3A_5, %dma_wait3A_128] : memref<10240x128xf32, #tpu.memory_space<vmem_shared>> -> memref<64x128xf32, #tpu.memory_space<vmem_shared>>
      tpu.wait_dma2 semaphore(%run_scoped3A : memref<!tpu.dma_semaphore, #tpu.memory_space<semaphore_mem>>) src(%arg9 : memref<64x128xf32, #tpu.memory_space<vmem>>) dst(%dma_wait3A_129 : memref<64x128xf32, #tpu.memory_space<vmem_shared>>)
      tpu.yield
    }) : () -> ()
    %mul3A_6 = arith.constant 640 : i32
    %mul3A_7 = arith.muli %arg1, %mul3A_6 : i32
    %add3A_8 = arith.constant 128 : i32
    %add3A_9 = arith.addi %mul3A_7, %add3A_8 : i32
    "tpu.region"() ({
      %run_scoped3A = tpu.sem_alloc : memref<!tpu.dma_semaphore, #tpu.memory_space<semaphore_mem>>
      %dma_start3A = arith.constant 0 : i32
      %dma_start3A_124 = tpu.memref_slice %arg12[%add3A_9, %dma_start3A] : memref<10240x128xf32, #tpu.memory_space<vmem_shared>> -> memref<64x128xf32, #tpu.memory_space<vmem_shared>>
      %dma_start3A_125 = arith.constant 0 : i32
      %dma_start3A_126 = tpu.memref_slice %arg12[%add3A_9, %dma_start3A_125] : memref<10240x128xf32, #tpu.memory_space<vmem_shared>> -> memref<64x128xf32, #tpu.memory_space<vmem_shared>>
      tpu.enqueue_dma source(%arg9 : memref<64x128xf32, #tpu.memory_space<vmem>>) target(%dma_start3A_126 : memref<64x128xf32, #tpu.memory_space<vmem_shared>>) target_semaphore(%run_scoped3A : memref<!tpu.dma_semaphore, #tpu.memory_space<semaphore_mem>>)
      %dma_wait3A = arith.constant 0 : i32
      %dma_wait3A_127 = tpu.memref_slice %arg12[%add3A_9, %dma_wait3A] : memref<10240x128xf32, #tpu.memory_space<vmem_shared>> -> memref<64x128xf32, #tpu.memory_space<vmem_shared>>
      %dma_wait3A_128 = arith.constant 0 : i32
      %dma_wait3A_129 = tpu.memref_slice %arg12[%add3A_9, %dma_wait3A_128] : memref<10240x128xf32, #tpu.memory_space<vmem_shared>> -> memref<64x128xf32, #tpu.memory_space<vmem_shared>>
      tpu.wait_dma2 semaphore(%run_scoped3A : memref<!tpu.dma_semaphore, #tpu.memory_space<semaphore_mem>>) src(%arg9 : memref<64x128xf32, #tpu.memory_space<vmem>>) dst(%dma_wait3A_129 : memref<64x128xf32, #tpu.memory_space<vmem_shared>>)
      tpu.yield
    }) : () -> ()
    %mul3A_10 = arith.constant 640 : i32
    %mul3A_11 = arith.muli %arg1, %mul3A_10 : i32
    %add3A_12 = arith.constant 192 : i32
    %add3A_13 = arith.addi %mul3A_11, %add3A_12 : i32
    "tpu.region"() ({
      %run_scoped3A = tpu.sem_alloc : memref<!tpu.dma_semaphore, #tpu.memory_space<semaphore_mem>>
      %dma_start3A = arith.constant 0 : i32
      %dma_start3A_124 = tpu.memref_slice %arg12[%add3A_13, %dma_start3A] : memref<10240x128xf32, #tpu.memory_space<vmem_shared>> -> memref<64x128xf32, #tpu.memory_space<vmem_shared>>
      %dma_start3A_125 = arith.constant 0 : i32
      %dma_start3A_126 = tpu.memref_slice %arg12[%add3A_13, %dma_start3A_125] : memref<10240x128xf32, #tpu.memory_space<vmem_shared>> -> memref<64x128xf32, #tpu.memory_space<vmem_shared>>
      tpu.enqueue_dma source(%arg9 : memref<64x128xf32, #tpu.memory_space<vmem>>) target(%dma_start3A_126 : memref<64x128xf32, #tpu.memory_space<vmem_shared>>) target_semaphore(%run_scoped3A : memref<!tpu.dma_semaphore, #tpu.memory_space<semaphore_mem>>)
      %dma_wait3A = arith.constant 0 : i32
      %dma_wait3A_127 = tpu.memref_slice %arg12[%add3A_13, %dma_wait3A] : memref<10240x128xf32, #tpu.memory_space<vmem_shared>> -> memref<64x128xf32, #tpu.memory_space<vmem_shared>>
      %dma_wait3A_128 = arith.constant 0 : i32
      %dma_wait3A_129 = tpu.memref_slice %arg12[%add3A_13, %dma_wait3A_128] : memref<10240x128xf32, #tpu.memory_space<vmem_shared>> -> memref<64x128xf32, #tpu.memory_space<vmem_shared>>
      tpu.wait_dma2 semaphore(%run_scoped3A : memref<!tpu.dma_semaphore, #tpu.memory_space<semaphore_mem>>) src(%arg9 : memref<64x128xf32, #tpu.memory_space<vmem>>) dst(%dma_wait3A_129 : memref<64x128xf32, #tpu.memory_space<vmem_shared>>)
      tpu.yield
    }) : () -> ()
    %mul3A_14 = arith.constant 640 : i32
    %mul3A_15 = arith.muli %arg1, %mul3A_14 : i32
    %add3A_16 = arith.constant 256 : i32
    %add3A_17 = arith.addi %mul3A_15, %add3A_16 : i32
    "tpu.region"() ({
      %run_scoped3A = tpu.sem_alloc : memref<!tpu.dma_semaphore, #tpu.memory_space<semaphore_mem>>
      %dma_start3A = arith.constant 0 : i32
      %dma_start3A_124 = tpu.memref_slice %arg12[%add3A_17, %dma_start3A] : memref<10240x128xf32, #tpu.memory_space<vmem_shared>> -> memref<64x128xf32, #tpu.memory_space<vmem_shared>>
      %dma_start3A_125 = arith.constant 0 : i32
      %dma_start3A_126 = tpu.memref_slice %arg12[%add3A_17, %dma_start3A_125] : memref<10240x128xf32, #tpu.memory_space<vmem_shared>> -> memref<64x128xf32, #tpu.memory_space<vmem_shared>>
      tpu.enqueue_dma source(%arg9 : memref<64x128xf32, #tpu.memory_space<vmem>>) target(%dma_start3A_126 : memref<64x128xf32, #tpu.memory_space<vmem_shared>>) target_semaphore(%run_scoped3A : memref<!tpu.dma_semaphore, #tpu.memory_space<semaphore_mem>>)
      %dma_wait3A = arith.constant 0 : i32
      %dma_wait3A_127 = tpu.memref_slice %arg12[%add3A_17, %dma_wait3A] : memref<10240x128xf32, #tpu.memory_space<vmem_shared>> -> memref<64x128xf32, #tpu.memory_space<vmem_shared>>
      %dma_wait3A_128 = arith.constant 0 : i32
      %dma_wait3A_129 = tpu.memref_slice %arg12[%add3A_17, %dma_wait3A_128] : memref<10240x128xf32, #tpu.memory_space<vmem_shared>> -> memref<64x128xf32, #tpu.memory_space<vmem_shared>>
      tpu.wait_dma2 semaphore(%run_scoped3A : memref<!tpu.dma_semaphore, #tpu.memory_space<semaphore_mem>>) src(%arg9 : memref<64x128xf32, #tpu.memory_space<vmem>>) dst(%dma_wait3A_129 : memref<64x128xf32, #tpu.memory_space<vmem_shared>>)
      tpu.yield
    }) : () -> ()
    %mul3A_18 = arith.constant 640 : i32
    %mul3A_19 = arith.muli %arg1, %mul3A_18 : i32
    %add3A_20 = arith.constant 320 : i32
    %add3A_21 = arith.addi %mul3A_19, %add3A_20 : i32
    "tpu.region"() ({
      %run_scoped3A = tpu.sem_alloc : memref<!tpu.dma_semaphore, #tpu.memory_space<semaphore_mem>>
      %dma_start3A = arith.constant 0 : i32
      %dma_start3A_124 = tpu.memref_slice %arg12[%add3A_21, %dma_start3A] : memref<10240x128xf32, #tpu.memory_space<vmem_shared>> -> memref<64x128xf32, #tpu.memory_space<vmem_shared>>
      %dma_start3A_125 = arith.constant 0 : i32
      %dma_start3A_126 = tpu.memref_slice %arg12[%add3A_21, %dma_start3A_125] : memref<10240x128xf32, #tpu.memory_space<vmem_shared>> -> memref<64x128xf32, #tpu.memory_space<vmem_shared>>
      tpu.enqueue_dma source(%arg9 : memref<64x128xf32, #tpu.memory_space<vmem>>) target(%dma_start3A_126 : memref<64x128xf32, #tpu.memory_space<vmem_shared>>) target_semaphore(%run_scoped3A : memref<!tpu.dma_semaphore, #tpu.memory_space<semaphore_mem>>)
      %dma_wait3A = arith.constant 0 : i32
      %dma_wait3A_127 = tpu.memref_slice %arg12[%add3A_21, %dma_wait3A] : memref<10240x128xf32, #tpu.memory_space<vmem_shared>> -> memref<64x128xf32, #tpu.memory_space<vmem_shared>>
      %dma_wait3A_128 = arith.constant 0 : i32
      %dma_wait3A_129 = tpu.memref_slice %arg12[%add3A_21, %dma_wait3A_128] : memref<10240x128xf32, #tpu.memory_space<vmem_shared>> -> memref<64x128xf32, #tpu.memory_space<vmem_shared>>
      tpu.wait_dma2 semaphore(%run_scoped3A : memref<!tpu.dma_semaphore, #tpu.memory_space<semaphore_mem>>) src(%arg9 : memref<64x128xf32, #tpu.memory_space<vmem>>) dst(%dma_wait3A_129 : memref<64x128xf32, #tpu.memory_space<vmem_shared>>)
      tpu.yield
    }) : () -> ()
    %mul3A_22 = arith.constant 640 : i32
    %mul3A_23 = arith.muli %arg1, %mul3A_22 : i32
    %add3A_24 = arith.constant 384 : i32
    %add3A_25 = arith.addi %mul3A_23, %add3A_24 : i32
    "tpu.region"() ({
      %run_scoped3A = tpu.sem_alloc : memref<!tpu.dma_semaphore, #tpu.memory_space<semaphore_mem>>
      %dma_start3A = arith.constant 0 : i32
      %dma_start3A_124 = tpu.memref_slice %arg12[%add3A_25, %dma_start3A] : memref<10240x128xf32, #tpu.memory_space<vmem_shared>> -> memref<64x128xf32, #tpu.memory_space<vmem_shared>>
      %dma_start3A_125 = arith.constant 0 : i32
      %dma_start3A_126 = tpu.memref_slice %arg12[%add3A_25, %dma_start3A_125] : memref<10240x128xf32, #tpu.memory_space<vmem_shared>> -> memref<64x128xf32, #tpu.memory_space<vmem_shared>>
      tpu.enqueue_dma source(%arg9 : memref<64x128xf32, #tpu.memory_space<vmem>>) target(%dma_start3A_126 : memref<64x128xf32, #tpu.memory_space<vmem_shared>>) target_semaphore(%run_scoped3A : memref<!tpu.dma_semaphore, #tpu.memory_space<semaphore_mem>>)
      %dma_wait3A = arith.constant 0 : i32
      %dma_wait3A_127 = tpu.memref_slice %arg12[%add3A_25, %dma_wait3A] : memref<10240x128xf32, #tpu.memory_space<vmem_shared>> -> memref<64x128xf32, #tpu.memory_space<vmem_shared>>
      %dma_wait3A_128 = arith.constant 0 : i32
      %dma_wait3A_129 = tpu.memref_slice %arg12[%add3A_25, %dma_wait3A_128] : memref<10240x128xf32, #tpu.memory_space<vmem_shared>> -> memref<64x128xf32, #tpu.memory_space<vmem_shared>>
      tpu.wait_dma2 semaphore(%run_scoped3A : memref<!tpu.dma_semaphore, #tpu.memory_space<semaphore_mem>>) src(%arg9 : memref<64x128xf32, #tpu.memory_space<vmem>>) dst(%dma_wait3A_129 : memref<64x128xf32, #tpu.memory_space<vmem_shared>>)
      tpu.yield
    }) : () -> ()
    %mul3A_26 = arith.constant 640 : i32
    %mul3A_27 = arith.muli %arg1, %mul3A_26 : i32
    %add3A_28 = arith.constant 448 : i32
    %add3A_29 = arith.addi %mul3A_27, %add3A_28 : i32
    "tpu.region"() ({
      %run_scoped3A = tpu.sem_alloc : memref<!tpu.dma_semaphore, #tpu.memory_space<semaphore_mem>>
      %dma_start3A = arith.constant 0 : i32
      %dma_start3A_124 = tpu.memref_slice %arg12[%add3A_29, %dma_start3A] : memref<10240x128xf32, #tpu.memory_space<vmem_shared>> -> memref<64x128xf32, #tpu.memory_space<vmem_shared>>
      %dma_start3A_125 = arith.constant 0 : i32
      %dma_start3A_126 = tpu.memref_slice %arg12[%add3A_29, %dma_start3A_125] : memref<10240x128xf32, #tpu.memory_space<vmem_shared>> -> memref<64x128xf32, #tpu.memory_space<vmem_shared>>
      tpu.enqueue_dma source(%arg9 : memref<64x128xf32, #tpu.memory_space<vmem>>) target(%dma_start3A_126 : memref<64x128xf32, #tpu.memory_space<vmem_shared>>) target_semaphore(%run_scoped3A : memref<!tpu.dma_semaphore, #tpu.memory_space<semaphore_mem>>)
      %dma_wait3A = arith.constant 0 : i32
      %dma_wait3A_127 = tpu.memref_slice %arg12[%add3A_29, %dma_wait3A] : memref<10240x128xf32, #tpu.memory_space<vmem_shared>> -> memref<64x128xf32, #tpu.memory_space<vmem_shared>>
      %dma_wait3A_128 = arith.constant 0 : i32
      %dma_wait3A_129 = tpu.memref_slice %arg12[%add3A_29, %dma_wait3A_128] : memref<10240x128xf32, #tpu.memory_space<vmem_shared>> -> memref<64x128xf32, #tpu.memory_space<vmem_shared>>
      tpu.wait_dma2 semaphore(%run_scoped3A : memref<!tpu.dma_semaphore, #tpu.memory_space<semaphore_mem>>) src(%arg9 : memref<64x128xf32, #tpu.memory_space<vmem>>) dst(%dma_wait3A_129 : memref<64x128xf32, #tpu.memory_space<vmem_shared>>)
      tpu.yield
    }) : () -> ()
    %mul3A_30 = arith.constant 640 : i32
    %mul3A_31 = arith.muli %arg1, %mul3A_30 : i32
    %add3A_32 = arith.constant 512 : i32
    %add3A_33 = arith.addi %mul3A_31, %add3A_32 : i32
    "tpu.region"() ({
      %run_scoped3A = tpu.sem_alloc : memref<!tpu.dma_semaphore, #tpu.memory_space<semaphore_mem>>
      %dma_start3A = arith.constant 0 : i32
      %dma_start3A_124 = tpu.memref_slice %arg12[%add3A_33, %dma_start3A] : memref<10240x128xf32, #tpu.memory_space<vmem_shared>> -> memref<64x128xf32, #tpu.memory_space<vmem_shared>>
      %dma_start3A_125 = arith.constant 0 : i32
      %dma_start3A_126 = tpu.memref_slice %arg12[%add3A_33, %dma_start3A_125] : memref<10240x128xf32, #tpu.memory_space<vmem_shared>> -> memref<64x128xf32, #tpu.memory_space<vmem_shared>>
      tpu.enqueue_dma source(%arg9 : memref<64x128xf32, #tpu.memory_space<vmem>>) target(%dma_start3A_126 : memref<64x128xf32, #tpu.memory_space<vmem_shared>>) target_semaphore(%run_scoped3A : memref<!tpu.dma_semaphore, #tpu.memory_space<semaphore_mem>>)
      %dma_wait3A = arith.constant 0 : i32
      %dma_wait3A_127 = tpu.memref_slice %arg12[%add3A_33, %dma_wait3A] : memref<10240x128xf32, #tpu.memory_space<vmem_shared>> -> memref<64x128xf32, #tpu.memory_space<vmem_shared>>
      %dma_wait3A_128 = arith.constant 0 : i32
      %dma_wait3A_129 = tpu.memref_slice %arg12[%add3A_33, %dma_wait3A_128] : memref<10240x128xf32, #tpu.memory_space<vmem_shared>> -> memref<64x128xf32, #tpu.memory_space<vmem_shared>>
      tpu.wait_dma2 semaphore(%run_scoped3A : memref<!tpu.dma_semaphore, #tpu.memory_space<semaphore_mem>>) src(%arg9 : memref<64x128xf32, #tpu.memory_space<vmem>>) dst(%dma_wait3A_129 : memref<64x128xf32, #tpu.memory_space<vmem_shared>>)
      tpu.yield
    }) : () -> ()
    %mul3A_34 = arith.constant 640 : i32
    %mul3A_35 = arith.muli %arg1, %mul3A_34 : i32
    %add3A_36 = arith.constant 576 : i32
    %add3A_37 = arith.addi %mul3A_35, %add3A_36 : i32
    "tpu.region"() ({
      %run_scoped3A = tpu.sem_alloc : memref<!tpu.dma_semaphore, #tpu.memory_space<semaphore_mem>>
      %dma_start3A = arith.constant 0 : i32
      %dma_start3A_124 = tpu.memref_slice %arg12[%add3A_37, %dma_start3A] : memref<10240x128xf32, #tpu.memory_space<vmem_shared>> -> memref<64x128xf32, #tpu.memory_space<vmem_shared>>
      %dma_start3A_125 = arith.constant 0 : i32
      %dma_start3A_126 = tpu.memref_slice %arg12[%add3A_37, %dma_start3A_125] : memref<10240x128xf32, #tpu.memory_space<vmem_shared>> -> memref<64x128xf32, #tpu.memory_space<vmem_shared>>
      tpu.enqueue_dma source(%arg9 : memref<64x128xf32, #tpu.memory_space<vmem>>) target(%dma_start3A_126 : memref<64x128xf32, #tpu.memory_space<vmem_shared>>) target_semaphore(%run_scoped3A : memref<!tpu.dma_semaphore, #tpu.memory_space<semaphore_mem>>)
      %dma_wait3A = arith.constant 0 : i32
      %dma_wait3A_127 = tpu.memref_slice %arg12[%add3A_37, %dma_wait3A] : memref<10240x128xf32, #tpu.memory_space<vmem_shared>> -> memref<64x128xf32, #tpu.memory_space<vmem_shared>>
      %dma_wait3A_128 = arith.constant 0 : i32
      %dma_wait3A_129 = tpu.memref_slice %arg12[%add3A_37, %dma_wait3A_128] : memref<10240x128xf32, #tpu.memory_space<vmem_shared>> -> memref<64x128xf32, #tpu.memory_space<vmem_shared>>
      tpu.wait_dma2 semaphore(%run_scoped3A : memref<!tpu.dma_semaphore, #tpu.memory_space<semaphore_mem>>) src(%arg9 : memref<64x128xf32, #tpu.memory_space<vmem>>) dst(%dma_wait3A_129 : memref<64x128xf32, #tpu.memory_space<vmem_shared>>)
      tpu.yield
    }) : () -> ()
    %barrier3A = arith.constant 0 : index
    tpu.barrier barrier_id(%barrier3A)
    %scan3A = arith.constant 0 : i32
    %scan3A_38 = arith.constant 0 : i32
    %scan3A_39 = arith.constant 5 : i32
    %scan3A_40 = arith.addi %scan3A_38, %scan3A_39 : i32
    %scan3A_41 = arith.constant 1 : i32
    scf.for %scan3A_124 = %scan3A_38 to %scan3A_40 step %scan3A_41  : i32 {
      %mul3A_125 = arith.constant 32 : i32
      %mul3A_126 = arith.muli %scan3A_124, %mul3A_125 : i32
      "tpu.region"() ({
        %run_scoped3A = tpu.sem_alloc : memref<!tpu.dma_semaphore, #tpu.memory_space<semaphore_mem>>
        %dma_start3A = arith.constant 0 : i32
        %dma_start3A_132 = tpu.memref_slice %arg3[%arg0, %arg1, %mul3A_126, %dma_start3A] : memref<2x16x160x64xi32, #tpu.memory_space<hbm>> -> memref<1x1x32x64xi32, #tpu.memory_space<hbm>>
        %dma_start3A_133 = tpu.memref_squeeze %dma_start3A_132 : memref<1x1x32x64xi32, #tpu.memory_space<hbm>> -> memref<32x64xi32, #tpu.memory_space<hbm>>
        %dma_start3A_134 = arith.constant 0 : i32
        %dma_start3A_135 = tpu.memref_slice %arg3[%arg0, %arg1, %mul3A_126, %dma_start3A_134] : memref<2x16x160x64xi32, #tpu.memory_space<hbm>> -> memref<1x1x32x64xi32, #tpu.memory_space<hbm>>
        %dma_start3A_136 = tpu.memref_squeeze %dma_start3A_135 : memref<1x1x32x64xi32, #tpu.memory_space<hbm>> -> memref<32x64xi32, #tpu.memory_space<hbm>>
        tpu.enqueue_dma source(%dma_start3A_136 : memref<32x64xi32, #tpu.memory_space<hbm>>) target(%arg6 : memref<32x64xi32, #tpu.memory_space<vmem>>) target_semaphore(%run_scoped3A : memref<!tpu.dma_semaphore, #tpu.memory_space<semaphore_mem>>)
        %dma_wait3A = arith.constant 0 : i32
        %dma_wait3A_137 = tpu.memref_slice %arg3[%arg0, %arg1, %mul3A_126, %dma_wait3A] : memref<2x16x160x64xi32, #tpu.memory_space<hbm>> -> memref<1x1x32x64xi32, #tpu.memory_space<hbm>>
        %dma_wait3A_138 = tpu.memref_squeeze %dma_wait3A_137 : memref<1x1x32x64xi32, #tpu.memory_space<hbm>> -> memref<32x64xi32, #tpu.memory_space<hbm>>
        %dma_wait3A_139 = arith.constant 0 : i32
        %dma_wait3A_140 = tpu.memref_slice %arg3[%arg0, %arg1, %mul3A_126, %dma_wait3A_139] : memref<2x16x160x64xi32, #tpu.memory_space<hbm>> -> memref<1x1x32x64xi32, #tpu.memory_space<hbm>>
        %dma_wait3A_141 = tpu.memref_squeeze %dma_wait3A_140 : memref<1x1x32x64xi32, #tpu.memory_space<hbm>> -> memref<32x64xi32, #tpu.memory_space<hbm>>
        tpu.wait_dma2 semaphore(%run_scoped3A : memref<!tpu.dma_semaphore, #tpu.memory_space<semaphore_mem>>) src(%dma_wait3A_141 : memref<32x64xi32, #tpu.memory_space<hbm>>) dst(%arg6 : memref<32x64xi32, #tpu.memory_space<vmem>>)
        tpu.yield
      }) : () -> ()
      %scan3A_127 = arith.constant 0 : i32
      %scan3A_128 = arith.constant 8 : i32
      %scan3A_129 = arith.addi %scan3A_127, %scan3A_128 : i32
      %scan3A_130 = arith.constant 1 : i32
      scf.for %scan3A_132 = %scan3A_127 to %scan3A_129 step %scan3A_130  : i32 {
        %mul3A_133 = arith.constant 4 : i32
        %mul3A_134 = arith.muli %scan3A_132, %mul3A_133 : i32
        %add3A_135 = arith.constant 0 : i32
        %add3A_136 = arith.addi %mul3A_134, %add3A_135 : i32
        %get3A = arith.index_cast %add3A_136 : i32 to index
        %get3A_137 = arith.constant 0 : index
        %get3A_138 = tpu.vector_load %arg6[%get3A, %get3A_137] {strides = array<i32>} : memref<32x64xi32, #tpu.memory_space<vmem>>, vector<1x16xi32>,
        %get3A_139 = vector.shape_cast %get3A_138 : vector<1x16xi32> to vector<16xi32>
        %and3A = arith.constant 65535 : i32
        %and3A_140 = vector.broadcast %and3A : i32 to vector<16xi32>
        %and3A_141 = arith.andi %get3A_139, %and3A_140 : vector<16xi32>
        %swap3A = arith.constant 0 : i32
        %swap3A_142 = arith.index_cast %swap3A : i32 to index
        %swap3A_143 = arith.constant 0 : index
        %swap3A_144 = tpu.vector_load %arg7[%swap3A_142, %swap3A_143] {strides = array<i32>} : memref<4x64xi32, #tpu.memory_space<vmem>>, vector<1x16xi32>,
        %swap3A_145 = vector.shape_cast %swap3A_144 : vector<1x16xi32> to vector<16xi32>
        %swap3A_146 = vector.shape_cast %and3A_141 : vector<16xi32> to vector<1x16xi32>
        tpu.vector_store %arg7[%swap3A_142, %swap3A_143], %swap3A_146 {strides = array<i32>} : memref<4x64xi32, #tpu.memory_space<vmem>>, vector<1x16xi32>,
        %shift_right_arithmetic3A = arith.constant 16 : i32
        %shift_right_arithmetic3A_147 = vector.broadcast %shift_right_arithmetic3A : i32 to vector<16xi32>
        %shift_right_arithmetic3A_148 = arith.shrsi %get3A_139, %shift_right_arithmetic3A_147 : vector<16xi32>
        %swap3A_149 = arith.constant 0 : i32
        %swap3A_150 = arith.index_cast %swap3A_149 : i32 to index
        %swap3A_151 = arith.constant 0 : index
        %swap3A_152 = tpu.vector_load %arg8[%swap3A_150, %swap3A_151] {strides = array<i32>} : memref<4x64xi32, #tpu.memory_space<vmem>>, vector<1x16xi32>,
        %swap3A_153 = vector.shape_cast %swap3A_152 : vector<1x16xi32> to vector<16xi32>
        %swap3A_154 = vector.shape_cast %shift_right_arithmetic3A_148 : vector<16xi32> to vector<1x16xi32>
        tpu.vector_store %arg8[%swap3A_150, %swap3A_151], %swap3A_154 {strides = array<i32>} : memref<4x64xi32, #tpu.memory_space<vmem>>, vector<1x16xi32>,
        %add3A_155 = arith.constant 0 : i32
        %add3A_156 = arith.addi %mul3A_134, %add3A_155 : i32
        %get3A_157 = arith.index_cast %add3A_156 : i32 to index
        %get3A_158 = arith.constant 16 : index
        %get3A_159 = tpu.vector_load %arg6[%get3A_157, %get3A_158] {strides = array<i32>} : memref<32x64xi32, #tpu.memory_space<vmem>>, vector<1x16xi32>,
        %get3A_160 = vector.shape_cast %get3A_159 : vector<1x16xi32> to vector<16xi32>
        %and3A_161 = arith.constant 65535 : i32
        %and3A_162 = vector.broadcast %and3A_161 : i32 to vector<16xi32>
        %and3A_163 = arith.andi %get3A_160, %and3A_162 : vector<16xi32>
        %swap3A_164 = arith.constant 0 : i32
        %swap3A_165 = arith.index_cast %swap3A_164 : i32 to index
        %swap3A_166 = arith.constant 16 : index
        %swap3A_167 = tpu.vector_load %arg7[%swap3A_165, %swap3A_166] {strides = array<i32>} : memref<4x64xi32, #tpu.memory_space<vmem>>, vector<1x16xi32>,
        %swap3A_168 = vector.shape_cast %swap3A_167 : vector<1x16xi32> to vector<16xi32>
        %swap3A_169 = vector.shape_cast %and3A_163 : vector<16xi32> to vector<1x16xi32>
        tpu.vector_store %arg7[%swap3A_165, %swap3A_166], %swap3A_169 {strides = array<i32>} : memref<4x64xi32, #tpu.memory_space<vmem>>, vector<1x16xi32>,
        %shift_right_arithmetic3A_170 = arith.constant 16 : i32
        %shift_right_arithmetic3A_171 = vector.broadcast %shift_right_arithmetic3A_170 : i32 to vector<16xi32>
        %shift_right_arithmetic3A_172 = arith.shrsi %get3A_160, %shift_right_arithmetic3A_171 : vector<16xi32>
        %swap3A_173 = arith.constant 0 : i32
        %swap3A_174 = arith.index_cast %swap3A_173 : i32 to index
        %swap3A_175 = arith.constant 16 : index
        %swap3A_176 = tpu.vector_load %arg8[%swap3A_174, %swap3A_175] {strides = array<i32>} : memref<4x64xi32, #tpu.memory_space<vmem>>, vector<1x16xi32>,
        %swap3A_177 = vector.shape_cast %swap3A_176 : vector<1x16xi32> to vector<16xi32>
        %swap3A_178 = vector.shape_cast %shift_right_arithmetic3A_172 : vector<16xi32> to vector<1x16xi32>
        tpu.vector_store %arg8[%swap3A_174, %swap3A_175], %swap3A_178 {strides = array<i32>} : memref<4x64xi32, #tpu.memory_space<vmem>>, vector<1x16xi32>,
        %add3A_179 = arith.constant 0 : i32
        %add3A_180 = arith.addi %mul3A_134, %add3A_179 : i32
        %get3A_181 = arith.index_cast %add3A_180 : i32 to index
        %get3A_182 = arith.constant 32 : index
        %get3A_183 = tpu.vector_load %arg6[%get3A_181, %get3A_182] {strides = array<i32>} : memref<32x64xi32, #tpu.memory_space<vmem>>, vector<1x16xi32>,
        %get3A_184 = vector.shape_cast %get3A_183 : vector<1x16xi32> to vector<16xi32>
        %and3A_185 = arith.constant 65535 : i32
        %and3A_186 = vector.broadcast %and3A_185 : i32 to vector<16xi32>
        %and3A_187 = arith.andi %get3A_184, %and3A_186 : vector<16xi32>
        %swap3A_188 = arith.constant 0 : i32
        %swap3A_189 = arith.index_cast %swap3A_188 : i32 to index
        %swap3A_190 = arith.constant 32 : index
        %swap3A_191 = tpu.vector_load %arg7[%swap3A_189, %swap3A_190] {strides = array<i32>} : memref<4x64xi32, #tpu.memory_space<vmem>>, vector<1x16xi32>,
        %swap3A_192 = vector.shape_cast %swap3A_191 : vector<1x16xi32> to vector<16xi32>
        %swap3A_193 = vector.shape_cast %and3A_187 : vector<16xi32> to vector<1x16xi32>
        tpu.vector_store %arg7[%swap3A_189, %swap3A_190], %swap3A_193 {strides = array<i32>} : memref<4x64xi32, #tpu.memory_space<vmem>>, vector<1x16xi32>,
        %shift_right_arithmetic3A_194 = arith.constant 16 : i32
        %shift_right_arithmetic3A_195 = vector.broadcast %shift_right_arithmetic3A_194 : i32 to vector<16xi32>
        %shift_right_arithmetic3A_196 = arith.shrsi %get3A_184, %shift_right_arithmetic3A_195 : vector<16xi32>
        %swap3A_197 = arith.constant 0 : i32
        %swap3A_198 = arith.index_cast %swap3A_197 : i32 to index
        %swap3A_199 = arith.constant 32 : index
        %swap3A_200 = tpu.vector_load %arg8[%swap3A_198, %swap3A_199] {strides = array<i32>} : memref<4x64xi32, #tpu.memory_space<vmem>>, vector<1x16xi32>,
        %swap3A_201 = vector.shape_cast %swap3A_200 : vector<1x16xi32> to vector<16xi32>
        %swap3A_202 = vector.shape_cast %shift_right_arithmetic3A_196 : vector<16xi32> to vector<1x16xi32>
        tpu.vector_store %arg8[%swap3A_198, %swap3A_199], %swap3A_202 {strides = array<i32>} : memref<4x64xi32, #tpu.memory_space<vmem>>, vector<1x16xi32>,
        %add3A_203 = arith.constant 0 : i32
        %add3A_204 = arith.addi %mul3A_134, %add3A_203 : i32
        %get3A_205 = arith.index_cast %add3A_204 : i32 to index
        %get3A_206 = arith.constant 48 : index
        %get3A_207 = tpu.vector_load %arg6[%get3A_205, %get3A_206] {strides = array<i32>} : memref<32x64xi32, #tpu.memory_space<vmem>>, vector<1x16xi32>,
        %get3A_208 = vector.shape_cast %get3A_207 : vector<1x16xi32> to vector<16xi32>
        %and3A_209 = arith.constant 65535 : i32
        %and3A_210 = vector.broadcast %and3A_209 : i32 to vector<16xi32>
        %and3A_211 = arith.andi %get3A_208, %and3A_210 : vector<16xi32>
        %swap3A_212 = arith.constant 0 : i32
        %swap3A_213 = arith.index_cast %swap3A_212 : i32 to index
        %swap3A_214 = arith.constant 48 : index
        %swap3A_215 = tpu.vector_load %arg7[%swap3A_213, %swap3A_214] {strides = array<i32>} : memref<4x64xi32, #tpu.memory_space<vmem>>, vector<1x16xi32>,
        %swap3A_216 = vector.shape_cast %swap3A_215 : vector<1x16xi32> to vector<16xi32>
        %swap3A_217 = vector.shape_cast %and3A_211 : vector<16xi32> to vector<1x16xi32>
        tpu.vector_store %arg7[%swap3A_213, %swap3A_214], %swap3A_217 {strides = array<i32>} : memref<4x64xi32, #tpu.memory_space<vmem>>, vector<1x16xi32>,
        %shift_right_arithmetic3A_218 = arith.constant 16 : i32
        %shift_right_arithmetic3A_219 = vector.broadcast %shift_right_arithmetic3A_218 : i32 to vector<16xi32>
        %shift_right_arithmetic3A_220 = arith.shrsi %get3A_208, %shift_right_arithmetic3A_219 : vector<16xi32>
        %swap3A_221 = arith.constant 0 : i32
        %swap3A_222 = arith.index_cast %swap3A_221 : i32 to index
        %swap3A_223 = arith.constant 48 : index
        %swap3A_224 = tpu.vector_load %arg8[%swap3A_222, %swap3A_223] {strides = array<i32>} : memref<4x64xi32, #tpu.memory_space<vmem>>, vector<1x16xi32>,
        %swap3A_225 = vector.shape_cast %swap3A_224 : vector<1x16xi32> to vector<16xi32>
        %swap3A_226 = vector.shape_cast %shift_right_arithmetic3A_220 : vector<16xi32> to vector<1x16xi32>
        tpu.vector_store %arg8[%swap3A_222, %swap3A_223], %swap3A_226 {strides = array<i32>} : memref<4x64xi32, #tpu.memory_space<vmem>>, vector<1x16xi32>,
        %add3A_227 = arith.constant 1 : i32
        %add3A_228 = arith.addi %mul3A_134, %add3A_227 : i32
        %get3A_229 = arith.index_cast %add3A_228 : i32 to index
        %get3A_230 = arith.constant 0 : index
        %get3A_231 = tpu.vector_load %arg6[%get3A_229, %get3A_230] {strides = array<i32>} : memref<32x64xi32, #tpu.memory_space<vmem>>, vector<1x16xi32>,
        %get3A_232 = vector.shape_cast %get3A_231 : vector<1x16xi32> to vector<16xi32>
        %and3A_233 = arith.constant 65535 : i32
        %and3A_234 = vector.broadcast %and3A_233 : i32 to vector<16xi32>
        %and3A_235 = arith.andi %get3A_232, %and3A_234 : vector<16xi32>
        %swap3A_236 = arith.constant 1 : i32
        %swap3A_237 = arith.index_cast %swap3A_236 : i32 to index
        %swap3A_238 = arith.constant 0 : index
        %swap3A_239 = tpu.vector_load %arg7[%swap3A_237, %swap3A_238] {strides = array<i32>} : memref<4x64xi32, #tpu.memory_space<vmem>>, vector<1x16xi32>,
        %swap3A_240 = vector.shape_cast %swap3A_239 : vector<1x16xi32> to vector<16xi32>
        %swap3A_241 = vector.shape_cast %and3A_235 : vector<16xi32> to vector<1x16xi32>
        tpu.vector_store %arg7[%swap3A_237, %swap3A_238], %swap3A_241 {strides = array<i32>} : memref<4x64xi32, #tpu.memory_space<vmem>>, vector<1x16xi32>,
        %shift_right_arithmetic3A_242 = arith.constant 16 : i32
        %shift_right_arithmetic3A_243 = vector.broadcast %shift_right_arithmetic3A_242 : i32 to vector<16xi32>
        %shift_right_arithmetic3A_244 = arith.shrsi %get3A_232, %shift_right_arithmetic3A_243 : vector<16xi32>
        %swap3A_245 = arith.constant 1 : i32
        %swap3A_246 = arith.index_cast %swap3A_245 : i32 to index
        %swap3A_247 = arith.constant 0 : index
        %swap3A_248 = tpu.vector_load %arg8[%swap3A_246, %swap3A_247] {strides = array<i32>} : memref<4x64xi32, #tpu.memory_space<vmem>>, vector<1x16xi32>,
        %swap3A_249 = vector.shape_cast %swap3A_248 : vector<1x16xi32> to vector<16xi32>
        %swap3A_250 = vector.shape_cast %shift_right_arithmetic3A_244 : vector<16xi32> to vector<1x16xi32>
        tpu.vector_store %arg8[%swap3A_246, %swap3A_247], %swap3A_250 {strides = array<i32>} : memref<4x64xi32, #tpu.memory_space<vmem>>, vector<1x16xi32>,
        %add3A_251 = arith.constant 1 : i32
        %add3A_252 = arith.addi %mul3A_134, %add3A_251 : i32
        %get3A_253 = arith.index_cast %add3A_252 : i32 to index
        %get3A_254 = arith.constant 16 : index
        %get3A_255 = tpu.vector_load %arg6[%get3A_253, %get3A_254] {strides = array<i32>} : memref<32x64xi32, #tpu.memory_space<vmem>>, vector<1x16xi32>,
        %get3A_256 = vector.shape_cast %get3A_255 : vector<1x16xi32> to vector<16xi32>
        %and3A_257 = arith.constant 65535 : i32
        %and3A_258 = vector.broadcast %and3A_257 : i32 to vector<16xi32>
        %and3A_259 = arith.andi %get3A_256, %and3A_258 : vector<16xi32>
        %swap3A_260 = arith.constant 1 : i32
        %swap3A_261 = arith.index_cast %swap3A_260 : i32 to index
        %swap3A_262 = arith.constant 16 : index
        %swap3A_263 = tpu.vector_load %arg7[%swap3A_261, %swap3A_262] {strides = array<i32>} : memref<4x64xi32, #tpu.memory_space<vmem>>, vector<1x16xi32>,
        %swap3A_264 = vector.shape_cast %swap3A_263 : vector<1x16xi32> to vector<16xi32>
        %swap3A_265 = vector.shape_cast %and3A_259 : vector<16xi32> to vector<1x16xi32>
        tpu.vector_store %arg7[%swap3A_261, %swap3A_262], %swap3A_265 {strides = array<i32>} : memref<4x64xi32, #tpu.memory_space<vmem>>, vector<1x16xi32>,
        %shift_right_arithmetic3A_266 = arith.constant 16 : i32
        %shift_right_arithmetic3A_267 = vector.broadcast %shift_right_arithmetic3A_266 : i32 to vector<16xi32>
        %shift_right_arithmetic3A_268 = arith.shrsi %get3A_256, %shift_right_arithmetic3A_267 : vector<16xi32>
        %swap3A_269 = arith.constant 1 : i32
        %swap3A_270 = arith.index_cast %swap3A_269 : i32 to index
        %swap3A_271 = arith.constant 16 : index
        %swap3A_272 = tpu.vector_load %arg8[%swap3A_270, %swap3A_271] {strides = array<i32>} : memref<4x64xi32, #tpu.memory_space<vmem>>, vector<1x16xi32>,
        %swap3A_273 = vector.shape_cast %swap3A_272 : vector<1x16xi32> to vector<16xi32>
        %swap3A_274 = vector.shape_cast %shift_right_arithmetic3A_268 : vector<16xi32> to vector<1x16xi32>
        tpu.vector_store %arg8[%swap3A_270, %swap3A_271], %swap3A_274 {strides = array<i32>} : memref<4x64xi32, #tpu.memory_space<vmem>>, vector<1x16xi32>,
        %add3A_275 = arith.constant 1 : i32
        %add3A_276 = arith.addi %mul3A_134, %add3A_275 : i32
        %get3A_277 = arith.index_cast %add3A_276 : i32 to index
        %get3A_278 = arith.constant 32 : index
        %get3A_279 = tpu.vector_load %arg6[%get3A_277, %get3A_278] {strides = array<i32>} : memref<32x64xi32, #tpu.memory_space<vmem>>, vector<1x16xi32>,
        %get3A_280 = vector.shape_cast %get3A_279 : vector<1x16xi32> to vector<16xi32>
        %and3A_281 = arith.constant 65535 : i32
        %and3A_282 = vector.broadcast %and3A_281 : i32 to vector<16xi32>
        %and3A_283 = arith.andi %get3A_280, %and3A_282 : vector<16xi32>
        %swap3A_284 = arith.constant 1 : i32
        %swap3A_285 = arith.index_cast %swap3A_284 : i32 to index
        %swap3A_286 = arith.constant 32 : index
        %swap3A_287 = tpu.vector_load %arg7[%swap3A_285, %swap3A_286] {strides = array<i32>} : memref<4x64xi32, #tpu.memory_space<vmem>>, vector<1x16xi32>,
        %swap3A_288 = vector.shape_cast %swap3A_287 : vector<1x16xi32> to vector<16xi32>
        %swap3A_289 = vector.shape_cast %and3A_283 : vector<16xi32> to vector<1x16xi32>
        tpu.vector_store %arg7[%swap3A_285, %swap3A_286], %swap3A_289 {strides = array<i32>} : memref<4x64xi32, #tpu.memory_space<vmem>>, vector<1x16xi32>,
        %shift_right_arithmetic3A_290 = arith.constant 16 : i32
        %shift_right_arithmetic3A_291 = vector.broadcast %shift_right_arithmetic3A_290 : i32 to vector<16xi32>
        %shift_right_arithmetic3A_292 = arith.shrsi %get3A_280, %shift_right_arithmetic3A_291 : vector<16xi32>
        %swap3A_293 = arith.constant 1 : i32
        %swap3A_294 = arith.index_cast %swap3A_293 : i32 to index
        %swap3A_295 = arith.constant 32 : index
        %swap3A_296 = tpu.vector_load %arg8[%swap3A_294, %swap3A_295] {strides = array<i32>} : memref<4x64xi32, #tpu.memory_space<vmem>>, vector<1x16xi32>,
        %swap3A_297 = vector.shape_cast %swap3A_296 : vector<1x16xi32> to vector<16xi32>
        %swap3A_298 = vector.shape_cast %shift_right_arithmetic3A_292 : vector<16xi32> to vector<1x16xi32>
        tpu.vector_store %arg8[%swap3A_294, %swap3A_295], %swap3A_298 {strides = array<i32>} : memref<4x64xi32, #tpu.memory_space<vmem>>, vector<1x16xi32>,
        %add3A_299 = arith.constant 1 : i32
        %add3A_300 = arith.addi %mul3A_134, %add3A_299 : i32
        %get3A_301 = arith.index_cast %add3A_300 : i32 to index
        %get3A_302 = arith.constant 48 : index
        %get3A_303 = tpu.vector_load %arg6[%get3A_301, %get3A_302] {strides = array<i32>} : memref<32x64xi32, #tpu.memory_space<vmem>>, vector<1x16xi32>,
        %get3A_304 = vector.shape_cast %get3A_303 : vector<1x16xi32> to vector<16xi32>
        %and3A_305 = arith.constant 65535 : i32
        %and3A_306 = vector.broadcast %and3A_305 : i32 to vector<16xi32>
        %and3A_307 = arith.andi %get3A_304, %and3A_306 : vector<16xi32>
        %swap3A_308 = arith.constant 1 : i32
        %swap3A_309 = arith.index_cast %swap3A_308 : i32 to index
        %swap3A_310 = arith.constant 48 : index
        %swap3A_311 = tpu.vector_load %arg7[%swap3A_309, %swap3A_310] {strides = array<i32>} : memref<4x64xi32, #tpu.memory_space<vmem>>, vector<1x16xi32>,
        %swap3A_312 = vector.shape_cast %swap3A_311 : vector<1x16xi32> to vector<16xi32>
        %swap3A_313 = vector.shape_cast %and3A_307 : vector<16xi32> to vector<1x16xi32>
        tpu.vector_store %arg7[%swap3A_309, %swap3A_310], %swap3A_313 {strides = array<i32>} : memref<4x64xi32, #tpu.memory_space<vmem>>, vector<1x16xi32>,
        %shift_right_arithmetic3A_314 = arith.constant 16 : i32
        %shift_right_arithmetic3A_315 = vector.broadcast %shift_right_arithmetic3A_314 : i32 to vector<16xi32>
        %shift_right_arithmetic3A_316 = arith.shrsi %get3A_304, %shift_right_arithmetic3A_315 : vector<16xi32>
        %swap3A_317 = arith.constant 1 : i32
        %swap3A_318 = arith.index_cast %swap3A_317 : i32 to index
        %swap3A_319 = arith.constant 48 : index
        %swap3A_320 = tpu.vector_load %arg8[%swap3A_318, %swap3A_319] {strides = array<i32>} : memref<4x64xi32, #tpu.memory_space<vmem>>, vector<1x16xi32>,
        %swap3A_321 = vector.shape_cast %swap3A_320 : vector<1x16xi32> to vector<16xi32>
        %swap3A_322 = vector.shape_cast %shift_right_arithmetic3A_316 : vector<16xi32> to vector<1x16xi32>
        tpu.vector_store %arg8[%swap3A_318, %swap3A_319], %swap3A_322 {strides = array<i32>} : memref<4x64xi32, #tpu.memory_space<vmem>>, vector<1x16xi32>,
        %add3A_323 = arith.constant 2 : i32
        %add3A_324 = arith.addi %mul3A_134, %add3A_323 : i32
        %get3A_325 = arith.index_cast %add3A_324 : i32 to index
        %get3A_326 = arith.constant 0 : index
        %get3A_327 = tpu.vector_load %arg6[%get3A_325, %get3A_326] {strides = array<i32>} : memref<32x64xi32, #tpu.memory_space<vmem>>, vector<1x16xi32>,
        %get3A_328 = vector.shape_cast %get3A_327 : vector<1x16xi32> to vector<16xi32>
        %and3A_329 = arith.constant 65535 : i32
        %and3A_330 = vector.broadcast %and3A_329 : i32 to vector<16xi32>
        %and3A_331 = arith.andi %get3A_328, %and3A_330 : vector<16xi32>
        %swap3A_332 = arith.constant 2 : i32
        %swap3A_333 = arith.index_cast %swap3A_332 : i32 to index
        %swap3A_334 = arith.constant 0 : index
        %swap3A_335 = tpu.vector_load %arg7[%swap3A_333, %swap3A_334] {strides = array<i32>} : memref<4x64xi32, #tpu.memory_space<vmem>>, vector<1x16xi32>,
        %swap3A_336 = vector.shape_cast %swap3A_335 : vector<1x16xi32> to vector<16xi32>
        %swap3A_337 = vector.shape_cast %and3A_331 : vector<16xi32> to vector<1x16xi32>
        tpu.vector_store %arg7[%swap3A_333, %swap3A_334], %swap3A_337 {strides = array<i32>} : memref<4x64xi32, #tpu.memory_space<vmem>>, vector<1x16xi32>,
        %shift_right_arithmetic3A_338 = arith.constant 16 : i32
        %shift_right_arithmetic3A_339 = vector.broadcast %shift_right_arithmetic3A_338 : i32 to vector<16xi32>
        %shift_right_arithmetic3A_340 = arith.shrsi %get3A_328, %shift_right_arithmetic3A_339 : vector<16xi32>
        %swap3A_341 = arith.constant 2 : i32
        %swap3A_342 = arith.index_cast %swap3A_341 : i32 to index
        %swap3A_343 = arith.constant 0 : index
        %swap3A_344 = tpu.vector_load %arg8[%swap3A_342, %swap3A_343] {strides = array<i32>} : memref<4x64xi32, #tpu.memory_space<vmem>>, vector<1x16xi32>,
        %swap3A_345 = vector.shape_cast %swap3A_344 : vector<1x16xi32> to vector<16xi32>
        %swap3A_346 = vector.shape_cast %shift_right_arithmetic3A_340 : vector<16xi32> to vector<1x16xi32>
        tpu.vector_store %arg8[%swap3A_342, %swap3A_343], %swap3A_346 {strides = array<i32>} : memref<4x64xi32, #tpu.memory_space<vmem>>, vector<1x16xi32>,
        %add3A_347 = arith.constant 2 : i32
        %add3A_348 = arith.addi %mul3A_134, %add3A_347 : i32
        %get3A_349 = arith.index_cast %add3A_348 : i32 to index
        %get3A_350 = arith.constant 16 : index
        %get3A_351 = tpu.vector_load %arg6[%get3A_349, %get3A_350] {strides = array<i32>} : memref<32x64xi32, #tpu.memory_space<vmem>>, vector<1x16xi32>,
        %get3A_352 = vector.shape_cast %get3A_351 : vector<1x16xi32> to vector<16xi32>
        %and3A_353 = arith.constant 65535 : i32
        %and3A_354 = vector.broadcast %and3A_353 : i32 to vector<16xi32>
        %and3A_355 = arith.andi %get3A_352, %and3A_354 : vector<16xi32>
        %swap3A_356 = arith.constant 2 : i32
        %swap3A_357 = arith.index_cast %swap3A_356 : i32 to index
        %swap3A_358 = arith.constant 16 : index
        %swap3A_359 = tpu.vector_load %arg7[%swap3A_357, %swap3A_358] {strides = array<i32>} : memref<4x64xi32, #tpu.memory_space<vmem>>, vector<1x16xi32>,
        %swap3A_360 = vector.shape_cast %swap3A_359 : vector<1x16xi32> to vector<16xi32>
        %swap3A_361 = vector.shape_cast %and3A_355 : vector<16xi32> to vector<1x16xi32>
        tpu.vector_store %arg7[%swap3A_357, %swap3A_358], %swap3A_361 {strides = array<i32>} : memref<4x64xi32, #tpu.memory_space<vmem>>, vector<1x16xi32>,
        %shift_right_arithmetic3A_362 = arith.constant 16 : i32
        %shift_right_arithmetic3A_363 = vector.broadcast %shift_right_arithmetic3A_362 : i32 to vector<16xi32>
        %shift_right_arithmetic3A_364 = arith.shrsi %get3A_352, %shift_right_arithmetic3A_363 : vector<16xi32>
        %swap3A_365 = arith.constant 2 : i32
        %swap3A_366 = arith.index_cast %swap3A_365 : i32 to index
        %swap3A_367 = arith.constant 16 : index
        %swap3A_368 = tpu.vector_load %arg8[%swap3A_366, %swap3A_367] {strides = array<i32>} : memref<4x64xi32, #tpu.memory_space<vmem>>, vector<1x16xi32>,
        %swap3A_369 = vector.shape_cast %swap3A_368 : vector<1x16xi32> to vector<16xi32>
        %swap3A_370 = vector.shape_cast %shift_right_arithmetic3A_364 : vector<16xi32> to vector<1x16xi32>
        tpu.vector_store %arg8[%swap3A_366, %swap3A_367], %swap3A_370 {strides = array<i32>} : memref<4x64xi32, #tpu.memory_space<vmem>>, vector<1x16xi32>,
        %add3A_371 = arith.constant 2 : i32
        %add3A_372 = arith.addi %mul3A_134, %add3A_371 : i32
        %get3A_373 = arith.index_cast %add3A_372 : i32 to index
        %get3A_374 = arith.constant 32 : index
        %get3A_375 = tpu.vector_load %arg6[%get3A_373, %get3A_374] {strides = array<i32>} : memref<32x64xi32, #tpu.memory_space<vmem>>, vector<1x16xi32>,
        %get3A_376 = vector.shape_cast %get3A_375 : vector<1x16xi32> to vector<16xi32>
        %and3A_377 = arith.constant 65535 : i32
        %and3A_378 = vector.broadcast %and3A_377 : i32 to vector<16xi32>
        %and3A_379 = arith.andi %get3A_376, %and3A_378 : vector<16xi32>
        %swap3A_380 = arith.constant 2 : i32
        %swap3A_381 = arith.index_cast %swap3A_380 : i32 to index
        %swap3A_382 = arith.constant 32 : index
        %swap3A_383 = tpu.vector_load %arg7[%swap3A_381, %swap3A_382] {strides = array<i32>} : memref<4x64xi32, #tpu.memory_space<vmem>>, vector<1x16xi32>,
        %swap3A_384 = vector.shape_cast %swap3A_383 : vector<1x16xi32> to vector<16xi32>
        %swap3A_385 = vector.shape_cast %and3A_379 : vector<16xi32> to vector<1x16xi32>
        tpu.vector_store %arg7[%swap3A_381, %swap3A_382], %swap3A_385 {strides = array<i32>} : memref<4x64xi32, #tpu.memory_space<vmem>>, vector<1x16xi32>,
        %shift_right_arithmetic3A_386 = arith.constant 16 : i32
        %shift_right_arithmetic3A_387 = vector.broadcast %shift_right_arithmetic3A_386 : i32 to vector<16xi32>
        %shift_right_arithmetic3A_388 = arith.shrsi %get3A_376, %shift_right_arithmetic3A_387 : vector<16xi32>
        %swap3A_389 = arith.constant 2 : i32
        %swap3A_390 = arith.index_cast %swap3A_389 : i32 to index
        %swap3A_391 = arith.constant 32 : index
        %swap3A_392 = tpu.vector_load %arg8[%swap3A_390, %swap3A_391] {strides = array<i32>} : memref<4x64xi32, #tpu.memory_space<vmem>>, vector<1x16xi32>,
        %swap3A_393 = vector.shape_cast %swap3A_392 : vector<1x16xi32> to vector<16xi32>
        %swap3A_394 = vector.shape_cast %shift_right_arithmetic3A_388 : vector<16xi32> to vector<1x16xi32>
        tpu.vector_store %arg8[%swap3A_390, %swap3A_391], %swap3A_394 {strides = array<i32>} : memref<4x64xi32, #tpu.memory_space<vmem>>, vector<1x16xi32>,
        %add3A_395 = arith.constant 2 : i32
        %add3A_396 = arith.addi %mul3A_134, %add3A_395 : i32
        %get3A_397 = arith.index_cast %add3A_396 : i32 to index
        %get3A_398 = arith.constant 48 : index
        %get3A_399 = tpu.vector_load %arg6[%get3A_397, %get3A_398] {strides = array<i32>} : memref<32x64xi32, #tpu.memory_space<vmem>>, vector<1x16xi32>,
        %get3A_400 = vector.shape_cast %get3A_399 : vector<1x16xi32> to vector<16xi32>
        %and3A_401 = arith.constant 65535 : i32
        %and3A_402 = vector.broadcast %and3A_401 : i32 to vector<16xi32>
        %and3A_403 = arith.andi %get3A_400, %and3A_402 : vector<16xi32>
        %swap3A_404 = arith.constant 2 : i32
        %swap3A_405 = arith.index_cast %swap3A_404 : i32 to index
        %swap3A_406 = arith.constant 48 : index
        %swap3A_407 = tpu.vector_load %arg7[%swap3A_405, %swap3A_406] {strides = array<i32>} : memref<4x64xi32, #tpu.memory_space<vmem>>, vector<1x16xi32>,
        %swap3A_408 = vector.shape_cast %swap3A_407 : vector<1x16xi32> to vector<16xi32>
        %swap3A_409 = vector.shape_cast %and3A_403 : vector<16xi32> to vector<1x16xi32>
        tpu.vector_store %arg7[%swap3A_405, %swap3A_406], %swap3A_409 {strides = array<i32>} : memref<4x64xi32, #tpu.memory_space<vmem>>, vector<1x16xi32>,
        %shift_right_arithmetic3A_410 = arith.constant 16 : i32
        %shift_right_arithmetic3A_411 = vector.broadcast %shift_right_arithmetic3A_410 : i32 to vector<16xi32>
        %shift_right_arithmetic3A_412 = arith.shrsi %get3A_400, %shift_right_arithmetic3A_411 : vector<16xi32>
        %swap3A_413 = arith.constant 2 : i32
        %swap3A_414 = arith.index_cast %swap3A_413 : i32 to index
        %swap3A_415 = arith.constant 48 : index
        %swap3A_416 = tpu.vector_load %arg8[%swap3A_414, %swap3A_415] {strides = array<i32>} : memref<4x64xi32, #tpu.memory_space<vmem>>, vector<1x16xi32>,
        %swap3A_417 = vector.shape_cast %swap3A_416 : vector<1x16xi32> to vector<16xi32>
        %swap3A_418 = vector.shape_cast %shift_right_arithmetic3A_412 : vector<16xi32> to vector<1x16xi32>
        tpu.vector_store %arg8[%swap3A_414, %swap3A_415], %swap3A_418 {strides = array<i32>} : memref<4x64xi32, #tpu.memory_space<vmem>>, vector<1x16xi32>,
        %add3A_419 = arith.constant 3 : i32
        %add3A_420 = arith.addi %mul3A_134, %add3A_419 : i32
        %get3A_421 = arith.index_cast %add3A_420 : i32 to index
        %get3A_422 = arith.constant 0 : index
        %get3A_423 = tpu.vector_load %arg6[%get3A_421, %get3A_422] {strides = array<i32>} : memref<32x64xi32, #tpu.memory_space<vmem>>, vector<1x16xi32>,
        %get3A_424 = vector.shape_cast %get3A_423 : vector<1x16xi32> to vector<16xi32>
        %and3A_425 = arith.constant 65535 : i32
        %and3A_426 = vector.broadcast %and3A_425 : i32 to vector<16xi32>
        %and3A_427 = arith.andi %get3A_424, %and3A_426 : vector<16xi32>
        %swap3A_428 = arith.constant 3 : i32
        %swap3A_429 = arith.index_cast %swap3A_428 : i32 to index
        %swap3A_430 = arith.constant 0 : index
        %swap3A_431 = tpu.vector_load %arg7[%swap3A_429, %swap3A_430] {strides = array<i32>} : memref<4x64xi32, #tpu.memory_space<vmem>>, vector<1x16xi32>,
        %swap3A_432 = vector.shape_cast %swap3A_431 : vector<1x16xi32> to vector<16xi32>
        %swap3A_433 = vector.shape_cast %and3A_427 : vector<16xi32> to vector<1x16xi32>
        tpu.vector_store %arg7[%swap3A_429, %swap3A_430], %swap3A_433 {strides = array<i32>} : memref<4x64xi32, #tpu.memory_space<vmem>>, vector<1x16xi32>,
        %shift_right_arithmetic3A_434 = arith.constant 16 : i32
        %shift_right_arithmetic3A_435 = vector.broadcast %shift_right_arithmetic3A_434 : i32 to vector<16xi32>
        %shift_right_arithmetic3A_436 = arith.shrsi %get3A_424, %shift_right_arithmetic3A_435 : vector<16xi32>
        %swap3A_437 = arith.constant 3 : i32
        %swap3A_438 = arith.index_cast %swap3A_437 : i32 to index
        %swap3A_439 = arith.constant 0 : index
        %swap3A_440 = tpu.vector_load %arg8[%swap3A_438, %swap3A_439] {strides = array<i32>} : memref<4x64xi32, #tpu.memory_space<vmem>>, vector<1x16xi32>,
        %swap3A_441 = vector.shape_cast %swap3A_440 : vector<1x16xi32> to vector<16xi32>
        %swap3A_442 = vector.shape_cast %shift_right_arithmetic3A_436 : vector<16xi32> to vector<1x16xi32>
        tpu.vector_store %arg8[%swap3A_438, %swap3A_439], %swap3A_442 {strides = array<i32>} : memref<4x64xi32, #tpu.memory_space<vmem>>, vector<1x16xi32>,
        %add3A_443 = arith.constant 3 : i32
        %add3A_444 = arith.addi %mul3A_134, %add3A_443 : i32
        %get3A_445 = arith.index_cast %add3A_444 : i32 to index
        %get3A_446 = arith.constant 16 : index
        %get3A_447 = tpu.vector_load %arg6[%get3A_445, %get3A_446] {strides = array<i32>} : memref<32x64xi32, #tpu.memory_space<vmem>>, vector<1x16xi32>,
        %get3A_448 = vector.shape_cast %get3A_447 : vector<1x16xi32> to vector<16xi32>
        %and3A_449 = arith.constant 65535 : i32
        %and3A_450 = vector.broadcast %and3A_449 : i32 to vector<16xi32>
        %and3A_451 = arith.andi %get3A_448, %and3A_450 : vector<16xi32>
        %swap3A_452 = arith.constant 3 : i32
        %swap3A_453 = arith.index_cast %swap3A_452 : i32 to index
        %swap3A_454 = arith.constant 16 : index
        %swap3A_455 = tpu.vector_load %arg7[%swap3A_453, %swap3A_454] {strides = array<i32>} : memref<4x64xi32, #tpu.memory_space<vmem>>, vector<1x16xi32>,
        %swap3A_456 = vector.shape_cast %swap3A_455 : vector<1x16xi32> to vector<16xi32>
        %swap3A_457 = vector.shape_cast %and3A_451 : vector<16xi32> to vector<1x16xi32>
        tpu.vector_store %arg7[%swap3A_453, %swap3A_454], %swap3A_457 {strides = array<i32>} : memref<4x64xi32, #tpu.memory_space<vmem>>, vector<1x16xi32>,
        %shift_right_arithmetic3A_458 = arith.constant 16 : i32
        %shift_right_arithmetic3A_459 = vector.broadcast %shift_right_arithmetic3A_458 : i32 to vector<16xi32>
        %shift_right_arithmetic3A_460 = arith.shrsi %get3A_448, %shift_right_arithmetic3A_459 : vector<16xi32>
        %swap3A_461 = arith.constant 3 : i32
        %swap3A_462 = arith.index_cast %swap3A_461 : i32 to index
        %swap3A_463 = arith.constant 16 : index
        %swap3A_464 = tpu.vector_load %arg8[%swap3A_462, %swap3A_463] {strides = array<i32>} : memref<4x64xi32, #tpu.memory_space<vmem>>, vector<1x16xi32>,
        %swap3A_465 = vector.shape_cast %swap3A_464 : vector<1x16xi32> to vector<16xi32>
        %swap3A_466 = vector.shape_cast %shift_right_arithmetic3A_460 : vector<16xi32> to vector<1x16xi32>
        tpu.vector_store %arg8[%swap3A_462, %swap3A_463], %swap3A_466 {strides = array<i32>} : memref<4x64xi32, #tpu.memory_space<vmem>>, vector<1x16xi32>,
        %add3A_467 = arith.constant 3 : i32
        %add3A_468 = arith.addi %mul3A_134, %add3A_467 : i32
        %get3A_469 = arith.index_cast %add3A_468 : i32 to index
        %get3A_470 = arith.constant 32 : index
        %get3A_471 = tpu.vector_load %arg6[%get3A_469, %get3A_470] {strides = array<i32>} : memref<32x64xi32, #tpu.memory_space<vmem>>, vector<1x16xi32>,
        %get3A_472 = vector.shape_cast %get3A_471 : vector<1x16xi32> to vector<16xi32>
        %and3A_473 = arith.constant 65535 : i32
        %and3A_474 = vector.broadcast %and3A_473 : i32 to vector<16xi32>
        %and3A_475 = arith.andi %get3A_472, %and3A_474 : vector<16xi32>
        %swap3A_476 = arith.constant 3 : i32
        %swap3A_477 = arith.index_cast %swap3A_476 : i32 to index
        %swap3A_478 = arith.constant 32 : index
        %swap3A_479 = tpu.vector_load %arg7[%swap3A_477, %swap3A_478] {strides = array<i32>} : memref<4x64xi32, #tpu.memory_space<vmem>>, vector<1x16xi32>,
        %swap3A_480 = vector.shape_cast %swap3A_479 : vector<1x16xi32> to vector<16xi32>
        %swap3A_481 = vector.shape_cast %and3A_475 : vector<16xi32> to vector<1x16xi32>
        tpu.vector_store %arg7[%swap3A_477, %swap3A_478], %swap3A_481 {strides = array<i32>} : memref<4x64xi32, #tpu.memory_space<vmem>>, vector<1x16xi32>,
        %shift_right_arithmetic3A_482 = arith.constant 16 : i32
        %shift_right_arithmetic3A_483 = vector.broadcast %shift_right_arithmetic3A_482 : i32 to vector<16xi32>
        %shift_right_arithmetic3A_484 = arith.shrsi %get3A_472, %shift_right_arithmetic3A_483 : vector<16xi32>
        %swap3A_485 = arith.constant 3 : i32
        %swap3A_486 = arith.index_cast %swap3A_485 : i32 to index
        %swap3A_487 = arith.constant 32 : index
        %swap3A_488 = tpu.vector_load %arg8[%swap3A_486, %swap3A_487] {strides = array<i32>} : memref<4x64xi32, #tpu.memory_space<vmem>>, vector<1x16xi32>,
        %swap3A_489 = vector.shape_cast %swap3A_488 : vector<1x16xi32> to vector<16xi32>
        %swap3A_490 = vector.shape_cast %shift_right_arithmetic3A_484 : vector<16xi32> to vector<1x16xi32>
        tpu.vector_store %arg8[%swap3A_486, %swap3A_487], %swap3A_490 {strides = array<i32>} : memref<4x64xi32, #tpu.memory_space<vmem>>, vector<1x16xi32>,
        %add3A_491 = arith.constant 3 : i32
        %add3A_492 = arith.addi %mul3A_134, %add3A_491 : i32
        %get3A_493 = arith.index_cast %add3A_492 : i32 to index
        %get3A_494 = arith.constant 48 : index
        %get3A_495 = tpu.vector_load %arg6[%get3A_493, %get3A_494] {strides = array<i32>} : memref<32x64xi32, #tpu.memory_space<vmem>>, vector<1x16xi32>,
        %get3A_496 = vector.shape_cast %get3A_495 : vector<1x16xi32> to vector<16xi32>
        %and3A_497 = arith.constant 65535 : i32
        %and3A_498 = vector.broadcast %and3A_497 : i32 to vector<16xi32>
        %and3A_499 = arith.andi %get3A_496, %and3A_498 : vector<16xi32>
        %swap3A_500 = arith.constant 3 : i32
        %swap3A_501 = arith.index_cast %swap3A_500 : i32 to index
        %swap3A_502 = arith.constant 48 : index
        %swap3A_503 = tpu.vector_load %arg7[%swap3A_501, %swap3A_502] {strides = array<i32>} : memref<4x64xi32, #tpu.memory_space<vmem>>, vector<1x16xi32>,
        %swap3A_504 = vector.shape_cast %swap3A_503 : vector<1x16xi32> to vector<16xi32>
        %swap3A_505 = vector.shape_cast %and3A_499 : vector<16xi32> to vector<1x16xi32>
        tpu.vector_store %arg7[%swap3A_501, %swap3A_502], %swap3A_505 {strides = array<i32>} : memref<4x64xi32, #tpu.memory_space<vmem>>, vector<1x16xi32>,
        %shift_right_arithmetic3A_506 = arith.constant 16 : i32
        %shift_right_arithmetic3A_507 = vector.broadcast %shift_right_arithmetic3A_506 : i32 to vector<16xi32>
        %shift_right_arithmetic3A_508 = arith.shrsi %get3A_496, %shift_right_arithmetic3A_507 : vector<16xi32>
        %swap3A_509 = arith.constant 3 : i32
        %swap3A_510 = arith.index_cast %swap3A_509 : i32 to index
        %swap3A_511 = arith.constant 48 : index
        %swap3A_512 = tpu.vector_load %arg8[%swap3A_510, %swap3A_511] {strides = array<i32>} : memref<4x64xi32, #tpu.memory_space<vmem>>, vector<1x16xi32>,
        %swap3A_513 = vector.shape_cast %swap3A_512 : vector<1x16xi32> to vector<16xi32>
        %swap3A_514 = vector.shape_cast %shift_right_arithmetic3A_508 : vector<16xi32> to vector<1x16xi32>
        tpu.vector_store %arg8[%swap3A_510, %swap3A_511], %swap3A_514 {strides = array<i32>} : memref<4x64xi32, #tpu.memory_space<vmem>>, vector<1x16xi32>,
        %dma_start3A = arith.constant 0 : i32
        %dma_start3A_515 = arith.constant 0 : i32
        %dma_start3A_516 = tpu.memref_slice %arg7[%dma_start3A, %dma_start3A_515] : memref<4x64xi32, #tpu.memory_space<vmem>> -> memref<1x64xi32, #tpu.memory_space<vmem>>
        %dma_start3A_517 = tpu.memref_squeeze %dma_start3A_516 : memref<1x64xi32, #tpu.memory_space<vmem>> -> memref<64xi32, #tpu.memory_space<vmem>>
        %dma_start3A_518 = arith.constant 0 : i32
        %dma_start3A_519 = arith.constant 0 : i32
        %dma_start3A_520 = tpu.memref_slice %arg2[%dma_start3A_518, %dma_start3A_519] : memref<10240x128xf32, #tpu.memory_space<hbm>> -> memref<10240x128xf32, #tpu.memory_space<hbm>>
        tpu.enqueue_indirect_dma source(%dma_start3A_520 : memref<10240x128xf32, #tpu.memory_space<hbm>>) target(%arg9 : memref<64x128xf32, #tpu.memory_space<vmem>>) offsets(%dma_start3A_517 : memref<64xi32, #tpu.memory_space<vmem>>) semaphore(%arg13 : memref<!tpu.dma_semaphore, #tpu.memory_space<semaphore_mem>>)
        %dma_start3A_521 = arith.constant 1 : i32
        %dma_start3A_522 = arith.constant 0 : i32
        %dma_start3A_523 = tpu.memref_slice %arg7[%dma_start3A_521, %dma_start3A_522] : memref<4x64xi32, #tpu.memory_space<vmem>> -> memref<1x64xi32, #tpu.memory_space<vmem>>
        %dma_start3A_524 = tpu.memref_squeeze %dma_start3A_523 : memref<1x64xi32, #tpu.memory_space<vmem>> -> memref<64xi32, #tpu.memory_space<vmem>>
        %dma_start3A_525 = arith.constant 0 : i32
        %dma_start3A_526 = arith.constant 0 : i32
        %dma_start3A_527 = tpu.memref_slice %arg2[%dma_start3A_525, %dma_start3A_526] : memref<10240x128xf32, #tpu.memory_space<hbm>> -> memref<10240x128xf32, #tpu.memory_space<hbm>>
        tpu.enqueue_indirect_dma source(%dma_start3A_527 : memref<10240x128xf32, #tpu.memory_space<hbm>>) target(%arg10 : memref<64x128xf32, #tpu.memory_space<vmem>>) offsets(%dma_start3A_524 : memref<64xi32, #tpu.memory_space<vmem>>) semaphore(%arg14 : memref<!tpu.dma_semaphore, #tpu.memory_space<semaphore_mem>>)
        %dma_start3A_528 = arith.constant 2 : i32
        %dma_start3A_529 = arith.constant 0 : i32
        %dma_start3A_530 = tpu.memref_slice %arg7[%dma_start3A_528, %dma_start3A_529] : memref<4x64xi32, #tpu.memory_space<vmem>> -> memref<1x64xi32, #tpu.memory_space<vmem>>
        %dma_start3A_531 = tpu.memref_squeeze %dma_start3A_530 : memref<1x64xi32, #tpu.memory_space<vmem>> -> memref<64xi32, #tpu.memory_space<vmem>>
        %dma_start3A_532 = arith.constant 0 : i32
        %dma_start3A_533 = arith.constant 0 : i32
        %dma_start3A_534 = tpu.memref_slice %arg2[%dma_start3A_532, %dma_start3A_533] : memref<10240x128xf32, #tpu.memory_space<hbm>> -> memref<10240x128xf32, #tpu.memory_space<hbm>>
        tpu.enqueue_indirect_dma source(%dma_start3A_534 : memref<10240x128xf32, #tpu.memory_space<hbm>>) target(%arg11 : memref<64x128xf32, #tpu.memory_space<vmem>>) offsets(%dma_start3A_531 : memref<64xi32, #tpu.memory_space<vmem>>) semaphore(%arg15 : memref<!tpu.dma_semaphore, #tpu.memory_space<semaphore_mem>>)
        %dma_wait3A = arith.constant 0 : i32
        %dma_wait3A_535 = arith.constant 0 : i32
        %dma_wait3A_536 = tpu.memref_slice %arg7[%dma_wait3A, %dma_wait3A_535] : memref<4x64xi32, #tpu.memory_space<vmem>> -> memref<1x64xi32, #tpu.memory_space<vmem>>
        %dma_wait3A_537 = tpu.memref_squeeze %dma_wait3A_536 : memref<1x64xi32, #tpu.memory_space<vmem>> -> memref<64xi32, #tpu.memory_space<vmem>>
        %dma_wait3A_538 = arith.constant 0 : i32
        %dma_wait3A_539 = arith.constant 0 : i32
        %dma_wait3A_540 = tpu.memref_slice %arg2[%dma_wait3A_538, %dma_wait3A_539] : memref<10240x128xf32, #tpu.memory_space<hbm>> -> memref<10240x128xf32, #tpu.memory_space<hbm>>
        tpu.wait_indirect_dma semaphore(%arg13 : memref<!tpu.dma_semaphore, #tpu.memory_space<semaphore_mem>>) src(%dma_wait3A_540 : memref<10240x128xf32, #tpu.memory_space<hbm>>) dst(%arg9 : memref<64x128xf32, #tpu.memory_space<vmem>>)
        %dma_start3A_541 = arith.constant 0 : i32
        %dma_start3A_542 = arith.constant 0 : i32
        %dma_start3A_543 = tpu.memref_slice %arg8[%dma_start3A_541, %dma_start3A_542] : memref<4x64xi32, #tpu.memory_space<vmem>> -> memref<1x64xi32, #tpu.memory_space<vmem>>
        %dma_start3A_544 = tpu.memref_squeeze %dma_start3A_543 : memref<1x64xi32, #tpu.memory_space<vmem>> -> memref<64xi32, #tpu.memory_space<vmem>>
        %dma_start3A_545 = arith.constant 0 : i32
        %dma_start3A_546 = arith.constant 0 : i32
        %dma_start3A_547 = tpu.memref_slice %arg12[%dma_start3A_545, %dma_start3A_546] : memref<10240x128xf32, #tpu.memory_space<vmem_shared>> -> memref<10240x128xf32, #tpu.memory_space<vmem_shared>>
        tpu.enqueue_indirect_dma source(%arg9 : memref<64x128xf32, #tpu.memory_space<vmem>>) target(%dma_start3A_547 : memref<10240x128xf32, #tpu.memory_space<vmem_shared>>) offsets(%dma_start3A_544 : memref<64xi32, #tpu.memory_space<vmem>>) semaphore(%arg16 : memref<!tpu.dma_semaphore, #tpu.memory_space<semaphore_mem>>) {add = true}
        %dma_wait3A_548 = arith.constant 0 : i32
        %dma_wait3A_549 = arith.constant 0 : i32
        %dma_wait3A_550 = tpu.memref_slice %arg8[%dma_wait3A_548, %dma_wait3A_549] : memref<4x64xi32, #tpu.memory_space<vmem>> -> memref<1x64xi32, #tpu.memory_space<vmem>>
        %dma_wait3A_551 = tpu.memref_squeeze %dma_wait3A_550 : memref<1x64xi32, #tpu.memory_space<vmem>> -> memref<64xi32, #tpu.memory_space<vmem>>
        %dma_wait3A_552 = arith.constant 0 : i32
        %dma_wait3A_553 = arith.constant 0 : i32
        %dma_wait3A_554 = tpu.memref_slice %arg12[%dma_wait3A_552, %dma_wait3A_553] : memref<10240x128xf32, #tpu.memory_space<vmem_shared>> -> memref<10240x128xf32, #tpu.memory_space<vmem_shared>>
        tpu.wait_indirect_dma semaphore(%arg16 : memref<!tpu.dma_semaphore, #tpu.memory_space<semaphore_mem>>) src(%arg9 : memref<64x128xf32, #tpu.memory_space<vmem>>) dst(%dma_wait3A_554 : memref<10240x128xf32, #tpu.memory_space<vmem_shared>>)
        %dma_start3A_555 = arith.constant 3 : i32
        %dma_start3A_556 = arith.constant 0 : i32
        %dma_start3A_557 = tpu.memref_slice %arg7[%dma_start3A_555, %dma_start3A_556] : memref<4x64xi32, #tpu.memory_space<vmem>> -> memref<1x64xi32, #tpu.memory_space<vmem>>
        %dma_start3A_558 = tpu.memref_squeeze %dma_start3A_557 : memref<1x64xi32, #tpu.memory_space<vmem>> -> memref<64xi32, #tpu.memory_space<vmem>>
        %dma_start3A_559 = arith.constant 0 : i32
        %dma_start3A_560 = arith.constant 0 : i32
        %dma_start3A_561 = tpu.memref_slice %arg2[%dma_start3A_559, %dma_start3A_560] : memref<10240x128xf32, #tpu.memory_space<hbm>> -> memref<10240x128xf32, #tpu.memory_space<hbm>>
        tpu.enqueue_indirect_dma source(%dma_start3A_561 : memref<10240x128xf32, #tpu.memory_space<hbm>>) target(%arg9 : memref<64x128xf32, #tpu.memory_space<vmem>>) offsets(%dma_start3A_558 : memref<64xi32, #tpu.memory_space<vmem>>) semaphore(%arg13 : memref<!tpu.dma_semaphore, #tpu.memory_space<semaphore_mem>>)
        %dma_wait3A_562 = arith.constant 1 : i32
        %dma_wait3A_563 = arith.constant 0 : i32
        %dma_wait3A_564 = tpu.memref_slice %arg7[%dma_wait3A_562, %dma_wait3A_563] : memref<4x64xi32, #tpu.memory_space<vmem>> -> memref<1x64xi32, #tpu.memory_space<vmem>>
        %dma_wait3A_565 = tpu.memref_squeeze %dma_wait3A_564 : memref<1x64xi32, #tpu.memory_space<vmem>> -> memref<64xi32, #tpu.memory_space<vmem>>
        %dma_wait3A_566 = arith.constant 0 : i32
        %dma_wait3A_567 = arith.constant 0 : i32
        %dma_wait3A_568 = tpu.memref_slice %arg2[%dma_wait3A_566, %dma_wait3A_567] : memref<10240x128xf32, #tpu.memory_space<hbm>> -> memref<10240x128xf32, #tpu.memory_space<hbm>>
        tpu.wait_indirect_dma semaphore(%arg14 : memref<!tpu.dma_semaphore, #tpu.memory_space<semaphore_mem>>) src(%dma_wait3A_568 : memref<10240x128xf32, #tpu.memory_space<hbm>>) dst(%arg10 : memref<64x128xf32, #tpu.memory_space<vmem>>)
        %dma_start3A_569 = arith.constant 1 : i32
        %dma_start3A_570 = arith.constant 0 : i32
        %dma_start3A_571 = tpu.memref_slice %arg8[%dma_start3A_569, %dma_start3A_570] : memref<4x64xi32, #tpu.memory_space<vmem>> -> memref<1x64xi32, #tpu.memory_space<vmem>>
        %dma_start3A_572 = tpu.memref_squeeze %dma_start3A_571 : memref<1x64xi32, #tpu.memory_space<vmem>> -> memref<64xi32, #tpu.memory_space<vmem>>
        %dma_start3A_573 = arith.constant 0 : i32
        %dma_start3A_574 = arith.constant 0 : i32
        %dma_start3A_575 = tpu.memref_slice %arg12[%dma_start3A_573, %dma_start3A_574] : memref<10240x128xf32, #tpu.memory_space<vmem_shared>> -> memref<10240x128xf32, #tpu.memory_space<vmem_shared>>
        tpu.enqueue_indirect_dma source(%arg10 : memref<64x128xf32, #tpu.memory_space<vmem>>) target(%dma_start3A_575 : memref<10240x128xf32, #tpu.memory_space<vmem_shared>>) offsets(%dma_start3A_572 : memref<64xi32, #tpu.memory_space<vmem>>) semaphore(%arg17 : memref<!tpu.dma_semaphore, #tpu.memory_space<semaphore_mem>>) {add = true}
        %dma_wait3A_576 = arith.constant 2 : i32
        %dma_wait3A_577 = arith.constant 0 : i32
        %dma_wait3A_578 = tpu.memref_slice %arg7[%dma_wait3A_576, %dma_wait3A_577] : memref<4x64xi32, #tpu.memory_space<vmem>> -> memref<1x64xi32, #tpu.memory_space<vmem>>
        %dma_wait3A_579 = tpu.memref_squeeze %dma_wait3A_578 : memref<1x64xi32, #tpu.memory_space<vmem>> -> memref<64xi32, #tpu.memory_space<vmem>>
        %dma_wait3A_580 = arith.constant 0 : i32
        %dma_wait3A_581 = arith.constant 0 : i32
        %dma_wait3A_582 = tpu.memref_slice %arg2[%dma_wait3A_580, %dma_wait3A_581] : memref<10240x128xf32, #tpu.memory_space<hbm>> -> memref<10240x128xf32, #tpu.memory_space<hbm>>
        tpu.wait_indirect_dma semaphore(%arg15 : memref<!tpu.dma_semaphore, #tpu.memory_space<semaphore_mem>>) src(%dma_wait3A_582 : memref<10240x128xf32, #tpu.memory_space<hbm>>) dst(%arg11 : memref<64x128xf32, #tpu.memory_space<vmem>>)
        %dma_start3A_583 = arith.constant 2 : i32
        %dma_start3A_584 = arith.constant 0 : i32
        %dma_start3A_585 = tpu.memref_slice %arg8[%dma_start3A_583, %dma_start3A_584] : memref<4x64xi32, #tpu.memory_space<vmem>> -> memref<1x64xi32, #tpu.memory_space<vmem>>
        %dma_start3A_586 = tpu.memref_squeeze %dma_start3A_585 : memref<1x64xi32, #tpu.memory_space<vmem>> -> memref<64xi32, #tpu.memory_space<vmem>>
        %dma_start3A_587 = arith.constant 0 : i32
        %dma_start3A_588 = arith.constant 0 : i32
        %dma_start3A_589 = tpu.memref_slice %arg12[%dma_start3A_587, %dma_start3A_588] : memref<10240x128xf32, #tpu.memory_space<vmem_shared>> -> memref<10240x128xf32, #tpu.memory_space<vmem_shared>>
        tpu.enqueue_indirect_dma source(%arg11 : memref<64x128xf32, #tpu.memory_space<vmem>>) target(%dma_start3A_589 : memref<10240x128xf32, #tpu.memory_space<vmem_shared>>) offsets(%dma_start3A_586 : memref<64xi32, #tpu.memory_space<vmem>>) semaphore(%arg18 : memref<!tpu.dma_semaphore, #tpu.memory_space<semaphore_mem>>) {add = true}
        %dma_wait3A_590 = arith.constant 3 : i32
        %dma_wait3A_591 = arith.constant 0 : i32
        %dma_wait3A_592 = tpu.memref_slice %arg7[%dma_wait3A_590, %dma_wait3A_591] : memref<4x64xi32, #tpu.memory_space<vmem>> -> memref<1x64xi32, #tpu.memory_space<vmem>>
        %dma_wait3A_593 = tpu.memref_squeeze %dma_wait3A_592 : memref<1x64xi32, #tpu.memory_space<vmem>> -> memref<64xi32, #tpu.memory_space<vmem>>
        %dma_wait3A_594 = arith.constant 0 : i32
        %dma_wait3A_595 = arith.constant 0 : i32
        %dma_wait3A_596 = tpu.memref_slice %arg2[%dma_wait3A_594, %dma_wait3A_595] : memref<10240x128xf32, #tpu.memory_space<hbm>> -> memref<10240x128xf32, #tpu.memory_space<hbm>>
        tpu.wait_indirect_dma semaphore(%arg13 : memref<!tpu.dma_semaphore, #tpu.memory_space<semaphore_mem>>) src(%dma_wait3A_596 : memref<10240x128xf32, #tpu.memory_space<hbm>>) dst(%arg9 : memref<64x128xf32, #tpu.memory_space<vmem>>)
        %dma_start3A_597 = arith.constant 3 : i32
        %dma_start3A_598 = arith.constant 0 : i32
        %dma_start3A_599 = tpu.memref_slice %arg8[%dma_start3A_597, %dma_start3A_598] : memref<4x64xi32, #tpu.memory_space<vmem>> -> memref<1x64xi32, #tpu.memory_space<vmem>>
        %dma_start3A_600 = tpu.memref_squeeze %dma_start3A_599 : memref<1x64xi32, #tpu.memory_space<vmem>> -> memref<64xi32, #tpu.memory_space<vmem>>
        %dma_start3A_601 = arith.constant 0 : i32
        %dma_start3A_602 = arith.constant 0 : i32
        %dma_start3A_603 = tpu.memref_slice %arg12[%dma_start3A_601, %dma_start3A_602] : memref<10240x128xf32, #tpu.memory_space<vmem_shared>> -> memref<10240x128xf32, #tpu.memory_space<vmem_shared>>
        tpu.enqueue_indirect_dma source(%arg9 : memref<64x128xf32, #tpu.memory_space<vmem>>) target(%dma_start3A_603 : memref<10240x128xf32, #tpu.memory_space<vmem_shared>>) offsets(%dma_start3A_600 : memref<64xi32, #tpu.memory_space<vmem>>) semaphore(%arg16 : memref<!tpu.dma_semaphore, #tpu.memory_space<semaphore_mem>>) {add = true}
        %dma_wait3A_604 = arith.constant 1 : i32
        %dma_wait3A_605 = arith.constant 0 : i32
        %dma_wait3A_606 = tpu.memref_slice %arg8[%dma_wait3A_604, %dma_wait3A_605] : memref<4x64xi32, #tpu.memory_space<vmem>> -> memref<1x64xi32, #tpu.memory_space<vmem>>
        %dma_wait3A_607 = tpu.memref_squeeze %dma_wait3A_606 : memref<1x64xi32, #tpu.memory_space<vmem>> -> memref<64xi32, #tpu.memory_space<vmem>>
        %dma_wait3A_608 = arith.constant 0 : i32
        %dma_wait3A_609 = arith.constant 0 : i32
        %dma_wait3A_610 = tpu.memref_slice %arg12[%dma_wait3A_608, %dma_wait3A_609] : memref<10240x128xf32, #tpu.memory_space<vmem_shared>> -> memref<10240x128xf32, #tpu.memory_space<vmem_shared>>
        tpu.wait_indirect_dma semaphore(%arg17 : memref<!tpu.dma_semaphore, #tpu.memory_space<semaphore_mem>>) src(%arg10 : memref<64x128xf32, #tpu.memory_space<vmem>>) dst(%dma_wait3A_610 : memref<10240x128xf32, #tpu.memory_space<vmem_shared>>)
        %dma_wait3A_611 = arith.constant 2 : i32
        %dma_wait3A_612 = arith.constant 0 : i32
        %dma_wait3A_613 = tpu.memref_slice %arg8[%dma_wait3A_611, %dma_wait3A_612] : memref<4x64xi32, #tpu.memory_space<vmem>> -> memref<1x64xi32, #tpu.memory_space<vmem>>
        %dma_wait3A_614 = tpu.memref_squeeze %dma_wait3A_613 : memref<1x64xi32, #tpu.memory_space<vmem>> -> memref<64xi32, #tpu.memory_space<vmem>>
        %dma_wait3A_615 = arith.constant 0 : i32
        %dma_wait3A_616 = arith.constant 0 : i32
        %dma_wait3A_617 = tpu.memref_slice %arg12[%dma_wait3A_615, %dma_wait3A_616] : memref<10240x128xf32, #tpu.memory_space<vmem_shared>> -> memref<10240x128xf32, #tpu.memory_space<vmem_shared>>
        tpu.wait_indirect_dma semaphore(%arg18 : memref<!tpu.dma_semaphore, #tpu.memory_space<semaphore_mem>>) src(%arg11 : memref<64x128xf32, #tpu.memory_space<vmem>>) dst(%dma_wait3A_617 : memref<10240x128xf32, #tpu.memory_space<vmem_shared>>)
        %dma_wait3A_618 = arith.constant 3 : i32
        %dma_wait3A_619 = arith.constant 0 : i32
        %dma_wait3A_620 = tpu.memref_slice %arg8[%dma_wait3A_618, %dma_wait3A_619] : memref<4x64xi32, #tpu.memory_space<vmem>> -> memref<1x64xi32, #tpu.memory_space<vmem>>
        %dma_wait3A_621 = tpu.memref_squeeze %dma_wait3A_620 : memref<1x64xi32, #tpu.memory_space<vmem>> -> memref<64xi32, #tpu.memory_space<vmem>>
        %dma_wait3A_622 = arith.constant 0 : i32
        %dma_wait3A_623 = arith.constant 0 : i32
        %dma_wait3A_624 = tpu.memref_slice %arg12[%dma_wait3A_622, %dma_wait3A_623] : memref<10240x128xf32, #tpu.memory_space<vmem_shared>> -> memref<10240x128xf32, #tpu.memory_space<vmem_shared>>
        tpu.wait_indirect_dma semaphore(%arg16 : memref<!tpu.dma_semaphore, #tpu.memory_space<semaphore_mem>>) src(%arg9 : memref<64x128xf32, #tpu.memory_space<vmem>>) dst(%dma_wait3A_624 : memref<10240x128xf32, #tpu.memory_space<vmem_shared>>)
      }
      %scan3A_131 = arith.constant 8 : i32
    }
    %scan3A_42 = arith.constant 5 : i32
    %barrier3A_43 = arith.constant 0 : index
    tpu.barrier barrier_id(%barrier3A_43)
    %mul3A_44 = arith.constant 640 : i32
    %mul3A_45 = arith.muli %arg1, %mul3A_44 : i32
    %add3A_46 = arith.constant 0 : i32
    %add3A_47 = arith.addi %mul3A_45, %add3A_46 : i32
    "tpu.region"() ({
      %run_scoped3A = tpu.sem_alloc : memref<!tpu.dma_semaphore, #tpu.memory_space<semaphore_mem>>
      %dma_start3A = arith.constant 0 : i32
      %dma_start3A_124 = tpu.memref_slice %arg12[%add3A_47, %dma_start3A] : memref<10240x128xf32, #tpu.memory_space<vmem_shared>> -> memref<64x128xf32, #tpu.memory_space<vmem_shared>>
      %dma_start3A_125 = arith.constant 0 : i32
      %dma_start3A_126 = tpu.memref_slice %arg12[%add3A_47, %dma_start3A_125] : memref<10240x128xf32, #tpu.memory_space<vmem_shared>> -> memref<64x128xf32, #tpu.memory_space<vmem_shared>>
      tpu.enqueue_dma source(%dma_start3A_126 : memref<64x128xf32, #tpu.memory_space<vmem_shared>>) target(%arg9 : memref<64x128xf32, #tpu.memory_space<vmem>>) target_semaphore(%run_scoped3A : memref<!tpu.dma_semaphore, #tpu.memory_space<semaphore_mem>>)
      %dma_wait3A = arith.constant 0 : i32
      %dma_wait3A_127 = tpu.memref_slice %arg12[%add3A_47, %dma_wait3A] : memref<10240x128xf32, #tpu.memory_space<vmem_shared>> -> memref<64x128xf32, #tpu.memory_space<vmem_shared>>
      %dma_wait3A_128 = arith.constant 0 : i32
      %dma_wait3A_129 = tpu.memref_slice %arg12[%add3A_47, %dma_wait3A_128] : memref<10240x128xf32, #tpu.memory_space<vmem_shared>> -> memref<64x128xf32, #tpu.memory_space<vmem_shared>>
      tpu.wait_dma2 semaphore(%run_scoped3A : memref<!tpu.dma_semaphore, #tpu.memory_space<semaphore_mem>>) src(%dma_wait3A_129 : memref<64x128xf32, #tpu.memory_space<vmem_shared>>) dst(%arg9 : memref<64x128xf32, #tpu.memory_space<vmem>>)
      tpu.yield
    }) : () -> ()
    %mul3A_48 = arith.constant 640 : i32
    %mul3A_49 = arith.muli %arg1, %mul3A_48 : i32
    %add3A_50 = arith.constant 0 : i32
    %add3A_51 = arith.addi %mul3A_49, %add3A_50 : i32
    "tpu.region"() ({
      %run_scoped3A = tpu.sem_alloc : memref<!tpu.dma_semaphore, #tpu.memory_space<semaphore_mem>>
      %dma_start3A = arith.constant 0 : i32
      %dma_start3A_124 = tpu.memref_slice %arg5[%arg0, %add3A_51, %dma_start3A] : memref<2x10240x128xf32, #tpu.memory_space<hbm>> -> memref<1x64x128xf32, #tpu.memory_space<hbm>>
      %dma_start3A_125 = tpu.memref_squeeze %dma_start3A_124 : memref<1x64x128xf32, #tpu.memory_space<hbm>> -> memref<64x128xf32, #tpu.memory_space<hbm>>
      %dma_start3A_126 = arith.constant 0 : i32
      %dma_start3A_127 = tpu.memref_slice %arg5[%arg0, %add3A_51, %dma_start3A_126] : memref<2x10240x128xf32, #tpu.memory_space<hbm>> -> memref<1x64x128xf32, #tpu.memory_space<hbm>>
      %dma_start3A_128 = tpu.memref_squeeze %dma_start3A_127 : memref<1x64x128xf32, #tpu.memory_space<hbm>> -> memref<64x128xf32, #tpu.memory_space<hbm>>
      tpu.enqueue_dma source(%arg9 : memref<64x128xf32, #tpu.memory_space<vmem>>) target(%dma_start3A_128 : memref<64x128xf32, #tpu.memory_space<hbm>>) target_semaphore(%run_scoped3A : memref<!tpu.dma_semaphore, #tpu.memory_space<semaphore_mem>>)
      %dma_wait3A = arith.constant 0 : i32
      %dma_wait3A_129 = tpu.memref_slice %arg5[%arg0, %add3A_51, %dma_wait3A] : memref<2x10240x128xf32, #tpu.memory_space<hbm>> -> memref<1x64x128xf32, #tpu.memory_space<hbm>>
      %dma_wait3A_130 = tpu.memref_squeeze %dma_wait3A_129 : memref<1x64x128xf32, #tpu.memory_space<hbm>> -> memref<64x128xf32, #tpu.memory_space<hbm>>
      %dma_wait3A_131 = arith.constant 0 : i32
      %dma_wait3A_132 = tpu.memref_slice %arg5[%arg0, %add3A_51, %dma_wait3A_131] : memref<2x10240x128xf32, #tpu.memory_space<hbm>> -> memref<1x64x128xf32, #tpu.memory_space<hbm>>
      %dma_wait3A_133 = tpu.memref_squeeze %dma_wait3A_132 : memref<1x64x128xf32, #tpu.memory_space<hbm>> -> memref<64x128xf32, #tpu.memory_space<hbm>>
      tpu.wait_dma2 semaphore(%run_scoped3A : memref<!tpu.dma_semaphore, #tpu.memory_space<semaphore_mem>>) src(%arg9 : memref<64x128xf32, #tpu.memory_space<vmem>>) dst(%dma_wait3A_133 : memref<64x128xf32, #tpu.memory_space<hbm>>)
      tpu.yield
    }) : () -> ()
    %mul3A_52 = arith.constant 640 : i32
    %mul3A_53 = arith.muli %arg1, %mul3A_52 : i32
    %add3A_54 = arith.constant 64 : i32
    %add3A_55 = arith.addi %mul3A_53, %add3A_54 : i32
    "tpu.region"() ({
      %run_scoped3A = tpu.sem_alloc : memref<!tpu.dma_semaphore, #tpu.memory_space<semaphore_mem>>
      %dma_start3A = arith.constant 0 : i32
      %dma_start3A_124 = tpu.memref_slice %arg12[%add3A_55, %dma_start3A] : memref<10240x128xf32, #tpu.memory_space<vmem_shared>> -> memref<64x128xf32, #tpu.memory_space<vmem_shared>>
      %dma_start3A_125 = arith.constant 0 : i32
      %dma_start3A_126 = tpu.memref_slice %arg12[%add3A_55, %dma_start3A_125] : memref<10240x128xf32, #tpu.memory_space<vmem_shared>> -> memref<64x128xf32, #tpu.memory_space<vmem_shared>>
      tpu.enqueue_dma source(%dma_start3A_126 : memref<64x128xf32, #tpu.memory_space<vmem_shared>>) target(%arg9 : memref<64x128xf32, #tpu.memory_space<vmem>>) target_semaphore(%run_scoped3A : memref<!tpu.dma_semaphore, #tpu.memory_space<semaphore_mem>>)
      %dma_wait3A = arith.constant 0 : i32
      %dma_wait3A_127 = tpu.memref_slice %arg12[%add3A_55, %dma_wait3A] : memref<10240x128xf32, #tpu.memory_space<vmem_shared>> -> memref<64x128xf32, #tpu.memory_space<vmem_shared>>
      %dma_wait3A_128 = arith.constant 0 : i32
      %dma_wait3A_129 = tpu.memref_slice %arg12[%add3A_55, %dma_wait3A_128] : memref<10240x128xf32, #tpu.memory_space<vmem_shared>> -> memref<64x128xf32, #tpu.memory_space<vmem_shared>>
      tpu.wait_dma2 semaphore(%run_scoped3A : memref<!tpu.dma_semaphore, #tpu.memory_space<semaphore_mem>>) src(%dma_wait3A_129 : memref<64x128xf32, #tpu.memory_space<vmem_shared>>) dst(%arg9 : memref<64x128xf32, #tpu.memory_space<vmem>>)
      tpu.yield
    }) : () -> ()
    %mul3A_56 = arith.constant 640 : i32
    %mul3A_57 = arith.muli %arg1, %mul3A_56 : i32
    %add3A_58 = arith.constant 64 : i32
    %add3A_59 = arith.addi %mul3A_57, %add3A_58 : i32
    "tpu.region"() ({
      %run_scoped3A = tpu.sem_alloc : memref<!tpu.dma_semaphore, #tpu.memory_space<semaphore_mem>>
      %dma_start3A = arith.constant 0 : i32
      %dma_start3A_124 = tpu.memref_slice %arg5[%arg0, %add3A_59, %dma_start3A] : memref<2x10240x128xf32, #tpu.memory_space<hbm>> -> memref<1x64x128xf32, #tpu.memory_space<hbm>>
      %dma_start3A_125 = tpu.memref_squeeze %dma_start3A_124 : memref<1x64x128xf32, #tpu.memory_space<hbm>> -> memref<64x128xf32, #tpu.memory_space<hbm>>
      %dma_start3A_126 = arith.constant 0 : i32
      %dma_start3A_127 = tpu.memref_slice %arg5[%arg0, %add3A_59, %dma_start3A_126] : memref<2x10240x128xf32, #tpu.memory_space<hbm>> -> memref<1x64x128xf32, #tpu.memory_space<hbm>>
      %dma_start3A_128 = tpu.memref_squeeze %dma_start3A_127 : memref<1x64x128xf32, #tpu.memory_space<hbm>> -> memref<64x128xf32, #tpu.memory_space<hbm>>
      tpu.enqueue_dma source(%arg9 : memref<64x128xf32, #tpu.memory_space<vmem>>) target(%dma_start3A_128 : memref<64x128xf32, #tpu.memory_space<hbm>>) target_semaphore(%run_scoped3A : memref<!tpu.dma_semaphore, #tpu.memory_space<semaphore_mem>>)
      %dma_wait3A = arith.constant 0 : i32
      %dma_wait3A_129 = tpu.memref_slice %arg5[%arg0, %add3A_59, %dma_wait3A] : memref<2x10240x128xf32, #tpu.memory_space<hbm>> -> memref<1x64x128xf32, #tpu.memory_space<hbm>>
      %dma_wait3A_130 = tpu.memref_squeeze %dma_wait3A_129 : memref<1x64x128xf32, #tpu.memory_space<hbm>> -> memref<64x128xf32, #tpu.memory_space<hbm>>
      %dma_wait3A_131 = arith.constant 0 : i32
      %dma_wait3A_132 = tpu.memref_slice %arg5[%arg0, %add3A_59, %dma_wait3A_131] : memref<2x10240x128xf32, #tpu.memory_space<hbm>> -> memref<1x64x128xf32, #tpu.memory_space<hbm>>
      %dma_wait3A_133 = tpu.memref_squeeze %dma_wait3A_132 : memref<1x64x128xf32, #tpu.memory_space<hbm>> -> memref<64x128xf32, #tpu.memory_space<hbm>>
      tpu.wait_dma2 semaphore(%run_scoped3A : memref<!tpu.dma_semaphore, #tpu.memory_space<semaphore_mem>>) src(%arg9 : memref<64x128xf32, #tpu.memory_space<vmem>>) dst(%dma_wait3A_133 : memref<64x128xf32, #tpu.memory_space<hbm>>)
      tpu.yield
    }) : () -> ()
    %mul3A_60 = arith.constant 640 : i32
    %mul3A_61 = arith.muli %arg1, %mul3A_60 : i32
    %add3A_62 = arith.constant 128 : i32
    %add3A_63 = arith.addi %mul3A_61, %add3A_62 : i32
    "tpu.region"() ({
      %run_scoped3A = tpu.sem_alloc : memref<!tpu.dma_semaphore, #tpu.memory_space<semaphore_mem>>
      %dma_start3A = arith.constant 0 : i32
      %dma_start3A_124 = tpu.memref_slice %arg12[%add3A_63, %dma_start3A] : memref<10240x128xf32, #tpu.memory_space<vmem_shared>> -> memref<64x128xf32, #tpu.memory_space<vmem_shared>>
      %dma_start3A_125 = arith.constant 0 : i32
      %dma_start3A_126 = tpu.memref_slice %arg12[%add3A_63, %dma_start3A_125] : memref<10240x128xf32, #tpu.memory_space<vmem_shared>> -> memref<64x128xf32, #tpu.memory_space<vmem_shared>>
      tpu.enqueue_dma source(%dma_start3A_126 : memref<64x128xf32, #tpu.memory_space<vmem_shared>>) target(%arg9 : memref<64x128xf32, #tpu.memory_space<vmem>>) target_semaphore(%run_scoped3A : memref<!tpu.dma_semaphore, #tpu.memory_space<semaphore_mem>>)
      %dma_wait3A = arith.constant 0 : i32
      %dma_wait3A_127 = tpu.memref_slice %arg12[%add3A_63, %dma_wait3A] : memref<10240x128xf32, #tpu.memory_space<vmem_shared>> -> memref<64x128xf32, #tpu.memory_space<vmem_shared>>
      %dma_wait3A_128 = arith.constant 0 : i32
      %dma_wait3A_129 = tpu.memref_slice %arg12[%add3A_63, %dma_wait3A_128] : memref<10240x128xf32, #tpu.memory_space<vmem_shared>> -> memref<64x128xf32, #tpu.memory_space<vmem_shared>>
      tpu.wait_dma2 semaphore(%run_scoped3A : memref<!tpu.dma_semaphore, #tpu.memory_space<semaphore_mem>>) src(%dma_wait3A_129 : memref<64x128xf32, #tpu.memory_space<vmem_shared>>) dst(%arg9 : memref<64x128xf32, #tpu.memory_space<vmem>>)
      tpu.yield
    }) : () -> ()
    %mul3A_64 = arith.constant 640 : i32
    %mul3A_65 = arith.muli %arg1, %mul3A_64 : i32
    %add3A_66 = arith.constant 128 : i32
    %add3A_67 = arith.addi %mul3A_65, %add3A_66 : i32
    "tpu.region"() ({
      %run_scoped3A = tpu.sem_alloc : memref<!tpu.dma_semaphore, #tpu.memory_space<semaphore_mem>>
      %dma_start3A = arith.constant 0 : i32
      %dma_start3A_124 = tpu.memref_slice %arg5[%arg0, %add3A_67, %dma_start3A] : memref<2x10240x128xf32, #tpu.memory_space<hbm>> -> memref<1x64x128xf32, #tpu.memory_space<hbm>>
      %dma_start3A_125 = tpu.memref_squeeze %dma_start3A_124 : memref<1x64x128xf32, #tpu.memory_space<hbm>> -> memref<64x128xf32, #tpu.memory_space<hbm>>
      %dma_start3A_126 = arith.constant 0 : i32
      %dma_start3A_127 = tpu.memref_slice %arg5[%arg0, %add3A_67, %dma_start3A_126] : memref<2x10240x128xf32, #tpu.memory_space<hbm>> -> memref<1x64x128xf32, #tpu.memory_space<hbm>>
      %dma_start3A_128 = tpu.memref_squeeze %dma_start3A_127 : memref<1x64x128xf32, #tpu.memory_space<hbm>> -> memref<64x128xf32, #tpu.memory_space<hbm>>
      tpu.enqueue_dma source(%arg9 : memref<64x128xf32, #tpu.memory_space<vmem>>) target(%dma_start3A_128 : memref<64x128xf32, #tpu.memory_space<hbm>>) target_semaphore(%run_scoped3A : memref<!tpu.dma_semaphore, #tpu.memory_space<semaphore_mem>>)
      %dma_wait3A = arith.constant 0 : i32
      %dma_wait3A_129 = tpu.memref_slice %arg5[%arg0, %add3A_67, %dma_wait3A] : memref<2x10240x128xf32, #tpu.memory_space<hbm>> -> memref<1x64x128xf32, #tpu.memory_space<hbm>>
      %dma_wait3A_130 = tpu.memref_squeeze %dma_wait3A_129 : memref<1x64x128xf32, #tpu.memory_space<hbm>> -> memref<64x128xf32, #tpu.memory_space<hbm>>
      %dma_wait3A_131 = arith.constant 0 : i32
      %dma_wait3A_132 = tpu.memref_slice %arg5[%arg0, %add3A_67, %dma_wait3A_131] : memref<2x10240x128xf32, #tpu.memory_space<hbm>> -> memref<1x64x128xf32, #tpu.memory_space<hbm>>
      %dma_wait3A_133 = tpu.memref_squeeze %dma_wait3A_132 : memref<1x64x128xf32, #tpu.memory_space<hbm>> -> memref<64x128xf32, #tpu.memory_space<hbm>>
      tpu.wait_dma2 semaphore(%run_scoped3A : memref<!tpu.dma_semaphore, #tpu.memory_space<semaphore_mem>>) src(%arg9 : memref<64x128xf32, #tpu.memory_space<vmem>>) dst(%dma_wait3A_133 : memref<64x128xf32, #tpu.memory_space<hbm>>)
      tpu.yield
    }) : () -> ()
    %mul3A_68 = arith.constant 640 : i32
    %mul3A_69 = arith.muli %arg1, %mul3A_68 : i32
    %add3A_70 = arith.constant 192 : i32
    %add3A_71 = arith.addi %mul3A_69, %add3A_70 : i32
    "tpu.region"() ({
      %run_scoped3A = tpu.sem_alloc : memref<!tpu.dma_semaphore, #tpu.memory_space<semaphore_mem>>
      %dma_start3A = arith.constant 0 : i32
      %dma_start3A_124 = tpu.memref_slice %arg12[%add3A_71, %dma_start3A] : memref<10240x128xf32, #tpu.memory_space<vmem_shared>> -> memref<64x128xf32, #tpu.memory_space<vmem_shared>>
      %dma_start3A_125 = arith.constant 0 : i32
      %dma_start3A_126 = tpu.memref_slice %arg12[%add3A_71, %dma_start3A_125] : memref<10240x128xf32, #tpu.memory_space<vmem_shared>> -> memref<64x128xf32, #tpu.memory_space<vmem_shared>>
      tpu.enqueue_dma source(%dma_start3A_126 : memref<64x128xf32, #tpu.memory_space<vmem_shared>>) target(%arg9 : memref<64x128xf32, #tpu.memory_space<vmem>>) target_semaphore(%run_scoped3A : memref<!tpu.dma_semaphore, #tpu.memory_space<semaphore_mem>>)
      %dma_wait3A = arith.constant 0 : i32
      %dma_wait3A_127 = tpu.memref_slice %arg12[%add3A_71, %dma_wait3A] : memref<10240x128xf32, #tpu.memory_space<vmem_shared>> -> memref<64x128xf32, #tpu.memory_space<vmem_shared>>
      %dma_wait3A_128 = arith.constant 0 : i32
      %dma_wait3A_129 = tpu.memref_slice %arg12[%add3A_71, %dma_wait3A_128] : memref<10240x128xf32, #tpu.memory_space<vmem_shared>> -> memref<64x128xf32, #tpu.memory_space<vmem_shared>>
      tpu.wait_dma2 semaphore(%run_scoped3A : memref<!tpu.dma_semaphore, #tpu.memory_space<semaphore_mem>>) src(%dma_wait3A_129 : memref<64x128xf32, #tpu.memory_space<vmem_shared>>) dst(%arg9 : memref<64x128xf32, #tpu.memory_space<vmem>>)
      tpu.yield
    }) : () -> ()
    %mul3A_72 = arith.constant 640 : i32
    %mul3A_73 = arith.muli %arg1, %mul3A_72 : i32
    %add3A_74 = arith.constant 192 : i32
    %add3A_75 = arith.addi %mul3A_73, %add3A_74 : i32
    "tpu.region"() ({
      %run_scoped3A = tpu.sem_alloc : memref<!tpu.dma_semaphore, #tpu.memory_space<semaphore_mem>>
      %dma_start3A = arith.constant 0 : i32
      %dma_start3A_124 = tpu.memref_slice %arg5[%arg0, %add3A_75, %dma_start3A] : memref<2x10240x128xf32, #tpu.memory_space<hbm>> -> memref<1x64x128xf32, #tpu.memory_space<hbm>>
      %dma_start3A_125 = tpu.memref_squeeze %dma_start3A_124 : memref<1x64x128xf32, #tpu.memory_space<hbm>> -> memref<64x128xf32, #tpu.memory_space<hbm>>
      %dma_start3A_126 = arith.constant 0 : i32
      %dma_start3A_127 = tpu.memref_slice %arg5[%arg0, %add3A_75, %dma_start3A_126] : memref<2x10240x128xf32, #tpu.memory_space<hbm>> -> memref<1x64x128xf32, #tpu.memory_space<hbm>>
      %dma_start3A_128 = tpu.memref_squeeze %dma_start3A_127 : memref<1x64x128xf32, #tpu.memory_space<hbm>> -> memref<64x128xf32, #tpu.memory_space<hbm>>
      tpu.enqueue_dma source(%arg9 : memref<64x128xf32, #tpu.memory_space<vmem>>) target(%dma_start3A_128 : memref<64x128xf32, #tpu.memory_space<hbm>>) target_semaphore(%run_scoped3A : memref<!tpu.dma_semaphore, #tpu.memory_space<semaphore_mem>>)
      %dma_wait3A = arith.constant 0 : i32
      %dma_wait3A_129 = tpu.memref_slice %arg5[%arg0, %add3A_75, %dma_wait3A] : memref<2x10240x128xf32, #tpu.memory_space<hbm>> -> memref<1x64x128xf32, #tpu.memory_space<hbm>>
      %dma_wait3A_130 = tpu.memref_squeeze %dma_wait3A_129 : memref<1x64x128xf32, #tpu.memory_space<hbm>> -> memref<64x128xf32, #tpu.memory_space<hbm>>
      %dma_wait3A_131 = arith.constant 0 : i32
      %dma_wait3A_132 = tpu.memref_slice %arg5[%arg0, %add3A_75, %dma_wait3A_131] : memref<2x10240x128xf32, #tpu.memory_space<hbm>> -> memref<1x64x128xf32, #tpu.memory_space<hbm>>
      %dma_wait3A_133 = tpu.memref_squeeze %dma_wait3A_132 : memref<1x64x128xf32, #tpu.memory_space<hbm>> -> memref<64x128xf32, #tpu.memory_space<hbm>>
      tpu.wait_dma2 semaphore(%run_scoped3A : memref<!tpu.dma_semaphore, #tpu.memory_space<semaphore_mem>>) src(%arg9 : memref<64x128xf32, #tpu.memory_space<vmem>>) dst(%dma_wait3A_133 : memref<64x128xf32, #tpu.memory_space<hbm>>)
      tpu.yield
    }) : () -> ()
    %mul3A_76 = arith.constant 640 : i32
    %mul3A_77 = arith.muli %arg1, %mul3A_76 : i32
    %add3A_78 = arith.constant 256 : i32
    %add3A_79 = arith.addi %mul3A_77, %add3A_78 : i32
    "tpu.region"() ({
      %run_scoped3A = tpu.sem_alloc : memref<!tpu.dma_semaphore, #tpu.memory_space<semaphore_mem>>
      %dma_start3A = arith.constant 0 : i32
      %dma_start3A_124 = tpu.memref_slice %arg12[%add3A_79, %dma_start3A] : memref<10240x128xf32, #tpu.memory_space<vmem_shared>> -> memref<64x128xf32, #tpu.memory_space<vmem_shared>>
      %dma_start3A_125 = arith.constant 0 : i32
      %dma_start3A_126 = tpu.memref_slice %arg12[%add3A_79, %dma_start3A_125] : memref<10240x128xf32, #tpu.memory_space<vmem_shared>> -> memref<64x128xf32, #tpu.memory_space<vmem_shared>>
      tpu.enqueue_dma source(%dma_start3A_126 : memref<64x128xf32, #tpu.memory_space<vmem_shared>>) target(%arg9 : memref<64x128xf32, #tpu.memory_space<vmem>>) target_semaphore(%run_scoped3A : memref<!tpu.dma_semaphore, #tpu.memory_space<semaphore_mem>>)
      %dma_wait3A = arith.constant 0 : i32
      %dma_wait3A_127 = tpu.memref_slice %arg12[%add3A_79, %dma_wait3A] : memref<10240x128xf32, #tpu.memory_space<vmem_shared>> -> memref<64x128xf32, #tpu.memory_space<vmem_shared>>
      %dma_wait3A_128 = arith.constant 0 : i32
      %dma_wait3A_129 = tpu.memref_slice %arg12[%add3A_79, %dma_wait3A_128] : memref<10240x128xf32, #tpu.memory_space<vmem_shared>> -> memref<64x128xf32, #tpu.memory_space<vmem_shared>>
      tpu.wait_dma2 semaphore(%run_scoped3A : memref<!tpu.dma_semaphore, #tpu.memory_space<semaphore_mem>>) src(%dma_wait3A_129 : memref<64x128xf32, #tpu.memory_space<vmem_shared>>) dst(%arg9 : memref<64x128xf32, #tpu.memory_space<vmem>>)
      tpu.yield
    }) : () -> ()
    %mul3A_80 = arith.constant 640 : i32
    %mul3A_81 = arith.muli %arg1, %mul3A_80 : i32
    %add3A_82 = arith.constant 256 : i32
    %add3A_83 = arith.addi %mul3A_81, %add3A_82 : i32
    "tpu.region"() ({
      %run_scoped3A = tpu.sem_alloc : memref<!tpu.dma_semaphore, #tpu.memory_space<semaphore_mem>>
      %dma_start3A = arith.constant 0 : i32
      %dma_start3A_124 = tpu.memref_slice %arg5[%arg0, %add3A_83, %dma_start3A] : memref<2x10240x128xf32, #tpu.memory_space<hbm>> -> memref<1x64x128xf32, #tpu.memory_space<hbm>>
      %dma_start3A_125 = tpu.memref_squeeze %dma_start3A_124 : memref<1x64x128xf32, #tpu.memory_space<hbm>> -> memref<64x128xf32, #tpu.memory_space<hbm>>
      %dma_start3A_126 = arith.constant 0 : i32
      %dma_start3A_127 = tpu.memref_slice %arg5[%arg0, %add3A_83, %dma_start3A_126] : memref<2x10240x128xf32, #tpu.memory_space<hbm>> -> memref<1x64x128xf32, #tpu.memory_space<hbm>>
      %dma_start3A_128 = tpu.memref_squeeze %dma_start3A_127 : memref<1x64x128xf32, #tpu.memory_space<hbm>> -> memref<64x128xf32, #tpu.memory_space<hbm>>
      tpu.enqueue_dma source(%arg9 : memref<64x128xf32, #tpu.memory_space<vmem>>) target(%dma_start3A_128 : memref<64x128xf32, #tpu.memory_space<hbm>>) target_semaphore(%run_scoped3A : memref<!tpu.dma_semaphore, #tpu.memory_space<semaphore_mem>>)
      %dma_wait3A = arith.constant 0 : i32
      %dma_wait3A_129 = tpu.memref_slice %arg5[%arg0, %add3A_83, %dma_wait3A] : memref<2x10240x128xf32, #tpu.memory_space<hbm>> -> memref<1x64x128xf32, #tpu.memory_space<hbm>>
      %dma_wait3A_130 = tpu.memref_squeeze %dma_wait3A_129 : memref<1x64x128xf32, #tpu.memory_space<hbm>> -> memref<64x128xf32, #tpu.memory_space<hbm>>
      %dma_wait3A_131 = arith.constant 0 : i32
      %dma_wait3A_132 = tpu.memref_slice %arg5[%arg0, %add3A_83, %dma_wait3A_131] : memref<2x10240x128xf32, #tpu.memory_space<hbm>> -> memref<1x64x128xf32, #tpu.memory_space<hbm>>
      %dma_wait3A_133 = tpu.memref_squeeze %dma_wait3A_132 : memref<1x64x128xf32, #tpu.memory_space<hbm>> -> memref<64x128xf32, #tpu.memory_space<hbm>>
      tpu.wait_dma2 semaphore(%run_scoped3A : memref<!tpu.dma_semaphore, #tpu.memory_space<semaphore_mem>>) src(%arg9 : memref<64x128xf32, #tpu.memory_space<vmem>>) dst(%dma_wait3A_133 : memref<64x128xf32, #tpu.memory_space<hbm>>)
      tpu.yield
    }) : () -> ()
    %mul3A_84 = arith.constant 640 : i32
    %mul3A_85 = arith.muli %arg1, %mul3A_84 : i32
    %add3A_86 = arith.constant 320 : i32
    %add3A_87 = arith.addi %mul3A_85, %add3A_86 : i32
    "tpu.region"() ({
      %run_scoped3A = tpu.sem_alloc : memref<!tpu.dma_semaphore, #tpu.memory_space<semaphore_mem>>
      %dma_start3A = arith.constant 0 : i32
      %dma_start3A_124 = tpu.memref_slice %arg12[%add3A_87, %dma_start3A] : memref<10240x128xf32, #tpu.memory_space<vmem_shared>> -> memref<64x128xf32, #tpu.memory_space<vmem_shared>>
      %dma_start3A_125 = arith.constant 0 : i32
      %dma_start3A_126 = tpu.memref_slice %arg12[%add3A_87, %dma_start3A_125] : memref<10240x128xf32, #tpu.memory_space<vmem_shared>> -> memref<64x128xf32, #tpu.memory_space<vmem_shared>>
      tpu.enqueue_dma source(%dma_start3A_126 : memref<64x128xf32, #tpu.memory_space<vmem_shared>>) target(%arg9 : memref<64x128xf32, #tpu.memory_space<vmem>>) target_semaphore(%run_scoped3A : memref<!tpu.dma_semaphore, #tpu.memory_space<semaphore_mem>>)
      %dma_wait3A = arith.constant 0 : i32
      %dma_wait3A_127 = tpu.memref_slice %arg12[%add3A_87, %dma_wait3A] : memref<10240x128xf32, #tpu.memory_space<vmem_shared>> -> memref<64x128xf32, #tpu.memory_space<vmem_shared>>
      %dma_wait3A_128 = arith.constant 0 : i32
      %dma_wait3A_129 = tpu.memref_slice %arg12[%add3A_87, %dma_wait3A_128] : memref<10240x128xf32, #tpu.memory_space<vmem_shared>> -> memref<64x128xf32, #tpu.memory_space<vmem_shared>>
      tpu.wait_dma2 semaphore(%run_scoped3A : memref<!tpu.dma_semaphore, #tpu.memory_space<semaphore_mem>>) src(%dma_wait3A_129 : memref<64x128xf32, #tpu.memory_space<vmem_shared>>) dst(%arg9 : memref<64x128xf32, #tpu.memory_space<vmem>>)
      tpu.yield
    }) : () -> ()
    %mul3A_88 = arith.constant 640 : i32
    %mul3A_89 = arith.muli %arg1, %mul3A_88 : i32
    %add3A_90 = arith.constant 320 : i32
    %add3A_91 = arith.addi %mul3A_89, %add3A_90 : i32
    "tpu.region"() ({
      %run_scoped3A = tpu.sem_alloc : memref<!tpu.dma_semaphore, #tpu.memory_space<semaphore_mem>>
      %dma_start3A = arith.constant 0 : i32
      %dma_start3A_124 = tpu.memref_slice %arg5[%arg0, %add3A_91, %dma_start3A] : memref<2x10240x128xf32, #tpu.memory_space<hbm>> -> memref<1x64x128xf32, #tpu.memory_space<hbm>>
      %dma_start3A_125 = tpu.memref_squeeze %dma_start3A_124 : memref<1x64x128xf32, #tpu.memory_space<hbm>> -> memref<64x128xf32, #tpu.memory_space<hbm>>
      %dma_start3A_126 = arith.constant 0 : i32
      %dma_start3A_127 = tpu.memref_slice %arg5[%arg0, %add3A_91, %dma_start3A_126] : memref<2x10240x128xf32, #tpu.memory_space<hbm>> -> memref<1x64x128xf32, #tpu.memory_space<hbm>>
      %dma_start3A_128 = tpu.memref_squeeze %dma_start3A_127 : memref<1x64x128xf32, #tpu.memory_space<hbm>> -> memref<64x128xf32, #tpu.memory_space<hbm>>
      tpu.enqueue_dma source(%arg9 : memref<64x128xf32, #tpu.memory_space<vmem>>) target(%dma_start3A_128 : memref<64x128xf32, #tpu.memory_space<hbm>>) target_semaphore(%run_scoped3A : memref<!tpu.dma_semaphore, #tpu.memory_space<semaphore_mem>>)
      %dma_wait3A = arith.constant 0 : i32
      %dma_wait3A_129 = tpu.memref_slice %arg5[%arg0, %add3A_91, %dma_wait3A] : memref<2x10240x128xf32, #tpu.memory_space<hbm>> -> memref<1x64x128xf32, #tpu.memory_space<hbm>>
      %dma_wait3A_130 = tpu.memref_squeeze %dma_wait3A_129 : memref<1x64x128xf32, #tpu.memory_space<hbm>> -> memref<64x128xf32, #tpu.memory_space<hbm>>
      %dma_wait3A_131 = arith.constant 0 : i32
      %dma_wait3A_132 = tpu.memref_slice %arg5[%arg0, %add3A_91, %dma_wait3A_131] : memref<2x10240x128xf32, #tpu.memory_space<hbm>> -> memref<1x64x128xf32, #tpu.memory_space<hbm>>
      %dma_wait3A_133 = tpu.memref_squeeze %dma_wait3A_132 : memref<1x64x128xf32, #tpu.memory_space<hbm>> -> memref<64x128xf32, #tpu.memory_space<hbm>>
      tpu.wait_dma2 semaphore(%run_scoped3A : memref<!tpu.dma_semaphore, #tpu.memory_space<semaphore_mem>>) src(%arg9 : memref<64x128xf32, #tpu.memory_space<vmem>>) dst(%dma_wait3A_133 : memref<64x128xf32, #tpu.memory_space<hbm>>)
      tpu.yield
    }) : () -> ()
    %mul3A_92 = arith.constant 640 : i32
    %mul3A_93 = arith.muli %arg1, %mul3A_92 : i32
    %add3A_94 = arith.constant 384 : i32
    %add3A_95 = arith.addi %mul3A_93, %add3A_94 : i32
    "tpu.region"() ({
      %run_scoped3A = tpu.sem_alloc : memref<!tpu.dma_semaphore, #tpu.memory_space<semaphore_mem>>
      %dma_start3A = arith.constant 0 : i32
      %dma_start3A_124 = tpu.memref_slice %arg12[%add3A_95, %dma_start3A] : memref<10240x128xf32, #tpu.memory_space<vmem_shared>> -> memref<64x128xf32, #tpu.memory_space<vmem_shared>>
      %dma_start3A_125 = arith.constant 0 : i32
      %dma_start3A_126 = tpu.memref_slice %arg12[%add3A_95, %dma_start3A_125] : memref<10240x128xf32, #tpu.memory_space<vmem_shared>> -> memref<64x128xf32, #tpu.memory_space<vmem_shared>>
      tpu.enqueue_dma source(%dma_start3A_126 : memref<64x128xf32, #tpu.memory_space<vmem_shared>>) target(%arg9 : memref<64x128xf32, #tpu.memory_space<vmem>>) target_semaphore(%run_scoped3A : memref<!tpu.dma_semaphore, #tpu.memory_space<semaphore_mem>>)
      %dma_wait3A = arith.constant 0 : i32
      %dma_wait3A_127 = tpu.memref_slice %arg12[%add3A_95, %dma_wait3A] : memref<10240x128xf32, #tpu.memory_space<vmem_shared>> -> memref<64x128xf32, #tpu.memory_space<vmem_shared>>
      %dma_wait3A_128 = arith.constant 0 : i32
      %dma_wait3A_129 = tpu.memref_slice %arg12[%add3A_95, %dma_wait3A_128] : memref<10240x128xf32, #tpu.memory_space<vmem_shared>> -> memref<64x128xf32, #tpu.memory_space<vmem_shared>>
      tpu.wait_dma2 semaphore(%run_scoped3A : memref<!tpu.dma_semaphore, #tpu.memory_space<semaphore_mem>>) src(%dma_wait3A_129 : memref<64x128xf32, #tpu.memory_space<vmem_shared>>) dst(%arg9 : memref<64x128xf32, #tpu.memory_space<vmem>>)
      tpu.yield
    }) : () -> ()
    %mul3A_96 = arith.constant 640 : i32
    %mul3A_97 = arith.muli %arg1, %mul3A_96 : i32
    %add3A_98 = arith.constant 384 : i32
    %add3A_99 = arith.addi %mul3A_97, %add3A_98 : i32
    "tpu.region"() ({
      %run_scoped3A = tpu.sem_alloc : memref<!tpu.dma_semaphore, #tpu.memory_space<semaphore_mem>>
      %dma_start3A = arith.constant 0 : i32
      %dma_start3A_124 = tpu.memref_slice %arg5[%arg0, %add3A_99, %dma_start3A] : memref<2x10240x128xf32, #tpu.memory_space<hbm>> -> memref<1x64x128xf32, #tpu.memory_space<hbm>>
      %dma_start3A_125 = tpu.memref_squeeze %dma_start3A_124 : memref<1x64x128xf32, #tpu.memory_space<hbm>> -> memref<64x128xf32, #tpu.memory_space<hbm>>
      %dma_start3A_126 = arith.constant 0 : i32
      %dma_start3A_127 = tpu.memref_slice %arg5[%arg0, %add3A_99, %dma_start3A_126] : memref<2x10240x128xf32, #tpu.memory_space<hbm>> -> memref<1x64x128xf32, #tpu.memory_space<hbm>>
      %dma_start3A_128 = tpu.memref_squeeze %dma_start3A_127 : memref<1x64x128xf32, #tpu.memory_space<hbm>> -> memref<64x128xf32, #tpu.memory_space<hbm>>
      tpu.enqueue_dma source(%arg9 : memref<64x128xf32, #tpu.memory_space<vmem>>) target(%dma_start3A_128 : memref<64x128xf32, #tpu.memory_space<hbm>>) target_semaphore(%run_scoped3A : memref<!tpu.dma_semaphore, #tpu.memory_space<semaphore_mem>>)
      %dma_wait3A = arith.constant 0 : i32
      %dma_wait3A_129 = tpu.memref_slice %arg5[%arg0, %add3A_99, %dma_wait3A] : memref<2x10240x128xf32, #tpu.memory_space<hbm>> -> memref<1x64x128xf32, #tpu.memory_space<hbm>>
      %dma_wait3A_130 = tpu.memref_squeeze %dma_wait3A_129 : memref<1x64x128xf32, #tpu.memory_space<hbm>> -> memref<64x128xf32, #tpu.memory_space<hbm>>
      %dma_wait3A_131 = arith.constant 0 : i32
      %dma_wait3A_132 = tpu.memref_slice %arg5[%arg0, %add3A_99, %dma_wait3A_131] : memref<2x10240x128xf32, #tpu.memory_space<hbm>> -> memref<1x64x128xf32, #tpu.memory_space<hbm>>
      %dma_wait3A_133 = tpu.memref_squeeze %dma_wait3A_132 : memref<1x64x128xf32, #tpu.memory_space<hbm>> -> memref<64x128xf32, #tpu.memory_space<hbm>>
      tpu.wait_dma2 semaphore(%run_scoped3A : memref<!tpu.dma_semaphore, #tpu.memory_space<semaphore_mem>>) src(%arg9 : memref<64x128xf32, #tpu.memory_space<vmem>>) dst(%dma_wait3A_133 : memref<64x128xf32, #tpu.memory_space<hbm>>)
      tpu.yield
    }) : () -> ()
    %mul3A_100 = arith.constant 640 : i32
    %mul3A_101 = arith.muli %arg1, %mul3A_100 : i32
    %add3A_102 = arith.constant 448 : i32
    %add3A_103 = arith.addi %mul3A_101, %add3A_102 : i32
    "tpu.region"() ({
      %run_scoped3A = tpu.sem_alloc : memref<!tpu.dma_semaphore, #tpu.memory_space<semaphore_mem>>
      %dma_start3A = arith.constant 0 : i32
      %dma_start3A_124 = tpu.memref_slice %arg12[%add3A_103, %dma_start3A] : memref<10240x128xf32, #tpu.memory_space<vmem_shared>> -> memref<64x128xf32, #tpu.memory_space<vmem_shared>>
      %dma_start3A_125 = arith.constant 0 : i32
      %dma_start3A_126 = tpu.memref_slice %arg12[%add3A_103, %dma_start3A_125] : memref<10240x128xf32, #tpu.memory_space<vmem_shared>> -> memref<64x128xf32, #tpu.memory_space<vmem_shared>>
      tpu.enqueue_dma source(%dma_start3A_126 : memref<64x128xf32, #tpu.memory_space<vmem_shared>>) target(%arg9 : memref<64x128xf32, #tpu.memory_space<vmem>>) target_semaphore(%run_scoped3A : memref<!tpu.dma_semaphore, #tpu.memory_space<semaphore_mem>>)
      %dma_wait3A = arith.constant 0 : i32
      %dma_wait3A_127 = tpu.memref_slice %arg12[%add3A_103, %dma_wait3A] : memref<10240x128xf32, #tpu.memory_space<vmem_shared>> -> memref<64x128xf32, #tpu.memory_space<vmem_shared>>
      %dma_wait3A_128 = arith.constant 0 : i32
      %dma_wait3A_129 = tpu.memref_slice %arg12[%add3A_103, %dma_wait3A_128] : memref<10240x128xf32, #tpu.memory_space<vmem_shared>> -> memref<64x128xf32, #tpu.memory_space<vmem_shared>>
      tpu.wait_dma2 semaphore(%run_scoped3A : memref<!tpu.dma_semaphore, #tpu.memory_space<semaphore_mem>>) src(%dma_wait3A_129 : memref<64x128xf32, #tpu.memory_space<vmem_shared>>) dst(%arg9 : memref<64x128xf32, #tpu.memory_space<vmem>>)
      tpu.yield
    }) : () -> ()
    %mul3A_104 = arith.constant 640 : i32
    %mul3A_105 = arith.muli %arg1, %mul3A_104 : i32
    %add3A_106 = arith.constant 448 : i32
    %add3A_107 = arith.addi %mul3A_105, %add3A_106 : i32
    "tpu.region"() ({
      %run_scoped3A = tpu.sem_alloc : memref<!tpu.dma_semaphore, #tpu.memory_space<semaphore_mem>>
      %dma_start3A = arith.constant 0 : i32
      %dma_start3A_124 = tpu.memref_slice %arg5[%arg0, %add3A_107, %dma_start3A] : memref<2x10240x128xf32, #tpu.memory_space<hbm>> -> memref<1x64x128xf32, #tpu.memory_space<hbm>>
      %dma_start3A_125 = tpu.memref_squeeze %dma_start3A_124 : memref<1x64x128xf32, #tpu.memory_space<hbm>> -> memref<64x128xf32, #tpu.memory_space<hbm>>
      %dma_start3A_126 = arith.constant 0 : i32
      %dma_start3A_127 = tpu.memref_slice %arg5[%arg0, %add3A_107, %dma_start3A_126] : memref<2x10240x128xf32, #tpu.memory_space<hbm>> -> memref<1x64x128xf32, #tpu.memory_space<hbm>>
      %dma_start3A_128 = tpu.memref_squeeze %dma_start3A_127 : memref<1x64x128xf32, #tpu.memory_space<hbm>> -> memref<64x128xf32, #tpu.memory_space<hbm>>
      tpu.enqueue_dma source(%arg9 : memref<64x128xf32, #tpu.memory_space<vmem>>) target(%dma_start3A_128 : memref<64x128xf32, #tpu.memory_space<hbm>>) target_semaphore(%run_scoped3A : memref<!tpu.dma_semaphore, #tpu.memory_space<semaphore_mem>>)
      %dma_wait3A = arith.constant 0 : i32
      %dma_wait3A_129 = tpu.memref_slice %arg5[%arg0, %add3A_107, %dma_wait3A] : memref<2x10240x128xf32, #tpu.memory_space<hbm>> -> memref<1x64x128xf32, #tpu.memory_space<hbm>>
      %dma_wait3A_130 = tpu.memref_squeeze %dma_wait3A_129 : memref<1x64x128xf32, #tpu.memory_space<hbm>> -> memref<64x128xf32, #tpu.memory_space<hbm>>
      %dma_wait3A_131 = arith.constant 0 : i32
      %dma_wait3A_132 = tpu.memref_slice %arg5[%arg0, %add3A_107, %dma_wait3A_131] : memref<2x10240x128xf32, #tpu.memory_space<hbm>> -> memref<1x64x128xf32, #tpu.memory_space<hbm>>
      %dma_wait3A_133 = tpu.memref_squeeze %dma_wait3A_132 : memref<1x64x128xf32, #tpu.memory_space<hbm>> -> memref<64x128xf32, #tpu.memory_space<hbm>>
      tpu.wait_dma2 semaphore(%run_scoped3A : memref<!tpu.dma_semaphore, #tpu.memory_space<semaphore_mem>>) src(%arg9 : memref<64x128xf32, #tpu.memory_space<vmem>>) dst(%dma_wait3A_133 : memref<64x128xf32, #tpu.memory_space<hbm>>)
      tpu.yield
    }) : () -> ()
    %mul3A_108 = arith.constant 640 : i32
    %mul3A_109 = arith.muli %arg1, %mul3A_108 : i32
    %add3A_110 = arith.constant 512 : i32
    %add3A_111 = arith.addi %mul3A_109, %add3A_110 : i32
    "tpu.region"() ({
      %run_scoped3A = tpu.sem_alloc : memref<!tpu.dma_semaphore, #tpu.memory_space<semaphore_mem>>
      %dma_start3A = arith.constant 0 : i32
      %dma_start3A_124 = tpu.memref_slice %arg12[%add3A_111, %dma_start3A] : memref<10240x128xf32, #tpu.memory_space<vmem_shared>> -> memref<64x128xf32, #tpu.memory_space<vmem_shared>>
      %dma_start3A_125 = arith.constant 0 : i32
      %dma_start3A_126 = tpu.memref_slice %arg12[%add3A_111, %dma_start3A_125] : memref<10240x128xf32, #tpu.memory_space<vmem_shared>> -> memref<64x128xf32, #tpu.memory_space<vmem_shared>>
      tpu.enqueue_dma source(%dma_start3A_126 : memref<64x128xf32, #tpu.memory_space<vmem_shared>>) target(%arg9 : memref<64x128xf32, #tpu.memory_space<vmem>>) target_semaphore(%run_scoped3A : memref<!tpu.dma_semaphore, #tpu.memory_space<semaphore_mem>>)
      %dma_wait3A = arith.constant 0 : i32
      %dma_wait3A_127 = tpu.memref_slice %arg12[%add3A_111, %dma_wait3A] : memref<10240x128xf32, #tpu.memory_space<vmem_shared>> -> memref<64x128xf32, #tpu.memory_space<vmem_shared>>
      %dma_wait3A_128 = arith.constant 0 : i32
      %dma_wait3A_129 = tpu.memref_slice %arg12[%add3A_111, %dma_wait3A_128] : memref<10240x128xf32, #tpu.memory_space<vmem_shared>> -> memref<64x128xf32, #tpu.memory_space<vmem_shared>>
      tpu.wait_dma2 semaphore(%run_scoped3A : memref<!tpu.dma_semaphore, #tpu.memory_space<semaphore_mem>>) src(%dma_wait3A_129 : memref<64x128xf32, #tpu.memory_space<vmem_shared>>) dst(%arg9 : memref<64x128xf32, #tpu.memory_space<vmem>>)
      tpu.yield
    }) : () -> ()
    %mul3A_112 = arith.constant 640 : i32
    %mul3A_113 = arith.muli %arg1, %mul3A_112 : i32
    %add3A_114 = arith.constant 512 : i32
    %add3A_115 = arith.addi %mul3A_113, %add3A_114 : i32
    "tpu.region"() ({
      %run_scoped3A = tpu.sem_alloc : memref<!tpu.dma_semaphore, #tpu.memory_space<semaphore_mem>>
      %dma_start3A = arith.constant 0 : i32
      %dma_start3A_124 = tpu.memref_slice %arg5[%arg0, %add3A_115, %dma_start3A] : memref<2x10240x128xf32, #tpu.memory_space<hbm>> -> memref<1x64x128xf32, #tpu.memory_space<hbm>>
      %dma_start3A_125 = tpu.memref_squeeze %dma_start3A_124 : memref<1x64x128xf32, #tpu.memory_space<hbm>> -> memref<64x128xf32, #tpu.memory_space<hbm>>
      %dma_start3A_126 = arith.constant 0 : i32
      %dma_start3A_127 = tpu.memref_slice %arg5[%arg0, %add3A_115, %dma_start3A_126] : memref<2x10240x128xf32, #tpu.memory_space<hbm>> -> memref<1x64x128xf32, #tpu.memory_space<hbm>>
      %dma_start3A_128 = tpu.memref_squeeze %dma_start3A_127 : memref<1x64x128xf32, #tpu.memory_space<hbm>> -> memref<64x128xf32, #tpu.memory_space<hbm>>
      tpu.enqueue_dma source(%arg9 : memref<64x128xf32, #tpu.memory_space<vmem>>) target(%dma_start3A_128 : memref<64x128xf32, #tpu.memory_space<hbm>>) target_semaphore(%run_scoped3A : memref<!tpu.dma_semaphore, #tpu.memory_space<semaphore_mem>>)
      %dma_wait3A = arith.constant 0 : i32
      %dma_wait3A_129 = tpu.memref_slice %arg5[%arg0, %add3A_115, %dma_wait3A] : memref<2x10240x128xf32, #tpu.memory_space<hbm>> -> memref<1x64x128xf32, #tpu.memory_space<hbm>>
      %dma_wait3A_130 = tpu.memref_squeeze %dma_wait3A_129 : memref<1x64x128xf32, #tpu.memory_space<hbm>> -> memref<64x128xf32, #tpu.memory_space<hbm>>
      %dma_wait3A_131 = arith.constant 0 : i32
      %dma_wait3A_132 = tpu.memref_slice %arg5[%arg0, %add3A_115, %dma_wait3A_131] : memref<2x10240x128xf32, #tpu.memory_space<hbm>> -> memref<1x64x128xf32, #tpu.memory_space<hbm>>
      %dma_wait3A_133 = tpu.memref_squeeze %dma_wait3A_132 : memref<1x64x128xf32, #tpu.memory_space<hbm>> -> memref<64x128xf32, #tpu.memory_space<hbm>>
      tpu.wait_dma2 semaphore(%run_scoped3A : memref<!tpu.dma_semaphore, #tpu.memory_space<semaphore_mem>>) src(%arg9 : memref<64x128xf32, #tpu.memory_space<vmem>>) dst(%dma_wait3A_133 : memref<64x128xf32, #tpu.memory_space<hbm>>)
      tpu.yield
    }) : () -> ()
    %mul3A_116 = arith.constant 640 : i32
    %mul3A_117 = arith.muli %arg1, %mul3A_116 : i32
    %add3A_118 = arith.constant 576 : i32
    %add3A_119 = arith.addi %mul3A_117, %add3A_118 : i32
    "tpu.region"() ({
      %run_scoped3A = tpu.sem_alloc : memref<!tpu.dma_semaphore, #tpu.memory_space<semaphore_mem>>
      %dma_start3A = arith.constant 0 : i32
      %dma_start3A_124 = tpu.memref_slice %arg12[%add3A_119, %dma_start3A] : memref<10240x128xf32, #tpu.memory_space<vmem_shared>> -> memref<64x128xf32, #tpu.memory_space<vmem_shared>>
      %dma_start3A_125 = arith.constant 0 : i32
      %dma_start3A_126 = tpu.memref_slice %arg12[%add3A_119, %dma_start3A_125] : memref<10240x128xf32, #tpu.memory_space<vmem_shared>> -> memref<64x128xf32, #tpu.memory_space<vmem_shared>>
      tpu.enqueue_dma source(%dma_start3A_126 : memref<64x128xf32, #tpu.memory_space<vmem_shared>>) target(%arg9 : memref<64x128xf32, #tpu.memory_space<vmem>>) target_semaphore(%run_scoped3A : memref<!tpu.dma_semaphore, #tpu.memory_space<semaphore_mem>>)
      %dma_wait3A = arith.constant 0 : i32
      %dma_wait3A_127 = tpu.memref_slice %arg12[%add3A_119, %dma_wait3A] : memref<10240x128xf32, #tpu.memory_space<vmem_shared>> -> memref<64x128xf32, #tpu.memory_space<vmem_shared>>
      %dma_wait3A_128 = arith.constant 0 : i32
      %dma_wait3A_129 = tpu.memref_slice %arg12[%add3A_119, %dma_wait3A_128] : memref<10240x128xf32, #tpu.memory_space<vmem_shared>> -> memref<64x128xf32, #tpu.memory_space<vmem_shared>>
      tpu.wait_dma2 semaphore(%run_scoped3A : memref<!tpu.dma_semaphore, #tpu.memory_space<semaphore_mem>>) src(%dma_wait3A_129 : memref<64x128xf32, #tpu.memory_space<vmem_shared>>) dst(%arg9 : memref<64x128xf32, #tpu.memory_space<vmem>>)
      tpu.yield
    }) : () -> ()
    %mul3A_120 = arith.constant 640 : i32
    %mul3A_121 = arith.muli %arg1, %mul3A_120 : i32
    %add3A_122 = arith.constant 576 : i32
    %add3A_123 = arith.addi %mul3A_121, %add3A_122 : i32
    "tpu.region"() ({
      %run_scoped3A = tpu.sem_alloc : memref<!tpu.dma_semaphore, #tpu.memory_space<semaphore_mem>>
      %dma_start3A = arith.constant 0 : i32
      %dma_start3A_124 = tpu.memref_slice %arg5[%arg0, %add3A_123, %dma_start3A] : memref<2x10240x128xf32, #tpu.memory_space<hbm>> -> memref<1x64x128xf32, #tpu.memory_space<hbm>>
      %dma_start3A_125 = tpu.memref_squeeze %dma_start3A_124 : memref<1x64x128xf32, #tpu.memory_space<hbm>> -> memref<64x128xf32, #tpu.memory_space<hbm>>
      %dma_start3A_126 = arith.constant 0 : i32
      %dma_start3A_127 = tpu.memref_slice %arg5[%arg0, %add3A_123, %dma_start3A_126] : memref<2x10240x128xf32, #tpu.memory_space<hbm>> -> memref<1x64x128xf32, #tpu.memory_space<hbm>>
      %dma_start3A_128 = tpu.memref_squeeze %dma_start3A_127 : memref<1x64x128xf32, #tpu.memory_space<hbm>> -> memref<64x128xf32, #tpu.memory_space<hbm>>
      tpu.enqueue_dma source(%arg9 : memref<64x128xf32, #tpu.memory_space<vmem>>) target(%dma_start3A_128 : memref<64x128xf32, #tpu.memory_space<hbm>>) target_semaphore(%run_scoped3A : memref<!tpu.dma_semaphore, #tpu.memory_space<semaphore_mem>>)
      %dma_wait3A = arith.constant 0 : i32
      %dma_wait3A_129 = tpu.memref_slice %arg5[%arg0, %add3A_123, %dma_wait3A] : memref<2x10240x128xf32, #tpu.memory_space<hbm>> -> memref<1x64x128xf32, #tpu.memory_space<hbm>>
      %dma_wait3A_130 = tpu.memref_squeeze %dma_wait3A_129 : memref<1x64x128xf32, #tpu.memory_space<hbm>> -> memref<64x128xf32, #tpu.memory_space<hbm>>
      %dma_wait3A_131 = arith.constant 0 : i32
      %dma_wait3A_132 = tpu.memref_slice %arg5[%arg0, %add3A_123, %dma_wait3A_131] : memref<2x10240x128xf32, #tpu.memory_space<hbm>> -> memref<1x64x128xf32, #tpu.memory_space<hbm>>
      %dma_wait3A_133 = tpu.memref_squeeze %dma_wait3A_132 : memref<1x64x128xf32, #tpu.memory_space<hbm>> -> memref<64x128xf32, #tpu.memory_space<hbm>>
      tpu.wait_dma2 semaphore(%run_scoped3A : memref<!tpu.dma_semaphore, #tpu.memory_space<semaphore_mem>>) src(%arg9 : memref<64x128xf32, #tpu.memory_space<vmem>>) dst(%dma_wait3A_133 : memref<64x128xf32, #tpu.memory_space<hbm>>)
      tpu.yield
    }) : () -> ()
    return
  }
}

#map = affine_map<(d0, d1) -> (0, 0)>
#map1 = affine_map<(d0, d1) -> (0, 0, 0, 0)>
#map2 = affine_map<(d0, d1) -> (0, 0, 0)>
module attributes {stable_mosaic.version = 14 : i64} {
  func.func @scat(%arg0: i32, %arg1: i32, %arg2: memref<10240x128xf32, #tpu.memory_space<hbm>>, %arg3: memref<2x16x160x64xi32, #tpu.memory_space<hbm>>, %arg4: memref<64x128xf32, #tpu.memory_space<hbm>>, %arg5: memref<2x10240x128xf32, #tpu.memory_space<hbm>>, %arg6: memref<32x64xi32, #tpu.memory_space<vmem>>, %arg7: memref<4x64xi32, #tpu.memory_space<vmem>>, %arg8: memref<4x64xi32, #tpu.memory_space<vmem>>, %arg9: memref<64x128xf32, #tpu.memory_space<vmem>>, %arg10: memref<64x128xf32, #tpu.memory_space<vmem>>, %arg11: memref<64x128xf32, #tpu.memory_space<vmem>>, %arg12: memref<10240x128xf32, #tpu.memory_space<vmem_shared>>, %arg13: memref<!tpu.dma_semaphore, #tpu.memory_space<semaphore_mem>>, %arg14: memref<!tpu.dma_semaphore, #tpu.memory_space<semaphore_mem>>, %arg15: memref<!tpu.dma_semaphore, #tpu.memory_space<semaphore_mem>>, %arg16: memref<!tpu.dma_semaphore, #tpu.memory_space<semaphore_mem>>, %arg17: memref<!tpu.dma_semaphore, #tpu.memory_space<semaphore_mem>>, %arg18: memref<!tpu.dma_semaphore, #tpu.memory_space<semaphore_mem>>) attributes {dimension_semantics = [#tpu.dimension_semantics<core_parallel>, #tpu.dimension_semantics<subcore_parallel>], iteration_bounds = array<i64: 2, 16>, scalar_prefetch = 0 : i64, scratch_operands = 13 : i64, tpu.core_type = #tpu.core_type<sc_vector_subcore>, window_params = [{transform_indices = #map}, {transform_indices = #map1}, {transform_indices = #map}, {transform_indices = #map2}]} {
    "tpu.region"() ({
      %run_scoped3A = tpu.sem_alloc : memref<!tpu.dma_semaphore, #tpu.memory_space<semaphore_mem>>
      tpu.enqueue_dma source(%arg4 : memref<64x128xf32, #tpu.memory_space<hbm>>) target(%arg9 : memref<64x128xf32, #tpu.memory_space<vmem>>) target_semaphore(%run_scoped3A : memref<!tpu.dma_semaphore, #tpu.memory_space<semaphore_mem>>)
      tpu.wait_dma2 semaphore(%run_scoped3A : memref<!tpu.dma_semaphore, #tpu.memory_space<semaphore_mem>>) src(%arg4 : memref<64x128xf32, #tpu.memory_space<hbm>>) dst(%arg9 : memref<64x128xf32, #tpu.memory_space<vmem>>)
      tpu.yield
    }) : () -> ()
    %mul3A = arith.constant 640 : i32
    %mul3A_0 = arith.muli %arg1, %mul3A : i32
    %add3A = arith.constant 0 : i32
    %add3A_1 = arith.addi %mul3A_0, %add3A : i32
    "tpu.region"() ({
      %run_scoped3A = tpu.sem_alloc : memref<!tpu.dma_semaphore, #tpu.memory_space<semaphore_mem>>
      %dma_start3A = arith.constant 0 : i32
      %dma_start3A_124 = tpu.memref_slice %arg12[%add3A_1, %dma_start3A] : memref<10240x128xf32, #tpu.memory_space<vmem_shared>> -> memref<64x128xf32, #tpu.memory_space<vmem_shared>>
      %dma_start3A_125 = arith.constant 0 : i32
      %dma_start3A_126 = tpu.memref_slice %arg12[%add3A_1, %dma_start3A_125] : memref<10240x128xf32, #tpu.memory_space<vmem_shared>> -> memref<64x128xf32, #tpu.memory_space<vmem_shared>>
      tpu.enqueue_dma source(%arg9 : memref<64x128xf32, #tpu.memory_space<vmem>>) target(%dma_start3A_126 : memref<64x128xf32, #tpu.memory_space<vmem_shared>>) target_semaphore(%run_scoped3A : memref<!tpu.dma_semaphore, #tpu.memory_space<semaphore_mem>>)
      %dma_wait3A = arith.constant 0 : i32
      %dma_wait3A_127 = tpu.memref_slice %arg12[%add3A_1, %dma_wait3A] : memref<10240x128xf32, #tpu.memory_space<vmem_shared>> -> memref<64x128xf32, #tpu.memory_space<vmem_shared>>
      %dma_wait3A_128 = arith.constant 0 : i32
      %dma_wait3A_129 = tpu.memref_slice %arg12[%add3A_1, %dma_wait3A_128] : memref<10240x128xf32, #tpu.memory_space<vmem_shared>> -> memref<64x128xf32, #tpu.memory_space<vmem_shared>>
      tpu.wait_dma2 semaphore(%run_scoped3A : memref<!tpu.dma_semaphore, #tpu.memory_space<semaphore_mem>>) src(%arg9 : memref<64x128xf32, #tpu.memory_space<vmem>>) dst(%dma_wait3A_129 : memref<64x128xf32, #tpu.memory_space<vmem_shared>>)
      tpu.yield
    }) : () -> ()
    %mul3A_2 = arith.constant 640 : i32
    %mul3A_3 = arith.muli %arg1, %mul3A_2 : i32
    %add3A_4 = arith.constant 64 : i32
    %add3A_5 = arith.addi %mul3A_3, %add3A_4 : i32
    "tpu.region"() ({
      %run_scoped3A = tpu.sem_alloc : memref<!tpu.dma_semaphore, #tpu.memory_space<semaphore_mem>>
      %dma_start3A = arith.constant 0 : i32
      %dma_start3A_124 = tpu.memref_slice %arg12[%add3A_5, %dma_start3A] : memref<10240x128xf32, #tpu.memory_space<vmem_shared>> -> memref<64x128xf32, #tpu.memory_space<vmem_shared>>
      %dma_start3A_125 = arith.constant 0 : i32
      %dma_start3A_126 = tpu.memref_slice %arg12[%add3A_5, %dma_start3A_125] : memref<10240x128xf32, #tpu.memory_space<vmem_shared>> -> memref<64x128xf32, #tpu.memory_space<vmem_shared>>
      tpu.enqueue_dma source(%arg9 : memref<64x128xf32, #tpu.memory_space<vmem>>) target(%dma_start3A_126 : memref<64x128xf32, #tpu.memory_space<vmem_shared>>) target_semaphore(%run_scoped3A : memref<!tpu.dma_semaphore, #tpu.memory_space<semaphore_mem>>)
      %dma_wait3A = arith.constant 0 : i32
      %dma_wait3A_127 = tpu.memref_slice %arg12[%add3A_5, %dma_wait3A] : memref<10240x128xf32, #tpu.memory_space<vmem_shared>> -> memref<64x128xf32, #tpu.memory_space<vmem_shared>>
      %dma_wait3A_128 = arith.constant 0 : i32
      %dma_wait3A_129 = tpu.memref_slice %arg12[%add3A_5, %dma_wait3A_128] : memref<10240x128xf32, #tpu.memory_space<vmem_shared>> -> memref<64x128xf32, #tpu.memory_space<vmem_shared>>
      tpu.wait_dma2 semaphore(%run_scoped3A : memref<!tpu.dma_semaphore, #tpu.memory_space<semaphore_mem>>) src(%arg9 : memref<64x128xf32, #tpu.memory_space<vmem>>) dst(%dma_wait3A_129 : memref<64x128xf32, #tpu.memory_space<vmem_shared>>)
      tpu.yield
    }) : () -> ()
    %mul3A_6 = arith.constant 640 : i32
    %mul3A_7 = arith.muli %arg1, %mul3A_6 : i32
    %add3A_8 = arith.constant 128 : i32
    %add3A_9 = arith.addi %mul3A_7, %add3A_8 : i32
    "tpu.region"() ({
      %run_scoped3A = tpu.sem_alloc : memref<!tpu.dma_semaphore, #tpu.memory_space<semaphore_mem>>
      %dma_start3A = arith.constant 0 : i32
      %dma_start3A_124 = tpu.memref_slice %arg12[%add3A_9, %dma_start3A] : memref<10240x128xf32, #tpu.memory_space<vmem_shared>> -> memref<64x128xf32, #tpu.memory_space<vmem_shared>>
      %dma_start3A_125 = arith.constant 0 : i32
      %dma_start3A_126 = tpu.memref_slice %arg12[%add3A_9, %dma_start3A_125] : memref<10240x128xf32, #tpu.memory_space<vmem_shared>> -> memref<64x128xf32, #tpu.memory_space<vmem_shared>>
      tpu.enqueue_dma source(%arg9 : memref<64x128xf32, #tpu.memory_space<vmem>>) target(%dma_start3A_126 : memref<64x128xf32, #tpu.memory_space<vmem_shared>>) target_semaphore(%run_scoped3A : memref<!tpu.dma_semaphore, #tpu.memory_space<semaphore_mem>>)
      %dma_wait3A = arith.constant 0 : i32
      %dma_wait3A_127 = tpu.memref_slice %arg12[%add3A_9, %dma_wait3A] : memref<10240x128xf32, #tpu.memory_space<vmem_shared>> -> memref<64x128xf32, #tpu.memory_space<vmem_shared>>
      %dma_wait3A_128 = arith.constant 0 : i32
      %dma_wait3A_129 = tpu.memref_slice %arg12[%add3A_9, %dma_wait3A_128] : memref<10240x128xf32, #tpu.memory_space<vmem_shared>> -> memref<64x128xf32, #tpu.memory_space<vmem_shared>>
      tpu.wait_dma2 semaphore(%run_scoped3A : memref<!tpu.dma_semaphore, #tpu.memory_space<semaphore_mem>>) src(%arg9 : memref<64x128xf32, #tpu.memory_space<vmem>>) dst(%dma_wait3A_129 : memref<64x128xf32, #tpu.memory_space<vmem_shared>>)
      tpu.yield
    }) : () -> ()
    %mul3A_10 = arith.constant 640 : i32
    %mul3A_11 = arith.muli %arg1, %mul3A_10 : i32
    %add3A_12 = arith.constant 192 : i32
    %add3A_13 = arith.addi %mul3A_11, %add3A_12 : i32
    "tpu.region"() ({
      %run_scoped3A = tpu.sem_alloc : memref<!tpu.dma_semaphore, #tpu.memory_space<semaphore_mem>>
      %dma_start3A = arith.constant 0 : i32
      %dma_start3A_124 = tpu.memref_slice %arg12[%add3A_13, %dma_start3A] : memref<10240x128xf32, #tpu.memory_space<vmem_shared>> -> memref<64x128xf32, #tpu.memory_space<vmem_shared>>
      %dma_start3A_125 = arith.constant 0 : i32
      %dma_start3A_126 = tpu.memref_slice %arg12[%add3A_13, %dma_start3A_125] : memref<10240x128xf32, #tpu.memory_space<vmem_shared>> -> memref<64x128xf32, #tpu.memory_space<vmem_shared>>
      tpu.enqueue_dma source(%arg9 : memref<64x128xf32, #tpu.memory_space<vmem>>) target(%dma_start3A_126 : memref<64x128xf32, #tpu.memory_space<vmem_shared>>) target_semaphore(%run_scoped3A : memref<!tpu.dma_semaphore, #tpu.memory_space<semaphore_mem>>)
      %dma_wait3A = arith.constant 0 : i32
      %dma_wait3A_127 = tpu.memref_slice %arg12[%add3A_13, %dma_wait3A] : memref<10240x128xf32, #tpu.memory_space<vmem_shared>> -> memref<64x128xf32, #tpu.memory_space<vmem_shared>>
      %dma_wait3A_128 = arith.constant 0 : i32
      %dma_wait3A_129 = tpu.memref_slice %arg12[%add3A_13, %dma_wait3A_128] : memref<10240x128xf32, #tpu.memory_space<vmem_shared>> -> memref<64x128xf32, #tpu.memory_space<vmem_shared>>
      tpu.wait_dma2 semaphore(%run_scoped3A : memref<!tpu.dma_semaphore, #tpu.memory_space<semaphore_mem>>) src(%arg9 : memref<64x128xf32, #tpu.memory_space<vmem>>) dst(%dma_wait3A_129 : memref<64x128xf32, #tpu.memory_space<vmem_shared>>)
      tpu.yield
    }) : () -> ()
    %mul3A_14 = arith.constant 640 : i32
    %mul3A_15 = arith.muli %arg1, %mul3A_14 : i32
    %add3A_16 = arith.constant 256 : i32
    %add3A_17 = arith.addi %mul3A_15, %add3A_16 : i32
    "tpu.region"() ({
      %run_scoped3A = tpu.sem_alloc : memref<!tpu.dma_semaphore, #tpu.memory_space<semaphore_mem>>
      %dma_start3A = arith.constant 0 : i32
      %dma_start3A_124 = tpu.memref_slice %arg12[%add3A_17, %dma_start3A] : memref<10240x128xf32, #tpu.memory_space<vmem_shared>> -> memref<64x128xf32, #tpu.memory_space<vmem_shared>>
      %dma_start3A_125 = arith.constant 0 : i32
      %dma_start3A_126 = tpu.memref_slice %arg12[%add3A_17, %dma_start3A_125] : memref<10240x128xf32, #tpu.memory_space<vmem_shared>> -> memref<64x128xf32, #tpu.memory_space<vmem_shared>>
      tpu.enqueue_dma source(%arg9 : memref<64x128xf32, #tpu.memory_space<vmem>>) target(%dma_start3A_126 : memref<64x128xf32, #tpu.memory_space<vmem_shared>>) target_semaphore(%run_scoped3A : memref<!tpu.dma_semaphore, #tpu.memory_space<semaphore_mem>>)
      %dma_wait3A = arith.constant 0 : i32
      %dma_wait3A_127 = tpu.memref_slice %arg12[%add3A_17, %dma_wait3A] : memref<10240x128xf32, #tpu.memory_space<vmem_shared>> -> memref<64x128xf32, #tpu.memory_space<vmem_shared>>
      %dma_wait3A_128 = arith.constant 0 : i32
      %dma_wait3A_129 = tpu.memref_slice %arg12[%add3A_17, %dma_wait3A_128] : memref<10240x128xf32, #tpu.memory_space<vmem_shared>> -> memref<64x128xf32, #tpu.memory_space<vmem_shared>>
      tpu.wait_dma2 semaphore(%run_scoped3A : memref<!tpu.dma_semaphore, #tpu.memory_space<semaphore_mem>>) src(%arg9 : memref<64x128xf32, #tpu.memory_space<vmem>>) dst(%dma_wait3A_129 : memref<64x128xf32, #tpu.memory_space<vmem_shared>>)
      tpu.yield
    }) : () -> ()
    %mul3A_18 = arith.constant 640 : i32
    %mul3A_19 = arith.muli %arg1, %mul3A_18 : i32
    %add3A_20 = arith.constant 320 : i32
    %add3A_21 = arith.addi %mul3A_19, %add3A_20 : i32
    "tpu.region"() ({
      %run_scoped3A = tpu.sem_alloc : memref<!tpu.dma_semaphore, #tpu.memory_space<semaphore_mem>>
      %dma_start3A = arith.constant 0 : i32
      %dma_start3A_124 = tpu.memref_slice %arg12[%add3A_21, %dma_start3A] : memref<10240x128xf32, #tpu.memory_space<vmem_shared>> -> memref<64x128xf32, #tpu.memory_space<vmem_shared>>
      %dma_start3A_125 = arith.constant 0 : i32
      %dma_start3A_126 = tpu.memref_slice %arg12[%add3A_21, %dma_start3A_125] : memref<10240x128xf32, #tpu.memory_space<vmem_shared>> -> memref<64x128xf32, #tpu.memory_space<vmem_shared>>
      tpu.enqueue_dma source(%arg9 : memref<64x128xf32, #tpu.memory_space<vmem>>) target(%dma_start3A_126 : memref<64x128xf32, #tpu.memory_space<vmem_shared>>) target_semaphore(%run_scoped3A : memref<!tpu.dma_semaphore, #tpu.memory_space<semaphore_mem>>)
      %dma_wait3A = arith.constant 0 : i32
      %dma_wait3A_127 = tpu.memref_slice %arg12[%add3A_21, %dma_wait3A] : memref<10240x128xf32, #tpu.memory_space<vmem_shared>> -> memref<64x128xf32, #tpu.memory_space<vmem_shared>>
      %dma_wait3A_128 = arith.constant 0 : i32
      %dma_wait3A_129 = tpu.memref_slice %arg12[%add3A_21, %dma_wait3A_128] : memref<10240x128xf32, #tpu.memory_space<vmem_shared>> -> memref<64x128xf32, #tpu.memory_space<vmem_shared>>
      tpu.wait_dma2 semaphore(%run_scoped3A : memref<!tpu.dma_semaphore, #tpu.memory_space<semaphore_mem>>) src(%arg9 : memref<64x128xf32, #tpu.memory_space<vmem>>) dst(%dma_wait3A_129 : memref<64x128xf32, #tpu.memory_space<vmem_shared>>)
      tpu.yield
    }) : () -> ()
    %mul3A_22 = arith.constant 640 : i32
    %mul3A_23 = arith.muli %arg1, %mul3A_22 : i32
    %add3A_24 = arith.constant 384 : i32
    %add3A_25 = arith.addi %mul3A_23, %add3A_24 : i32
    "tpu.region"() ({
      %run_scoped3A = tpu.sem_alloc : memref<!tpu.dma_semaphore, #tpu.memory_space<semaphore_mem>>
      %dma_start3A = arith.constant 0 : i32
      %dma_start3A_124 = tpu.memref_slice %arg12[%add3A_25, %dma_start3A] : memref<10240x128xf32, #tpu.memory_space<vmem_shared>> -> memref<64x128xf32, #tpu.memory_space<vmem_shared>>
      %dma_start3A_125 = arith.constant 0 : i32
      %dma_start3A_126 = tpu.memref_slice %arg12[%add3A_25, %dma_start3A_125] : memref<10240x128xf32, #tpu.memory_space<vmem_shared>> -> memref<64x128xf32, #tpu.memory_space<vmem_shared>>
      tpu.enqueue_dma source(%arg9 : memref<64x128xf32, #tpu.memory_space<vmem>>) target(%dma_start3A_126 : memref<64x128xf32, #tpu.memory_space<vmem_shared>>) target_semaphore(%run_scoped3A : memref<!tpu.dma_semaphore, #tpu.memory_space<semaphore_mem>>)
      %dma_wait3A = arith.constant 0 : i32
      %dma_wait3A_127 = tpu.memref_slice %arg12[%add3A_25, %dma_wait3A] : memref<10240x128xf32, #tpu.memory_space<vmem_shared>> -> memref<64x128xf32, #tpu.memory_space<vmem_shared>>
      %dma_wait3A_128 = arith.constant 0 : i32
      %dma_wait3A_129 = tpu.memref_slice %arg12[%add3A_25, %dma_wait3A_128] : memref<10240x128xf32, #tpu.memory_space<vmem_shared>> -> memref<64x128xf32, #tpu.memory_space<vmem_shared>>
      tpu.wait_dma2 semaphore(%run_scoped3A : memref<!tpu.dma_semaphore, #tpu.memory_space<semaphore_mem>>) src(%arg9 : memref<64x128xf32, #tpu.memory_space<vmem>>) dst(%dma_wait3A_129 : memref<64x128xf32, #tpu.memory_space<vmem_shared>>)
      tpu.yield
    }) : () -> ()
    %mul3A_26 = arith.constant 640 : i32
    %mul3A_27 = arith.muli %arg1, %mul3A_26 : i32
    %add3A_28 = arith.constant 448 : i32
    %add3A_29 = arith.addi %mul3A_27, %add3A_28 : i32
    "tpu.region"() ({
      %run_scoped3A = tpu.sem_alloc : memref<!tpu.dma_semaphore, #tpu.memory_space<semaphore_mem>>
      %dma_start3A = arith.constant 0 : i32
      %dma_start3A_124 = tpu.memref_slice %arg12[%add3A_29, %dma_start3A] : memref<10240x128xf32, #tpu.memory_space<vmem_shared>> -> memref<64x128xf32, #tpu.memory_space<vmem_shared>>
      %dma_start3A_125 = arith.constant 0 : i32
      %dma_start3A_126 = tpu.memref_slice %arg12[%add3A_29, %dma_start3A_125] : memref<10240x128xf32, #tpu.memory_space<vmem_shared>> -> memref<64x128xf32, #tpu.memory_space<vmem_shared>>
      tpu.enqueue_dma source(%arg9 : memref<64x128xf32, #tpu.memory_space<vmem>>) target(%dma_start3A_126 : memref<64x128xf32, #tpu.memory_space<vmem_shared>>) target_semaphore(%run_scoped3A : memref<!tpu.dma_semaphore, #tpu.memory_space<semaphore_mem>>)
      %dma_wait3A = arith.constant 0 : i32
      %dma_wait3A_127 = tpu.memref_slice %arg12[%add3A_29, %dma_wait3A] : memref<10240x128xf32, #tpu.memory_space<vmem_shared>> -> memref<64x128xf32, #tpu.memory_space<vmem_shared>>
      %dma_wait3A_128 = arith.constant 0 : i32
      %dma_wait3A_129 = tpu.memref_slice %arg12[%add3A_29, %dma_wait3A_128] : memref<10240x128xf32, #tpu.memory_space<vmem_shared>> -> memref<64x128xf32, #tpu.memory_space<vmem_shared>>
      tpu.wait_dma2 semaphore(%run_scoped3A : memref<!tpu.dma_semaphore, #tpu.memory_space<semaphore_mem>>) src(%arg9 : memref<64x128xf32, #tpu.memory_space<vmem>>) dst(%dma_wait3A_129 : memref<64x128xf32, #tpu.memory_space<vmem_shared>>)
      tpu.yield
    }) : () -> ()
    %mul3A_30 = arith.constant 640 : i32
    %mul3A_31 = arith.muli %arg1, %mul3A_30 : i32
    %add3A_32 = arith.constant 512 : i32
    %add3A_33 = arith.addi %mul3A_31, %add3A_32 : i32
    "tpu.region"() ({
      %run_scoped3A = tpu.sem_alloc : memref<!tpu.dma_semaphore, #tpu.memory_space<semaphore_mem>>
      %dma_start3A = arith.constant 0 : i32
      %dma_start3A_124 = tpu.memref_slice %arg12[%add3A_33, %dma_start3A] : memref<10240x128xf32, #tpu.memory_space<vmem_shared>> -> memref<64x128xf32, #tpu.memory_space<vmem_shared>>
      %dma_start3A_125 = arith.constant 0 : i32
      %dma_start3A_126 = tpu.memref_slice %arg12[%add3A_33, %dma_start3A_125] : memref<10240x128xf32, #tpu.memory_space<vmem_shared>> -> memref<64x128xf32, #tpu.memory_space<vmem_shared>>
      tpu.enqueue_dma source(%arg9 : memref<64x128xf32, #tpu.memory_space<vmem>>) target(%dma_start3A_126 : memref<64x128xf32, #tpu.memory_space<vmem_shared>>) target_semaphore(%run_scoped3A : memref<!tpu.dma_semaphore, #tpu.memory_space<semaphore_mem>>)
      %dma_wait3A = arith.constant 0 : i32
      %dma_wait3A_127 = tpu.memref_slice %arg12[%add3A_33, %dma_wait3A] : memref<10240x128xf32, #tpu.memory_space<vmem_shared>> -> memref<64x128xf32, #tpu.memory_space<vmem_shared>>
      %dma_wait3A_128 = arith.constant 0 : i32
      %dma_wait3A_129 = tpu.memref_slice %arg12[%add3A_33, %dma_wait3A_128] : memref<10240x128xf32, #tpu.memory_space<vmem_shared>> -> memref<64x128xf32, #tpu.memory_space<vmem_shared>>
      tpu.wait_dma2 semaphore(%run_scoped3A : memref<!tpu.dma_semaphore, #tpu.memory_space<semaphore_mem>>) src(%arg9 : memref<64x128xf32, #tpu.memory_space<vmem>>) dst(%dma_wait3A_129 : memref<64x128xf32, #tpu.memory_space<vmem_shared>>)
      tpu.yield
    }) : () -> ()
    %mul3A_34 = arith.constant 640 : i32
    %mul3A_35 = arith.muli %arg1, %mul3A_34 : i32
    %add3A_36 = arith.constant 576 : i32
    %add3A_37 = arith.addi %mul3A_35, %add3A_36 : i32
    "tpu.region"() ({
      %run_scoped3A = tpu.sem_alloc : memref<!tpu.dma_semaphore, #tpu.memory_space<semaphore_mem>>
      %dma_start3A = arith.constant 0 : i32
      %dma_start3A_124 = tpu.memref_slice %arg12[%add3A_37, %dma_start3A] : memref<10240x128xf32, #tpu.memory_space<vmem_shared>> -> memref<64x128xf32, #tpu.memory_space<vmem_shared>>
      %dma_start3A_125 = arith.constant 0 : i32
      %dma_start3A_126 = tpu.memref_slice %arg12[%add3A_37, %dma_start3A_125] : memref<10240x128xf32, #tpu.memory_space<vmem_shared>> -> memref<64x128xf32, #tpu.memory_space<vmem_shared>>
      tpu.enqueue_dma source(%arg9 : memref<64x128xf32, #tpu.memory_space<vmem>>) target(%dma_start3A_126 : memref<64x128xf32, #tpu.memory_space<vmem_shared>>) target_semaphore(%run_scoped3A : memref<!tpu.dma_semaphore, #tpu.memory_space<semaphore_mem>>)
      %dma_wait3A = arith.constant 0 : i32
      %dma_wait3A_127 = tpu.memref_slice %arg12[%add3A_37, %dma_wait3A] : memref<10240x128xf32, #tpu.memory_space<vmem_shared>> -> memref<64x128xf32, #tpu.memory_space<vmem_shared>>
      %dma_wait3A_128 = arith.constant 0 : i32
      %dma_wait3A_129 = tpu.memref_slice %arg12[%add3A_37, %dma_wait3A_128] : memref<10240x128xf32, #tpu.memory_space<vmem_shared>> -> memref<64x128xf32, #tpu.memory_space<vmem_shared>>
      tpu.wait_dma2 semaphore(%run_scoped3A : memref<!tpu.dma_semaphore, #tpu.memory_space<semaphore_mem>>) src(%arg9 : memref<64x128xf32, #tpu.memory_space<vmem>>) dst(%dma_wait3A_129 : memref<64x128xf32, #tpu.memory_space<vmem_shared>>)
      tpu.yield
    }) : () -> ()
    %barrier3A = arith.constant 0 : index
    tpu.barrier barrier_id(%barrier3A)
    %scan3A = arith.constant 0 : i32
    %scan3A_38 = arith.constant 0 : i32
    %scan3A_39 = arith.constant 5 : i32
    %scan3A_40 = arith.addi %scan3A_38, %scan3A_39 : i32
    %scan3A_41 = arith.constant 1 : i32
    scf.for %scan3A_124 = %scan3A_38 to %scan3A_40 step %scan3A_41  : i32 {
      %mul3A_125 = arith.constant 32 : i32
      %mul3A_126 = arith.muli %scan3A_124, %mul3A_125 : i32
      "tpu.region"() ({
        %run_scoped3A = tpu.sem_alloc : memref<!tpu.dma_semaphore, #tpu.memory_space<semaphore_mem>>
        %dma_start3A = arith.constant 0 : i32
        %dma_start3A_132 = tpu.memref_slice %arg3[%arg0, %arg1, %mul3A_126, %dma_start3A] : memref<2x16x160x64xi32, #tpu.memory_space<hbm>> -> memref<1x1x32x64xi32, #tpu.memory_space<hbm>>
        %dma_start3A_133 = tpu.memref_squeeze %dma_start3A_132 : memref<1x1x32x64xi32, #tpu.memory_space<hbm>> -> memref<32x64xi32, #tpu.memory_space<hbm>>
        %dma_start3A_134 = arith.constant 0 : i32
        %dma_start3A_135 = tpu.memref_slice %arg3[%arg0, %arg1, %mul3A_126, %dma_start3A_134] : memref<2x16x160x64xi32, #tpu.memory_space<hbm>> -> memref<1x1x32x64xi32, #tpu.memory_space<hbm>>
        %dma_start3A_136 = tpu.memref_squeeze %dma_start3A_135 : memref<1x1x32x64xi32, #tpu.memory_space<hbm>> -> memref<32x64xi32, #tpu.memory_space<hbm>>
        tpu.enqueue_dma source(%dma_start3A_136 : memref<32x64xi32, #tpu.memory_space<hbm>>) target(%arg6 : memref<32x64xi32, #tpu.memory_space<vmem>>) target_semaphore(%run_scoped3A : memref<!tpu.dma_semaphore, #tpu.memory_space<semaphore_mem>>)
        %dma_wait3A = arith.constant 0 : i32
        %dma_wait3A_137 = tpu.memref_slice %arg3[%arg0, %arg1, %mul3A_126, %dma_wait3A] : memref<2x16x160x64xi32, #tpu.memory_space<hbm>> -> memref<1x1x32x64xi32, #tpu.memory_space<hbm>>
        %dma_wait3A_138 = tpu.memref_squeeze %dma_wait3A_137 : memref<1x1x32x64xi32, #tpu.memory_space<hbm>> -> memref<32x64xi32, #tpu.memory_space<hbm>>
        %dma_wait3A_139 = arith.constant 0 : i32
        %dma_wait3A_140 = tpu.memref_slice %arg3[%arg0, %arg1, %mul3A_126, %dma_wait3A_139] : memref<2x16x160x64xi32, #tpu.memory_space<hbm>> -> memref<1x1x32x64xi32, #tpu.memory_space<hbm>>
        %dma_wait3A_141 = tpu.memref_squeeze %dma_wait3A_140 : memref<1x1x32x64xi32, #tpu.memory_space<hbm>> -> memref<32x64xi32, #tpu.memory_space<hbm>>
        tpu.wait_dma2 semaphore(%run_scoped3A : memref<!tpu.dma_semaphore, #tpu.memory_space<semaphore_mem>>) src(%dma_wait3A_141 : memref<32x64xi32, #tpu.memory_space<hbm>>) dst(%arg6 : memref<32x64xi32, #tpu.memory_space<vmem>>)
        tpu.yield
      }) : () -> ()
      %scan3A_127 = arith.constant 0 : i32
      %scan3A_128 = arith.constant 8 : i32
      %scan3A_129 = arith.addi %scan3A_127, %scan3A_128 : i32
      %scan3A_130 = arith.constant 1 : i32
      scf.for %scan3A_132 = %scan3A_127 to %scan3A_129 step %scan3A_130  : i32 {
        %mul3A_133 = arith.constant 4 : i32
        %mul3A_134 = arith.muli %scan3A_132, %mul3A_133 : i32
        %add3A_135 = arith.constant 0 : i32
        %add3A_136 = arith.addi %mul3A_134, %add3A_135 : i32
        %get3A = arith.index_cast %add3A_136 : i32 to index
        %get3A_137 = arith.constant 0 : index
        %get3A_138 = tpu.vector_load %arg6[%get3A, %get3A_137] {strides = array<i32>} : memref<32x64xi32, #tpu.memory_space<vmem>>, vector<1x16xi32>,
        %get3A_139 = vector.shape_cast %get3A_138 : vector<1x16xi32> to vector<16xi32>
        %and3A = arith.constant 65535 : i32
        %and3A_140 = vector.broadcast %and3A : i32 to vector<16xi32>
        %and3A_141 = arith.andi %get3A_139, %and3A_140 : vector<16xi32>
        %swap3A = arith.constant 0 : i32
        %swap3A_142 = arith.index_cast %swap3A : i32 to index
        %swap3A_143 = arith.constant 0 : index
        %swap3A_144 = tpu.vector_load %arg7[%swap3A_142, %swap3A_143] {strides = array<i32>} : memref<4x64xi32, #tpu.memory_space<vmem>>, vector<1x16xi32>,
        %swap3A_145 = vector.shape_cast %swap3A_144 : vector<1x16xi32> to vector<16xi32>
        %swap3A_146 = vector.shape_cast %and3A_141 : vector<16xi32> to vector<1x16xi32>
        tpu.vector_store %arg7[%swap3A_142, %swap3A_143], %swap3A_146 {strides = array<i32>} : memref<4x64xi32, #tpu.memory_space<vmem>>, vector<1x16xi32>,
        %shift_right_arithmetic3A = arith.constant 16 : i32
        %shift_right_arithmetic3A_147 = vector.broadcast %shift_right_arithmetic3A : i32 to vector<16xi32>
        %shift_right_arithmetic3A_148 = arith.shrsi %get3A_139, %shift_right_arithmetic3A_147 : vector<16xi32>
        %swap3A_149 = arith.constant 0 : i32
        %swap3A_150 = arith.index_cast %swap3A_149 : i32 to index
        %swap3A_151 = arith.constant 0 : index
        %swap3A_152 = tpu.vector_load %arg8[%swap3A_150, %swap3A_151] {strides = array<i32>} : memref<4x64xi32, #tpu.memory_space<vmem>>, vector<1x16xi32>,
        %swap3A_153 = vector.shape_cast %swap3A_152 : vector<1x16xi32> to vector<16xi32>
        %swap3A_154 = vector.shape_cast %shift_right_arithmetic3A_148 : vector<16xi32> to vector<1x16xi32>
        tpu.vector_store %arg8[%swap3A_150, %swap3A_151], %swap3A_154 {strides = array<i32>} : memref<4x64xi32, #tpu.memory_space<vmem>>, vector<1x16xi32>,
        %add3A_155 = arith.constant 0 : i32
        %add3A_156 = arith.addi %mul3A_134, %add3A_155 : i32
        %get3A_157 = arith.index_cast %add3A_156 : i32 to index
        %get3A_158 = arith.constant 16 : index
        %get3A_159 = tpu.vector_load %arg6[%get3A_157, %get3A_158] {strides = array<i32>} : memref<32x64xi32, #tpu.memory_space<vmem>>, vector<1x16xi32>,
        %get3A_160 = vector.shape_cast %get3A_159 : vector<1x16xi32> to vector<16xi32>
        %and3A_161 = arith.constant 65535 : i32
        %and3A_162 = vector.broadcast %and3A_161 : i32 to vector<16xi32>
        %and3A_163 = arith.andi %get3A_160, %and3A_162 : vector<16xi32>
        %swap3A_164 = arith.constant 0 : i32
        %swap3A_165 = arith.index_cast %swap3A_164 : i32 to index
        %swap3A_166 = arith.constant 16 : index
        %swap3A_167 = tpu.vector_load %arg7[%swap3A_165, %swap3A_166] {strides = array<i32>} : memref<4x64xi32, #tpu.memory_space<vmem>>, vector<1x16xi32>,
        %swap3A_168 = vector.shape_cast %swap3A_167 : vector<1x16xi32> to vector<16xi32>
        %swap3A_169 = vector.shape_cast %and3A_163 : vector<16xi32> to vector<1x16xi32>
        tpu.vector_store %arg7[%swap3A_165, %swap3A_166], %swap3A_169 {strides = array<i32>} : memref<4x64xi32, #tpu.memory_space<vmem>>, vector<1x16xi32>,
        %shift_right_arithmetic3A_170 = arith.constant 16 : i32
        %shift_right_arithmetic3A_171 = vector.broadcast %shift_right_arithmetic3A_170 : i32 to vector<16xi32>
        %shift_right_arithmetic3A_172 = arith.shrsi %get3A_160, %shift_right_arithmetic3A_171 : vector<16xi32>
        %swap3A_173 = arith.constant 0 : i32
        %swap3A_174 = arith.index_cast %swap3A_173 : i32 to index
        %swap3A_175 = arith.constant 16 : index
        %swap3A_176 = tpu.vector_load %arg8[%swap3A_174, %swap3A_175] {strides = array<i32>} : memref<4x64xi32, #tpu.memory_space<vmem>>, vector<1x16xi32>,
        %swap3A_177 = vector.shape_cast %swap3A_176 : vector<1x16xi32> to vector<16xi32>
        %swap3A_178 = vector.shape_cast %shift_right_arithmetic3A_172 : vector<16xi32> to vector<1x16xi32>
        tpu.vector_store %arg8[%swap3A_174, %swap3A_175], %swap3A_178 {strides = array<i32>} : memref<4x64xi32, #tpu.memory_space<vmem>>, vector<1x16xi32>,
        %add3A_179 = arith.constant 0 : i32
        %add3A_180 = arith.addi %mul3A_134, %add3A_179 : i32
        %get3A_181 = arith.index_cast %add3A_180 : i32 to index
        %get3A_182 = arith.constant 32 : index
        %get3A_183 = tpu.vector_load %arg6[%get3A_181, %get3A_182] {strides = array<i32>} : memref<32x64xi32, #tpu.memory_space<vmem>>, vector<1x16xi32>,
        %get3A_184 = vector.shape_cast %get3A_183 : vector<1x16xi32> to vector<16xi32>
        %and3A_185 = arith.constant 65535 : i32
        %and3A_186 = vector.broadcast %and3A_185 : i32 to vector<16xi32>
        %and3A_187 = arith.andi %get3A_184, %and3A_186 : vector<16xi32>
        %swap3A_188 = arith.constant 0 : i32
        %swap3A_189 = arith.index_cast %swap3A_188 : i32 to index
        %swap3A_190 = arith.constant 32 : index
        %swap3A_191 = tpu.vector_load %arg7[%swap3A_189, %swap3A_190] {strides = array<i32>} : memref<4x64xi32, #tpu.memory_space<vmem>>, vector<1x16xi32>,
        %swap3A_192 = vector.shape_cast %swap3A_191 : vector<1x16xi32> to vector<16xi32>
        %swap3A_193 = vector.shape_cast %and3A_187 : vector<16xi32> to vector<1x16xi32>
        tpu.vector_store %arg7[%swap3A_189, %swap3A_190], %swap3A_193 {strides = array<i32>} : memref<4x64xi32, #tpu.memory_space<vmem>>, vector<1x16xi32>,
        %shift_right_arithmetic3A_194 = arith.constant 16 : i32
        %shift_right_arithmetic3A_195 = vector.broadcast %shift_right_arithmetic3A_194 : i32 to vector<16xi32>
        %shift_right_arithmetic3A_196 = arith.shrsi %get3A_184, %shift_right_arithmetic3A_195 : vector<16xi32>
        %swap3A_197 = arith.constant 0 : i32
        %swap3A_198 = arith.index_cast %swap3A_197 : i32 to index
        %swap3A_199 = arith.constant 32 : index
        %swap3A_200 = tpu.vector_load %arg8[%swap3A_198, %swap3A_199] {strides = array<i32>} : memref<4x64xi32, #tpu.memory_space<vmem>>, vector<1x16xi32>,
        %swap3A_201 = vector.shape_cast %swap3A_200 : vector<1x16xi32> to vector<16xi32>
        %swap3A_202 = vector.shape_cast %shift_right_arithmetic3A_196 : vector<16xi32> to vector<1x16xi32>
        tpu.vector_store %arg8[%swap3A_198, %swap3A_199], %swap3A_202 {strides = array<i32>} : memref<4x64xi32, #tpu.memory_space<vmem>>, vector<1x16xi32>,
        %add3A_203 = arith.constant 0 : i32
        %add3A_204 = arith.addi %mul3A_134, %add3A_203 : i32
        %get3A_205 = arith.index_cast %add3A_204 : i32 to index
        %get3A_206 = arith.constant 48 : index
        %get3A_207 = tpu.vector_load %arg6[%get3A_205, %get3A_206] {strides = array<i32>} : memref<32x64xi32, #tpu.memory_space<vmem>>, vector<1x16xi32>,
        %get3A_208 = vector.shape_cast %get3A_207 : vector<1x16xi32> to vector<16xi32>
        %and3A_209 = arith.constant 65535 : i32
        %and3A_210 = vector.broadcast %and3A_209 : i32 to vector<16xi32>
        %and3A_211 = arith.andi %get3A_208, %and3A_210 : vector<16xi32>
        %swap3A_212 = arith.constant 0 : i32
        %swap3A_213 = arith.index_cast %swap3A_212 : i32 to index
        %swap3A_214 = arith.constant 48 : index
        %swap3A_215 = tpu.vector_load %arg7[%swap3A_213, %swap3A_214] {strides = array<i32>} : memref<4x64xi32, #tpu.memory_space<vmem>>, vector<1x16xi32>,
        %swap3A_216 = vector.shape_cast %swap3A_215 : vector<1x16xi32> to vector<16xi32>
        %swap3A_217 = vector.shape_cast %and3A_211 : vector<16xi32> to vector<1x16xi32>
        tpu.vector_store %arg7[%swap3A_213, %swap3A_214], %swap3A_217 {strides = array<i32>} : memref<4x64xi32, #tpu.memory_space<vmem>>, vector<1x16xi32>,
        %shift_right_arithmetic3A_218 = arith.constant 16 : i32
        %shift_right_arithmetic3A_219 = vector.broadcast %shift_right_arithmetic3A_218 : i32 to vector<16xi32>
        %shift_right_arithmetic3A_220 = arith.shrsi %get3A_208, %shift_right_arithmetic3A_219 : vector<16xi32>
        %swap3A_221 = arith.constant 0 : i32
        %swap3A_222 = arith.index_cast %swap3A_221 : i32 to index
        %swap3A_223 = arith.constant 48 : index
        %swap3A_224 = tpu.vector_load %arg8[%swap3A_222, %swap3A_223] {strides = array<i32>} : memref<4x64xi32, #tpu.memory_space<vmem>>, vector<1x16xi32>,
        %swap3A_225 = vector.shape_cast %swap3A_224 : vector<1x16xi32> to vector<16xi32>
        %swap3A_226 = vector.shape_cast %shift_right_arithmetic3A_220 : vector<16xi32> to vector<1x16xi32>
        tpu.vector_store %arg8[%swap3A_222, %swap3A_223], %swap3A_226 {strides = array<i32>} : memref<4x64xi32, #tpu.memory_space<vmem>>, vector<1x16xi32>,
        %add3A_227 = arith.constant 1 : i32
        %add3A_228 = arith.addi %mul3A_134, %add3A_227 : i32
        %get3A_229 = arith.index_cast %add3A_228 : i32 to index
        %get3A_230 = arith.constant 0 : index
        %get3A_231 = tpu.vector_load %arg6[%get3A_229, %get3A_230] {strides = array<i32>} : memref<32x64xi32, #tpu.memory_space<vmem>>, vector<1x16xi32>,
        %get3A_232 = vector.shape_cast %get3A_231 : vector<1x16xi32> to vector<16xi32>
        %and3A_233 = arith.constant 65535 : i32
        %and3A_234 = vector.broadcast %and3A_233 : i32 to vector<16xi32>
        %and3A_235 = arith.andi %get3A_232, %and3A_234 : vector<16xi32>
        %swap3A_236 = arith.constant 1 : i32
        %swap3A_237 = arith.index_cast %swap3A_236 : i32 to index
        %swap3A_238 = arith.constant 0 : index
        %swap3A_239 = tpu.vector_load %arg7[%swap3A_237, %swap3A_238] {strides = array<i32>} : memref<4x64xi32, #tpu.memory_space<vmem>>, vector<1x16xi32>,
        %swap3A_240 = vector.shape_cast %swap3A_239 : vector<1x16xi32> to vector<16xi32>
        %swap3A_241 = vector.shape_cast %and3A_235 : vector<16xi32> to vector<1x16xi32>
        tpu.vector_store %arg7[%swap3A_237, %swap3A_238], %swap3A_241 {strides = array<i32>} : memref<4x64xi32, #tpu.memory_space<vmem>>, vector<1x16xi32>,
        %shift_right_arithmetic3A_242 = arith.constant 16 : i32
        %shift_right_arithmetic3A_243 = vector.broadcast %shift_right_arithmetic3A_242 : i32 to vector<16xi32>
        %shift_right_arithmetic3A_244 = arith.shrsi %get3A_232, %shift_right_arithmetic3A_243 : vector<16xi32>
        %swap3A_245 = arith.constant 1 : i32
        %swap3A_246 = arith.index_cast %swap3A_245 : i32 to index
        %swap3A_247 = arith.constant 0 : index
        %swap3A_248 = tpu.vector_load %arg8[%swap3A_246, %swap3A_247] {strides = array<i32>} : memref<4x64xi32, #tpu.memory_space<vmem>>, vector<1x16xi32>,
        %swap3A_249 = vector.shape_cast %swap3A_248 : vector<1x16xi32> to vector<16xi32>
        %swap3A_250 = vector.shape_cast %shift_right_arithmetic3A_244 : vector<16xi32> to vector<1x16xi32>
        tpu.vector_store %arg8[%swap3A_246, %swap3A_247], %swap3A_250 {strides = array<i32>} : memref<4x64xi32, #tpu.memory_space<vmem>>, vector<1x16xi32>,
        %add3A_251 = arith.constant 1 : i32
        %add3A_252 = arith.addi %mul3A_134, %add3A_251 : i32
        %get3A_253 = arith.index_cast %add3A_252 : i32 to index
        %get3A_254 = arith.constant 16 : index
        %get3A_255 = tpu.vector_load %arg6[%get3A_253, %get3A_254] {strides = array<i32>} : memref<32x64xi32, #tpu.memory_space<vmem>>, vector<1x16xi32>,
        %get3A_256 = vector.shape_cast %get3A_255 : vector<1x16xi32> to vector<16xi32>
        %and3A_257 = arith.constant 65535 : i32
        %and3A_258 = vector.broadcast %and3A_257 : i32 to vector<16xi32>
        %and3A_259 = arith.andi %get3A_256, %and3A_258 : vector<16xi32>
        %swap3A_260 = arith.constant 1 : i32
        %swap3A_261 = arith.index_cast %swap3A_260 : i32 to index
        %swap3A_262 = arith.constant 16 : index
        %swap3A_263 = tpu.vector_load %arg7[%swap3A_261, %swap3A_262] {strides = array<i32>} : memref<4x64xi32, #tpu.memory_space<vmem>>, vector<1x16xi32>,
        %swap3A_264 = vector.shape_cast %swap3A_263 : vector<1x16xi32> to vector<16xi32>
        %swap3A_265 = vector.shape_cast %and3A_259 : vector<16xi32> to vector<1x16xi32>
        tpu.vector_store %arg7[%swap3A_261, %swap3A_262], %swap3A_265 {strides = array<i32>} : memref<4x64xi32, #tpu.memory_space<vmem>>, vector<1x16xi32>,
        %shift_right_arithmetic3A_266 = arith.constant 16 : i32
        %shift_right_arithmetic3A_267 = vector.broadcast %shift_right_arithmetic3A_266 : i32 to vector<16xi32>
        %shift_right_arithmetic3A_268 = arith.shrsi %get3A_256, %shift_right_arithmetic3A_267 : vector<16xi32>
        %swap3A_269 = arith.constant 1 : i32
        %swap3A_270 = arith.index_cast %swap3A_269 : i32 to index
        %swap3A_271 = arith.constant 16 : index
        %swap3A_272 = tpu.vector_load %arg8[%swap3A_270, %swap3A_271] {strides = array<i32>} : memref<4x64xi32, #tpu.memory_space<vmem>>, vector<1x16xi32>,
        %swap3A_273 = vector.shape_cast %swap3A_272 : vector<1x16xi32> to vector<16xi32>
        %swap3A_274 = vector.shape_cast %shift_right_arithmetic3A_268 : vector<16xi32> to vector<1x16xi32>
        tpu.vector_store %arg8[%swap3A_270, %swap3A_271], %swap3A_274 {strides = array<i32>} : memref<4x64xi32, #tpu.memory_space<vmem>>, vector<1x16xi32>,
        %add3A_275 = arith.constant 1 : i32
        %add3A_276 = arith.addi %mul3A_134, %add3A_275 : i32
        %get3A_277 = arith.index_cast %add3A_276 : i32 to index
        %get3A_278 = arith.constant 32 : index
        %get3A_279 = tpu.vector_load %arg6[%get3A_277, %get3A_278] {strides = array<i32>} : memref<32x64xi32, #tpu.memory_space<vmem>>, vector<1x16xi32>,
        %get3A_280 = vector.shape_cast %get3A_279 : vector<1x16xi32> to vector<16xi32>
        %and3A_281 = arith.constant 65535 : i32
        %and3A_282 = vector.broadcast %and3A_281 : i32 to vector<16xi32>
        %and3A_283 = arith.andi %get3A_280, %and3A_282 : vector<16xi32>
        %swap3A_284 = arith.constant 1 : i32
        %swap3A_285 = arith.index_cast %swap3A_284 : i32 to index
        %swap3A_286 = arith.constant 32 : index
        %swap3A_287 = tpu.vector_load %arg7[%swap3A_285, %swap3A_286] {strides = array<i32>} : memref<4x64xi32, #tpu.memory_space<vmem>>, vector<1x16xi32>,
        %swap3A_288 = vector.shape_cast %swap3A_287 : vector<1x16xi32> to vector<16xi32>
        %swap3A_289 = vector.shape_cast %and3A_283 : vector<16xi32> to vector<1x16xi32>
        tpu.vector_store %arg7[%swap3A_285, %swap3A_286], %swap3A_289 {strides = array<i32>} : memref<4x64xi32, #tpu.memory_space<vmem>>, vector<1x16xi32>,
        %shift_right_arithmetic3A_290 = arith.constant 16 : i32
        %shift_right_arithmetic3A_291 = vector.broadcast %shift_right_arithmetic3A_290 : i32 to vector<16xi32>
        %shift_right_arithmetic3A_292 = arith.shrsi %get3A_280, %shift_right_arithmetic3A_291 : vector<16xi32>
        %swap3A_293 = arith.constant 1 : i32
        %swap3A_294 = arith.index_cast %swap3A_293 : i32 to index
        %swap3A_295 = arith.constant 32 : index
        %swap3A_296 = tpu.vector_load %arg8[%swap3A_294, %swap3A_295] {strides = array<i32>} : memref<4x64xi32, #tpu.memory_space<vmem>>, vector<1x16xi32>,
        %swap3A_297 = vector.shape_cast %swap3A_296 : vector<1x16xi32> to vector<16xi32>
        %swap3A_298 = vector.shape_cast %shift_right_arithmetic3A_292 : vector<16xi32> to vector<1x16xi32>
        tpu.vector_store %arg8[%swap3A_294, %swap3A_295], %swap3A_298 {strides = array<i32>} : memref<4x64xi32, #tpu.memory_space<vmem>>, vector<1x16xi32>,
        %add3A_299 = arith.constant 1 : i32
        %add3A_300 = arith.addi %mul3A_134, %add3A_299 : i32
        %get3A_301 = arith.index_cast %add3A_300 : i32 to index
        %get3A_302 = arith.constant 48 : index
        %get3A_303 = tpu.vector_load %arg6[%get3A_301, %get3A_302] {strides = array<i32>} : memref<32x64xi32, #tpu.memory_space<vmem>>, vector<1x16xi32>,
        %get3A_304 = vector.shape_cast %get3A_303 : vector<1x16xi32> to vector<16xi32>
        %and3A_305 = arith.constant 65535 : i32
        %and3A_306 = vector.broadcast %and3A_305 : i32 to vector<16xi32>
        %and3A_307 = arith.andi %get3A_304, %and3A_306 : vector<16xi32>
        %swap3A_308 = arith.constant 1 : i32
        %swap3A_309 = arith.index_cast %swap3A_308 : i32 to index
        %swap3A_310 = arith.constant 48 : index
        %swap3A_311 = tpu.vector_load %arg7[%swap3A_309, %swap3A_310] {strides = array<i32>} : memref<4x64xi32, #tpu.memory_space<vmem>>, vector<1x16xi32>,
        %swap3A_312 = vector.shape_cast %swap3A_311 : vector<1x16xi32> to vector<16xi32>
        %swap3A_313 = vector.shape_cast %and3A_307 : vector<16xi32> to vector<1x16xi32>
        tpu.vector_store %arg7[%swap3A_309, %swap3A_310], %swap3A_313 {strides = array<i32>} : memref<4x64xi32, #tpu.memory_space<vmem>>, vector<1x16xi32>,
        %shift_right_arithmetic3A_314 = arith.constant 16 : i32
        %shift_right_arithmetic3A_315 = vector.broadcast %shift_right_arithmetic3A_314 : i32 to vector<16xi32>
        %shift_right_arithmetic3A_316 = arith.shrsi %get3A_304, %shift_right_arithmetic3A_315 : vector<16xi32>
        %swap3A_317 = arith.constant 1 : i32
        %swap3A_318 = arith.index_cast %swap3A_317 : i32 to index
        %swap3A_319 = arith.constant 48 : index
        %swap3A_320 = tpu.vector_load %arg8[%swap3A_318, %swap3A_319] {strides = array<i32>} : memref<4x64xi32, #tpu.memory_space<vmem>>, vector<1x16xi32>,
        %swap3A_321 = vector.shape_cast %swap3A_320 : vector<1x16xi32> to vector<16xi32>
        %swap3A_322 = vector.shape_cast %shift_right_arithmetic3A_316 : vector<16xi32> to vector<1x16xi32>
        tpu.vector_store %arg8[%swap3A_318, %swap3A_319], %swap3A_322 {strides = array<i32>} : memref<4x64xi32, #tpu.memory_space<vmem>>, vector<1x16xi32>,
        %add3A_323 = arith.constant 2 : i32
        %add3A_324 = arith.addi %mul3A_134, %add3A_323 : i32
        %get3A_325 = arith.index_cast %add3A_324 : i32 to index
        %get3A_326 = arith.constant 0 : index
        %get3A_327 = tpu.vector_load %arg6[%get3A_325, %get3A_326] {strides = array<i32>} : memref<32x64xi32, #tpu.memory_space<vmem>>, vector<1x16xi32>,
        %get3A_328 = vector.shape_cast %get3A_327 : vector<1x16xi32> to vector<16xi32>
        %and3A_329 = arith.constant 65535 : i32
        %and3A_330 = vector.broadcast %and3A_329 : i32 to vector<16xi32>
        %and3A_331 = arith.andi %get3A_328, %and3A_330 : vector<16xi32>
        %swap3A_332 = arith.constant 2 : i32
        %swap3A_333 = arith.index_cast %swap3A_332 : i32 to index
        %swap3A_334 = arith.constant 0 : index
        %swap3A_335 = tpu.vector_load %arg7[%swap3A_333, %swap3A_334] {strides = array<i32>} : memref<4x64xi32, #tpu.memory_space<vmem>>, vector<1x16xi32>,
        %swap3A_336 = vector.shape_cast %swap3A_335 : vector<1x16xi32> to vector<16xi32>
        %swap3A_337 = vector.shape_cast %and3A_331 : vector<16xi32> to vector<1x16xi32>
        tpu.vector_store %arg7[%swap3A_333, %swap3A_334], %swap3A_337 {strides = array<i32>} : memref<4x64xi32, #tpu.memory_space<vmem>>, vector<1x16xi32>,
        %shift_right_arithmetic3A_338 = arith.constant 16 : i32
        %shift_right_arithmetic3A_339 = vector.broadcast %shift_right_arithmetic3A_338 : i32 to vector<16xi32>
        %shift_right_arithmetic3A_340 = arith.shrsi %get3A_328, %shift_right_arithmetic3A_339 : vector<16xi32>
        %swap3A_341 = arith.constant 2 : i32
        %swap3A_342 = arith.index_cast %swap3A_341 : i32 to index
        %swap3A_343 = arith.constant 0 : index
        %swap3A_344 = tpu.vector_load %arg8[%swap3A_342, %swap3A_343] {strides = array<i32>} : memref<4x64xi32, #tpu.memory_space<vmem>>, vector<1x16xi32>,
        %swap3A_345 = vector.shape_cast %swap3A_344 : vector<1x16xi32> to vector<16xi32>
        %swap3A_346 = vector.shape_cast %shift_right_arithmetic3A_340 : vector<16xi32> to vector<1x16xi32>
        tpu.vector_store %arg8[%swap3A_342, %swap3A_343], %swap3A_346 {strides = array<i32>} : memref<4x64xi32, #tpu.memory_space<vmem>>, vector<1x16xi32>,
        %add3A_347 = arith.constant 2 : i32
        %add3A_348 = arith.addi %mul3A_134, %add3A_347 : i32
        %get3A_349 = arith.index_cast %add3A_348 : i32 to index
        %get3A_350 = arith.constant 16 : index
        %get3A_351 = tpu.vector_load %arg6[%get3A_349, %get3A_350] {strides = array<i32>} : memref<32x64xi32, #tpu.memory_space<vmem>>, vector<1x16xi32>,
        %get3A_352 = vector.shape_cast %get3A_351 : vector<1x16xi32> to vector<16xi32>
        %and3A_353 = arith.constant 65535 : i32
        %and3A_354 = vector.broadcast %and3A_353 : i32 to vector<16xi32>
        %and3A_355 = arith.andi %get3A_352, %and3A_354 : vector<16xi32>
        %swap3A_356 = arith.constant 2 : i32
        %swap3A_357 = arith.index_cast %swap3A_356 : i32 to index
        %swap3A_358 = arith.constant 16 : index
        %swap3A_359 = tpu.vector_load %arg7[%swap3A_357, %swap3A_358] {strides = array<i32>} : memref<4x64xi32, #tpu.memory_space<vmem>>, vector<1x16xi32>,
        %swap3A_360 = vector.shape_cast %swap3A_359 : vector<1x16xi32> to vector<16xi32>
        %swap3A_361 = vector.shape_cast %and3A_355 : vector<16xi32> to vector<1x16xi32>
        tpu.vector_store %arg7[%swap3A_357, %swap3A_358], %swap3A_361 {strides = array<i32>} : memref<4x64xi32, #tpu.memory_space<vmem>>, vector<1x16xi32>,
        %shift_right_arithmetic3A_362 = arith.constant 16 : i32
        %shift_right_arithmetic3A_363 = vector.broadcast %shift_right_arithmetic3A_362 : i32 to vector<16xi32>
        %shift_right_arithmetic3A_364 = arith.shrsi %get3A_352, %shift_right_arithmetic3A_363 : vector<16xi32>
        %swap3A_365 = arith.constant 2 : i32
        %swap3A_366 = arith.index_cast %swap3A_365 : i32 to index
        %swap3A_367 = arith.constant 16 : index
        %swap3A_368 = tpu.vector_load %arg8[%swap3A_366, %swap3A_367] {strides = array<i32>} : memref<4x64xi32, #tpu.memory_space<vmem>>, vector<1x16xi32>,
        %swap3A_369 = vector.shape_cast %swap3A_368 : vector<1x16xi32> to vector<16xi32>
        %swap3A_370 = vector.shape_cast %shift_right_arithmetic3A_364 : vector<16xi32> to vector<1x16xi32>
        tpu.vector_store %arg8[%swap3A_366, %swap3A_367], %swap3A_370 {strides = array<i32>} : memref<4x64xi32, #tpu.memory_space<vmem>>, vector<1x16xi32>,
        %add3A_371 = arith.constant 2 : i32
        %add3A_372 = arith.addi %mul3A_134, %add3A_371 : i32
        %get3A_373 = arith.index_cast %add3A_372 : i32 to index
        %get3A_374 = arith.constant 32 : index
        %get3A_375 = tpu.vector_load %arg6[%get3A_373, %get3A_374] {strides = array<i32>} : memref<32x64xi32, #tpu.memory_space<vmem>>, vector<1x16xi32>,
        %get3A_376 = vector.shape_cast %get3A_375 : vector<1x16xi32> to vector<16xi32>
        %and3A_377 = arith.constant 65535 : i32
        %and3A_378 = vector.broadcast %and3A_377 : i32 to vector<16xi32>
        %and3A_379 = arith.andi %get3A_376, %and3A_378 : vector<16xi32>
        %swap3A_380 = arith.constant 2 : i32
        %swap3A_381 = arith.index_cast %swap3A_380 : i32 to index
        %swap3A_382 = arith.constant 32 : index
        %swap3A_383 = tpu.vector_load %arg7[%swap3A_381, %swap3A_382] {strides = array<i32>} : memref<4x64xi32, #tpu.memory_space<vmem>>, vector<1x16xi32>,
        %swap3A_384 = vector.shape_cast %swap3A_383 : vector<1x16xi32> to vector<16xi32>
        %swap3A_385 = vector.shape_cast %and3A_379 : vector<16xi32> to vector<1x16xi32>
        tpu.vector_store %arg7[%swap3A_381, %swap3A_382], %swap3A_385 {strides = array<i32>} : memref<4x64xi32, #tpu.memory_space<vmem>>, vector<1x16xi32>,
        %shift_right_arithmetic3A_386 = arith.constant 16 : i32
        %shift_right_arithmetic3A_387 = vector.broadcast %shift_right_arithmetic3A_386 : i32 to vector<16xi32>
        %shift_right_arithmetic3A_388 = arith.shrsi %get3A_376, %shift_right_arithmetic3A_387 : vector<16xi32>
        %swap3A_389 = arith.constant 2 : i32
        %swap3A_390 = arith.index_cast %swap3A_389 : i32 to index
        %swap3A_391 = arith.constant 32 : index
        %swap3A_392 = tpu.vector_load %arg8[%swap3A_390, %swap3A_391] {strides = array<i32>} : memref<4x64xi32, #tpu.memory_space<vmem>>, vector<1x16xi32>,
        %swap3A_393 = vector.shape_cast %swap3A_392 : vector<1x16xi32> to vector<16xi32>
        %swap3A_394 = vector.shape_cast %shift_right_arithmetic3A_388 : vector<16xi32> to vector<1x16xi32>
        tpu.vector_store %arg8[%swap3A_390, %swap3A_391], %swap3A_394 {strides = array<i32>} : memref<4x64xi32, #tpu.memory_space<vmem>>, vector<1x16xi32>,
        %add3A_395 = arith.constant 2 : i32
        %add3A_396 = arith.addi %mul3A_134, %add3A_395 : i32
        %get3A_397 = arith.index_cast %add3A_396 : i32 to index
        %get3A_398 = arith.constant 48 : index
        %get3A_399 = tpu.vector_load %arg6[%get3A_397, %get3A_398] {strides = array<i32>} : memref<32x64xi32, #tpu.memory_space<vmem>>, vector<1x16xi32>,
        %get3A_400 = vector.shape_cast %get3A_399 : vector<1x16xi32> to vector<16xi32>
        %and3A_401 = arith.constant 65535 : i32
        %and3A_402 = vector.broadcast %and3A_401 : i32 to vector<16xi32>
        %and3A_403 = arith.andi %get3A_400, %and3A_402 : vector<16xi32>
        %swap3A_404 = arith.constant 2 : i32
        %swap3A_405 = arith.index_cast %swap3A_404 : i32 to index
        %swap3A_406 = arith.constant 48 : index
        %swap3A_407 = tpu.vector_load %arg7[%swap3A_405, %swap3A_406] {strides = array<i32>} : memref<4x64xi32, #tpu.memory_space<vmem>>, vector<1x16xi32>,
        %swap3A_408 = vector.shape_cast %swap3A_407 : vector<1x16xi32> to vector<16xi32>
        %swap3A_409 = vector.shape_cast %and3A_403 : vector<16xi32> to vector<1x16xi32>
        tpu.vector_store %arg7[%swap3A_405, %swap3A_406], %swap3A_409 {strides = array<i32>} : memref<4x64xi32, #tpu.memory_space<vmem>>, vector<1x16xi32>,
        %shift_right_arithmetic3A_410 = arith.constant 16 : i32
        %shift_right_arithmetic3A_411 = vector.broadcast %shift_right_arithmetic3A_410 : i32 to vector<16xi32>
        %shift_right_arithmetic3A_412 = arith.shrsi %get3A_400, %shift_right_arithmetic3A_411 : vector<16xi32>
        %swap3A_413 = arith.constant 2 : i32
        %swap3A_414 = arith.index_cast %swap3A_413 : i32 to index
        %swap3A_415 = arith.constant 48 : index
        %swap3A_416 = tpu.vector_load %arg8[%swap3A_414, %swap3A_415] {strides = array<i32>} : memref<4x64xi32, #tpu.memory_space<vmem>>, vector<1x16xi32>,
        %swap3A_417 = vector.shape_cast %swap3A_416 : vector<1x16xi32> to vector<16xi32>
        %swap3A_418 = vector.shape_cast %shift_right_arithmetic3A_412 : vector<16xi32> to vector<1x16xi32>
        tpu.vector_store %arg8[%swap3A_414, %swap3A_415], %swap3A_418 {strides = array<i32>} : memref<4x64xi32, #tpu.memory_space<vmem>>, vector<1x16xi32>,
        %add3A_419 = arith.constant 3 : i32
        %add3A_420 = arith.addi %mul3A_134, %add3A_419 : i32
        %get3A_421 = arith.index_cast %add3A_420 : i32 to index
        %get3A_422 = arith.constant 0 : index
        %get3A_423 = tpu.vector_load %arg6[%get3A_421, %get3A_422] {strides = array<i32>} : memref<32x64xi32, #tpu.memory_space<vmem>>, vector<1x16xi32>,
        %get3A_424 = vector.shape_cast %get3A_423 : vector<1x16xi32> to vector<16xi32>
        %and3A_425 = arith.constant 65535 : i32
        %and3A_426 = vector.broadcast %and3A_425 : i32 to vector<16xi32>
        %and3A_427 = arith.andi %get3A_424, %and3A_426 : vector<16xi32>
        %swap3A_428 = arith.constant 3 : i32
        %swap3A_429 = arith.index_cast %swap3A_428 : i32 to index
        %swap3A_430 = arith.constant 0 : index
        %swap3A_431 = tpu.vector_load %arg7[%swap3A_429, %swap3A_430] {strides = array<i32>} : memref<4x64xi32, #tpu.memory_space<vmem>>, vector<1x16xi32>,
        %swap3A_432 = vector.shape_cast %swap3A_431 : vector<1x16xi32> to vector<16xi32>
        %swap3A_433 = vector.shape_cast %and3A_427 : vector<16xi32> to vector<1x16xi32>
        tpu.vector_store %arg7[%swap3A_429, %swap3A_430], %swap3A_433 {strides = array<i32>} : memref<4x64xi32, #tpu.memory_space<vmem>>, vector<1x16xi32>,
        %shift_right_arithmetic3A_434 = arith.constant 16 : i32
        %shift_right_arithmetic3A_435 = vector.broadcast %shift_right_arithmetic3A_434 : i32 to vector<16xi32>
        %shift_right_arithmetic3A_436 = arith.shrsi %get3A_424, %shift_right_arithmetic3A_435 : vector<16xi32>
        %swap3A_437 = arith.constant 3 : i32
        %swap3A_438 = arith.index_cast %swap3A_437 : i32 to index
        %swap3A_439 = arith.constant 0 : index
        %swap3A_440 = tpu.vector_load %arg8[%swap3A_438, %swap3A_439] {strides = array<i32>} : memref<4x64xi32, #tpu.memory_space<vmem>>, vector<1x16xi32>,
        %swap3A_441 = vector.shape_cast %swap3A_440 : vector<1x16xi32> to vector<16xi32>
        %swap3A_442 = vector.shape_cast %shift_right_arithmetic3A_436 : vector<16xi32> to vector<1x16xi32>
        tpu.vector_store %arg8[%swap3A_438, %swap3A_439], %swap3A_442 {strides = array<i32>} : memref<4x64xi32, #tpu.memory_space<vmem>>, vector<1x16xi32>,
        %add3A_443 = arith.constant 3 : i32
        %add3A_444 = arith.addi %mul3A_134, %add3A_443 : i32
        %get3A_445 = arith.index_cast %add3A_444 : i32 to index
        %get3A_446 = arith.constant 16 : index
        %get3A_447 = tpu.vector_load %arg6[%get3A_445, %get3A_446] {strides = array<i32>} : memref<32x64xi32, #tpu.memory_space<vmem>>, vector<1x16xi32>,
        %get3A_448 = vector.shape_cast %get3A_447 : vector<1x16xi32> to vector<16xi32>
        %and3A_449 = arith.constant 65535 : i32
        %and3A_450 = vector.broadcast %and3A_449 : i32 to vector<16xi32>
        %and3A_451 = arith.andi %get3A_448, %and3A_450 : vector<16xi32>
        %swap3A_452 = arith.constant 3 : i32
        %swap3A_453 = arith.index_cast %swap3A_452 : i32 to index
        %swap3A_454 = arith.constant 16 : index
        %swap3A_455 = tpu.vector_load %arg7[%swap3A_453, %swap3A_454] {strides = array<i32>} : memref<4x64xi32, #tpu.memory_space<vmem>>, vector<1x16xi32>,
        %swap3A_456 = vector.shape_cast %swap3A_455 : vector<1x16xi32> to vector<16xi32>
        %swap3A_457 = vector.shape_cast %and3A_451 : vector<16xi32> to vector<1x16xi32>
        tpu.vector_store %arg7[%swap3A_453, %swap3A_454], %swap3A_457 {strides = array<i32>} : memref<4x64xi32, #tpu.memory_space<vmem>>, vector<1x16xi32>,
        %shift_right_arithmetic3A_458 = arith.constant 16 : i32
        %shift_right_arithmetic3A_459 = vector.broadcast %shift_right_arithmetic3A_458 : i32 to vector<16xi32>
        %shift_right_arithmetic3A_460 = arith.shrsi %get3A_448, %shift_right_arithmetic3A_459 : vector<16xi32>
        %swap3A_461 = arith.constant 3 : i32
        %swap3A_462 = arith.index_cast %swap3A_461 : i32 to index
        %swap3A_463 = arith.constant 16 : index
        %swap3A_464 = tpu.vector_load %arg8[%swap3A_462, %swap3A_463] {strides = array<i32>} : memref<4x64xi32, #tpu.memory_space<vmem>>, vector<1x16xi32>,
        %swap3A_465 = vector.shape_cast %swap3A_464 : vector<1x16xi32> to vector<16xi32>
        %swap3A_466 = vector.shape_cast %shift_right_arithmetic3A_460 : vector<16xi32> to vector<1x16xi32>
        tpu.vector_store %arg8[%swap3A_462, %swap3A_463], %swap3A_466 {strides = array<i32>} : memref<4x64xi32, #tpu.memory_space<vmem>>, vector<1x16xi32>,
        %add3A_467 = arith.constant 3 : i32
        %add3A_468 = arith.addi %mul3A_134, %add3A_467 : i32
        %get3A_469 = arith.index_cast %add3A_468 : i32 to index
        %get3A_470 = arith.constant 32 : index
        %get3A_471 = tpu.vector_load %arg6[%get3A_469, %get3A_470] {strides = array<i32>} : memref<32x64xi32, #tpu.memory_space<vmem>>, vector<1x16xi32>,
        %get3A_472 = vector.shape_cast %get3A_471 : vector<1x16xi32> to vector<16xi32>
        %and3A_473 = arith.constant 65535 : i32
        %and3A_474 = vector.broadcast %and3A_473 : i32 to vector<16xi32>
        %and3A_475 = arith.andi %get3A_472, %and3A_474 : vector<16xi32>
        %swap3A_476 = arith.constant 3 : i32
        %swap3A_477 = arith.index_cast %swap3A_476 : i32 to index
        %swap3A_478 = arith.constant 32 : index
        %swap3A_479 = tpu.vector_load %arg7[%swap3A_477, %swap3A_478] {strides = array<i32>} : memref<4x64xi32, #tpu.memory_space<vmem>>, vector<1x16xi32>,
        %swap3A_480 = vector.shape_cast %swap3A_479 : vector<1x16xi32> to vector<16xi32>
        %swap3A_481 = vector.shape_cast %and3A_475 : vector<16xi32> to vector<1x16xi32>
        tpu.vector_store %arg7[%swap3A_477, %swap3A_478], %swap3A_481 {strides = array<i32>} : memref<4x64xi32, #tpu.memory_space<vmem>>, vector<1x16xi32>,
        %shift_right_arithmetic3A_482 = arith.constant 16 : i32
        %shift_right_arithmetic3A_483 = vector.broadcast %shift_right_arithmetic3A_482 : i32 to vector<16xi32>
        %shift_right_arithmetic3A_484 = arith.shrsi %get3A_472, %shift_right_arithmetic3A_483 : vector<16xi32>
        %swap3A_485 = arith.constant 3 : i32
        %swap3A_486 = arith.index_cast %swap3A_485 : i32 to index
        %swap3A_487 = arith.constant 32 : index
        %swap3A_488 = tpu.vector_load %arg8[%swap3A_486, %swap3A_487] {strides = array<i32>} : memref<4x64xi32, #tpu.memory_space<vmem>>, vector<1x16xi32>,
        %swap3A_489 = vector.shape_cast %swap3A_488 : vector<1x16xi32> to vector<16xi32>
        %swap3A_490 = vector.shape_cast %shift_right_arithmetic3A_484 : vector<16xi32> to vector<1x16xi32>
        tpu.vector_store %arg8[%swap3A_486, %swap3A_487], %swap3A_490 {strides = array<i32>} : memref<4x64xi32, #tpu.memory_space<vmem>>, vector<1x16xi32>,
        %add3A_491 = arith.constant 3 : i32
        %add3A_492 = arith.addi %mul3A_134, %add3A_491 : i32
        %get3A_493 = arith.index_cast %add3A_492 : i32 to index
        %get3A_494 = arith.constant 48 : index
        %get3A_495 = tpu.vector_load %arg6[%get3A_493, %get3A_494] {strides = array<i32>} : memref<32x64xi32, #tpu.memory_space<vmem>>, vector<1x16xi32>,
        %get3A_496 = vector.shape_cast %get3A_495 : vector<1x16xi32> to vector<16xi32>
        %and3A_497 = arith.constant 65535 : i32
        %and3A_498 = vector.broadcast %and3A_497 : i32 to vector<16xi32>
        %and3A_499 = arith.andi %get3A_496, %and3A_498 : vector<16xi32>
        %swap3A_500 = arith.constant 3 : i32
        %swap3A_501 = arith.index_cast %swap3A_500 : i32 to index
        %swap3A_502 = arith.constant 48 : index
        %swap3A_503 = tpu.vector_load %arg7[%swap3A_501, %swap3A_502] {strides = array<i32>} : memref<4x64xi32, #tpu.memory_space<vmem>>, vector<1x16xi32>,
        %swap3A_504 = vector.shape_cast %swap3A_503 : vector<1x16xi32> to vector<16xi32>
        %swap3A_505 = vector.shape_cast %and3A_499 : vector<16xi32> to vector<1x16xi32>
        tpu.vector_store %arg7[%swap3A_501, %swap3A_502], %swap3A_505 {strides = array<i32>} : memref<4x64xi32, #tpu.memory_space<vmem>>, vector<1x16xi32>,
        %shift_right_arithmetic3A_506 = arith.constant 16 : i32
        %shift_right_arithmetic3A_507 = vector.broadcast %shift_right_arithmetic3A_506 : i32 to vector<16xi32>
        %shift_right_arithmetic3A_508 = arith.shrsi %get3A_496, %shift_right_arithmetic3A_507 : vector<16xi32>
        %swap3A_509 = arith.constant 3 : i32
        %swap3A_510 = arith.index_cast %swap3A_509 : i32 to index
        %swap3A_511 = arith.constant 48 : index
        %swap3A_512 = tpu.vector_load %arg8[%swap3A_510, %swap3A_511] {strides = array<i32>} : memref<4x64xi32, #tpu.memory_space<vmem>>, vector<1x16xi32>,
        %swap3A_513 = vector.shape_cast %swap3A_512 : vector<1x16xi32> to vector<16xi32>
        %swap3A_514 = vector.shape_cast %shift_right_arithmetic3A_508 : vector<16xi32> to vector<1x16xi32>
        tpu.vector_store %arg8[%swap3A_510, %swap3A_511], %swap3A_514 {strides = array<i32>} : memref<4x64xi32, #tpu.memory_space<vmem>>, vector<1x16xi32>,
        %dma_start3A = arith.constant 0 : i32
        %dma_start3A_515 = arith.constant 0 : i32
        %dma_start3A_516 = tpu.memref_slice %arg7[%dma_start3A, %dma_start3A_515] : memref<4x64xi32, #tpu.memory_space<vmem>> -> memref<1x64xi32, #tpu.memory_space<vmem>>
        %dma_start3A_517 = tpu.memref_squeeze %dma_start3A_516 : memref<1x64xi32, #tpu.memory_space<vmem>> -> memref<64xi32, #tpu.memory_space<vmem>>
        %dma_start3A_518 = arith.constant 0 : i32
        %dma_start3A_519 = arith.constant 0 : i32
        %dma_start3A_520 = tpu.memref_slice %arg2[%dma_start3A_518, %dma_start3A_519] : memref<10240x128xf32, #tpu.memory_space<hbm>> -> memref<10240x128xf32, #tpu.memory_space<hbm>>
        tpu.enqueue_indirect_dma source(%dma_start3A_520 : memref<10240x128xf32, #tpu.memory_space<hbm>>) target(%arg9 : memref<64x128xf32, #tpu.memory_space<vmem>>) offsets(%dma_start3A_517 : memref<64xi32, #tpu.memory_space<vmem>>) semaphore(%arg13 : memref<!tpu.dma_semaphore, #tpu.memory_space<semaphore_mem>>)
        %dma_start3A_521 = arith.constant 1 : i32
        %dma_start3A_522 = arith.constant 0 : i32
        %dma_start3A_523 = tpu.memref_slice %arg7[%dma_start3A_521, %dma_start3A_522] : memref<4x64xi32, #tpu.memory_space<vmem>> -> memref<1x64xi32, #tpu.memory_space<vmem>>
        %dma_start3A_524 = tpu.memref_squeeze %dma_start3A_523 : memref<1x64xi32, #tpu.memory_space<vmem>> -> memref<64xi32, #tpu.memory_space<vmem>>
        %dma_start3A_525 = arith.constant 0 : i32
        %dma_start3A_526 = arith.constant 0 : i32
        %dma_start3A_527 = tpu.memref_slice %arg2[%dma_start3A_525, %dma_start3A_526] : memref<10240x128xf32, #tpu.memory_space<hbm>> -> memref<10240x128xf32, #tpu.memory_space<hbm>>
        tpu.enqueue_indirect_dma source(%dma_start3A_527 : memref<10240x128xf32, #tpu.memory_space<hbm>>) target(%arg10 : memref<64x128xf32, #tpu.memory_space<vmem>>) offsets(%dma_start3A_524 : memref<64xi32, #tpu.memory_space<vmem>>) semaphore(%arg14 : memref<!tpu.dma_semaphore, #tpu.memory_space<semaphore_mem>>)
        %dma_start3A_528 = arith.constant 2 : i32
        %dma_start3A_529 = arith.constant 0 : i32
        %dma_start3A_530 = tpu.memref_slice %arg7[%dma_start3A_528, %dma_start3A_529] : memref<4x64xi32, #tpu.memory_space<vmem>> -> memref<1x64xi32, #tpu.memory_space<vmem>>
        %dma_start3A_531 = tpu.memref_squeeze %dma_start3A_530 : memref<1x64xi32, #tpu.memory_space<vmem>> -> memref<64xi32, #tpu.memory_space<vmem>>
        %dma_start3A_532 = arith.constant 0 : i32
        %dma_start3A_533 = arith.constant 0 : i32
        %dma_start3A_534 = tpu.memref_slice %arg2[%dma_start3A_532, %dma_start3A_533] : memref<10240x128xf32, #tpu.memory_space<hbm>> -> memref<10240x128xf32, #tpu.memory_space<hbm>>
        tpu.enqueue_indirect_dma source(%dma_start3A_534 : memref<10240x128xf32, #tpu.memory_space<hbm>>) target(%arg11 : memref<64x128xf32, #tpu.memory_space<vmem>>) offsets(%dma_start3A_531 : memref<64xi32, #tpu.memory_space<vmem>>) semaphore(%arg15 : memref<!tpu.dma_semaphore, #tpu.memory_space<semaphore_mem>>)
        %dma_wait3A = arith.constant 0 : i32
        %dma_wait3A_535 = arith.constant 0 : i32
        %dma_wait3A_536 = tpu.memref_slice %arg7[%dma_wait3A, %dma_wait3A_535] : memref<4x64xi32, #tpu.memory_space<vmem>> -> memref<1x64xi32, #tpu.memory_space<vmem>>
        %dma_wait3A_537 = tpu.memref_squeeze %dma_wait3A_536 : memref<1x64xi32, #tpu.memory_space<vmem>> -> memref<64xi32, #tpu.memory_space<vmem>>
        %dma_wait3A_538 = arith.constant 0 : i32
        %dma_wait3A_539 = arith.constant 0 : i32
        %dma_wait3A_540 = tpu.memref_slice %arg2[%dma_wait3A_538, %dma_wait3A_539] : memref<10240x128xf32, #tpu.memory_space<hbm>> -> memref<10240x128xf32, #tpu.memory_space<hbm>>
        tpu.wait_indirect_dma semaphore(%arg13 : memref<!tpu.dma_semaphore, #tpu.memory_space<semaphore_mem>>) src(%dma_wait3A_540 : memref<10240x128xf32, #tpu.memory_space<hbm>>) dst(%arg9 : memref<64x128xf32, #tpu.memory_space<vmem>>)
        %dma_start3A_541 = arith.constant 0 : i32
        %dma_start3A_542 = arith.constant 0 : i32
        %dma_start3A_543 = tpu.memref_slice %arg8[%dma_start3A_541, %dma_start3A_542] : memref<4x64xi32, #tpu.memory_space<vmem>> -> memref<1x64xi32, #tpu.memory_space<vmem>>
        %dma_start3A_544 = tpu.memref_squeeze %dma_start3A_543 : memref<1x64xi32, #tpu.memory_space<vmem>> -> memref<64xi32, #tpu.memory_space<vmem>>
        %dma_start3A_545 = arith.constant 0 : i32
        %dma_start3A_546 = arith.constant 0 : i32
        %dma_start3A_547 = tpu.memref_slice %arg12[%dma_start3A_545, %dma_start3A_546] : memref<10240x128xf32, #tpu.memory_space<vmem_shared>> -> memref<10240x128xf32, #tpu.memory_space<vmem_shared>>
        tpu.enqueue_indirect_dma source(%arg9 : memref<64x128xf32, #tpu.memory_space<vmem>>) target(%dma_start3A_547 : memref<10240x128xf32, #tpu.memory_space<vmem_shared>>) offsets(%dma_start3A_544 : memref<64xi32, #tpu.memory_space<vmem>>) semaphore(%arg16 : memref<!tpu.dma_semaphore, #tpu.memory_space<semaphore_mem>>) {add = true}
        %dma_wait3A_548 = arith.constant 0 : i32
        %dma_wait3A_549 = arith.constant 0 : i32
        %dma_wait3A_550 = tpu.memref_slice %arg8[%dma_wait3A_548, %dma_wait3A_549] : memref<4x64xi32, #tpu.memory_space<vmem>> -> memref<1x64xi32, #tpu.memory_space<vmem>>
        %dma_wait3A_551 = tpu.memref_squeeze %dma_wait3A_550 : memref<1x64xi32, #tpu.memory_space<vmem>> -> memref<64xi32, #tpu.memory_space<vmem>>
        %dma_wait3A_552 = arith.constant 0 : i32
        %dma_wait3A_553 = arith.constant 0 : i32
        %dma_wait3A_554 = tpu.memref_slice %arg12[%dma_wait3A_552, %dma_wait3A_553] : memref<10240x128xf32, #tpu.memory_space<vmem_shared>> -> memref<10240x128xf32, #tpu.memory_space<vmem_shared>>
        tpu.wait_indirect_dma semaphore(%arg16 : memref<!tpu.dma_semaphore, #tpu.memory_space<semaphore_mem>>) src(%arg9 : memref<64x128xf32, #tpu.memory_space<vmem>>) dst(%dma_wait3A_554 : memref<10240x128xf32, #tpu.memory_space<vmem_shared>>)
        %dma_start3A_555 = arith.constant 3 : i32
        %dma_start3A_556 = arith.constant 0 : i32
        %dma_start3A_557 = tpu.memref_slice %arg7[%dma_start3A_555, %dma_start3A_556] : memref<4x64xi32, #tpu.memory_space<vmem>> -> memref<1x64xi32, #tpu.memory_space<vmem>>
        %dma_start3A_558 = tpu.memref_squeeze %dma_start3A_557 : memref<1x64xi32, #tpu.memory_space<vmem>> -> memref<64xi32, #tpu.memory_space<vmem>>
        %dma_start3A_559 = arith.constant 0 : i32
        %dma_start3A_560 = arith.constant 0 : i32
        %dma_start3A_561 = tpu.memref_slice %arg2[%dma_start3A_559, %dma_start3A_560] : memref<10240x128xf32, #tpu.memory_space<hbm>> -> memref<10240x128xf32, #tpu.memory_space<hbm>>
        tpu.enqueue_indirect_dma source(%dma_start3A_561 : memref<10240x128xf32, #tpu.memory_space<hbm>>) target(%arg9 : memref<64x128xf32, #tpu.memory_space<vmem>>) offsets(%dma_start3A_558 : memref<64xi32, #tpu.memory_space<vmem>>) semaphore(%arg13 : memref<!tpu.dma_semaphore, #tpu.memory_space<semaphore_mem>>)
        %dma_wait3A_562 = arith.constant 1 : i32
        %dma_wait3A_563 = arith.constant 0 : i32
        %dma_wait3A_564 = tpu.memref_slice %arg7[%dma_wait3A_562, %dma_wait3A_563] : memref<4x64xi32, #tpu.memory_space<vmem>> -> memref<1x64xi32, #tpu.memory_space<vmem>>
        %dma_wait3A_565 = tpu.memref_squeeze %dma_wait3A_564 : memref<1x64xi32, #tpu.memory_space<vmem>> -> memref<64xi32, #tpu.memory_space<vmem>>
        %dma_wait3A_566 = arith.constant 0 : i32
        %dma_wait3A_567 = arith.constant 0 : i32
        %dma_wait3A_568 = tpu.memref_slice %arg2[%dma_wait3A_566, %dma_wait3A_567] : memref<10240x128xf32, #tpu.memory_space<hbm>> -> memref<10240x128xf32, #tpu.memory_space<hbm>>
        tpu.wait_indirect_dma semaphore(%arg14 : memref<!tpu.dma_semaphore, #tpu.memory_space<semaphore_mem>>) src(%dma_wait3A_568 : memref<10240x128xf32, #tpu.memory_space<hbm>>) dst(%arg10 : memref<64x128xf32, #tpu.memory_space<vmem>>)
        %dma_start3A_569 = arith.constant 1 : i32
        %dma_start3A_570 = arith.constant 0 : i32
        %dma_start3A_571 = tpu.memref_slice %arg8[%dma_start3A_569, %dma_start3A_570] : memref<4x64xi32, #tpu.memory_space<vmem>> -> memref<1x64xi32, #tpu.memory_space<vmem>>
        %dma_start3A_572 = tpu.memref_squeeze %dma_start3A_571 : memref<1x64xi32, #tpu.memory_space<vmem>> -> memref<64xi32, #tpu.memory_space<vmem>>
        %dma_start3A_573 = arith.constant 0 : i32
        %dma_start3A_574 = arith.constant 0 : i32
        %dma_start3A_575 = tpu.memref_slice %arg12[%dma_start3A_573, %dma_start3A_574] : memref<10240x128xf32, #tpu.memory_space<vmem_shared>> -> memref<10240x128xf32, #tpu.memory_space<vmem_shared>>
        tpu.enqueue_indirect_dma source(%arg10 : memref<64x128xf32, #tpu.memory_space<vmem>>) target(%dma_start3A_575 : memref<10240x128xf32, #tpu.memory_space<vmem_shared>>) offsets(%dma_start3A_572 : memref<64xi32, #tpu.memory_space<vmem>>) semaphore(%arg17 : memref<!tpu.dma_semaphore, #tpu.memory_space<semaphore_mem>>) {add = true}
        %dma_wait3A_576 = arith.constant 2 : i32
        %dma_wait3A_577 = arith.constant 0 : i32
        %dma_wait3A_578 = tpu.memref_slice %arg7[%dma_wait3A_576, %dma_wait3A_577] : memref<4x64xi32, #tpu.memory_space<vmem>> -> memref<1x64xi32, #tpu.memory_space<vmem>>
        %dma_wait3A_579 = tpu.memref_squeeze %dma_wait3A_578 : memref<1x64xi32, #tpu.memory_space<vmem>> -> memref<64xi32, #tpu.memory_space<vmem>>
        %dma_wait3A_580 = arith.constant 0 : i32
        %dma_wait3A_581 = arith.constant 0 : i32
        %dma_wait3A_582 = tpu.memref_slice %arg2[%dma_wait3A_580, %dma_wait3A_581] : memref<10240x128xf32, #tpu.memory_space<hbm>> -> memref<10240x128xf32, #tpu.memory_space<hbm>>
        tpu.wait_indirect_dma semaphore(%arg15 : memref<!tpu.dma_semaphore, #tpu.memory_space<semaphore_mem>>) src(%dma_wait3A_582 : memref<10240x128xf32, #tpu.memory_space<hbm>>) dst(%arg11 : memref<64x128xf32, #tpu.memory_space<vmem>>)
        %dma_start3A_583 = arith.constant 2 : i32
        %dma_start3A_584 = arith.constant 0 : i32
        %dma_start3A_585 = tpu.memref_slice %arg8[%dma_start3A_583, %dma_start3A_584] : memref<4x64xi32, #tpu.memory_space<vmem>> -> memref<1x64xi32, #tpu.memory_space<vmem>>
        %dma_start3A_586 = tpu.memref_squeeze %dma_start3A_585 : memref<1x64xi32, #tpu.memory_space<vmem>> -> memref<64xi32, #tpu.memory_space<vmem>>
        %dma_start3A_587 = arith.constant 0 : i32
        %dma_start3A_588 = arith.constant 0 : i32
        %dma_start3A_589 = tpu.memref_slice %arg12[%dma_start3A_587, %dma_start3A_588] : memref<10240x128xf32, #tpu.memory_space<vmem_shared>> -> memref<10240x128xf32, #tpu.memory_space<vmem_shared>>
        tpu.enqueue_indirect_dma source(%arg11 : memref<64x128xf32, #tpu.memory_space<vmem>>) target(%dma_start3A_589 : memref<10240x128xf32, #tpu.memory_space<vmem_shared>>) offsets(%dma_start3A_586 : memref<64xi32, #tpu.memory_space<vmem>>) semaphore(%arg18 : memref<!tpu.dma_semaphore, #tpu.memory_space<semaphore_mem>>) {add = true}
        %dma_wait3A_590 = arith.constant 3 : i32
        %dma_wait3A_591 = arith.constant 0 : i32
        %dma_wait3A_592 = tpu.memref_slice %arg7[%dma_wait3A_590, %dma_wait3A_591] : memref<4x64xi32, #tpu.memory_space<vmem>> -> memref<1x64xi32, #tpu.memory_space<vmem>>
        %dma_wait3A_593 = tpu.memref_squeeze %dma_wait3A_592 : memref<1x64xi32, #tpu.memory_space<vmem>> -> memref<64xi32, #tpu.memory_space<vmem>>
        %dma_wait3A_594 = arith.constant 0 : i32
        %dma_wait3A_595 = arith.constant 0 : i32
        %dma_wait3A_596 = tpu.memref_slice %arg2[%dma_wait3A_594, %dma_wait3A_595] : memref<10240x128xf32, #tpu.memory_space<hbm>> -> memref<10240x128xf32, #tpu.memory_space<hbm>>
        tpu.wait_indirect_dma semaphore(%arg13 : memref<!tpu.dma_semaphore, #tpu.memory_space<semaphore_mem>>) src(%dma_wait3A_596 : memref<10240x128xf32, #tpu.memory_space<hbm>>) dst(%arg9 : memref<64x128xf32, #tpu.memory_space<vmem>>)
        %dma_start3A_597 = arith.constant 3 : i32
        %dma_start3A_598 = arith.constant 0 : i32
        %dma_start3A_599 = tpu.memref_slice %arg8[%dma_start3A_597, %dma_start3A_598] : memref<4x64xi32, #tpu.memory_space<vmem>> -> memref<1x64xi32, #tpu.memory_space<vmem>>
        %dma_start3A_600 = tpu.memref_squeeze %dma_start3A_599 : memref<1x64xi32, #tpu.memory_space<vmem>> -> memref<64xi32, #tpu.memory_space<vmem>>
        %dma_start3A_601 = arith.constant 0 : i32
        %dma_start3A_602 = arith.constant 0 : i32
        %dma_start3A_603 = tpu.memref_slice %arg12[%dma_start3A_601, %dma_start3A_602] : memref<10240x128xf32, #tpu.memory_space<vmem_shared>> -> memref<10240x128xf32, #tpu.memory_space<vmem_shared>>
        tpu.enqueue_indirect_dma source(%arg9 : memref<64x128xf32, #tpu.memory_space<vmem>>) target(%dma_start3A_603 : memref<10240x128xf32, #tpu.memory_space<vmem_shared>>) offsets(%dma_start3A_600 : memref<64xi32, #tpu.memory_space<vmem>>) semaphore(%arg16 : memref<!tpu.dma_semaphore, #tpu.memory_space<semaphore_mem>>) {add = true}
        %dma_wait3A_604 = arith.constant 1 : i32
        %dma_wait3A_605 = arith.constant 0 : i32
        %dma_wait3A_606 = tpu.memref_slice %arg8[%dma_wait3A_604, %dma_wait3A_605] : memref<4x64xi32, #tpu.memory_space<vmem>> -> memref<1x64xi32, #tpu.memory_space<vmem>>
        %dma_wait3A_607 = tpu.memref_squeeze %dma_wait3A_606 : memref<1x64xi32, #tpu.memory_space<vmem>> -> memref<64xi32, #tpu.memory_space<vmem>>
        %dma_wait3A_608 = arith.constant 0 : i32
        %dma_wait3A_609 = arith.constant 0 : i32
        %dma_wait3A_610 = tpu.memref_slice %arg12[%dma_wait3A_608, %dma_wait3A_609] : memref<10240x128xf32, #tpu.memory_space<vmem_shared>> -> memref<10240x128xf32, #tpu.memory_space<vmem_shared>>
        tpu.wait_indirect_dma semaphore(%arg17 : memref<!tpu.dma_semaphore, #tpu.memory_space<semaphore_mem>>) src(%arg10 : memref<64x128xf32, #tpu.memory_space<vmem>>) dst(%dma_wait3A_610 : memref<10240x128xf32, #tpu.memory_space<vmem_shared>>)
        %dma_wait3A_611 = arith.constant 2 : i32
        %dma_wait3A_612 = arith.constant 0 : i32
        %dma_wait3A_613 = tpu.memref_slice %arg8[%dma_wait3A_611, %dma_wait3A_612] : memref<4x64xi32, #tpu.memory_space<vmem>> -> memref<1x64xi32, #tpu.memory_space<vmem>>
        %dma_wait3A_614 = tpu.memref_squeeze %dma_wait3A_613 : memref<1x64xi32, #tpu.memory_space<vmem>> -> memref<64xi32, #tpu.memory_space<vmem>>
        %dma_wait3A_615 = arith.constant 0 : i32
        %dma_wait3A_616 = arith.constant 0 : i32
        %dma_wait3A_617 = tpu.memref_slice %arg12[%dma_wait3A_615, %dma_wait3A_616] : memref<10240x128xf32, #tpu.memory_space<vmem_shared>> -> memref<10240x128xf32, #tpu.memory_space<vmem_shared>>
        tpu.wait_indirect_dma semaphore(%arg18 : memref<!tpu.dma_semaphore, #tpu.memory_space<semaphore_mem>>) src(%arg11 : memref<64x128xf32, #tpu.memory_space<vmem>>) dst(%dma_wait3A_617 : memref<10240x128xf32, #tpu.memory_space<vmem_shared>>)
        %dma_wait3A_618 = arith.constant 3 : i32
        %dma_wait3A_619 = arith.constant 0 : i32
        %dma_wait3A_620 = tpu.memref_slice %arg8[%dma_wait3A_618, %dma_wait3A_619] : memref<4x64xi32, #tpu.memory_space<vmem>> -> memref<1x64xi32, #tpu.memory_space<vmem>>
        %dma_wait3A_621 = tpu.memref_squeeze %dma_wait3A_620 : memref<1x64xi32, #tpu.memory_space<vmem>> -> memref<64xi32, #tpu.memory_space<vmem>>
        %dma_wait3A_622 = arith.constant 0 : i32
        %dma_wait3A_623 = arith.constant 0 : i32
        %dma_wait3A_624 = tpu.memref_slice %arg12[%dma_wait3A_622, %dma_wait3A_623] : memref<10240x128xf32, #tpu.memory_space<vmem_shared>> -> memref<10240x128xf32, #tpu.memory_space<vmem_shared>>
        tpu.wait_indirect_dma semaphore(%arg16 : memref<!tpu.dma_semaphore, #tpu.memory_space<semaphore_mem>>) src(%arg9 : memref<64x128xf32, #tpu.memory_space<vmem>>) dst(%dma_wait3A_624 : memref<10240x128xf32, #tpu.memory_space<vmem_shared>>)
      }
      %scan3A_131 = arith.constant 8 : i32
    }
    %scan3A_42 = arith.constant 5 : i32
    %barrier3A_43 = arith.constant 0 : index
    tpu.barrier barrier_id(%barrier3A_43)
    %mul3A_44 = arith.constant 640 : i32
    %mul3A_45 = arith.muli %arg1, %mul3A_44 : i32
    %add3A_46 = arith.constant 0 : i32
    %add3A_47 = arith.addi %mul3A_45, %add3A_46 : i32
    "tpu.region"() ({
      %run_scoped3A = tpu.sem_alloc : memref<!tpu.dma_semaphore, #tpu.memory_space<semaphore_mem>>
      %dma_start3A = arith.constant 0 : i32
      %dma_start3A_124 = tpu.memref_slice %arg12[%add3A_47, %dma_start3A] : memref<10240x128xf32, #tpu.memory_space<vmem_shared>> -> memref<64x128xf32, #tpu.memory_space<vmem_shared>>
      %dma_start3A_125 = arith.constant 0 : i32
      %dma_start3A_126 = tpu.memref_slice %arg12[%add3A_47, %dma_start3A_125] : memref<10240x128xf32, #tpu.memory_space<vmem_shared>> -> memref<64x128xf32, #tpu.memory_space<vmem_shared>>
      tpu.enqueue_dma source(%dma_start3A_126 : memref<64x128xf32, #tpu.memory_space<vmem_shared>>) target(%arg9 : memref<64x128xf32, #tpu.memory_space<vmem>>) target_semaphore(%run_scoped3A : memref<!tpu.dma_semaphore, #tpu.memory_space<semaphore_mem>>)
      %dma_wait3A = arith.constant 0 : i32
      %dma_wait3A_127 = tpu.memref_slice %arg12[%add3A_47, %dma_wait3A] : memref<10240x128xf32, #tpu.memory_space<vmem_shared>> -> memref<64x128xf32, #tpu.memory_space<vmem_shared>>
      %dma_wait3A_128 = arith.constant 0 : i32
      %dma_wait3A_129 = tpu.memref_slice %arg12[%add3A_47, %dma_wait3A_128] : memref<10240x128xf32, #tpu.memory_space<vmem_shared>> -> memref<64x128xf32, #tpu.memory_space<vmem_shared>>
      tpu.wait_dma2 semaphore(%run_scoped3A : memref<!tpu.dma_semaphore, #tpu.memory_space<semaphore_mem>>) src(%dma_wait3A_129 : memref<64x128xf32, #tpu.memory_space<vmem_shared>>) dst(%arg9 : memref<64x128xf32, #tpu.memory_space<vmem>>)
      tpu.yield
    }) : () -> ()
    %mul3A_48 = arith.constant 640 : i32
    %mul3A_49 = arith.muli %arg1, %mul3A_48 : i32
    %add3A_50 = arith.constant 0 : i32
    %add3A_51 = arith.addi %mul3A_49, %add3A_50 : i32
    "tpu.region"() ({
      %run_scoped3A = tpu.sem_alloc : memref<!tpu.dma_semaphore, #tpu.memory_space<semaphore_mem>>
      %dma_start3A = arith.constant 0 : i32
      %dma_start3A_124 = tpu.memref_slice %arg5[%arg0, %add3A_51, %dma_start3A] : memref<2x10240x128xf32, #tpu.memory_space<hbm>> -> memref<1x64x128xf32, #tpu.memory_space<hbm>>
      %dma_start3A_125 = tpu.memref_squeeze %dma_start3A_124 : memref<1x64x128xf32, #tpu.memory_space<hbm>> -> memref<64x128xf32, #tpu.memory_space<hbm>>
      %dma_start3A_126 = arith.constant 0 : i32
      %dma_start3A_127 = tpu.memref_slice %arg5[%arg0, %add3A_51, %dma_start3A_126] : memref<2x10240x128xf32, #tpu.memory_space<hbm>> -> memref<1x64x128xf32, #tpu.memory_space<hbm>>
      %dma_start3A_128 = tpu.memref_squeeze %dma_start3A_127 : memref<1x64x128xf32, #tpu.memory_space<hbm>> -> memref<64x128xf32, #tpu.memory_space<hbm>>
      tpu.enqueue_dma source(%arg9 : memref<64x128xf32, #tpu.memory_space<vmem>>) target(%dma_start3A_128 : memref<64x128xf32, #tpu.memory_space<hbm>>) target_semaphore(%run_scoped3A : memref<!tpu.dma_semaphore, #tpu.memory_space<semaphore_mem>>)
      %dma_wait3A = arith.constant 0 : i32
      %dma_wait3A_129 = tpu.memref_slice %arg5[%arg0, %add3A_51, %dma_wait3A] : memref<2x10240x128xf32, #tpu.memory_space<hbm>> -> memref<1x64x128xf32, #tpu.memory_space<hbm>>
      %dma_wait3A_130 = tpu.memref_squeeze %dma_wait3A_129 : memref<1x64x128xf32, #tpu.memory_space<hbm>> -> memref<64x128xf32, #tpu.memory_space<hbm>>
      %dma_wait3A_131 = arith.constant 0 : i32
      %dma_wait3A_132 = tpu.memref_slice %arg5[%arg0, %add3A_51, %dma_wait3A_131] : memref<2x10240x128xf32, #tpu.memory_space<hbm>> -> memref<1x64x128xf32, #tpu.memory_space<hbm>>
      %dma_wait3A_133 = tpu.memref_squeeze %dma_wait3A_132 : memref<1x64x128xf32, #tpu.memory_space<hbm>> -> memref<64x128xf32, #tpu.memory_space<hbm>>
      tpu.wait_dma2 semaphore(%run_scoped3A : memref<!tpu.dma_semaphore, #tpu.memory_space<semaphore_mem>>) src(%arg9 : memref<64x128xf32, #tpu.memory_space<vmem>>) dst(%dma_wait3A_133 : memref<64x128xf32, #tpu.memory_space<hbm>>)
      tpu.yield
    }) : () -> ()
    %mul3A_52 = arith.constant 640 : i32
    %mul3A_53 = arith.muli %arg1, %mul3A_52 : i32
    %add3A_54 = arith.constant 64 : i32
    %add3A_55 = arith.addi %mul3A_53, %add3A_54 : i32
    "tpu.region"() ({
      %run_scoped3A = tpu.sem_alloc : memref<!tpu.dma_semaphore, #tpu.memory_space<semaphore_mem>>
      %dma_start3A = arith.constant 0 : i32
      %dma_start3A_124 = tpu.memref_slice %arg12[%add3A_55, %dma_start3A] : memref<10240x128xf32, #tpu.memory_space<vmem_shared>> -> memref<64x128xf32, #tpu.memory_space<vmem_shared>>
      %dma_start3A_125 = arith.constant 0 : i32
      %dma_start3A_126 = tpu.memref_slice %arg12[%add3A_55, %dma_start3A_125] : memref<10240x128xf32, #tpu.memory_space<vmem_shared>> -> memref<64x128xf32, #tpu.memory_space<vmem_shared>>
      tpu.enqueue_dma source(%dma_start3A_126 : memref<64x128xf32, #tpu.memory_space<vmem_shared>>) target(%arg9 : memref<64x128xf32, #tpu.memory_space<vmem>>) target_semaphore(%run_scoped3A : memref<!tpu.dma_semaphore, #tpu.memory_space<semaphore_mem>>)
      %dma_wait3A = arith.constant 0 : i32
      %dma_wait3A_127 = tpu.memref_slice %arg12[%add3A_55, %dma_wait3A] : memref<10240x128xf32, #tpu.memory_space<vmem_shared>> -> memref<64x128xf32, #tpu.memory_space<vmem_shared>>
      %dma_wait3A_128 = arith.constant 0 : i32
      %dma_wait3A_129 = tpu.memref_slice %arg12[%add3A_55, %dma_wait3A_128] : memref<10240x128xf32, #tpu.memory_space<vmem_shared>> -> memref<64x128xf32, #tpu.memory_space<vmem_shared>>
      tpu.wait_dma2 semaphore(%run_scoped3A : memref<!tpu.dma_semaphore, #tpu.memory_space<semaphore_mem>>) src(%dma_wait3A_129 : memref<64x128xf32, #tpu.memory_space<vmem_shared>>) dst(%arg9 : memref<64x128xf32, #tpu.memory_space<vmem>>)
      tpu.yield
    }) : () -> ()
    %mul3A_56 = arith.constant 640 : i32
    %mul3A_57 = arith.muli %arg1, %mul3A_56 : i32
    %add3A_58 = arith.constant 64 : i32
    %add3A_59 = arith.addi %mul3A_57, %add3A_58 : i32
    "tpu.region"() ({
      %run_scoped3A = tpu.sem_alloc : memref<!tpu.dma_semaphore, #tpu.memory_space<semaphore_mem>>
      %dma_start3A = arith.constant 0 : i32
      %dma_start3A_124 = tpu.memref_slice %arg5[%arg0, %add3A_59, %dma_start3A] : memref<2x10240x128xf32, #tpu.memory_space<hbm>> -> memref<1x64x128xf32, #tpu.memory_space<hbm>>
      %dma_start3A_125 = tpu.memref_squeeze %dma_start3A_124 : memref<1x64x128xf32, #tpu.memory_space<hbm>> -> memref<64x128xf32, #tpu.memory_space<hbm>>
      %dma_start3A_126 = arith.constant 0 : i32
      %dma_start3A_127 = tpu.memref_slice %arg5[%arg0, %add3A_59, %dma_start3A_126] : memref<2x10240x128xf32, #tpu.memory_space<hbm>> -> memref<1x64x128xf32, #tpu.memory_space<hbm>>
      %dma_start3A_128 = tpu.memref_squeeze %dma_start3A_127 : memref<1x64x128xf32, #tpu.memory_space<hbm>> -> memref<64x128xf32, #tpu.memory_space<hbm>>
      tpu.enqueue_dma source(%arg9 : memref<64x128xf32, #tpu.memory_space<vmem>>) target(%dma_start3A_128 : memref<64x128xf32, #tpu.memory_space<hbm>>) target_semaphore(%run_scoped3A : memref<!tpu.dma_semaphore, #tpu.memory_space<semaphore_mem>>)
      %dma_wait3A = arith.constant 0 : i32
      %dma_wait3A_129 = tpu.memref_slice %arg5[%arg0, %add3A_59, %dma_wait3A] : memref<2x10240x128xf32, #tpu.memory_space<hbm>> -> memref<1x64x128xf32, #tpu.memory_space<hbm>>
      %dma_wait3A_130 = tpu.memref_squeeze %dma_wait3A_129 : memref<1x64x128xf32, #tpu.memory_space<hbm>> -> memref<64x128xf32, #tpu.memory_space<hbm>>
      %dma_wait3A_131 = arith.constant 0 : i32
      %dma_wait3A_132 = tpu.memref_slice %arg5[%arg0, %add3A_59, %dma_wait3A_131] : memref<2x10240x128xf32, #tpu.memory_space<hbm>> -> memref<1x64x128xf32, #tpu.memory_space<hbm>>
      %dma_wait3A_133 = tpu.memref_squeeze %dma_wait3A_132 : memref<1x64x128xf32, #tpu.memory_space<hbm>> -> memref<64x128xf32, #tpu.memory_space<hbm>>
      tpu.wait_dma2 semaphore(%run_scoped3A : memref<!tpu.dma_semaphore, #tpu.memory_space<semaphore_mem>>) src(%arg9 : memref<64x128xf32, #tpu.memory_space<vmem>>) dst(%dma_wait3A_133 : memref<64x128xf32, #tpu.memory_space<hbm>>)
      tpu.yield
    }) : () -> ()
    %mul3A_60 = arith.constant 640 : i32
    %mul3A_61 = arith.muli %arg1, %mul3A_60 : i32
    %add3A_62 = arith.constant 128 : i32
    %add3A_63 = arith.addi %mul3A_61, %add3A_62 : i32
    "tpu.region"() ({
      %run_scoped3A = tpu.sem_alloc : memref<!tpu.dma_semaphore, #tpu.memory_space<semaphore_mem>>
      %dma_start3A = arith.constant 0 : i32
      %dma_start3A_124 = tpu.memref_slice %arg12[%add3A_63, %dma_start3A] : memref<10240x128xf32, #tpu.memory_space<vmem_shared>> -> memref<64x128xf32, #tpu.memory_space<vmem_shared>>
      %dma_start3A_125 = arith.constant 0 : i32
      %dma_start3A_126 = tpu.memref_slice %arg12[%add3A_63, %dma_start3A_125] : memref<10240x128xf32, #tpu.memory_space<vmem_shared>> -> memref<64x128xf32, #tpu.memory_space<vmem_shared>>
      tpu.enqueue_dma source(%dma_start3A_126 : memref<64x128xf32, #tpu.memory_space<vmem_shared>>) target(%arg9 : memref<64x128xf32, #tpu.memory_space<vmem>>) target_semaphore(%run_scoped3A : memref<!tpu.dma_semaphore, #tpu.memory_space<semaphore_mem>>)
      %dma_wait3A = arith.constant 0 : i32
      %dma_wait3A_127 = tpu.memref_slice %arg12[%add3A_63, %dma_wait3A] : memref<10240x128xf32, #tpu.memory_space<vmem_shared>> -> memref<64x128xf32, #tpu.memory_space<vmem_shared>>
      %dma_wait3A_128 = arith.constant 0 : i32
      %dma_wait3A_129 = tpu.memref_slice %arg12[%add3A_63, %dma_wait3A_128] : memref<10240x128xf32, #tpu.memory_space<vmem_shared>> -> memref<64x128xf32, #tpu.memory_space<vmem_shared>>
      tpu.wait_dma2 semaphore(%run_scoped3A : memref<!tpu.dma_semaphore, #tpu.memory_space<semaphore_mem>>) src(%dma_wait3A_129 : memref<64x128xf32, #tpu.memory_space<vmem_shared>>) dst(%arg9 : memref<64x128xf32, #tpu.memory_space<vmem>>)
      tpu.yield
    }) : () -> ()
    %mul3A_64 = arith.constant 640 : i32
    %mul3A_65 = arith.muli %arg1, %mul3A_64 : i32
    %add3A_66 = arith.constant 128 : i32
    %add3A_67 = arith.addi %mul3A_65, %add3A_66 : i32
    "tpu.region"() ({
      %run_scoped3A = tpu.sem_alloc : memref<!tpu.dma_semaphore, #tpu.memory_space<semaphore_mem>>
      %dma_start3A = arith.constant 0 : i32
      %dma_start3A_124 = tpu.memref_slice %arg5[%arg0, %add3A_67, %dma_start3A] : memref<2x10240x128xf32, #tpu.memory_space<hbm>> -> memref<1x64x128xf32, #tpu.memory_space<hbm>>
      %dma_start3A_125 = tpu.memref_squeeze %dma_start3A_124 : memref<1x64x128xf32, #tpu.memory_space<hbm>> -> memref<64x128xf32, #tpu.memory_space<hbm>>
      %dma_start3A_126 = arith.constant 0 : i32
      %dma_start3A_127 = tpu.memref_slice %arg5[%arg0, %add3A_67, %dma_start3A_126] : memref<2x10240x128xf32, #tpu.memory_space<hbm>> -> memref<1x64x128xf32, #tpu.memory_space<hbm>>
      %dma_start3A_128 = tpu.memref_squeeze %dma_start3A_127 : memref<1x64x128xf32, #tpu.memory_space<hbm>> -> memref<64x128xf32, #tpu.memory_space<hbm>>
      tpu.enqueue_dma source(%arg9 : memref<64x128xf32, #tpu.memory_space<vmem>>) target(%dma_start3A_128 : memref<64x128xf32, #tpu.memory_space<hbm>>) target_semaphore(%run_scoped3A : memref<!tpu.dma_semaphore, #tpu.memory_space<semaphore_mem>>)
      %dma_wait3A = arith.constant 0 : i32
      %dma_wait3A_129 = tpu.memref_slice %arg5[%arg0, %add3A_67, %dma_wait3A] : memref<2x10240x128xf32, #tpu.memory_space<hbm>> -> memref<1x64x128xf32, #tpu.memory_space<hbm>>
      %dma_wait3A_130 = tpu.memref_squeeze %dma_wait3A_129 : memref<1x64x128xf32, #tpu.memory_space<hbm>> -> memref<64x128xf32, #tpu.memory_space<hbm>>
      %dma_wait3A_131 = arith.constant 0 : i32
      %dma_wait3A_132 = tpu.memref_slice %arg5[%arg0, %add3A_67, %dma_wait3A_131] : memref<2x10240x128xf32, #tpu.memory_space<hbm>> -> memref<1x64x128xf32, #tpu.memory_space<hbm>>
      %dma_wait3A_133 = tpu.memref_squeeze %dma_wait3A_132 : memref<1x64x128xf32, #tpu.memory_space<hbm>> -> memref<64x128xf32, #tpu.memory_space<hbm>>
      tpu.wait_dma2 semaphore(%run_scoped3A : memref<!tpu.dma_semaphore, #tpu.memory_space<semaphore_mem>>) src(%arg9 : memref<64x128xf32, #tpu.memory_space<vmem>>) dst(%dma_wait3A_133 : memref<64x128xf32, #tpu.memory_space<hbm>>)
      tpu.yield
    }) : () -> ()
    %mul3A_68 = arith.constant 640 : i32
    %mul3A_69 = arith.muli %arg1, %mul3A_68 : i32
    %add3A_70 = arith.constant 192 : i32
    %add3A_71 = arith.addi %mul3A_69, %add3A_70 : i32
    "tpu.region"() ({
      %run_scoped3A = tpu.sem_alloc : memref<!tpu.dma_semaphore, #tpu.memory_space<semaphore_mem>>
      %dma_start3A = arith.constant 0 : i32
      %dma_start3A_124 = tpu.memref_slice %arg12[%add3A_71, %dma_start3A] : memref<10240x128xf32, #tpu.memory_space<vmem_shared>> -> memref<64x128xf32, #tpu.memory_space<vmem_shared>>
      %dma_start3A_125 = arith.constant 0 : i32
      %dma_start3A_126 = tpu.memref_slice %arg12[%add3A_71, %dma_start3A_125] : memref<10240x128xf32, #tpu.memory_space<vmem_shared>> -> memref<64x128xf32, #tpu.memory_space<vmem_shared>>
      tpu.enqueue_dma source(%dma_start3A_126 : memref<64x128xf32, #tpu.memory_space<vmem_shared>>) target(%arg9 : memref<64x128xf32, #tpu.memory_space<vmem>>) target_semaphore(%run_scoped3A : memref<!tpu.dma_semaphore, #tpu.memory_space<semaphore_mem>>)
      %dma_wait3A = arith.constant 0 : i32
      %dma_wait3A_127 = tpu.memref_slice %arg12[%add3A_71, %dma_wait3A] : memref<10240x128xf32, #tpu.memory_space<vmem_shared>> -> memref<64x128xf32, #tpu.memory_space<vmem_shared>>
      %dma_wait3A_128 = arith.constant 0 : i32
      %dma_wait3A_129 = tpu.memref_slice %arg12[%add3A_71, %dma_wait3A_128] : memref<10240x128xf32, #tpu.memory_space<vmem_shared>> -> memref<64x128xf32, #tpu.memory_space<vmem_shared>>
      tpu.wait_dma2 semaphore(%run_scoped3A : memref<!tpu.dma_semaphore, #tpu.memory_space<semaphore_mem>>) src(%dma_wait3A_129 : memref<64x128xf32, #tpu.memory_space<vmem_shared>>) dst(%arg9 : memref<64x128xf32, #tpu.memory_space<vmem>>)
      tpu.yield
    }) : () -> ()
    %mul3A_72 = arith.constant 640 : i32
    %mul3A_73 = arith.muli %arg1, %mul3A_72 : i32
    %add3A_74 = arith.constant 192 : i32
    %add3A_75 = arith.addi %mul3A_73, %add3A_74 : i32
    "tpu.region"() ({
      %run_scoped3A = tpu.sem_alloc : memref<!tpu.dma_semaphore, #tpu.memory_space<semaphore_mem>>
      %dma_start3A = arith.constant 0 : i32
      %dma_start3A_124 = tpu.memref_slice %arg5[%arg0, %add3A_75, %dma_start3A] : memref<2x10240x128xf32, #tpu.memory_space<hbm>> -> memref<1x64x128xf32, #tpu.memory_space<hbm>>
      %dma_start3A_125 = tpu.memref_squeeze %dma_start3A_124 : memref<1x64x128xf32, #tpu.memory_space<hbm>> -> memref<64x128xf32, #tpu.memory_space<hbm>>
      %dma_start3A_126 = arith.constant 0 : i32
      %dma_start3A_127 = tpu.memref_slice %arg5[%arg0, %add3A_75, %dma_start3A_126] : memref<2x10240x128xf32, #tpu.memory_space<hbm>> -> memref<1x64x128xf32, #tpu.memory_space<hbm>>
      %dma_start3A_128 = tpu.memref_squeeze %dma_start3A_127 : memref<1x64x128xf32, #tpu.memory_space<hbm>> -> memref<64x128xf32, #tpu.memory_space<hbm>>
      tpu.enqueue_dma source(%arg9 : memref<64x128xf32, #tpu.memory_space<vmem>>) target(%dma_start3A_128 : memref<64x128xf32, #tpu.memory_space<hbm>>) target_semaphore(%run_scoped3A : memref<!tpu.dma_semaphore, #tpu.memory_space<semaphore_mem>>)
      %dma_wait3A = arith.constant 0 : i32
      %dma_wait3A_129 = tpu.memref_slice %arg5[%arg0, %add3A_75, %dma_wait3A] : memref<2x10240x128xf32, #tpu.memory_space<hbm>> -> memref<1x64x128xf32, #tpu.memory_space<hbm>>
      %dma_wait3A_130 = tpu.memref_squeeze %dma_wait3A_129 : memref<1x64x128xf32, #tpu.memory_space<hbm>> -> memref<64x128xf32, #tpu.memory_space<hbm>>
      %dma_wait3A_131 = arith.constant 0 : i32
      %dma_wait3A_132 = tpu.memref_slice %arg5[%arg0, %add3A_75, %dma_wait3A_131] : memref<2x10240x128xf32, #tpu.memory_space<hbm>> -> memref<1x64x128xf32, #tpu.memory_space<hbm>>
      %dma_wait3A_133 = tpu.memref_squeeze %dma_wait3A_132 : memref<1x64x128xf32, #tpu.memory_space<hbm>> -> memref<64x128xf32, #tpu.memory_space<hbm>>
      tpu.wait_dma2 semaphore(%run_scoped3A : memref<!tpu.dma_semaphore, #tpu.memory_space<semaphore_mem>>) src(%arg9 : memref<64x128xf32, #tpu.memory_space<vmem>>) dst(%dma_wait3A_133 : memref<64x128xf32, #tpu.memory_space<hbm>>)
      tpu.yield
    }) : () -> ()
    %mul3A_76 = arith.constant 640 : i32
    %mul3A_77 = arith.muli %arg1, %mul3A_76 : i32
    %add3A_78 = arith.constant 256 : i32
    %add3A_79 = arith.addi %mul3A_77, %add3A_78 : i32
    "tpu.region"() ({
      %run_scoped3A = tpu.sem_alloc : memref<!tpu.dma_semaphore, #tpu.memory_space<semaphore_mem>>
      %dma_start3A = arith.constant 0 : i32
      %dma_start3A_124 = tpu.memref_slice %arg12[%add3A_79, %dma_start3A] : memref<10240x128xf32, #tpu.memory_space<vmem_shared>> -> memref<64x128xf32, #tpu.memory_space<vmem_shared>>
      %dma_start3A_125 = arith.constant 0 : i32
      %dma_start3A_126 = tpu.memref_slice %arg12[%add3A_79, %dma_start3A_125] : memref<10240x128xf32, #tpu.memory_space<vmem_shared>> -> memref<64x128xf32, #tpu.memory_space<vmem_shared>>
      tpu.enqueue_dma source(%dma_start3A_126 : memref<64x128xf32, #tpu.memory_space<vmem_shared>>) target(%arg9 : memref<64x128xf32, #tpu.memory_space<vmem>>) target_semaphore(%run_scoped3A : memref<!tpu.dma_semaphore, #tpu.memory_space<semaphore_mem>>)
      %dma_wait3A = arith.constant 0 : i32
      %dma_wait3A_127 = tpu.memref_slice %arg12[%add3A_79, %dma_wait3A] : memref<10240x128xf32, #tpu.memory_space<vmem_shared>> -> memref<64x128xf32, #tpu.memory_space<vmem_shared>>
      %dma_wait3A_128 = arith.constant 0 : i32
      %dma_wait3A_129 = tpu.memref_slice %arg12[%add3A_79, %dma_wait3A_128] : memref<10240x128xf32, #tpu.memory_space<vmem_shared>> -> memref<64x128xf32, #tpu.memory_space<vmem_shared>>
      tpu.wait_dma2 semaphore(%run_scoped3A : memref<!tpu.dma_semaphore, #tpu.memory_space<semaphore_mem>>) src(%dma_wait3A_129 : memref<64x128xf32, #tpu.memory_space<vmem_shared>>) dst(%arg9 : memref<64x128xf32, #tpu.memory_space<vmem>>)
      tpu.yield
    }) : () -> ()
    %mul3A_80 = arith.constant 640 : i32
    %mul3A_81 = arith.muli %arg1, %mul3A_80 : i32
    %add3A_82 = arith.constant 256 : i32
    %add3A_83 = arith.addi %mul3A_81, %add3A_82 : i32
    "tpu.region"() ({
      %run_scoped3A = tpu.sem_alloc : memref<!tpu.dma_semaphore, #tpu.memory_space<semaphore_mem>>
      %dma_start3A = arith.constant 0 : i32
      %dma_start3A_124 = tpu.memref_slice %arg5[%arg0, %add3A_83, %dma_start3A] : memref<2x10240x128xf32, #tpu.memory_space<hbm>> -> memref<1x64x128xf32, #tpu.memory_space<hbm>>
      %dma_start3A_125 = tpu.memref_squeeze %dma_start3A_124 : memref<1x64x128xf32, #tpu.memory_space<hbm>> -> memref<64x128xf32, #tpu.memory_space<hbm>>
      %dma_start3A_126 = arith.constant 0 : i32
      %dma_start3A_127 = tpu.memref_slice %arg5[%arg0, %add3A_83, %dma_start3A_126] : memref<2x10240x128xf32, #tpu.memory_space<hbm>> -> memref<1x64x128xf32, #tpu.memory_space<hbm>>
      %dma_start3A_128 = tpu.memref_squeeze %dma_start3A_127 : memref<1x64x128xf32, #tpu.memory_space<hbm>> -> memref<64x128xf32, #tpu.memory_space<hbm>>
      tpu.enqueue_dma source(%arg9 : memref<64x128xf32, #tpu.memory_space<vmem>>) target(%dma_start3A_128 : memref<64x128xf32, #tpu.memory_space<hbm>>) target_semaphore(%run_scoped3A : memref<!tpu.dma_semaphore, #tpu.memory_space<semaphore_mem>>)
      %dma_wait3A = arith.constant 0 : i32
      %dma_wait3A_129 = tpu.memref_slice %arg5[%arg0, %add3A_83, %dma_wait3A] : memref<2x10240x128xf32, #tpu.memory_space<hbm>> -> memref<1x64x128xf32, #tpu.memory_space<hbm>>
      %dma_wait3A_130 = tpu.memref_squeeze %dma_wait3A_129 : memref<1x64x128xf32, #tpu.memory_space<hbm>> -> memref<64x128xf32, #tpu.memory_space<hbm>>
      %dma_wait3A_131 = arith.constant 0 : i32
      %dma_wait3A_132 = tpu.memref_slice %arg5[%arg0, %add3A_83, %dma_wait3A_131] : memref<2x10240x128xf32, #tpu.memory_space<hbm>> -> memref<1x64x128xf32, #tpu.memory_space<hbm>>
      %dma_wait3A_133 = tpu.memref_squeeze %dma_wait3A_132 : memref<1x64x128xf32, #tpu.memory_space<hbm>> -> memref<64x128xf32, #tpu.memory_space<hbm>>
      tpu.wait_dma2 semaphore(%run_scoped3A : memref<!tpu.dma_semaphore, #tpu.memory_space<semaphore_mem>>) src(%arg9 : memref<64x128xf32, #tpu.memory_space<vmem>>) dst(%dma_wait3A_133 : memref<64x128xf32, #tpu.memory_space<hbm>>)
      tpu.yield
    }) : () -> ()
    %mul3A_84 = arith.constant 640 : i32
    %mul3A_85 = arith.muli %arg1, %mul3A_84 : i32
    %add3A_86 = arith.constant 320 : i32
    %add3A_87 = arith.addi %mul3A_85, %add3A_86 : i32
    "tpu.region"() ({
      %run_scoped3A = tpu.sem_alloc : memref<!tpu.dma_semaphore, #tpu.memory_space<semaphore_mem>>
      %dma_start3A = arith.constant 0 : i32
      %dma_start3A_124 = tpu.memref_slice %arg12[%add3A_87, %dma_start3A] : memref<10240x128xf32, #tpu.memory_space<vmem_shared>> -> memref<64x128xf32, #tpu.memory_space<vmem_shared>>
      %dma_start3A_125 = arith.constant 0 : i32
      %dma_start3A_126 = tpu.memref_slice %arg12[%add3A_87, %dma_start3A_125] : memref<10240x128xf32, #tpu.memory_space<vmem_shared>> -> memref<64x128xf32, #tpu.memory_space<vmem_shared>>
      tpu.enqueue_dma source(%dma_start3A_126 : memref<64x128xf32, #tpu.memory_space<vmem_shared>>) target(%arg9 : memref<64x128xf32, #tpu.memory_space<vmem>>) target_semaphore(%run_scoped3A : memref<!tpu.dma_semaphore, #tpu.memory_space<semaphore_mem>>)
      %dma_wait3A = arith.constant 0 : i32
      %dma_wait3A_127 = tpu.memref_slice %arg12[%add3A_87, %dma_wait3A] : memref<10240x128xf32, #tpu.memory_space<vmem_shared>> -> memref<64x128xf32, #tpu.memory_space<vmem_shared>>
      %dma_wait3A_128 = arith.constant 0 : i32
      %dma_wait3A_129 = tpu.memref_slice %arg12[%add3A_87, %dma_wait3A_128] : memref<10240x128xf32, #tpu.memory_space<vmem_shared>> -> memref<64x128xf32, #tpu.memory_space<vmem_shared>>
      tpu.wait_dma2 semaphore(%run_scoped3A : memref<!tpu.dma_semaphore, #tpu.memory_space<semaphore_mem>>) src(%dma_wait3A_129 : memref<64x128xf32, #tpu.memory_space<vmem_shared>>) dst(%arg9 : memref<64x128xf32, #tpu.memory_space<vmem>>)
      tpu.yield
    }) : () -> ()
    %mul3A_88 = arith.constant 640 : i32
    %mul3A_89 = arith.muli %arg1, %mul3A_88 : i32
    %add3A_90 = arith.constant 320 : i32
    %add3A_91 = arith.addi %mul3A_89, %add3A_90 : i32
    "tpu.region"() ({
      %run_scoped3A = tpu.sem_alloc : memref<!tpu.dma_semaphore, #tpu.memory_space<semaphore_mem>>
      %dma_start3A = arith.constant 0 : i32
      %dma_start3A_124 = tpu.memref_slice %arg5[%arg0, %add3A_91, %dma_start3A] : memref<2x10240x128xf32, #tpu.memory_space<hbm>> -> memref<1x64x128xf32, #tpu.memory_space<hbm>>
      %dma_start3A_125 = tpu.memref_squeeze %dma_start3A_124 : memref<1x64x128xf32, #tpu.memory_space<hbm>> -> memref<64x128xf32, #tpu.memory_space<hbm>>
      %dma_start3A_126 = arith.constant 0 : i32
      %dma_start3A_127 = tpu.memref_slice %arg5[%arg0, %add3A_91, %dma_start3A_126] : memref<2x10240x128xf32, #tpu.memory_space<hbm>> -> memref<1x64x128xf32, #tpu.memory_space<hbm>>
      %dma_start3A_128 = tpu.memref_squeeze %dma_start3A_127 : memref<1x64x128xf32, #tpu.memory_space<hbm>> -> memref<64x128xf32, #tpu.memory_space<hbm>>
      tpu.enqueue_dma source(%arg9 : memref<64x128xf32, #tpu.memory_space<vmem>>) target(%dma_start3A_128 : memref<64x128xf32, #tpu.memory_space<hbm>>) target_semaphore(%run_scoped3A : memref<!tpu.dma_semaphore, #tpu.memory_space<semaphore_mem>>)
      %dma_wait3A = arith.constant 0 : i32
      %dma_wait3A_129 = tpu.memref_slice %arg5[%arg0, %add3A_91, %dma_wait3A] : memref<2x10240x128xf32, #tpu.memory_space<hbm>> -> memref<1x64x128xf32, #tpu.memory_space<hbm>>
      %dma_wait3A_130 = tpu.memref_squeeze %dma_wait3A_129 : memref<1x64x128xf32, #tpu.memory_space<hbm>> -> memref<64x128xf32, #tpu.memory_space<hbm>>
      %dma_wait3A_131 = arith.constant 0 : i32
      %dma_wait3A_132 = tpu.memref_slice %arg5[%arg0, %add3A_91, %dma_wait3A_131] : memref<2x10240x128xf32, #tpu.memory_space<hbm>> -> memref<1x64x128xf32, #tpu.memory_space<hbm>>
      %dma_wait3A_133 = tpu.memref_squeeze %dma_wait3A_132 : memref<1x64x128xf32, #tpu.memory_space<hbm>> -> memref<64x128xf32, #tpu.memory_space<hbm>>
      tpu.wait_dma2 semaphore(%run_scoped3A : memref<!tpu.dma_semaphore, #tpu.memory_space<semaphore_mem>>) src(%arg9 : memref<64x128xf32, #tpu.memory_space<vmem>>) dst(%dma_wait3A_133 : memref<64x128xf32, #tpu.memory_space<hbm>>)
      tpu.yield
    }) : () -> ()
    %mul3A_92 = arith.constant 640 : i32
    %mul3A_93 = arith.muli %arg1, %mul3A_92 : i32
    %add3A_94 = arith.constant 384 : i32
    %add3A_95 = arith.addi %mul3A_93, %add3A_94 : i32
    "tpu.region"() ({
      %run_scoped3A = tpu.sem_alloc : memref<!tpu.dma_semaphore, #tpu.memory_space<semaphore_mem>>
      %dma_start3A = arith.constant 0 : i32
      %dma_start3A_124 = tpu.memref_slice %arg12[%add3A_95, %dma_start3A] : memref<10240x128xf32, #tpu.memory_space<vmem_shared>> -> memref<64x128xf32, #tpu.memory_space<vmem_shared>>
      %dma_start3A_125 = arith.constant 0 : i32
      %dma_start3A_126 = tpu.memref_slice %arg12[%add3A_95, %dma_start3A_125] : memref<10240x128xf32, #tpu.memory_space<vmem_shared>> -> memref<64x128xf32, #tpu.memory_space<vmem_shared>>
      tpu.enqueue_dma source(%dma_start3A_126 : memref<64x128xf32, #tpu.memory_space<vmem_shared>>) target(%arg9 : memref<64x128xf32, #tpu.memory_space<vmem>>) target_semaphore(%run_scoped3A : memref<!tpu.dma_semaphore, #tpu.memory_space<semaphore_mem>>)
      %dma_wait3A = arith.constant 0 : i32
      %dma_wait3A_127 = tpu.memref_slice %arg12[%add3A_95, %dma_wait3A] : memref<10240x128xf32, #tpu.memory_space<vmem_shared>> -> memref<64x128xf32, #tpu.memory_space<vmem_shared>>
      %dma_wait3A_128 = arith.constant 0 : i32
      %dma_wait3A_129 = tpu.memref_slice %arg12[%add3A_95, %dma_wait3A_128] : memref<10240x128xf32, #tpu.memory_space<vmem_shared>> -> memref<64x128xf32, #tpu.memory_space<vmem_shared>>
      tpu.wait_dma2 semaphore(%run_scoped3A : memref<!tpu.dma_semaphore, #tpu.memory_space<semaphore_mem>>) src(%dma_wait3A_129 : memref<64x128xf32, #tpu.memory_space<vmem_shared>>) dst(%arg9 : memref<64x128xf32, #tpu.memory_space<vmem>>)
      tpu.yield
    }) : () -> ()
    %mul3A_96 = arith.constant 640 : i32
    %mul3A_97 = arith.muli %arg1, %mul3A_96 : i32
    %add3A_98 = arith.constant 384 : i32
    %add3A_99 = arith.addi %mul3A_97, %add3A_98 : i32
    "tpu.region"() ({
      %run_scoped3A = tpu.sem_alloc : memref<!tpu.dma_semaphore, #tpu.memory_space<semaphore_mem>>
      %dma_start3A = arith.constant 0 : i32
      %dma_start3A_124 = tpu.memref_slice %arg5[%arg0, %add3A_99, %dma_start3A] : memref<2x10240x128xf32, #tpu.memory_space<hbm>> -> memref<1x64x128xf32, #tpu.memory_space<hbm>>
      %dma_start3A_125 = tpu.memref_squeeze %dma_start3A_124 : memref<1x64x128xf32, #tpu.memory_space<hbm>> -> memref<64x128xf32, #tpu.memory_space<hbm>>
      %dma_start3A_126 = arith.constant 0 : i32
      %dma_start3A_127 = tpu.memref_slice %arg5[%arg0, %add3A_99, %dma_start3A_126] : memref<2x10240x128xf32, #tpu.memory_space<hbm>> -> memref<1x64x128xf32, #tpu.memory_space<hbm>>
      %dma_start3A_128 = tpu.memref_squeeze %dma_start3A_127 : memref<1x64x128xf32, #tpu.memory_space<hbm>> -> memref<64x128xf32, #tpu.memory_space<hbm>>
      tpu.enqueue_dma source(%arg9 : memref<64x128xf32, #tpu.memory_space<vmem>>) target(%dma_start3A_128 : memref<64x128xf32, #tpu.memory_space<hbm>>) target_semaphore(%run_scoped3A : memref<!tpu.dma_semaphore, #tpu.memory_space<semaphore_mem>>)
      %dma_wait3A = arith.constant 0 : i32
      %dma_wait3A_129 = tpu.memref_slice %arg5[%arg0, %add3A_99, %dma_wait3A] : memref<2x10240x128xf32, #tpu.memory_space<hbm>> -> memref<1x64x128xf32, #tpu.memory_space<hbm>>
      %dma_wait3A_130 = tpu.memref_squeeze %dma_wait3A_129 : memref<1x64x128xf32, #tpu.memory_space<hbm>> -> memref<64x128xf32, #tpu.memory_space<hbm>>
      %dma_wait3A_131 = arith.constant 0 : i32
      %dma_wait3A_132 = tpu.memref_slice %arg5[%arg0, %add3A_99, %dma_wait3A_131] : memref<2x10240x128xf32, #tpu.memory_space<hbm>> -> memref<1x64x128xf32, #tpu.memory_space<hbm>>
      %dma_wait3A_133 = tpu.memref_squeeze %dma_wait3A_132 : memref<1x64x128xf32, #tpu.memory_space<hbm>> -> memref<64x128xf32, #tpu.memory_space<hbm>>
      tpu.wait_dma2 semaphore(%run_scoped3A : memref<!tpu.dma_semaphore, #tpu.memory_space<semaphore_mem>>) src(%arg9 : memref<64x128xf32, #tpu.memory_space<vmem>>) dst(%dma_wait3A_133 : memref<64x128xf32, #tpu.memory_space<hbm>>)
      tpu.yield
    }) : () -> ()
    %mul3A_100 = arith.constant 640 : i32
    %mul3A_101 = arith.muli %arg1, %mul3A_100 : i32
    %add3A_102 = arith.constant 448 : i32
    %add3A_103 = arith.addi %mul3A_101, %add3A_102 : i32
    "tpu.region"() ({
      %run_scoped3A = tpu.sem_alloc : memref<!tpu.dma_semaphore, #tpu.memory_space<semaphore_mem>>
      %dma_start3A = arith.constant 0 : i32
      %dma_start3A_124 = tpu.memref_slice %arg12[%add3A_103, %dma_start3A] : memref<10240x128xf32, #tpu.memory_space<vmem_shared>> -> memref<64x128xf32, #tpu.memory_space<vmem_shared>>
      %dma_start3A_125 = arith.constant 0 : i32
      %dma_start3A_126 = tpu.memref_slice %arg12[%add3A_103, %dma_start3A_125] : memref<10240x128xf32, #tpu.memory_space<vmem_shared>> -> memref<64x128xf32, #tpu.memory_space<vmem_shared>>
      tpu.enqueue_dma source(%dma_start3A_126 : memref<64x128xf32, #tpu.memory_space<vmem_shared>>) target(%arg9 : memref<64x128xf32, #tpu.memory_space<vmem>>) target_semaphore(%run_scoped3A : memref<!tpu.dma_semaphore, #tpu.memory_space<semaphore_mem>>)
      %dma_wait3A = arith.constant 0 : i32
      %dma_wait3A_127 = tpu.memref_slice %arg12[%add3A_103, %dma_wait3A] : memref<10240x128xf32, #tpu.memory_space<vmem_shared>> -> memref<64x128xf32, #tpu.memory_space<vmem_shared>>
      %dma_wait3A_128 = arith.constant 0 : i32
      %dma_wait3A_129 = tpu.memref_slice %arg12[%add3A_103, %dma_wait3A_128] : memref<10240x128xf32, #tpu.memory_space<vmem_shared>> -> memref<64x128xf32, #tpu.memory_space<vmem_shared>>
      tpu.wait_dma2 semaphore(%run_scoped3A : memref<!tpu.dma_semaphore, #tpu.memory_space<semaphore_mem>>) src(%dma_wait3A_129 : memref<64x128xf32, #tpu.memory_space<vmem_shared>>) dst(%arg9 : memref<64x128xf32, #tpu.memory_space<vmem>>)
      tpu.yield
    }) : () -> ()
    %mul3A_104 = arith.constant 640 : i32
    %mul3A_105 = arith.muli %arg1, %mul3A_104 : i32
    %add3A_106 = arith.constant 448 : i32
    %add3A_107 = arith.addi %mul3A_105, %add3A_106 : i32
    "tpu.region"() ({
      %run_scoped3A = tpu.sem_alloc : memref<!tpu.dma_semaphore, #tpu.memory_space<semaphore_mem>>
      %dma_start3A = arith.constant 0 : i32
      %dma_start3A_124 = tpu.memref_slice %arg5[%arg0, %add3A_107, %dma_start3A] : memref<2x10240x128xf32, #tpu.memory_space<hbm>> -> memref<1x64x128xf32, #tpu.memory_space<hbm>>
      %dma_start3A_125 = tpu.memref_squeeze %dma_start3A_124 : memref<1x64x128xf32, #tpu.memory_space<hbm>> -> memref<64x128xf32, #tpu.memory_space<hbm>>
      %dma_start3A_126 = arith.constant 0 : i32
      %dma_start3A_127 = tpu.memref_slice %arg5[%arg0, %add3A_107, %dma_start3A_126] : memref<2x10240x128xf32, #tpu.memory_space<hbm>> -> memref<1x64x128xf32, #tpu.memory_space<hbm>>
      %dma_start3A_128 = tpu.memref_squeeze %dma_start3A_127 : memref<1x64x128xf32, #tpu.memory_space<hbm>> -> memref<64x128xf32, #tpu.memory_space<hbm>>
      tpu.enqueue_dma source(%arg9 : memref<64x128xf32, #tpu.memory_space<vmem>>) target(%dma_start3A_128 : memref<64x128xf32, #tpu.memory_space<hbm>>) target_semaphore(%run_scoped3A : memref<!tpu.dma_semaphore, #tpu.memory_space<semaphore_mem>>)
      %dma_wait3A = arith.constant 0 : i32
      %dma_wait3A_129 = tpu.memref_slice %arg5[%arg0, %add3A_107, %dma_wait3A] : memref<2x10240x128xf32, #tpu.memory_space<hbm>> -> memref<1x64x128xf32, #tpu.memory_space<hbm>>
      %dma_wait3A_130 = tpu.memref_squeeze %dma_wait3A_129 : memref<1x64x128xf32, #tpu.memory_space<hbm>> -> memref<64x128xf32, #tpu.memory_space<hbm>>
      %dma_wait3A_131 = arith.constant 0 : i32
      %dma_wait3A_132 = tpu.memref_slice %arg5[%arg0, %add3A_107, %dma_wait3A_131] : memref<2x10240x128xf32, #tpu.memory_space<hbm>> -> memref<1x64x128xf32, #tpu.memory_space<hbm>>
      %dma_wait3A_133 = tpu.memref_squeeze %dma_wait3A_132 : memref<1x64x128xf32, #tpu.memory_space<hbm>> -> memref<64x128xf32, #tpu.memory_space<hbm>>
      tpu.wait_dma2 semaphore(%run_scoped3A : memref<!tpu.dma_semaphore, #tpu.memory_space<semaphore_mem>>) src(%arg9 : memref<64x128xf32, #tpu.memory_space<vmem>>) dst(%dma_wait3A_133 : memref<64x128xf32, #tpu.memory_space<hbm>>)
      tpu.yield
    }) : () -> ()
    %mul3A_108 = arith.constant 640 : i32
    %mul3A_109 = arith.muli %arg1, %mul3A_108 : i32
    %add3A_110 = arith.constant 512 : i32
    %add3A_111 = arith.addi %mul3A_109, %add3A_110 : i32
    "tpu.region"() ({
      %run_scoped3A = tpu.sem_alloc : memref<!tpu.dma_semaphore, #tpu.memory_space<semaphore_mem>>
      %dma_start3A = arith.constant 0 : i32
      %dma_start3A_124 = tpu.memref_slice %arg12[%add3A_111, %dma_start3A] : memref<10240x128xf32, #tpu.memory_space<vmem_shared>> -> memref<64x128xf32, #tpu.memory_space<vmem_shared>>
      %dma_start3A_125 = arith.constant 0 : i32
      %dma_start3A_126 = tpu.memref_slice %arg12[%add3A_111, %dma_start3A_125] : memref<10240x128xf32, #tpu.memory_space<vmem_shared>> -> memref<64x128xf32, #tpu.memory_space<vmem_shared>>
      tpu.enqueue_dma source(%dma_start3A_126 : memref<64x128xf32, #tpu.memory_space<vmem_shared>>) target(%arg9 : memref<64x128xf32, #tpu.memory_space<vmem>>) target_semaphore(%run_scoped3A : memref<!tpu.dma_semaphore, #tpu.memory_space<semaphore_mem>>)
      %dma_wait3A = arith.constant 0 : i32
      %dma_wait3A_127 = tpu.memref_slice %arg12[%add3A_111, %dma_wait3A] : memref<10240x128xf32, #tpu.memory_space<vmem_shared>> -> memref<64x128xf32, #tpu.memory_space<vmem_shared>>
      %dma_wait3A_128 = arith.constant 0 : i32
      %dma_wait3A_129 = tpu.memref_slice %arg12[%add3A_111, %dma_wait3A_128] : memref<10240x128xf32, #tpu.memory_space<vmem_shared>> -> memref<64x128xf32, #tpu.memory_space<vmem_shared>>
      tpu.wait_dma2 semaphore(%run_scoped3A : memref<!tpu.dma_semaphore, #tpu.memory_space<semaphore_mem>>) src(%dma_wait3A_129 : memref<64x128xf32, #tpu.memory_space<vmem_shared>>) dst(%arg9 : memref<64x128xf32, #tpu.memory_space<vmem>>)
      tpu.yield
    }) : () -> ()
    %mul3A_112 = arith.constant 640 : i32
    %mul3A_113 = arith.muli %arg1, %mul3A_112 : i32
    %add3A_114 = arith.constant 512 : i32
    %add3A_115 = arith.addi %mul3A_113, %add3A_114 : i32
    "tpu.region"() ({
      %run_scoped3A = tpu.sem_alloc : memref<!tpu.dma_semaphore, #tpu.memory_space<semaphore_mem>>
      %dma_start3A = arith.constant 0 : i32
      %dma_start3A_124 = tpu.memref_slice %arg5[%arg0, %add3A_115, %dma_start3A] : memref<2x10240x128xf32, #tpu.memory_space<hbm>> -> memref<1x64x128xf32, #tpu.memory_space<hbm>>
      %dma_start3A_125 = tpu.memref_squeeze %dma_start3A_124 : memref<1x64x128xf32, #tpu.memory_space<hbm>> -> memref<64x128xf32, #tpu.memory_space<hbm>>
      %dma_start3A_126 = arith.constant 0 : i32
      %dma_start3A_127 = tpu.memref_slice %arg5[%arg0, %add3A_115, %dma_start3A_126] : memref<2x10240x128xf32, #tpu.memory_space<hbm>> -> memref<1x64x128xf32, #tpu.memory_space<hbm>>
      %dma_start3A_128 = tpu.memref_squeeze %dma_start3A_127 : memref<1x64x128xf32, #tpu.memory_space<hbm>> -> memref<64x128xf32, #tpu.memory_space<hbm>>
      tpu.enqueue_dma source(%arg9 : memref<64x128xf32, #tpu.memory_space<vmem>>) target(%dma_start3A_128 : memref<64x128xf32, #tpu.memory_space<hbm>>) target_semaphore(%run_scoped3A : memref<!tpu.dma_semaphore, #tpu.memory_space<semaphore_mem>>)
      %dma_wait3A = arith.constant 0 : i32
      %dma_wait3A_129 = tpu.memref_slice %arg5[%arg0, %add3A_115, %dma_wait3A] : memref<2x10240x128xf32, #tpu.memory_space<hbm>> -> memref<1x64x128xf32, #tpu.memory_space<hbm>>
      %dma_wait3A_130 = tpu.memref_squeeze %dma_wait3A_129 : memref<1x64x128xf32, #tpu.memory_space<hbm>> -> memref<64x128xf32, #tpu.memory_space<hbm>>
      %dma_wait3A_131 = arith.constant 0 : i32
      %dma_wait3A_132 = tpu.memref_slice %arg5[%arg0, %add3A_115, %dma_wait3A_131] : memref<2x10240x128xf32, #tpu.memory_space<hbm>> -> memref<1x64x128xf32, #tpu.memory_space<hbm>>
      %dma_wait3A_133 = tpu.memref_squeeze %dma_wait3A_132 : memref<1x64x128xf32, #tpu.memory_space<hbm>> -> memref<64x128xf32, #tpu.memory_space<hbm>>
      tpu.wait_dma2 semaphore(%run_scoped3A : memref<!tpu.dma_semaphore, #tpu.memory_space<semaphore_mem>>) src(%arg9 : memref<64x128xf32, #tpu.memory_space<vmem>>) dst(%dma_wait3A_133 : memref<64x128xf32, #tpu.memory_space<hbm>>)
      tpu.yield
    }) : () -> ()
    %mul3A_116 = arith.constant 640 : i32
    %mul3A_117 = arith.muli %arg1, %mul3A_116 : i32
    %add3A_118 = arith.constant 576 : i32
    %add3A_119 = arith.addi %mul3A_117, %add3A_118 : i32
    "tpu.region"() ({
      %run_scoped3A = tpu.sem_alloc : memref<!tpu.dma_semaphore, #tpu.memory_space<semaphore_mem>>
      %dma_start3A = arith.constant 0 : i32
      %dma_start3A_124 = tpu.memref_slice %arg12[%add3A_119, %dma_start3A] : memref<10240x128xf32, #tpu.memory_space<vmem_shared>> -> memref<64x128xf32, #tpu.memory_space<vmem_shared>>
      %dma_start3A_125 = arith.constant 0 : i32
      %dma_start3A_126 = tpu.memref_slice %arg12[%add3A_119, %dma_start3A_125] : memref<10240x128xf32, #tpu.memory_space<vmem_shared>> -> memref<64x128xf32, #tpu.memory_space<vmem_shared>>
      tpu.enqueue_dma source(%dma_start3A_126 : memref<64x128xf32, #tpu.memory_space<vmem_shared>>) target(%arg9 : memref<64x128xf32, #tpu.memory_space<vmem>>) target_semaphore(%run_scoped3A : memref<!tpu.dma_semaphore, #tpu.memory_space<semaphore_mem>>)
      %dma_wait3A = arith.constant 0 : i32
      %dma_wait3A_127 = tpu.memref_slice %arg12[%add3A_119, %dma_wait3A] : memref<10240x128xf32, #tpu.memory_space<vmem_shared>> -> memref<64x128xf32, #tpu.memory_space<vmem_shared>>
      %dma_wait3A_128 = arith.constant 0 : i32
      %dma_wait3A_129 = tpu.memref_slice %arg12[%add3A_119, %dma_wait3A_128] : memref<10240x128xf32, #tpu.memory_space<vmem_shared>> -> memref<64x128xf32, #tpu.memory_space<vmem_shared>>
      tpu.wait_dma2 semaphore(%run_scoped3A : memref<!tpu.dma_semaphore, #tpu.memory_space<semaphore_mem>>) src(%dma_wait3A_129 : memref<64x128xf32, #tpu.memory_space<vmem_shared>>) dst(%arg9 : memref<64x128xf32, #tpu.memory_space<vmem>>)
      tpu.yield
    }) : () -> ()
    %mul3A_120 = arith.constant 640 : i32
    %mul3A_121 = arith.muli %arg1, %mul3A_120 : i32
    %add3A_122 = arith.constant 576 : i32
    %add3A_123 = arith.addi %mul3A_121, %add3A_122 : i32
    "tpu.region"() ({
      %run_scoped3A = tpu.sem_alloc : memref<!tpu.dma_semaphore, #tpu.memory_space<semaphore_mem>>
      %dma_start3A = arith.constant 0 : i32
      %dma_start3A_124 = tpu.memref_slice %arg5[%arg0, %add3A_123, %dma_start3A] : memref<2x10240x128xf32, #tpu.memory_space<hbm>> -> memref<1x64x128xf32, #tpu.memory_space<hbm>>
      %dma_start3A_125 = tpu.memref_squeeze %dma_start3A_124 : memref<1x64x128xf32, #tpu.memory_space<hbm>> -> memref<64x128xf32, #tpu.memory_space<hbm>>
      %dma_start3A_126 = arith.constant 0 : i32
      %dma_start3A_127 = tpu.memref_slice %arg5[%arg0, %add3A_123, %dma_start3A_126] : memref<2x10240x128xf32, #tpu.memory_space<hbm>> -> memref<1x64x128xf32, #tpu.memory_space<hbm>>
      %dma_start3A_128 = tpu.memref_squeeze %dma_start3A_127 : memref<1x64x128xf32, #tpu.memory_space<hbm>> -> memref<64x128xf32, #tpu.memory_space<hbm>>
      tpu.enqueue_dma source(%arg9 : memref<64x128xf32, #tpu.memory_space<vmem>>) target(%dma_start3A_128 : memref<64x128xf32, #tpu.memory_space<hbm>>) target_semaphore(%run_scoped3A : memref<!tpu.dma_semaphore, #tpu.memory_space<semaphore_mem>>)
      %dma_wait3A = arith.constant 0 : i32
      %dma_wait3A_129 = tpu.memref_slice %arg5[%arg0, %add3A_123, %dma_wait3A] : memref<2x10240x128xf32, #tpu.memory_space<hbm>> -> memref<1x64x128xf32, #tpu.memory_space<hbm>>
      %dma_wait3A_130 = tpu.memref_squeeze %dma_wait3A_129 : memref<1x64x128xf32, #tpu.memory_space<hbm>> -> memref<64x128xf32, #tpu.memory_space<hbm>>
      %dma_wait3A_131 = arith.constant 0 : i32
      %dma_wait3A_132 = tpu.memref_slice %arg5[%arg0, %add3A_123, %dma_wait3A_131] : memref<2x10240x128xf32, #tpu.memory_space<hbm>> -> memref<1x64x128xf32, #tpu.memory_space<hbm>>
      %dma_wait3A_133 = tpu.memref_squeeze %dma_wait3A_132 : memref<1x64x128xf32, #tpu.memory_space<hbm>> -> memref<64x128xf32, #tpu.memory_space<hbm>>
      tpu.wait_dma2 semaphore(%run_scoped3A : memref<!tpu.dma_semaphore, #tpu.memory_space<semaphore_mem>>) src(%arg9 : memref<64x128xf32, #tpu.memory_space<vmem>>) dst(%dma_wait3A_133 : memref<64x128xf32, #tpu.memory_space<hbm>>)
      tpu.yield
    }) : () -> ()
    return
  }
}

module attributes {stable_mosaic.version = 14 : i64} {
  func.func @body(%arg0: i32, %arg1: memref<2x512x128xf32, #tpu.memory_space<vmem>>, %arg2: memref<512x128xf32, #tpu.memory_space<vmem>>, %arg3: memref<512x128xf32, #tpu.memory_space<vmem>>, %arg4: memref<512x1xf32, #tpu.memory_space<vmem>>) attributes {dimension_semantics = [#tpu.dimension_semantics<arbitrary>], iteration_bounds = array<i64: 20>, scalar_prefetch = 0 : i64, scratch_operands = 0 : i64, tpu.core_type = #tpu.core_type<tc>, window_params = [{transform_indices = @transform_0, window_bounds = array<i64: 2, 512, 128>}, {transform_indices = @transform_1, window_bounds = array<i64: 512, 128>}, {transform_indices = @transform_2, window_bounds = array<i64: 512, 128>}, {transform_indices = @transform_3, window_bounds = array<i64: 512, 1>}]} {
    %get3A = arith.constant 0 : index
    %get3A_0 = arith.constant 0 : index
    %get3A_1 = arith.constant 0 : index
    %get3A_2 = vector.load %arg1[%get3A, %get3A_0, %get3A_1] : memref<2x512x128xf32, #tpu.memory_space<vmem>>, vector<1x512x128xf32>
    %get3A_3 = vector.shape_cast %get3A_2 : vector<1x512x128xf32> to vector<512x128xf32>
    %get3A_4 = arith.constant 1 : index
    %get3A_5 = arith.constant 0 : index
    %get3A_6 = arith.constant 0 : index
    %get3A_7 = vector.load %arg1[%get3A_4, %get3A_5, %get3A_6] : memref<2x512x128xf32, #tpu.memory_space<vmem>>, vector<1x512x128xf32>
    %get3A_8 = vector.shape_cast %get3A_7 : vector<1x512x128xf32> to vector<512x128xf32>
    %add3A = arith.addf %get3A_3, %get3A_8 : vector<512x128xf32>
    %slice3A = vector.extract_strided_slice %add3A {offsets = [0, 0], sizes = [512, 1], strides = [1, 1]} : vector<512x128xf32> to vector<512x1xf32>
    %add3A_9 = arith.constant 1.000000e+00 : f32
    %add3A_10 = vector.broadcast %add3A_9 : f32 to vector<512x1xf32>
    %add3A_11 = arith.addf %slice3A, %add3A_10 : vector<512x1xf32>
    %rsqrt3A = math.rsqrt %add3A_11 : vector<512x1xf32>
    %swap3A = arith.constant 0 : index
    %swap3A_12 = arith.constant 0 : index
    %swap3A_13 = vector.load %arg4[%swap3A, %swap3A_12] : memref<512x1xf32, #tpu.memory_space<vmem>>, vector<512x1xf32>
    tpu.vector_store %arg4[%swap3A, %swap3A_12], %rsqrt3A {strides = array<i32>} : memref<512x1xf32, #tpu.memory_space<vmem>>, vector<512x1xf32>,
    %get3A_14 = arith.constant 0 : index
    %get3A_15 = arith.constant 0 : index
    %get3A_16 = vector.load %arg2[%get3A_14, %get3A_15] : memref<512x128xf32, #tpu.memory_space<vmem>>, vector<512x128xf32>
    %mul3A = vector.broadcast %rsqrt3A : vector<512x1xf32> to vector<512x128xf32>
    %mul3A_17 = arith.mulf %get3A_16, %mul3A : vector<512x128xf32>
    %swap3A_18 = arith.constant 0 : index
    %swap3A_19 = arith.constant 0 : index
    %swap3A_20 = vector.load %arg3[%swap3A_18, %swap3A_19] : memref<512x128xf32, #tpu.memory_space<vmem>>, vector<512x128xf32>
    tpu.vector_store %arg3[%swap3A_18, %swap3A_19], %mul3A_17 {strides = array<i32>} : memref<512x128xf32, #tpu.memory_space<vmem>>, vector<512x128xf32>,
    return
  }
  func.func @transform_0(%arg0: i32) -> (i32, i32, i32) {
    %c0_i32 = arith.constant 0 : i32
    %c0_i32_0 = arith.constant 0 : i32
    %c0_i32_1 = arith.constant 0 : i32
    return %c0_i32, %arg0, %c0_i32_0 : i32, i32, i32
  }
  func.func @transform_1(%arg0: i32) -> (i32, i32) {
    %c0_i32 = arith.constant 0 : i32
    %c0_i32_0 = arith.constant 0 : i32
    return %arg0, %c0_i32 : i32, i32
  }
  func.func @transform_2(%arg0: i32) -> (i32, i32) {
    %c0_i32 = arith.constant 0 : i32
    %c0_i32_0 = arith.constant 0 : i32
    return %arg0, %c0_i32 : i32, i32
  }
  func.func @transform_3(%arg0: i32) -> (i32, i32) {
    %c0_i32 = arith.constant 0 : i32
    %c0_i32_0 = arith.constant 0 : i32
    return %arg0, %c0_i32 : i32, i32
  }
}

module attributes {stable_mosaic.version = 14 : i64} {
  func.func @body(%arg0: i32, %arg1: memref<2x512x128xf32, #tpu.memory_space<vmem>>, %arg2: memref<512x128xf32, #tpu.memory_space<vmem>>, %arg3: memref<512x1xf32, #tpu.memory_space<vmem>>, %arg4: memref<128x256xf32, #tpu.memory_space<vmem>>, %arg5: memref<1x256xf32, #tpu.memory_space<vmem>>, %arg6: memref<256x128xf32, #tpu.memory_space<vmem>>, %arg7: memref<512x128xf32, #tpu.memory_space<vmem>>) attributes {dimension_semantics = [#tpu.dimension_semantics<arbitrary>], iteration_bounds = array<i64: 20>, scalar_prefetch = 0 : i64, scratch_operands = 0 : i64, tpu.core_type = #tpu.core_type<tc>, window_params = [{transform_indices = @transform_0, window_bounds = array<i64: 2, 512, 128>}, {transform_indices = @transform_1, window_bounds = array<i64: 512, 128>}, {transform_indices = @transform_2, window_bounds = array<i64: 512, 1>}, {pipeline_mode = #tpu.pipeline_mode<synchronous>, transform_indices = @transform_3, window_bounds = array<i64: 128, 256>}, {pipeline_mode = #tpu.pipeline_mode<synchronous>, transform_indices = @transform_4, window_bounds = array<i64: 1, 256>}, {pipeline_mode = #tpu.pipeline_mode<synchronous>, transform_indices = @transform_5, window_bounds = array<i64: 256, 128>}, {transform_indices = @transform_6, window_bounds = array<i64: 512, 128>}]} {
    %get3A = arith.constant 0 : index
    %get3A_0 = arith.constant 0 : index
    %get3A_1 = arith.constant 0 : index
    %get3A_2 = vector.load %arg1[%get3A, %get3A_0, %get3A_1] : memref<2x512x128xf32, #tpu.memory_space<vmem>>, vector<1x512x128xf32>
    %get3A_3 = vector.shape_cast %get3A_2 : vector<1x512x128xf32> to vector<512x128xf32>
    %get3A_4 = arith.constant 1 : index
    %get3A_5 = arith.constant 0 : index
    %get3A_6 = arith.constant 0 : index
    %get3A_7 = vector.load %arg1[%get3A_4, %get3A_5, %get3A_6] : memref<2x512x128xf32, #tpu.memory_space<vmem>>, vector<1x512x128xf32>
    %get3A_8 = vector.shape_cast %get3A_7 : vector<1x512x128xf32> to vector<512x128xf32>
    %add3A = arith.addf %get3A_3, %get3A_8 : vector<512x128xf32>
    %get3A_9 = arith.constant 0 : index
    %get3A_10 = arith.constant 0 : index
    %get3A_11 = vector.load %arg2[%get3A_9, %get3A_10] : memref<512x128xf32, #tpu.memory_space<vmem>>, vector<512x128xf32>
    %add3A_12 = arith.addf %add3A, %get3A_11 : vector<512x128xf32>
    %get3A_13 = arith.constant 0 : index
    %get3A_14 = arith.constant 0 : index
    %get3A_15 = vector.load %arg3[%get3A_13, %get3A_14] : memref<512x1xf32, #tpu.memory_space<vmem>>, vector<512x1xf32>
    %mul3A = vector.broadcast %get3A_15 : vector<512x1xf32> to vector<512x128xf32>
    %mul3A_16 = arith.mulf %add3A_12, %mul3A : vector<512x128xf32>
    %get3A_17 = arith.constant 0 : index
    %get3A_18 = arith.constant 0 : index
    %get3A_19 = vector.load %arg4[%get3A_17, %get3A_18] : memref<128x256xf32, #tpu.memory_space<vmem>>, vector<128x256xf32>
    %dot_general3A = arith.constant dense<0.000000e+00> : vector<512x256xf32>
    %dot_general3A_20 = tpu.matmul %mul3A_16, %get3A_19, %dot_general3A {dimension_numbers = #tpu.dot_dimension_numbers<[1], [0], [0], [1], [0, 0, 1, 1], [], []>, transpose_lhs_hint = false} : vector<512x128xf32>, vector<128x256xf32>, vector<512x256xf32> -> vector<512x256xf32>
    %get3A_21 = arith.constant 0 : index
    %get3A_22 = arith.constant 0 : index
    %get3A_23 = vector.load %arg5[%get3A_21, %get3A_22] : memref<1x256xf32, #tpu.memory_space<vmem>>, vector<1x256xf32>
    %add3A_24 = vector.broadcast %get3A_23 : vector<1x256xf32> to vector<512x256xf32>
    %add3A_25 = arith.addf %dot_general3A_20, %add3A_24 : vector<512x256xf32>
    %max3A = arith.constant 0.000000e+00 : f32
    %max3A_26 = vector.broadcast %max3A : f32 to vector<512x256xf32>
    %max3A_27 = arith.maximumf %add3A_25, %max3A_26 : vector<512x256xf32>
    %get3A_28 = arith.constant 0 : index
    %get3A_29 = arith.constant 0 : index
    %get3A_30 = vector.load %arg6[%get3A_28, %get3A_29] : memref<256x128xf32, #tpu.memory_space<vmem>>, vector<256x128xf32>
    %dot_general3A_31 = arith.constant dense<0.000000e+00> : vector<512x128xf32>
    %dot_general3A_32 = tpu.matmul %max3A_27, %get3A_30, %dot_general3A_31 {dimension_numbers = #tpu.dot_dimension_numbers<[1], [0], [0], [1], [0, 0, 1, 1], [], []>, transpose_lhs_hint = false} : vector<512x256xf32>, vector<256x128xf32>, vector<512x128xf32> -> vector<512x128xf32>
    %get3A_33 = arith.constant 0 : index
    %get3A_34 = arith.constant 0 : index
    %get3A_35 = vector.load %arg3[%get3A_33, %get3A_34] : memref<512x1xf32, #tpu.memory_space<vmem>>, vector<512x1xf32>
    %mul3A_36 = vector.broadcast %get3A_35 : vector<512x1xf32> to vector<512x128xf32>
    %mul3A_37 = arith.mulf %dot_general3A_32, %mul3A_36 : vector<512x128xf32>
    %swap3A = arith.constant 0 : index
    %swap3A_38 = arith.constant 0 : index
    %swap3A_39 = vector.load %arg7[%swap3A, %swap3A_38] : memref<512x128xf32, #tpu.memory_space<vmem>>, vector<512x128xf32>
    tpu.vector_store %arg7[%swap3A, %swap3A_38], %mul3A_37 {strides = array<i32>} : memref<512x128xf32, #tpu.memory_space<vmem>>, vector<512x128xf32>,
    return
  }
  func.func @transform_0(%arg0: i32) -> (i32, i32, i32) {
    %c0_i32 = arith.constant 0 : i32
    %c0_i32_0 = arith.constant 0 : i32
    %c0_i32_1 = arith.constant 0 : i32
    return %c0_i32, %arg0, %c0_i32_0 : i32, i32, i32
  }
  func.func @transform_1(%arg0: i32) -> (i32, i32) {
    %c0_i32 = arith.constant 0 : i32
    %c0_i32_0 = arith.constant 0 : i32
    return %arg0, %c0_i32 : i32, i32
  }
  func.func @transform_2(%arg0: i32) -> (i32, i32) {
    %c0_i32 = arith.constant 0 : i32
    %c0_i32_0 = arith.constant 0 : i32
    return %arg0, %c0_i32 : i32, i32
  }
  func.func @transform_3(%arg0: i32) -> (i32, i32) {
    %c0_i32 = arith.constant 0 : i32
    %c0_i32_0 = arith.constant 0 : i32
    %c0_i32_1 = arith.constant 0 : i32
    return %c0_i32, %c0_i32_0 : i32, i32
  }
  func.func @transform_4(%arg0: i32) -> (i32, i32) {
    %c0_i32 = arith.constant 0 : i32
    %c0_i32_0 = arith.constant 0 : i32
    %c0_i32_1 = arith.constant 0 : i32
    return %c0_i32, %c0_i32_0 : i32, i32
  }
  func.func @transform_5(%arg0: i32) -> (i32, i32) {
    %c0_i32 = arith.constant 0 : i32
    %c0_i32_0 = arith.constant 0 : i32
    %c0_i32_1 = arith.constant 0 : i32
    return %c0_i32, %c0_i32_0 : i32, i32
  }
  func.func @transform_6(%arg0: i32) -> (i32, i32) {
    %c0_i32 = arith.constant 0 : i32
    %c0_i32_0 = arith.constant 0 : i32
    return %arg0, %c0_i32 : i32, i32
  }
}

module attributes {stable_mosaic.version = 14 : i64} {
  func.func @body(%arg0: i32, %arg1: memref<2x400x128xf32, #tpu.memory_space<vmem>>, %arg2: memref<400x128xf32, #tpu.memory_space<vmem>>, %arg3: memref<400x1xf32, #tpu.memory_space<vmem>>, %arg4: memref<1x128xf32, #tpu.memory_space<vmem>>, %arg5: memref<400x128xf32, #tpu.memory_space<vmem>>) attributes {dimension_semantics = [#tpu.dimension_semantics<arbitrary>], iteration_bounds = array<i64: 25>, scalar_prefetch = 0 : i64, scratch_operands = 0 : i64, tpu.core_type = #tpu.core_type<tc>, window_params = [{transform_indices = @transform_0, window_bounds = array<i64: 2, 400, 128>}, {transform_indices = @transform_1, window_bounds = array<i64: 400, 128>}, {transform_indices = @transform_2, window_bounds = array<i64: 400, 1>}, {pipeline_mode = #tpu.pipeline_mode<synchronous>, transform_indices = @transform_3, window_bounds = array<i64: 1, 128>}, {transform_indices = @transform_4, window_bounds = array<i64: 400, 128>}]} {
    %get3A = arith.constant 0 : index
    %get3A_0 = arith.constant 0 : index
    %get3A_1 = arith.constant 0 : index
    %get3A_2 = vector.load %arg1[%get3A, %get3A_0, %get3A_1] : memref<2x400x128xf32, #tpu.memory_space<vmem>>, vector<1x400x128xf32>
    %get3A_3 = vector.shape_cast %get3A_2 : vector<1x400x128xf32> to vector<400x128xf32>
    %get3A_4 = arith.constant 1 : index
    %get3A_5 = arith.constant 0 : index
    %get3A_6 = arith.constant 0 : index
    %get3A_7 = vector.load %arg1[%get3A_4, %get3A_5, %get3A_6] : memref<2x400x128xf32, #tpu.memory_space<vmem>>, vector<1x400x128xf32>
    %get3A_8 = vector.shape_cast %get3A_7 : vector<1x400x128xf32> to vector<400x128xf32>
    %add3A = arith.addf %get3A_3, %get3A_8 : vector<400x128xf32>
    %get3A_9 = arith.constant 0 : index
    %get3A_10 = arith.constant 0 : index
    %get3A_11 = vector.load %arg2[%get3A_9, %get3A_10] : memref<400x128xf32, #tpu.memory_space<vmem>>, vector<400x128xf32>
    %add3A_12 = arith.addf %add3A, %get3A_11 : vector<400x128xf32>
    %get3A_13 = arith.constant 0 : index
    %get3A_14 = arith.constant 0 : index
    %get3A_15 = vector.load %arg3[%get3A_13, %get3A_14] : memref<400x1xf32, #tpu.memory_space<vmem>>, vector<400x1xf32>
    %mul3A = vector.broadcast %get3A_15 : vector<400x1xf32> to vector<400x128xf32>
    %mul3A_16 = arith.mulf %add3A_12, %mul3A : vector<400x128xf32>
    %get3A_17 = arith.constant 0 : index
    %get3A_18 = arith.constant 0 : index
    %get3A_19 = vector.load %arg4[%get3A_17, %get3A_18] : memref<1x128xf32, #tpu.memory_space<vmem>>, vector<1x128xf32>
    %add3A_20 = vector.broadcast %get3A_19 : vector<1x128xf32> to vector<400x128xf32>
    %add3A_21 = arith.addf %mul3A_16, %add3A_20 : vector<400x128xf32>
    %max3A = arith.constant 0.000000e+00 : f32
    %max3A_22 = vector.broadcast %max3A : f32 to vector<400x128xf32>
    %max3A_23 = arith.maximumf %add3A_21, %max3A_22 : vector<400x128xf32>
    %swap3A = arith.constant 0 : index
    %swap3A_24 = arith.constant 0 : index
    %swap3A_25 = vector.load %arg5[%swap3A, %swap3A_24] : memref<400x128xf32, #tpu.memory_space<vmem>>, vector<400x128xf32>
    tpu.vector_store %arg5[%swap3A, %swap3A_24], %max3A_23 {strides = array<i32>} : memref<400x128xf32, #tpu.memory_space<vmem>>, vector<400x128xf32>,
    return
  }
  func.func @transform_0(%arg0: i32) -> (i32, i32, i32) {
    %c0_i32 = arith.constant 0 : i32
    %c0_i32_0 = arith.constant 0 : i32
    %c0_i32_1 = arith.constant 0 : i32
    return %c0_i32, %arg0, %c0_i32_0 : i32, i32, i32
  }
  func.func @transform_1(%arg0: i32) -> (i32, i32) {
    %c0_i32 = arith.constant 0 : i32
    %c0_i32_0 = arith.constant 0 : i32
    return %arg0, %c0_i32 : i32, i32
  }
  func.func @transform_2(%arg0: i32) -> (i32, i32) {
    %c0_i32 = arith.constant 0 : i32
    %c0_i32_0 = arith.constant 0 : i32
    return %arg0, %c0_i32 : i32, i32
  }
  func.func @transform_3(%arg0: i32) -> (i32, i32) {
    %c0_i32 = arith.constant 0 : i32
    %c0_i32_0 = arith.constant 0 : i32
    %c0_i32_1 = arith.constant 0 : i32
    return %c0_i32, %c0_i32_0 : i32, i32
  }
  func.func @transform_4(%arg0: i32) -> (i32, i32) {
    %c0_i32 = arith.constant 0 : i32
    %c0_i32_0 = arith.constant 0 : i32
    return %arg0, %c0_i32 : i32, i32
  }
}

</mosaic_0001>

<sc_bundles>
// kernel: kernel.11.cloned.1.call-start
scs
__scs_entry_jumppad:
0x0: {  	(pc) =	sbr.rel $0x88, $3  }
0x1: {  	(tag) =	ssettag $0x0;
	lr =	simm.s32 $0x1  }
0x2: {  	[smem:$0x3F9B] =	sst lr;
	_ =	strace $0xD0000000  }
0x3: {  	_ = 	snop  }
0x4: {  	_ = 	snop  }
0x5: {  	_ = 	snop  }
0x6: {  	_ = 	snop  }
0x7: {  	_ = 	snop  }
__scs_overlays_trampoline_lowered:
0x8: {  	[smem:$0x3FAA] =	sst s0  }
0x9: {  	[smem:$0x3FAB] =	sst s1  }
0xa: {  	[smem:$0x3FAC] =	sst s2  }
0xb: {  	[smem:$0x3FAD] =	sst s3  }
0xc: {  	[smem:$0x3FAE] =	sst s4  }
0xd: {  	[smem:$0x3FAF] =	sst s5  }
0xe: {  	[smem:$0x3FB0] =	sst s6  }
0xf: {  	[smem:$0x3FB1] =	sst s7  }
0x10: {  	[smem:$0x3FB2] =	sst s8  }
0x11: {  	[smem:$0x3FB3] =	sst s9;
	s0 =	simm.s32 @!p0 $0x0  }
0x12: {  	s1 =	sld [smem:$0x3F99];
	s0 =	simm.s32 @p0 $0x1  }
0x13: {  	[smem:$0x3FB4] =	sst s0;
	s0 =	simm.s32 @!p1 $0x0  }
0x14: {  	s2 =	sld [smem:$0x3F98];
	s0 =	simm.s32 @p1 $0x1  }
0x15: {  	[smem:$0x3FB5] =	sst s0;
	s0 =	simm.s32 @!p2 $0x0  }
0x16: {  	s3 =	sld [smem:$0x3FDB];
	s0 =	simm.s32 @p2 $0x1  }
0x17: {  	s4 =	simm.s32 $0x1BF5;
	[smem:$0x3FB7] =	sst s0  }
0x18: {  	s0 =	sld [smem:$0x3F9A];
	_ =	swait.ge [sflag:s4], $0x0  }
0x19: {  	s7 =	sld [smem:$0x3F9B]  }
0x1a: {  	s8 =	sadd.s32 $0xFFFFE003, lr  }
0x1b: {  	s9 =	sadd.s32 $0xFFFFFEF7, lr;
	s5 =	simm.s32 $0xFFFFFFFF;
	p2 =	slt.u32 s8, $0xFFFFF086  }
0x1c: {  	p1 =	slt.u32 s9, $0xF7A;
	s5 =	simm.s32 @!p2 $0x0  }
0x1d: {  	s5 =	simm.s32 @p1 $0x1;
	p0 =	seq.s32 s7, s2  }
0x1e: {  	s7 =	smul.u32 @!p0 $0xF7A, s2;
	p2 =	seq.s32 @!p0 s5, $0x0  }
0x1f: {  	s9 =	smul.u32 $0xF7A, s1;
	s8 =	simm.s32 @!p0 $0x1BF5;
	p2 =	por !p2, p0  }
0x20: {  	[sflag:s8] =	ssyncset.s32 @!p0 $0xFFFFF086;
	s6 =	sadd.s32 @!p0 s3, s7;
	s7 =	simm.s32 @!p0 $0x108  }
0x21: {  	s3 =	sadd.s32 s3, s9;
	s6 =	sadd.s32 @!p0 $0x88, s6;
	s7 =	simm.s32 @p2 $0x1082  }
0x22: {  	[simem:s7], [sflag:s8] =	dma.local @!p0 [hbm:s6], $0xF7A  }
0x23: {  	s9 =	sor.u32 $0xD0000000, s2;
	s6 =	simm.s32 $0x108;
	_ =	swait.ge @!p0 [sflag:s8], $0x0  }
0x24: {  	s3 =	sadd.s32 $0x88, s3;
	s6 =	simm.s32 @!p1 $0x1082;
	[sflag:s4] =	ssyncset.s32 $0xFFFFF086  }
0x25: {  	[simem:s6], [sflag:s4] =	dma.local [hbm:s3], $0xF7A  }
0x26: {  	[smem:$0x3F9B] =	sst s1;
	(tag) =	ssettag s2;
	_ =	strace s9  }
0x27: {  	s1 =	sld [smem:$0x3FAB]  }
0x28: {  	s2 =	sld [smem:$0x3FAC]  }
0x29: {  	s4 =	sld [smem:$0x3FAE]  }
0x2a: {  	p0 =	seq.s32 s5, $0x0;
	s5 =	sld [smem:$0x3FAF]  }
0x2b: {  	s6 =	sld [smem:$0x3FB0]  }
0x2c: {  	s7 =	sld [smem:$0x3FB1]  }
0x2d: {  	s3 =	simm.s32 $0x108;
	s8 =	sld [smem:$0x3FB2]  }
0x2e: {  	s3 =	simm.s32 @!p0 $0x1082;
	s9 =	sld [smem:$0x3FB3]  }
0x2f: {  	lr =	sadd.s32 s0, s3;
	s0 =	sld [smem:$0x3FAA]  }
0x30: {  	s3 =	sld [smem:$0x3FAD]  }
0x31: {  	[smem:$0x3FB6] =	sst s10  }
0x32: {  	s10 =	sld [smem:$0x3FB4];
	_ =	sdelay $0x3  }
0x33: {  	p0 =	seq.s32 s10, $0x1;
	s10 =	sld [smem:$0x3FB6];
	_ =	sdelay $0x3  }
0x34: {  	[smem:$0x3FB6] =	sst s10  }
0x35: {  	s10 =	sld [smem:$0x3FB5];
	_ =	sdelay $0x3  }
0x36: {  	p1 =	seq.s32 s10, $0x1;
	s10 =	sld [smem:$0x3FB6];
	_ =	sdelay $0x3  }
0x37: {  	[smem:$0x3FB6] =	sst s10  }
0x38: {  	s10 =	sld [smem:$0x3FB7]  }
0x39: {  	_ = 	snop;
	(pc) =	sbr.ind lr, $3  }
0x3a: {  	_ = 	snop  }
0x3b: {  	_ = 	snop  }
0x3c: {  	p2 =	seq.s32 s10, $0x1;
	s10 =	sld [smem:$0x3FB6]  }
0x3d: {  	_ =	shalt  }
0x3e: {  	_ =	shalt  }
0x3f: {  	_ =	shalt  }
0x40: {  	_ =	shalt  }
0x41: {  	_ =	shalt  }
0x42: {  	_ =	shalt  }
0x43: {  	_ =	shalt  }
0x44: {  	_ =	shalt  }
0x45: {  	_ =	shalt  }
0x46: {  	_ =	shalt  }
0x47: {  	_ =	shalt  }
0x48: {  	_ =	shalt  }
0x49: {  	_ =	shalt  }
0x4a: {  	_ =	shalt  }
0x4b: {  	_ =	shalt  }
0x4c: {  	_ =	shalt  }
0x4d: {  	_ =	shalt  }
0x4e: {  	_ =	shalt  }
0x4f: {  	_ =	shalt  }
0x50: {  	_ =	shalt  }
0x51: {  	_ =	shalt  }
0x52: {  	_ =	shalt  }
0x53: {  	_ =	shalt  }
0x54: {  	_ =	shalt  }
0x55: {  	_ =	shalt  }
0x56: {  	_ =	shalt  }
0x57: {  	_ =	shalt  }
0x58: {  	_ =	shalt  }
0x59: {  	_ =	shalt  }
0x5a: {  	_ =	shalt  }
0x5b: {  	_ =	shalt  }
0x5c: {  	_ =	shalt  }
0x5d: {  	_ =	shalt  }
0x5e: {  	_ =	shalt  }
0x5f: {  	_ =	shalt  }
0x60: {  	_ =	shalt  }
0x61: {  	_ =	shalt  }
0x62: {  	_ =	shalt  }
0x63: {  	_ =	shalt  }
0x64: {  	_ =	shalt  }
0x65: {  	_ =	shalt  }
0x66: {  	_ =	shalt  }
0x67: {  	_ =	shalt  }
0x68: {  	_ =	shalt  }
0x69: {  	_ =	shalt  }
0x6a: {  	_ =	shalt  }
0x6b: {  	_ =	shalt  }
0x6c: {  	_ =	shalt  }
0x6d: {  	_ =	shalt  }
0x6e: {  	_ =	shalt  }
0x6f: {  	_ =	shalt  }
0x70: {  	_ =	shalt  }
0x71: {  	_ =	shalt  }
0x72: {  	_ =	shalt  }
0x73: {  	_ =	shalt  }
0x74: {  	_ =	shalt  }
0x75: {  	_ =	shalt  }
0x76: {  	_ =	shalt  }
0x77: {  	_ =	shalt  }
0x78: {  	_ =	shalt  }
0x79: {  	_ =	shalt  }
0x7a: {  	_ =	shalt  }
0x7b: {  	_ =	shalt  }
0x7c: {  	_ =	shalt  }
0x7d: {  	_ =	shalt  }
0x7e: {  	_ =	shalt  }
0x7f: {  	_ =	shalt  }
0x80: {  	_ =	shalt  }
0x81: {  	_ =	shalt  }
0x82: {  	_ =	shalt  }
0x83: {  	_ =	shalt  }
0x84: {  	_ =	shalt  }
0x85: {  	_ =	shalt  }
0x86: {  	_ =	shalt  }
0x87: {  	_ =	shalt  }
.Lfunc_end0:
.L_simem_size_0:
called_computation.1_lowered:
.L_overlay_start_0:
0x88: {  	s2 =	sld [smem:$0x3FD9]  }
0x89: {  	s3 =	sld [smem:$0x3FFE];
	_ =	sdelay $0x1  }
0x8a: {  	s1 =	srdreg.scid  }
0x8b: {  	s0 =	sand.u32 $0x1, s1  }
0x8c: {  	s16 =	sshll.u32 s0, $0xA;
	s2 =	sadd.s32 s3, s2  }
0x8d: {  	s2 =	sadd.s32 s2, s16  }
0x8e: {  	[smem:$0x3FC2] =	sst s2  }
0x8f: {  	_ = 	snop  }
0x90: {  	(tm) =	ssettm $0x1  }
0x91: {  	s17 =	sld [smem:$0x3FFB];
	_ =	sdelay $0x3  }
0x92: {  	_ =	strace s17  }
0x93: {  	s2 =	sld [smem:$0x3FFC];
	_ =	sdelay $0x3  }
0x94: {  	_ =	strace s2  }
0x95: {  	s2 =	sld [smem:$0x3FFD];
	_ =	sdelay $0x3  }
0x96: {  	_ =	strace s2  }
0x97: {  	_ =	strace $0x8FFFFFFF  }
0x98: {  	s18 =	sld [smem:$0x3FDB];
	_ =	sdelay $0x1  }
0x99: {  	s19 =	simm.s32 $_scs_section_size  }
0x9a: {  	s4 =	simm.s32 $_size__tile_overlayer_lowered;
	s5 =	simm.s32 $_tile_overlayer_lowered  }
0x9b: {  	s22 =	simm.s32 $0x1BFF;
	s21 =	sshll.u32 s5, $0x1;
	s2 =	sadd.s32 s19, s18  }
0x9c: {  	s6 =	simm.s32 $0x0;
	s20 =	sshll.u32 s4, $0x1;
	s4 =	sadd.s32 s21, s2  }
0x9d: {  	[timem:s6], [sflag:s22] =	dma.local [hbm:s4], s20  }
0x9e: {  	_ =	swait.ge [sflag:s22], s20  }
0x9f: {  	s3 =	ssub.s32 $0x0, s20;
	[sflag:s22] =	ssyncset.done $0x0  }
0xa0: {  	[sflag:s22] =	ssyncadd.s32 s3;
	_ =	sdelay $0x1  }
0xa1: {  	s23 =	simm.s32 $0x1B8B  }
0xa2: {  	_ =	swait.ge [sflag:s23], $0x1  }
0xa3: {  	[sflag:s23] =	ssyncset.done $0x0  }
0xa4: {  	s25 =	simm.s32 $0x1B8E;
	s24 =	sld [smem:$0x3FFE];
	[sflag:s23] =	ssyncadd.s32 $0xFFFFFFFF  }
0xa5: {  	s26 =	simm.s32 $execute0_lowered;
	[smem:$0x3FD2] =	sst s25  }
0xa6: {  	s4 =	sshll.u32 s26, $0x1;
	_ =	strace $0x80000049;
	[dreg:$0x1] =	wrdreg $0xFFFFFFFF  }
0xa7: {  	s28 =	simm.s32 $_size_execute0_lowered;
	s2 =	sadd.s32 s2, s4;
	[dreg:$0x0] =	wrdreg $0x0  }
0xa8: {  	s4 =	sshll.u32 s28, $0x1;
	[dreg:$0x2] =	wrdreg s2  }
0xa9: {  	[dreg:$0x3] =	wrdreg s4  }
0xaa: {  	[dreg:$0x4] =	wrdreg $0xC0  }
0xab: {  	_ =	task [dreg:s6], $0x5FFFF  }
0xac: {  	[dreg:$0x1] =	wrdreg $0xFFFFFFFF  }
0xad: {  	[dreg:$0x0] =	wrdreg $0x60  }
0xae: {  	[dreg:$0x2] =	wrdreg s24  }
0xaf: {  	[dreg:$0x3] =	wrdreg $0x74000  }
0xb0: {  	[dreg:$0x4] =	wrdreg $0x9  }
0xb1: {  	_ =	task.clear_ibuf [dreg:s6], $0x5FFFF;
	_ =	strace $0x90000049  }
0xb2: {  	s29 =	simm.s32 $0x9;
	_ =	strace $0x8000004B  }
0xb3: {  	_ =	swait.ge [sflag:s29], $0x1  }
0xb4: {  	[sflag:s29] =	ssyncadd.s32 $0xFFFFFFFF  }
0xb5: {  	_ =	strace $0x9000004B  }
0xb6: {  	_ =	sfence  }
0xb7: {  	s30 =	sld [smem:$0x0];
	_ =	sdelay $0x2  }
0xb8: {  	s31 =	sshll.u32 s1, $0xD;
	s1 =	sshrl.u32 s1, $0x2  }
0xb9: {  	s3 =	sand.u32 $0x4000, s31;
	s1 =	sadd.s32 s1, s30  }
0xba: {  	s0 =	sor.u32 s3, s0;
	s1 =	sshll.u32 s1, $0x11  }
0xbb: {  	s0 =	sor.u32 s1, s0  }
0xbc: {  	s0 =	sadd.s32 $0x8F2B, s0  }
0xbd: {  	[sflag:s0] =	ssyncadd.remote.s32 $0x1  }
0xbe: {  	_ =	sfence.sel $0xFFFF  }
0xbf: {  	[dreg:$0x0] =	wrdreg $0xFFFFFFFF;
	(pc) =	sbr.abs _section_cstart, $3  }
0xc0: {  	[dreg:$0x1] =	wrdreg $0xFFFFFFFF  }
0xc1: {  	_ =	task.clear_ibuf [dreg:s6], $0x2FFFF;
	_ =	strace $0x9FFFFFFF  }
0xc2: {  	(tm) =	ssettm $0x7FFFFFFF  }
0xc3: {  	_ =	shalt  }
tec
execute0_lowered:
.L_overlay_start_1:
0x0: {  	(tag) =	ssettag $0x1  }
0x1: {  	s0 =	srdreg.scid;
	s4 =	rddreg [dreg:$0x0]  }
0x2: {  	s1 =	rddreg [dreg:$0x1];
	s19 =	stileid.u32  }
0x3: {  	s2 =	simm.s32 $0x0;
	s30 =	simm.s32 $0x1400;
	s6 =	smul.u32 $0x14000, s19  }
0x4: {  	s31 =	simm.s32 $0x7;
	s0 =	sand.u32 $0x1, s0;
	s23 =	smul.u32 $0x5000, s19  }
0x5: {  	s29 =	simm.s32 $0x1300;
	[smem:$0x7FF] =	sst s2;
	s13 =	smul.u32 $0x140000, s0  }
0x6: {  	s7 =	sadd.s32 $0x67200, s4;
	s3 =	ssub.s32 $0x2, s0;
	s0 =	smul.u32 $0x50000, s0  }
0x7: {  	s5 =	sshrl.u32 s3, $0x1;
	s8 =	sor.u32 $0x2000, s6;
	s9 =	sadd.s32 $0x4000, s6  }
0x8: {  	s10 =	sadd.s32 $0x6000, s6;
	s11 =	sadd.s32 $0x8000, s6;
	s12 =	sadd.s32 $0xA000, s6  }
0x9: {  	s14 =	sadd.s32 $0xC000, s6;
	s17 =	sadd.s32 $0xE000, s6;
	s18 =	sadd.s32 $0x10000, s6  }
0xa: {  	s5 =	ssub.s32 s3, s5;
	s15 =	sadd.s32 s6, s13;
	s6 =	sadd.s32 $0x12000, s6  }
0xb: {  	s16 =	sadd.s32 s13, s8;
	s0 =	sadd.s32 s23, s0;
	s26 =	sadd.s32 s13, s9  }
0xc: {  	s2 =	sadd.s32 s13, s10;
	s3 =	sadd.s32 s13, s11;
	s22 =	sadd.s32 s13, s12  }
0xd: {  	s23 =	sadd.s32 s13, s14;
	s28 =	sadd.s32 s14, s1;
	s14 =	simm.s32 $0x1280  }
0xe: {  	s15 =	sshrl.u32 s15, $0x3;
	[dreg:$0x17] =	wrdreg s0;
	s25 =	sshrl.u32 s16, $0x3  }
0xf: {  	s21 =	sshrl.u32 s3, $0x3;
	s3 =	smul.u32 $0x50000, s19;
	s24 =	sadd.s32 s7, s15  }
0x10: {  	s0 =	sadd.s32 s7, s25;
	s15 =	sshrl.u32 s2, $0x3;
	[dreg:$0x3] =	wrdreg s24  }
0x11: {  	s2 =	sadd.s32 s13, s18;
	[dreg:$0x4] =	wrdreg s0;
	s0 =	sshrl.u32 s26, $0x3  }
0x12: {  	s20 =	sadd.s32 s7, s15;
	s15 =	sshrl.u32 s23, $0x3;
	s24 =	sadd.s32 s13, s17  }
0x13: {  	s13 =	sadd.s32 s13, s6;
	s19 =	sshrl.u32 s3, $0x2;
	s23 =	sadd.s32 s17, s1  }
0x14: {  	s3 =	sadd.s32 s6, s1;
	s0 =	sadd.s32 s7, s0;
	[dreg:$0x6] =	wrdreg s20  }
0x15: {  	s6 =	simm.s32 $0x1100;
	[dreg:$0x5] =	wrdreg s0;
	s0 =	sadd.s32 s7, s21  }
0x16: {  	s25 =	sadd.s32 s7, s15;
	[dreg:$0x7] =	wrdreg s0;
	s0 =	sshrl.u32 s22, $0x3  }
0x17: {  	s26 =	sshrl.u32 s24, $0x3;
	[dreg:$0x9] =	wrdreg s25;
	s0 =	sadd.s32 s7, s0  }
0x18: {  	s13 =	sshrl.u32 s13, $0x3;
	[dreg:$0x8] =	wrdreg s0;
	s0 =	sadd.s32 s7, s26  }
0x19: {  	s16 =	sadd.s32 s7, s13;
	[dreg:$0xa] =	wrdreg s0;
	s0 =	sshrl.u32 s2, $0x3  }
0x1a: {  	s15 =	sadd.s32 $0x2E00, s4;
	[dreg:$0xc] =	wrdreg s16;
	s0 =	sadd.s32 s7, s0  }
0x1b: {  	s16 =	sadd.s32 $0x53200, s4;
	s4 =	sadd.s32 $0x2A00, s4;
	[dreg:$0xb] =	wrdreg s0  }
0x1c: {  	s0 =	sadd.s32 s19, s1;
	_ =	strace $0x8000004A;
	[dreg:$0xd] =	wrdreg s4  }
0x1d: {  	s17 =	simm.s32 $0x3;
	s20 =	sadd.s32 s8, s1;
	[dreg:$0x1a] =	wrdreg s0  }
0x1e: {  	s24 =	sadd.s32 s18, s1;
	s21 =	sadd.s32 s9, s1;
	[dreg:$0x11] =	wrdreg s20  }
0x1f: {  	s8 =	simm.s32 $0x1;
	s22 =	smax.u32 s5, $0x1;
	[dreg:$0xf] =	wrdreg s21  }
0x20: {  	s18 =	simm.s32 $0x1380;
	s25 =	sadd.s32 s10, s1;
	[dreg:$0x18] =	wrdreg s22  }
0x21: {  	s9 =	simm.s32 $0x1200;
	s26 =	sadd.s32 s11, s1;
	[dreg:$0xe] =	wrdreg s25  }
0x22: {  	s10 =	simm.s32 $0x4;
	s2 =	sadd.s32 s12, s1;
	[dreg:$0x10] =	wrdreg s26  }
0x23: {  	s13 =	simm.s32 $0x2;
	s5 =	simm.s32 $0x3400;
	[dreg:$0x12] =	wrdreg s2  }
0x24: {  	s11 =	simm.s32 $0x1180;
	s12 =	simm.s32 $0x40;
	[dreg:$0x13] =	wrdreg s28  }
0x25: {  	s7 =	simm.s32 $0x5400;
	s19 =	simm.s32 $0x5;
	[dreg:$0x14] =	wrdreg s23  }
0x26: {  	s0 =	simm.s32 $0x1000;
	s4 =	simm.s32 $0x1080;
	[dreg:$0x15] =	wrdreg s24  }
0x27: {  	s20 =	simm.s32 $0x6;
	s22 =	simm.s32 $0x0;
	[dreg:$0x16] =	wrdreg s3  }
.LBB2_1:
0x28: {  	[dreg:$0x19] =	wrdreg s22  }
0x29: {  	s21 =	simm.s32 $0x0;
	s22 =	rddreg [dreg:$0xd]  }
0x2a: {  	[tilespmem:s30], [sflag:$0x7] =	stream.linear.gather [hbm4b:s22+s21], $0x2000, $0x38;
	[tilespmem:$0x1B400] =	vst v63  }
0x2b: {  	_ =	swait.ge [sflag:s31], $0x2000  }
0x2c: {  	[sflag:s31] =	ssyncset.done $0x0  }
0x2d: {  	s21 =	rddreg [dreg:$0x1a];
	[sflag:s31] =	ssyncadd.s32 $0xFFFFE000  }
0x2e: {  	[spmem:s21] =	stream.linear.scatter [tilespmem:s30], [sflag:$0x7], $0x2000, $0x38;
	[tilespmem:$0x1B400] =	vst v63  }
0x2f: {  	s22 =	rddreg [dreg:$0xf];
	_ =	swait.ge [sflag:s31], $0x2000  }
0x30: {  	[sflag:s31] =	ssyncset.done $0x0  }
0x31: {  	s21 =	rddreg [dreg:$0x11];
	[sflag:s31] =	ssyncadd.s32 $0xFFFFE000  }
0x32: {  	[spmem:s21] =	stream.linear.scatter [tilespmem:s30], [sflag:$0x7], $0x2000, $0x38;
	[tilespmem:$0x1B400] =	vst v63  }
0x33: {  	_ =	swait.ge [sflag:s31], $0x2000  }
0x34: {  	[sflag:s31] =	ssyncset.done $0x0  }
0x35: {  	[sflag:s31] =	ssyncadd.s32 $0xFFFFE000  }
0x36: {  	[spmem:s22] =	stream.linear.scatter [tilespmem:s30], [sflag:$0x7], $0x2000, $0x38;
	[tilespmem:$0x1B400] =	vst v63  }
0x37: {  	_ =	swait.ge [sflag:s31], $0x2000  }
0x38: {  	[sflag:s31] =	ssyncset.done $0x0  }
0x39: {  	[sflag:s31] =	ssyncadd.s32 $0xFFFFE000  }
0x3a: {  	[spmem:s25] =	stream.linear.scatter [tilespmem:s30], [sflag:$0x7], $0x2000, $0x38;
	[tilespmem:$0x1B400] =	vst v63  }
0x3b: {  	_ =	swait.ge [sflag:s31], $0x2000  }
0x3c: {  	[sflag:s31] =	ssyncset.done $0x0  }
0x3d: {  	[sflag:s31] =	ssyncadd.s32 $0xFFFFE000  }
0x3e: {  	[spmem:s26] =	stream.linear.scatter [tilespmem:s30], [sflag:$0x7], $0x2000, $0x38;
	[tilespmem:$0x1B400] =	vst v63  }
0x3f: {  	_ =	swait.ge [sflag:s31], $0x2000  }
0x40: {  	[sflag:s31] =	ssyncset.done $0x0  }
0x41: {  	[sflag:s31] =	ssyncadd.s32 $0xFFFFE000  }
0x42: {  	[spmem:s2] =	stream.linear.scatter [tilespmem:s30], [sflag:$0x7], $0x2000, $0x38;
	[tilespmem:$0x1B400] =	vst v63  }
0x43: {  	_ =	swait.ge [sflag:s31], $0x2000  }
0x44: {  	[sflag:s31] =	ssyncset.done $0x0  }
0x45: {  	[sflag:s31] =	ssyncadd.s32 $0xFFFFE000  }
0x46: {  	[spmem:s28] =	stream.linear.scatter [tilespmem:s30], [sflag:$0x7], $0x2000, $0x38;
	[tilespmem:$0x1B400] =	vst v63  }
0x47: {  	_ =	swait.ge [sflag:s31], $0x2000  }
0x48: {  	[sflag:s31] =	ssyncset.done $0x0  }
0x49: {  	[sflag:s31] =	ssyncadd.s32 $0xFFFFE000  }
0x4a: {  	[spmem:s23] =	stream.linear.scatter [tilespmem:s30], [sflag:$0x7], $0x2000, $0x38;
	[tilespmem:$0x1B400] =	vst v63  }
0x4b: {  	_ =	swait.ge [sflag:s31], $0x2000  }
0x4c: {  	[sflag:s31] =	ssyncset.done $0x0  }
0x4d: {  	[sflag:s31] =	ssyncadd.s32 $0xFFFFE000  }
0x4e: {  	[spmem:s24] =	stream.linear.scatter [tilespmem:s30], [sflag:$0x7], $0x2000, $0x38;
	[tilespmem:$0x1B400] =	vst v63  }
0x4f: {  	_ =	swait.ge [sflag:s31], $0x2000  }
0x50: {  	[sflag:s31] =	ssyncset.done $0x0  }
0x51: {  	[sflag:s31] =	ssyncadd.s32 $0xFFFFE000  }
0x52: {  	[spmem:s3] =	stream.linear.scatter [tilespmem:s30], [sflag:$0x7], $0x2000, $0x38;
	[tilespmem:$0x1B400] =	vst v63  }
0x53: {  	_ =	swait.ge [sflag:s31], $0x2000  }
0x54: {  	[sflag:s31] =	ssyncset.done $0x0  }
0x55: {  	[sflag:s31] =	ssyncadd.s32 $0xFFFFE000  }
0x56: {  	[bflag:$0x0] =	sbarrier.arrive $0xFFFF  }
0x57: {  	s22 =	simm.s32 $0x0;
	s2 =	rddreg [dreg:$0x17]  }
.LBB2_2:
0x58: {  	s23 =	sshll.u32 s22, $0xC  }
0x59: {  	s23 =	sadd.s32 s23, s2  }
0x5a: {  	s23 =	sshrl.u32 s23, $0x3  }
0x5b: {  	s24 =	simm.s32 $0x0;
	s23 =	sadd.s32 s16, s23  }
0x5c: {  	[tilespmem:s24], [sflag:$0x7] =	stream.linear.gather [hbm4b:s23+s24], $0x1000, $0x38;
	[tilespmem:$0x1B400] =	vst v63  }
0x5d: {  	_ =	swait.ge [sflag:s31], $0x1000  }
0x5e: {  	[sflag:s31] =	ssyncset.done $0x0  }
0x5f: {  	s28 =	simm.s32 $0x0;
	[sflag:s31] =	ssyncadd.s32 $0xFFFFF000  }
0x60: {  	v0 =	vld [tilespmem:s28+$0x0];
	_ =	sdelay $0x4  }
0x61: {  	v1 =	vand.u32 $0xFFFF, v0  }
0x62: {  	v0 =	vshra.s32 v0, $0x10;
	[tilespmem:$0x1000] =	vst v1  }
0x63: {  	[tilespmem:$0x1200] =	vst v0  }
0x64: {  	v0 =	vld [tilespmem:s28+$0x10];
	_ =	sdelay $0x4  }
0x65: {  	v49 =	vand.u32 $0xFFFF, v0  }
0x66: {  	v0 =	vshra.s32 v0, $0x10;
	[tilespmem:$0x1010] =	vst v49  }
0x67: {  	[tilespmem:$0x1210] =	vst v0  }
0x68: {  	v0 =	vld [tilespmem:s28+$0x20];
	_ =	sdelay $0x4  }
0x69: {  	v50 =	vand.u32 $0xFFFF, v0  }
0x6a: {  	v0 =	vshra.s32 v0, $0x10;
	[tilespmem:$0x1020] =	vst v50  }
0x6b: {  	[tilespmem:$0x1220] =	vst v0  }
0x6c: {  	v0 =	vld [tilespmem:s28+$0x30];
	_ =	sdelay $0x4  }
0x6d: {  	v51 =	vand.u32 $0xFFFF, v0  }
0x6e: {  	v0 =	vshra.s32 v0, $0x10;
	[tilespmem:$0x1030] =	vst v51  }
0x6f: {  	[tilespmem:$0x1230] =	vst v0  }
0x70: {  	v0 =	vld [tilespmem:s28+$0x80];
	_ =	sdelay $0x4  }
0x71: {  	v52 =	vand.u32 $0xFFFF, v0  }
0x72: {  	v0 =	vshra.s32 v0, $0x10;
	[tilespmem:$0x1080] =	vst v52  }
0x73: {  	[tilespmem:$0x1280] =	vst v0  }
0x74: {  	v0 =	vld [tilespmem:s28+$0x90];
	_ =	sdelay $0x4  }
0x75: {  	v53 =	vand.u32 $0xFFFF, v0  }
0x76: {  	v0 =	vshra.s32 v0, $0x10;
	[tilespmem:$0x1090] =	vst v53  }
0x77: {  	[tilespmem:$0x1290] =	vst v0  }
0x78: {  	v0 =	vld [tilespmem:s28+$0xA0];
	_ =	sdelay $0x4  }
0x79: {  	v54 =	vand.u32 $0xFFFF, v0  }
0x7a: {  	v0 =	vshra.s32 v0, $0x10;
	[tilespmem:$0x10A0] =	vst v54  }
0x7b: {  	[tilespmem:$0x12A0] =	vst v0  }
0x7c: {  	v0 =	vld [tilespmem:s28+$0xB0];
	_ =	sdelay $0x4  }
0x7d: {  	v55 =	vand.u32 $0xFFFF, v0  }
0x7e: {  	v0 =	vshra.s32 v0, $0x10;
	[tilespmem:$0x10B0] =	vst v55  }
0x7f: {  	[tilespmem:$0x12B0] =	vst v0  }
0x80: {  	v0 =	vld [tilespmem:s28+$0x100];
	_ =	sdelay $0x4  }
0x81: {  	v56 =	vand.u32 $0xFFFF, v0  }
0x82: {  	v0 =	vshra.s32 v0, $0x10;
	[tilespmem:$0x1100] =	vst v56  }
0x83: {  	[tilespmem:$0x1300] =	vst v0  }
0x84: {  	v0 =	vld [tilespmem:s28+$0x110];
	_ =	sdelay $0x4  }
0x85: {  	v57 =	vand.u32 $0xFFFF, v0  }
0x86: {  	v0 =	vshra.s32 v0, $0x10;
	[tilespmem:$0x1110] =	vst v57  }
0x87: {  	[tilespmem:$0x1310] =	vst v0  }
0x88: {  	v0 =	vld [tilespmem:s28+$0x120];
	_ =	sdelay $0x4  }
0x89: {  	v58 =	vand.u32 $0xFFFF, v0  }
0x8a: {  	v0 =	vshra.s32 v0, $0x10;
	[tilespmem:$0x1120] =	vst v58  }
0x8b: {  	[tilespmem:$0x1320] =	vst v0  }
0x8c: {  	v0 =	vld [tilespmem:s28+$0x130];
	_ =	sdelay $0x4  }
0x8d: {  	v59 =	vand.u32 $0xFFFF, v0  }
0x8e: {  	v0 =	vshra.s32 v0, $0x10;
	[tilespmem:$0x1130] =	vst v59  }
0x8f: {  	[tilespmem:$0x1330] =	vst v0  }
0x90: {  	v0 =	vld [tilespmem:s28+$0x180];
	_ =	sdelay $0x4  }
0x91: {  	v60 =	vand.u32 $0xFFFF, v0  }
0x92: {  	v0 =	vshra.s32 v0, $0x10;
	[tilespmem:$0x1180] =	vst v60  }
0x93: {  	[tilespmem:$0x1380] =	vst v0  }
0x94: {  	v0 =	vld [tilespmem:s28+$0x190];
	_ =	sdelay $0x4  }
0x95: {  	v61 =	vand.u32 $0xFFFF, v0  }
0x96: {  	v0 =	vshra.s32 v0, $0x10;
	[tilespmem:$0x1190] =	vst v61  }
0x97: {  	[tilespmem:$0x1390] =	vst v0  }
0x98: {  	v0 =	vld [tilespmem:s28+$0x1A0];
	_ =	sdelay $0x4  }
0x99: {  	v62 =	vand.u32 $0xFFFF, v0  }
0x9a: {  	v0 =	vshra.s32 v0, $0x10;
	[tilespmem:$0x11A0] =	vst v62  }
0x9b: {  	[tilespmem:$0x13A0] =	vst v0  }
0x9c: {  	v0 =	vld [tilespmem:s28+$0x1B0];
	_ =	sdelay $0x4  }
0x9d: {  	v63 =	vand.u32 $0xFFFF, v0  }
0x9e: {  	v0 =	vshra.s32 v0, $0x10;
	[tilespmem:$0x11B0] =	vst v63  }
0x9f: {  	[tilespmem:$0x13B0] =	vst v0  }
0xa0: {  	[tilespmem:s30], [sflag:$0x1] =	stream.indirect.gather [hbm4b:s15+s12], $0x80, s0, s12, $0xb8;
	[tilespmem:$0x1B400] =	vst v63  }
0xa1: {  	_ = 	snop  }
0xa2: {  	[tilespmem:s5], [sflag:$0x2] =	stream.indirect.gather [hbm4b:s15+s12], $0x80, s4, s12, $0xb8;
	[tilespmem:$0x1B400] =	vst v63  }
0xa3: {  	_ = 	snop  }
0xa4: {  	[tilespmem:s7], [sflag:$0x3] =	stream.indirect.gather [hbm4b:s15+s12], $0x80, s6, s12, $0xb8;
	[tilespmem:$0x1B400] =	vst v63  }
0xa5: {  	_ =	swait.ge [sflag:s8], $0x2000  }
0xa6: {  	[sflag:s8] =	ssyncset.done $0x0  }
0xa7: {  	[sflag:s8] =	ssyncadd.s32 $0xFFFFE000  }
0xa8: {  	[spmem:s1] =	stream.indirect.scatter.add.f32 [tilespmem:s30], [sflag:$0x4], $0x80, s9, s12, $0xb8;
	[tilespmem:$0x1B400] =	vst v63  }
0xa9: {  	_ =	swait.ge [sflag:s10], $0x2000  }
0xaa: {  	[sflag:s10] =	ssyncset.done $0x0  }
0xab: {  	[sflag:s10] =	ssyncadd.s32 $0xFFFFE000  }
0xac: {  	[tilespmem:s30], [sflag:$0x1] =	stream.indirect.gather [hbm4b:s15+s12], $0x80, s11, s12, $0xb8;
	[tilespmem:$0x1B400] =	vst v63  }
0xad: {  	_ =	swait.ge [sflag:s13], $0x2000  }
0xae: {  	[sflag:s13] =	ssyncset.done $0x0  }
0xaf: {  	s23 =	simm.s32 $0x800;
	[sflag:s13] =	ssyncadd.s32 $0xFFFFE000  }
0xb0: {  	[spmem:s1] =	stream.indirect.scatter.add.f32 [tilespmem:s5], [sflag:$0x5], $0x80, s14, s12, $0xb8;
	[tilespmem:$0x1B400] =	vst v63  }
.LBB2_3:
0xb1: {  	p0 =	sne.s32 s23, $0x3800  }
0xb2: {  	_ =	swait.ge [sflag:s17], $0x2000;
	s24 =	smov.u32 s23;
	s23 =	sadd.s32 $0x800, s23  }
0xb3: {  	[sflag:s17] =	ssyncset.done $0x0  }
0xb4: {  	[sflag:s17] =	ssyncadd.s32 $0xFFFFE000  }
0xb5: {  	[spmem:s1] =	stream.indirect.scatter.add.f32 [tilespmem:s7], [sflag:$0x6], $0x80, s29, s12, $0xb8;
	[tilespmem:$0x1B400] =	vst v63  }
0xb6: {  	_ =	swait.ge [sflag:s8], $0x2000  }
0xb7: {  	[sflag:s8] =	ssyncset.done $0x0  }
0xb8: {  	[sflag:s8] =	ssyncadd.s32 $0xFFFFE000  }
0xb9: {  	[spmem:s1] =	stream.indirect.scatter.add.f32 [tilespmem:s30], [sflag:$0x4], $0x80, s18, s12, $0xb8;
	[tilespmem:$0x1B400] =	vst v63  }
0xba: {  	_ =	swait.ge [sflag:s19], $0x2000  }
0xbb: {  	[sflag:s19] =	ssyncset.done $0x0  }
0xbc: {  	[sflag:s19] =	ssyncadd.s32 $0xFFFFE000  }
0xbd: {  	_ =	swait.ge [sflag:s20], $0x2000  }
0xbe: {  	[sflag:s20] =	ssyncset.done $0x0  }
0xbf: {  	[sflag:s20] =	ssyncadd.s32 $0xFFFFE000  }
0xc0: {  	_ =	swait.ge [sflag:s10], $0x2000  }
0xc1: {  	[sflag:s10] =	ssyncset.done $0x0  }
0xc2: {  	[sflag:s10] =	ssyncadd.s32 $0xFFFFE000  }
0xc3: {  	s24 =	sshra.s32 s24, $0x2  }
0xc4: {  	v0 =	vld [tilespmem:s24+$0x0];
	_ =	sdelay $0x4  }
0xc5: {  	v1 =	vand.u32 $0xFFFF, v0;
	v0 =	vshra.s32 v0, $0x10  }
0xc6: {  	[tilespmem:$0x1000] =	vst v1  }
0xc7: {  	[tilespmem:$0x1200] =	vst v0  }
0xc8: {  	v0 =	vld [tilespmem:s24+$0x10];
	_ =	sdelay $0x4  }
0xc9: {  	v1 =	vand.u32 $0xFFFF, v0;
	v0 =	vshra.s32 v0, $0x10  }
0xca: {  	[tilespmem:$0x1010] =	vst v1  }
0xcb: {  	[tilespmem:$0x1210] =	vst v0  }
0xcc: {  	v0 =	vld [tilespmem:s24+$0x20];
	_ =	sdelay $0x4  }
0xcd: {  	v1 =	vand.u32 $0xFFFF, v0;
	v0 =	vshra.s32 v0, $0x10  }
0xce: {  	[tilespmem:$0x1020] =	vst v1  }
0xcf: {  	[tilespmem:$0x1220] =	vst v0  }
0xd0: {  	v0 =	vld [tilespmem:s24+$0x30];
	_ =	sdelay $0x4  }
0xd1: {  	v1 =	vand.u32 $0xFFFF, v0;
	v0 =	vshra.s32 v0, $0x10  }
0xd2: {  	[tilespmem:$0x1030] =	vst v1  }
0xd3: {  	[tilespmem:$0x1230] =	vst v0  }
0xd4: {  	v0 =	vld [tilespmem:s24+$0x80];
	_ =	sdelay $0x4  }
0xd5: {  	v1 =	vand.u32 $0xFFFF, v0;
	v0 =	vshra.s32 v0, $0x10  }
0xd6: {  	[tilespmem:$0x1080] =	vst v1  }
0xd7: {  	[tilespmem:$0x1280] =	vst v0  }
0xd8: {  	v0 =	vld [tilespmem:s24+$0x90];
	_ =	sdelay $0x4  }
0xd9: {  	v1 =	vand.u32 $0xFFFF, v0;
	v0 =	vshra.s32 v0, $0x10  }
0xda: {  	[tilespmem:$0x1090] =	vst v1  }
0xdb: {  	[tilespmem:$0x1290] =	vst v0  }
0xdc: {  	v0 =	vld [tilespmem:s24+$0xA0];
	_ =	sdelay $0x4  }
0xdd: {  	v1 =	vand.u32 $0xFFFF, v0;
	v0 =	vshra.s32 v0, $0x10  }
0xde: {  	[tilespmem:$0x10A0] =	vst v1  }
0xdf: {  	[tilespmem:$0x12A0] =	vst v0  }
0xe0: {  	v0 =	vld [tilespmem:s24+$0xB0];
	_ =	sdelay $0x4  }
0xe1: {  	v1 =	vand.u32 $0xFFFF, v0;
	v0 =	vshra.s32 v0, $0x10  }
0xe2: {  	[tilespmem:$0x10B0] =	vst v1  }
0xe3: {  	[tilespmem:$0x12B0] =	vst v0  }
0xe4: {  	v0 =	vld [tilespmem:s24+$0x100];
	_ =	sdelay $0x4  }
0xe5: {  	v1 =	vand.u32 $0xFFFF, v0;
	v0 =	vshra.s32 v0, $0x10  }
0xe6: {  	[tilespmem:$0x1100] =	vst v1  }
0xe7: {  	[tilespmem:$0x1300] =	vst v0  }
0xe8: {  	v0 =	vld [tilespmem:s24+$0x110];
	_ =	sdelay $0x4  }
0xe9: {  	v1 =	vand.u32 $0xFFFF, v0;
	v0 =	vshra.s32 v0, $0x10  }
0xea: {  	[tilespmem:$0x1110] =	vst v1  }
0xeb: {  	[tilespmem:$0x1310] =	vst v0  }
0xec: {  	v0 =	vld [tilespmem:s24+$0x120];
	_ =	sdelay $0x4  }
0xed: {  	v1 =	vand.u32 $0xFFFF, v0;
	v0 =	vshra.s32 v0, $0x10  }
0xee: {  	[tilespmem:$0x1120] =	vst v1  }
0xef: {  	[tilespmem:$0x1320] =	vst v0  }
0xf0: {  	v0 =	vld [tilespmem:s24+$0x130];
	_ =	sdelay $0x4  }
0xf1: {  	v1 =	vand.u32 $0xFFFF, v0;
	v0 =	vshra.s32 v0, $0x10  }
0xf2: {  	[tilespmem:$0x1130] =	vst v1  }
0xf3: {  	[tilespmem:$0x1330] =	vst v0  }
0xf4: {  	v0 =	vld [tilespmem:s24+$0x180];
	_ =	sdelay $0x4  }
0xf5: {  	v1 =	vand.u32 $0xFFFF, v0;
	v0 =	vshra.s32 v0, $0x10  }
0xf6: {  	[tilespmem:$0x1180] =	vst v1  }
0xf7: {  	[tilespmem:$0x1380] =	vst v0  }
0xf8: {  	v0 =	vld [tilespmem:s24+$0x190];
	_ =	sdelay $0x4  }
0xf9: {  	v1 =	vand.u32 $0xFFFF, v0;
	v0 =	vshra.s32 v0, $0x10  }
0xfa: {  	[tilespmem:$0x1190] =	vst v1  }
0xfb: {  	[tilespmem:$0x1390] =	vst v0  }
0xfc: {  	v0 =	vld [tilespmem:s24+$0x1A0];
	_ =	sdelay $0x4  }
0xfd: {  	v1 =	vand.u32 $0xFFFF, v0;
	v0 =	vshra.s32 v0, $0x10  }
0xfe: {  	[tilespmem:$0x11A0] =	vst v1  }
0xff: {  	[tilespmem:$0x13A0] =	vst v0  }
0x100: {  	v0 =	vld [tilespmem:s24+$0x1B0];
	_ =	sdelay $0x4  }
0x101: {  	v1 =	vand.u32 $0xFFFF, v0;
	v0 =	vshra.s32 v0, $0x10  }
0x102: {  	[tilespmem:$0x11B0] =	vst v1  }
0x103: {  	[tilespmem:$0x13B0] =	vst v0  }
0x104: {  	[tilespmem:s30], [sflag:$0x1] =	stream.indirect.gather [hbm4b:s15+s12], $0x80, s0, s12, $0xb8;
	[tilespmem:$0x1B400] =	vst v63  }
0x105: {  	_ = 	snop  }
0x106: {  	[tilespmem:s5], [sflag:$0x2] =	stream.indirect.gather [hbm4b:s15+s12], $0x80, s4, s12, $0xb8;
	[tilespmem:$0x1B400] =	vst v63  }
0x107: {  	_ = 	snop  }
0x108: {  	[tilespmem:s7], [sflag:$0x3] =	stream.indirect.gather [hbm4b:s15+s12], $0x80, s6, s12, $0xb8;
	[tilespmem:$0x1B400] =	vst v63  }
0x109: {  	_ =	swait.ge [sflag:s8], $0x2000  }
0x10a: {  	[sflag:s8] =	ssyncset.done $0x0  }
0x10b: {  	[sflag:s8] =	ssyncadd.s32 $0xFFFFE000  }
0x10c: {  	[spmem:s1] =	stream.indirect.scatter.add.f32 [tilespmem:s30], [sflag:$0x4], $0x80, s9, s12, $0xb8;
	[tilespmem:$0x1B400] =	vst v63  }
0x10d: {  	_ =	swait.ge [sflag:s10], $0x2000  }
0x10e: {  	[sflag:s10] =	ssyncset.done $0x0  }
0x10f: {  	[sflag:s10] =	ssyncadd.s32 $0xFFFFE000  }
0x110: {  	[tilespmem:s30], [sflag:$0x1] =	stream.indirect.gather [hbm4b:s15+s12], $0x80, s11, s12, $0xb8;
	[tilespmem:$0x1B400] =	vst v63  }
.Ltmp0:
0x111: {  	_ = 	snop;
	(pc) =	sbr.rel @p0 .LBB2_3-.Ltmp0, $4  }
0x112: {  	_ =	swait.ge [sflag:s13], $0x2000  }
0x113: {  	[sflag:s13] =	ssyncset.done $0x0  }
0x114: {  	[sflag:s13] =	ssyncadd.s32 $0xFFFFE000  }
0x115: {  	[spmem:s1] =	stream.indirect.scatter.add.f32 [tilespmem:s5], [sflag:$0x5], $0x80, s14, s12, $0xb8;
	[tilespmem:$0x1B400] =	vst v63  }
0x116: {  	_ =	swait.ge [sflag:s17], $0x2000  }
0x117: {  	[sflag:s17] =	ssyncset.done $0x0  }
0x118: {  	[sflag:s17] =	ssyncadd.s32 $0xFFFFE000  }
0x119: {  	[spmem:s1] =	stream.indirect.scatter.add.f32 [tilespmem:s7], [sflag:$0x6], $0x80, s29, s12, $0xb8;
	[tilespmem:$0x1B400] =	vst v63  }
0x11a: {  	_ =	swait.ge [sflag:s8], $0x2000  }
0x11b: {  	[sflag:s8] =	ssyncset.done $0x0  }
0x11c: {  	[sflag:s8] =	ssyncadd.s32 $0xFFFFE000  }
0x11d: {  	[spmem:s1] =	stream.indirect.scatter.add.f32 [tilespmem:s30], [sflag:$0x4], $0x80, s18, s12, $0xb8;
	[tilespmem:$0x1B400] =	vst v63  }
0x11e: {  	_ =	swait.ge [sflag:s19], $0x2000  }
0x11f: {  	[sflag:s19] =	ssyncset.done $0x0  }
0x120: {  	s22 =	sadd.s32 $0x1, s22;
	[sflag:s19] =	ssyncadd.s32 $0xFFFFE000  }
0x121: {  	p0 =	sne.s32 s22, $0x5;
	_ =	swait.ge [sflag:s20], $0x2000  }
.Ltmp1:
0x122: {  	[sflag:s20] =	ssyncset.done $0x0;
	(pc) =	sbr.rel @p0 .LBB2_2-.Ltmp1, $4  }
0x123: {  	[sflag:s20] =	ssyncadd.s32 $0xFFFFE000  }
0x124: {  	_ =	swait.ge [sflag:s10], $0x2000  }
0x125: {  	[sflag:s10] =	ssyncset.done $0x0  }
0x126: {  	[sflag:s10] =	ssyncadd.s32 $0xFFFFE000  }
0x127: {  	[bflag:$0x0] =	sbarrier.arrive $0xFFFF  }
0x128: {  	s2 =	rddreg [dreg:$0x1a]  }
0x129: {  	[tilespmem:s30], [sflag:$0x7] =	stream.linear.gather [spmem:s2], $0x2000, $0x38;
	[tilespmem:$0x1B400] =	vst v63  }
0x12a: {  	_ =	swait.ge [sflag:s31], $0x2000  }
0x12b: {  	[sflag:s31] =	ssyncset.done $0x0  }
0x12c: {  	s21 =	simm.s32 $0x0;
	s22 =	rddreg [dreg:$0x3];
	[sflag:s31] =	ssyncadd.s32 $0xFFFFE000  }
0x12d: {  	[hbm4b:s22+s21] =	stream.linear.scatter [tilespmem:s30], [sflag:$0x7], $0x2000, $0x38;
	[tilespmem:$0x1B400] =	vst v63  }
0x12e: {  	_ =	swait.ge [sflag:s31], $0x2000  }
0x12f: {  	[sflag:s31] =	ssyncset.done $0x0  }
0x130: {  	s22 =	rddreg [dreg:$0x11];
	[sflag:s31] =	ssyncadd.s32 $0xFFFFE000  }
0x131: {  	[tilespmem:s30], [sflag:$0x7] =	stream.linear.gather [spmem:s22], $0x2000, $0x38;
	[tilespmem:$0x1B400] =	vst v63  }
0x132: {  	_ =	swait.ge [sflag:s31], $0x2000  }
0x133: {  	[sflag:s31] =	ssyncset.done $0x0  }
0x134: {  	s23 =	rddreg [dreg:$0x4];
	[sflag:s31] =	ssyncadd.s32 $0xFFFFE000  }
0x135: {  	[hbm4b:s23+s21] =	stream.linear.scatter [tilespmem:s30], [sflag:$0x7], $0x2000, $0x38;
	[tilespmem:$0x1B400] =	vst v63  }
0x136: {  	_ =	swait.ge [sflag:s31], $0x2000  }
0x137: {  	[sflag:s31] =	ssyncset.done $0x0  }
0x138: {  	s24 =	rddreg [dreg:$0xf];
	[sflag:s31] =	ssyncadd.s32 $0xFFFFE000  }
0x139: {  	[tilespmem:s30], [sflag:$0x7] =	stream.linear.gather [spmem:s24], $0x2000, $0x38;
	[tilespmem:$0x1B400] =	vst v63  }
0x13a: {  	_ =	swait.ge [sflag:s31], $0x2000  }
0x13b: {  	[sflag:s31] =	ssyncset.done $0x0  }
0x13c: {  	s25 =	rddreg [dreg:$0x5];
	[sflag:s31] =	ssyncadd.s32 $0xFFFFE000  }
0x13d: {  	[hbm4b:s25+s21] =	stream.linear.scatter [tilespmem:s30], [sflag:$0x7], $0x2000, $0x38;
	[tilespmem:$0x1B400] =	vst v63  }
0x13e: {  	_ =	swait.ge [sflag:s31], $0x2000  }
0x13f: {  	[sflag:s31] =	ssyncset.done $0x0  }
0x140: {  	s25 =	rddreg [dreg:$0xe];
	[sflag:s31] =	ssyncadd.s32 $0xFFFFE000  }
0x141: {  	[tilespmem:s30], [sflag:$0x7] =	stream.linear.gather [spmem:s25], $0x2000, $0x38;
	[tilespmem:$0x1B400] =	vst v63  }
0x142: {  	_ =	swait.ge [sflag:s31], $0x2000  }
0x143: {  	[sflag:s31] =	ssyncset.done $0x0  }
0x144: {  	s26 =	rddreg [dreg:$0x6];
	[sflag:s31] =	ssyncadd.s32 $0xFFFFE000  }
0x145: {  	[hbm4b:s26+s21] =	stream.linear.scatter [tilespmem:s30], [sflag:$0x7], $0x2000, $0x38;
	[tilespmem:$0x1B400] =	vst v63  }
0x146: {  	_ =	swait.ge [sflag:s31], $0x2000  }
0x147: {  	[sflag:s31] =	ssyncset.done $0x0  }
0x148: {  	s26 =	rddreg [dreg:$0x10];
	[sflag:s31] =	ssyncadd.s32 $0xFFFFE000  }
0x149: {  	[tilespmem:s30], [sflag:$0x7] =	stream.linear.gather [spmem:s26], $0x2000, $0x38;
	[tilespmem:$0x1B400] =	vst v63  }
0x14a: {  	_ =	swait.ge [sflag:s31], $0x2000  }
0x14b: {  	[sflag:s31] =	ssyncset.done $0x0  }
0x14c: {  	s2 =	rddreg [dreg:$0x7];
	[sflag:s31] =	ssyncadd.s32 $0xFFFFE000  }
0x14d: {  	[hbm4b:s2+s21] =	stream.linear.scatter [tilespmem:s30], [sflag:$0x7], $0x2000, $0x38;
	[tilespmem:$0x1B400] =	vst v63  }
0x14e: {  	_ =	swait.ge [sflag:s31], $0x2000  }
0x14f: {  	[sflag:s31] =	ssyncset.done $0x0  }
0x150: {  	s2 =	rddreg [dreg:$0x12];
	[sflag:s31] =	ssyncadd.s32 $0xFFFFE000  }
0x151: {  	[tilespmem:s30], [sflag:$0x7] =	stream.linear.gather [spmem:s2], $0x2000, $0x38;
	[tilespmem:$0x1B400] =	vst v63  }
0x152: {  	_ =	swait.ge [sflag:s31], $0x2000  }
0x153: {  	[sflag:s31] =	ssyncset.done $0x0  }
0x154: {  	s3 =	rddreg [dreg:$0x8];
	[sflag:s31] =	ssyncadd.s32 $0xFFFFE000  }
0x155: {  	[hbm4b:s3+s21] =	stream.linear.scatter [tilespmem:s30], [sflag:$0x7], $0x2000, $0x38;
	[tilespmem:$0x1B400] =	vst v63  }
0x156: {  	_ =	swait.ge [sflag:s31], $0x2000  }
0x157: {  	[sflag:s31] =	ssyncset.done $0x0  }
0x158: {  	s28 =	rddreg [dreg:$0x13];
	[sflag:s31] =	ssyncadd.s32 $0xFFFFE000  }
0x159: {  	[tilespmem:s30], [sflag:$0x7] =	stream.linear.gather [spmem:s28], $0x2000, $0x38;
	[tilespmem:$0x1B400] =	vst v63  }
0x15a: {  	_ =	swait.ge [sflag:s31], $0x2000  }
0x15b: {  	[sflag:s31] =	ssyncset.done $0x0  }
0x15c: {  	s23 =	rddreg [dreg:$0x9];
	[sflag:s31] =	ssyncadd.s32 $0xFFFFE000  }
0x15d: {  	[hbm4b:s23+s21] =	stream.linear.scatter [tilespmem:s30], [sflag:$0x7], $0x2000, $0x38;
	[tilespmem:$0x1B400] =	vst v63  }
0x15e: {  	_ =	swait.ge [sflag:s31], $0x2000  }
0x15f: {  	[sflag:s31] =	ssyncset.done $0x0  }
0x160: {  	s23 =	rddreg [dreg:$0x14];
	[sflag:s31] =	ssyncadd.s32 $0xFFFFE000  }
0x161: {  	[tilespmem:s30], [sflag:$0x7] =	stream.linear.gather [spmem:s23], $0x2000, $0x38;
	[tilespmem:$0x1B400] =	vst v63  }
0x162: {  	_ =	swait.ge [sflag:s31], $0x2000  }
0x163: {  	[sflag:s31] =	ssyncset.done $0x0  }
0x164: {  	s24 =	rddreg [dreg:$0xa];
	[sflag:s31] =	ssyncadd.s32 $0xFFFFE000  }
0x165: {  	[hbm4b:s24+s21] =	stream.linear.scatter [tilespmem:s30], [sflag:$0x7], $0x2000, $0x38;
	[tilespmem:$0x1B400] =	vst v63  }
0x166: {  	_ =	swait.ge [sflag:s31], $0x2000  }
0x167: {  	[sflag:s31] =	ssyncset.done $0x0  }
0x168: {  	s24 =	rddreg [dreg:$0x15];
	[sflag:s31] =	ssyncadd.s32 $0xFFFFE000  }
0x169: {  	[tilespmem:s30], [sflag:$0x7] =	stream.linear.gather [spmem:s24], $0x2000, $0x38;
	[tilespmem:$0x1B400] =	vst v63  }
0x16a: {  	_ =	swait.ge [sflag:s31], $0x2000  }
0x16b: {  	[sflag:s31] =	ssyncset.done $0x0  }
0x16c: {  	s3 =	rddreg [dreg:$0xb];
	[sflag:s31] =	ssyncadd.s32 $0xFFFFE000  }
0x16d: {  	[hbm4b:s3+s21] =	stream.linear.scatter [tilespmem:s30], [sflag:$0x7], $0x2000, $0x38;
	[tilespmem:$0x1B400] =	vst v63  }
0x16e: {  	_ =	swait.ge [sflag:s31], $0x2000  }
0x16f: {  	[sflag:s31] =	ssyncset.done $0x0  }
0x170: {  	s3 =	rddreg [dreg:$0x16];
	[sflag:s31] =	ssyncadd.s32 $0xFFFFE000  }
0x171: {  	[tilespmem:s30], [sflag:$0x7] =	stream.linear.gather [spmem:s3], $0x2000, $0x38;
	[tilespmem:$0x1B400] =	vst v63  }
0x172: {  	_ =	swait.ge [sflag:s31], $0x2000  }
0x173: {  	[sflag:s31] =	ssyncset.done $0x0  }
0x174: {  	s22 =	rddreg [dreg:$0xc];
	[sflag:s31] =	ssyncadd.s32 $0xFFFFE000  }
0x175: {  	[hbm4b:s22+s21] =	stream.linear.scatter [tilespmem:s30], [sflag:$0x7], $0x2000, $0x38;
	[tilespmem:$0x1B400] =	vst v63  }
0x176: {  	_ =	swait.ge [sflag:s31], $0x2000  }
0x177: {  	s21 =	rddreg [dreg:$0x19]  }
0x178: {  	s22 =	sadd.s32 $0x1, s21;
	s21 =	rddreg [dreg:$0x18]  }
0x179: {  	p0 =	sne.s32 s22, s21  }
.Ltmp2:
0x17a: {  	_ = 	snop;
	(pc) =	sbr.rel @p0 .LBB2_1-.Ltmp2, $3  }
0x17b: {  	_ =	sdelay $0x1  }
0x17c: {  	[sflag:s31] =	ssyncset.done $0x0  }
0x17d: {  	[sflag:s31] =	ssyncadd.s32 $0xFFFFE000  }
0x17e: {  	_ =	sfence.sel $0x180000  }
0x17f: {  	[bflag:$0x0] =	sbarrier.arrive $0xFFFF  }
0x180: {  	_ =	strace $0x9000004A  }
0x181: {  	s0 =	stileid.u32;
	[bflag:$0x2] =	sbarrier.arrive $0xFFFF  }
0x182: {  	p0 =	sne.s32 s0, $0x0;
	s0 =	rddreg [dreg:$0x2]  }
0x183: {  	s0 =	sadd.s32 @!p0 $0x100000, s0  }
0x184: {  	[sflag:s0] =	ssyncadd.tile.s32 @!p0 $0x1;
	_ =	shalt  }
.Lfunc_end2:
_tile_overlayer_lowered:
.L_overlay_start_2:
0x185: {  	(tag) =	ssettag $0x2  }
0x186: {  	s0 =	rddreg [dreg:$0x0];
	s2 =	stileid.u32  }
0x187: {  	s1 =	rddreg [dreg:$0x1];
	p0 =	sne.s32 s2, $0x0  }
0x188: {  	s3 =	rddreg [dreg:$0x2];
	[bflag:$0x3] =	sbarrier.arrive $0xFFFF;
	s2 =	simm.s32 @!p0 $0x1C07  }
0x189: {  	[timem:s3], [sflag:s2] =	dma.local @!p0 [hbm:s0], s1  }
0x18a: {  	s0 =	simm.s32 @!p0 $0x7  }
0x18b: {  	_ =	swait.ge @!p0 [sflag:s0], s1  }
0x18c: {  	s1 =	ssub.s32 @!p0 $0x0, s1;
	[sflag:s0] =	ssyncset.done @!p0 $0x0  }
0x18d: {  	[sflag:s0] =	ssyncadd.s32 @!p0 s1  }
0x18e: {  	[bflag:$0x3] =	sbarrier.arrive $0xFFFF  }
0x18f: {  	_ =	shalt  }

// kernel: kernel.14.cloned.1.call-start
scs
__scs_entry_jumppad:
0x0: {  	(pc) =	sbr.rel $0x88, $3  }
0x1: {  	(tag) =	ssettag $0x0;
	lr =	simm.s32 $0x1  }
0x2: {  	[smem:$0x3F9B] =	sst lr;
	_ =	strace $0xD0000000  }
0x3: {  	_ = 	snop  }
0x4: {  	_ = 	snop  }
0x5: {  	_ = 	snop  }
0x6: {  	_ = 	snop  }
0x7: {  	_ = 	snop  }
__scs_overlays_trampoline_lowered:
0x8: {  	[smem:$0x3FAA] =	sst s0  }
0x9: {  	[smem:$0x3FAB] =	sst s1  }
0xa: {  	[smem:$0x3FAC] =	sst s2  }
0xb: {  	[smem:$0x3FAD] =	sst s3  }
0xc: {  	[smem:$0x3FAE] =	sst s4  }
0xd: {  	[smem:$0x3FAF] =	sst s5  }
0xe: {  	[smem:$0x3FB0] =	sst s6  }
0xf: {  	[smem:$0x3FB1] =	sst s7  }
0x10: {  	[smem:$0x3FB2] =	sst s8  }
0x11: {  	[smem:$0x3FB3] =	sst s9;
	s0 =	simm.s32 @!p0 $0x0  }
0x12: {  	s1 =	sld [smem:$0x3F99];
	s0 =	simm.s32 @p0 $0x1  }
0x13: {  	[smem:$0x3FB4] =	sst s0;
	s0 =	simm.s32 @!p1 $0x0  }
0x14: {  	s2 =	sld [smem:$0x3F98];
	s0 =	simm.s32 @p1 $0x1  }
0x15: {  	[smem:$0x3FB5] =	sst s0;
	s0 =	simm.s32 @!p2 $0x0  }
0x16: {  	s3 =	sld [smem:$0x3FDB];
	s0 =	simm.s32 @p2 $0x1  }
0x17: {  	s4 =	simm.s32 $0x1BF5;
	[smem:$0x3FB7] =	sst s0  }
0x18: {  	s0 =	sld [smem:$0x3F9A];
	_ =	swait.ge [sflag:s4], $0x0  }
0x19: {  	s7 =	sld [smem:$0x3F9B]  }
0x1a: {  	s8 =	sadd.s32 $0xFFFFE003, lr  }
0x1b: {  	s9 =	sadd.s32 $0xFFFFFEF7, lr;
	s5 =	simm.s32 $0xFFFFFFFF;
	p2 =	slt.u32 s8, $0xFFFFF086  }
0x1c: {  	p1 =	slt.u32 s9, $0xF7A;
	s5 =	simm.s32 @!p2 $0x0  }
0x1d: {  	s5 =	simm.s32 @p1 $0x1;
	p0 =	seq.s32 s7, s2  }
0x1e: {  	s7 =	smul.u32 @!p0 $0xF7A, s2;
	p2 =	seq.s32 @!p0 s5, $0x0  }
0x1f: {  	s9 =	smul.u32 $0xF7A, s1;
	s8 =	simm.s32 @!p0 $0x1BF5;
	p2 =	por !p2, p0  }
0x20: {  	[sflag:s8] =	ssyncset.s32 @!p0 $0xFFFFF086;
	s6 =	sadd.s32 @!p0 s3, s7;
	s7 =	simm.s32 @!p0 $0x108  }
0x21: {  	s3 =	sadd.s32 s3, s9;
	s6 =	sadd.s32 @!p0 $0x88, s6;
	s7 =	simm.s32 @p2 $0x1082  }
0x22: {  	[simem:s7], [sflag:s8] =	dma.local @!p0 [hbm:s6], $0xF7A  }
0x23: {  	s9 =	sor.u32 $0xD0000000, s2;
	s6 =	simm.s32 $0x108;
	_ =	swait.ge @!p0 [sflag:s8], $0x0  }
0x24: {  	s3 =	sadd.s32 $0x88, s3;
	s6 =	simm.s32 @!p1 $0x1082;
	[sflag:s4] =	ssyncset.s32 $0xFFFFF086  }
0x25: {  	[simem:s6], [sflag:s4] =	dma.local [hbm:s3], $0xF7A  }
0x26: {  	[smem:$0x3F9B] =	sst s1;
	(tag) =	ssettag s2;
	_ =	strace s9  }
0x27: {  	s1 =	sld [smem:$0x3FAB]  }
0x28: {  	s2 =	sld [smem:$0x3FAC]  }
0x29: {  	s4 =	sld [smem:$0x3FAE]  }
0x2a: {  	p0 =	seq.s32 s5, $0x0;
	s5 =	sld [smem:$0x3FAF]  }
0x2b: {  	s6 =	sld [smem:$0x3FB0]  }
0x2c: {  	s7 =	sld [smem:$0x3FB1]  }
0x2d: {  	s3 =	simm.s32 $0x108;
	s8 =	sld [smem:$0x3FB2]  }
0x2e: {  	s3 =	simm.s32 @!p0 $0x1082;
	s9 =	sld [smem:$0x3FB3]  }
0x2f: {  	lr =	sadd.s32 s0, s3;
	s0 =	sld [smem:$0x3FAA]  }
0x30: {  	s3 =	sld [smem:$0x3FAD]  }
0x31: {  	[smem:$0x3FB6] =	sst s10  }
0x32: {  	s10 =	sld [smem:$0x3FB4];
	_ =	sdelay $0x3  }
0x33: {  	p0 =	seq.s32 s10, $0x1;
	s10 =	sld [smem:$0x3FB6];
	_ =	sdelay $0x3  }
0x34: {  	[smem:$0x3FB6] =	sst s10  }
0x35: {  	s10 =	sld [smem:$0x3FB5];
	_ =	sdelay $0x3  }
0x36: {  	p1 =	seq.s32 s10, $0x1;
	s10 =	sld [smem:$0x3FB6];
	_ =	sdelay $0x3  }
0x37: {  	[smem:$0x3FB6] =	sst s10  }
0x38: {  	s10 =	sld [smem:$0x3FB7]  }
0x39: {  	_ = 	snop;
	(pc) =	sbr.ind lr, $3  }
0x3a: {  	_ = 	snop  }
0x3b: {  	_ = 	snop  }
0x3c: {  	p2 =	seq.s32 s10, $0x1;
	s10 =	sld [smem:$0x3FB6]  }
0x3d: {  	_ =	shalt  }
0x3e: {  	_ =	shalt  }
0x3f: {  	_ =	shalt  }
0x40: {  	_ =	shalt  }
0x41: {  	_ =	shalt  }
0x42: {  	_ =	shalt  }
0x43: {  	_ =	shalt  }
0x44: {  	_ =	shalt  }
0x45: {  	_ =	shalt  }
0x46: {  	_ =	shalt  }
0x47: {  	_ =	shalt  }
0x48: {  	_ =	shalt  }
0x49: {  	_ =	shalt  }
0x4a: {  	_ =	shalt  }
0x4b: {  	_ =	shalt  }
0x4c: {  	_ =	shalt  }
0x4d: {  	_ =	shalt  }
0x4e: {  	_ =	shalt  }
0x4f: {  	_ =	shalt  }
0x50: {  	_ =	shalt  }
0x51: {  	_ =	shalt  }
0x52: {  	_ =	shalt  }
0x53: {  	_ =	shalt  }
0x54: {  	_ =	shalt  }
0x55: {  	_ =	shalt  }
0x56: {  	_ =	shalt  }
0x57: {  	_ =	shalt  }
0x58: {  	_ =	shalt  }
0x59: {  	_ =	shalt  }
0x5a: {  	_ =	shalt  }
0x5b: {  	_ =	shalt  }
0x5c: {  	_ =	shalt  }
0x5d: {  	_ =	shalt  }
0x5e: {  	_ =	shalt  }
0x5f: {  	_ =	shalt  }
0x60: {  	_ =	shalt  }
0x61: {  	_ =	shalt  }
0x62: {  	_ =	shalt  }
0x63: {  	_ =	shalt  }
0x64: {  	_ =	shalt  }
0x65: {  	_ =	shalt  }
0x66: {  	_ =	shalt  }
0x67: {  	_ =	shalt  }
0x68: {  	_ =	shalt  }
0x69: {  	_ =	shalt  }
0x6a: {  	_ =	shalt  }
0x6b: {  	_ =	shalt  }
0x6c: {  	_ =	shalt  }
0x6d: {  	_ =	shalt  }
0x6e: {  	_ =	shalt  }
0x6f: {  	_ =	shalt  }
0x70: {  	_ =	shalt  }
0x71: {  	_ =	shalt  }
0x72: {  	_ =	shalt  }
0x73: {  	_ =	shalt  }
0x74: {  	_ =	shalt  }
0x75: {  	_ =	shalt  }
0x76: {  	_ =	shalt  }
0x77: {  	_ =	shalt  }
0x78: {  	_ =	shalt  }
0x79: {  	_ =	shalt  }
0x7a: {  	_ =	shalt  }
0x7b: {  	_ =	shalt  }
0x7c: {  	_ =	shalt  }
0x7d: {  	_ =	shalt  }
0x7e: {  	_ =	shalt  }
0x7f: {  	_ =	shalt  }
0x80: {  	_ =	shalt  }
0x81: {  	_ =	shalt  }
0x82: {  	_ =	shalt  }
0x83: {  	_ =	shalt  }
0x84: {  	_ =	shalt  }
0x85: {  	_ =	shalt  }
0x86: {  	_ =	shalt  }
0x87: {  	_ =	shalt  }
.Lfunc_end0:
.L_simem_size_0:
called_computation.2_lowered:
.L_overlay_start_0:
0x88: {  	s2 =	sld [smem:$0x3FD9]  }
0x89: {  	s3 =	sld [smem:$0x3FFE];
	_ =	sdelay $0x1  }
0x8a: {  	s1 =	srdreg.scid  }
0x8b: {  	s0 =	sand.u32 $0x1, s1  }
0x8c: {  	s16 =	sshll.u32 s0, $0xA;
	s2 =	sadd.s32 s3, s2  }
0x8d: {  	s2 =	sadd.s32 s2, s16  }
0x8e: {  	[smem:$0x3FC2] =	sst s2  }
0x8f: {  	_ = 	snop  }
0x90: {  	(tm) =	ssettm $0x1  }
0x91: {  	s17 =	sld [smem:$0x3FFB];
	_ =	sdelay $0x3  }
0x92: {  	_ =	strace s17  }
0x93: {  	s2 =	sld [smem:$0x3FFC];
	_ =	sdelay $0x3  }
0x94: {  	_ =	strace s2  }
0x95: {  	s2 =	sld [smem:$0x3FFD];
	_ =	sdelay $0x3  }
0x96: {  	_ =	strace s2  }
0x97: {  	_ =	strace $0x8FFFFFFF  }
0x98: {  	s18 =	sld [smem:$0x3FDB];
	_ =	sdelay $0x1  }
0x99: {  	s19 =	simm.s32 $_scs_section_size  }
0x9a: {  	s4 =	simm.s32 $_size__tile_overlayer_lowered;
	s5 =	simm.s32 $_tile_overlayer_lowered  }
0x9b: {  	s22 =	simm.s32 $0x1BFF;
	s21 =	sshll.u32 s5, $0x1;
	s2 =	sadd.s32 s19, s18  }
0x9c: {  	s6 =	simm.s32 $0x0;
	s20 =	sshll.u32 s4, $0x1;
	s4 =	sadd.s32 s21, s2  }
0x9d: {  	[timem:s6], [sflag:s22] =	dma.local [hbm:s4], s20  }
0x9e: {  	_ =	swait.ge [sflag:s22], s20  }
0x9f: {  	s3 =	ssub.s32 $0x0, s20;
	[sflag:s22] =	ssyncset.done $0x0  }
0xa0: {  	[sflag:s22] =	ssyncadd.s32 s3;
	_ =	sdelay $0x1  }
0xa1: {  	s23 =	simm.s32 $0x1B8B  }
0xa2: {  	_ =	swait.ge [sflag:s23], $0x1  }
0xa3: {  	[sflag:s23] =	ssyncset.done $0x0  }
0xa4: {  	s25 =	simm.s32 $0x1B8E;
	s24 =	sld [smem:$0x3FFE];
	[sflag:s23] =	ssyncadd.s32 $0xFFFFFFFF  }
0xa5: {  	s26 =	simm.s32 $execute0_lowered;
	[smem:$0x3FD2] =	sst s25  }
0xa6: {  	s4 =	sshll.u32 s26, $0x1;
	_ =	strace $0x8000004C;
	[dreg:$0x1] =	wrdreg $0xFFFFFFFF  }
0xa7: {  	s28 =	simm.s32 $_size_execute0_lowered;
	s2 =	sadd.s32 s2, s4;
	[dreg:$0x0] =	wrdreg $0x0  }
0xa8: {  	s4 =	sshll.u32 s28, $0x1;
	[dreg:$0x2] =	wrdreg s2  }
0xa9: {  	[dreg:$0x3] =	wrdreg s4  }
0xaa: {  	[dreg:$0x4] =	wrdreg $0xC0  }
0xab: {  	_ =	task [dreg:s6], $0x5FFFF  }
0xac: {  	[dreg:$0x1] =	wrdreg $0xFFFFFFFF  }
0xad: {  	[dreg:$0x0] =	wrdreg $0x60  }
0xae: {  	[dreg:$0x2] =	wrdreg s24  }
0xaf: {  	[dreg:$0x3] =	wrdreg $0x74000  }
0xb0: {  	[dreg:$0x4] =	wrdreg $0x9  }
0xb1: {  	_ =	task.clear_ibuf [dreg:s6], $0x5FFFF;
	_ =	strace $0x9000004C  }
0xb2: {  	s29 =	simm.s32 $0x9;
	_ =	strace $0x8000004E  }
0xb3: {  	_ =	swait.ge [sflag:s29], $0x1  }
0xb4: {  	[sflag:s29] =	ssyncadd.s32 $0xFFFFFFFF  }
0xb5: {  	_ =	strace $0x9000004E  }
0xb6: {  	_ =	sfence  }
0xb7: {  	s30 =	sld [smem:$0x0];
	_ =	sdelay $0x2  }
0xb8: {  	s31 =	sshll.u32 s1, $0xD;
	s1 =	sshrl.u32 s1, $0x2  }
0xb9: {  	s3 =	sand.u32 $0x4000, s31;
	s1 =	sadd.s32 s1, s30  }
0xba: {  	s0 =	sor.u32 s3, s0;
	s1 =	sshll.u32 s1, $0x11  }
0xbb: {  	s0 =	sor.u32 s1, s0  }
0xbc: {  	s0 =	sadd.s32 $0x8F2B, s0  }
0xbd: {  	[sflag:s0] =	ssyncadd.remote.s32 $0x1  }
0xbe: {  	_ =	sfence.sel $0xFFFF  }
0xbf: {  	[dreg:$0x0] =	wrdreg $0xFFFFFFFF;
	(pc) =	sbr.abs _section_cstart, $3  }
0xc0: {  	[dreg:$0x1] =	wrdreg $0xFFFFFFFF  }
0xc1: {  	_ =	task.clear_ibuf [dreg:s6], $0x2FFFF;
	_ =	strace $0x9FFFFFFF  }
0xc2: {  	(tm) =	ssettm $0x7FFFFFFF  }
0xc3: {  	_ =	shalt  }
tec
execute0_lowered:
.L_overlay_start_1:
0x0: {  	(tag) =	ssettag $0x1  }
0x1: {  	s0 =	srdreg.scid;
	s4 =	rddreg [dreg:$0x0]  }
0x2: {  	s1 =	rddreg [dreg:$0x1];
	s19 =	stileid.u32  }
0x3: {  	s2 =	simm.s32 $0x0;
	s30 =	simm.s32 $0x1400;
	s6 =	smul.u32 $0x14000, s19  }
0x4: {  	s31 =	simm.s32 $0x7;
	s0 =	sand.u32 $0x1, s0;
	s23 =	smul.u32 $0x5000, s19  }
0x5: {  	s29 =	simm.s32 $0x1300;
	[smem:$0x7FF] =	sst s2;
	s13 =	smul.u32 $0x140000, s0  }
0x6: {  	s7 =	sadd.s32 $0x67200, s4;
	s3 =	ssub.s32 $0x2, s0;
	s0 =	smul.u32 $0x50000, s0  }
0x7: {  	s5 =	sshrl.u32 s3, $0x1;
	s8 =	sor.u32 $0x2000, s6;
	s9 =	sadd.s32 $0x4000, s6  }
0x8: {  	s10 =	sadd.s32 $0x6000, s6;
	s11 =	sadd.s32 $0x8000, s6;
	s12 =	sadd.s32 $0xA000, s6  }
0x9: {  	s14 =	sadd.s32 $0xC000, s6;
	s17 =	sadd.s32 $0xE000, s6;
	s18 =	sadd.s32 $0x10000, s6  }
0xa: {  	s5 =	ssub.s32 s3, s5;
	s15 =	sadd.s32 s6, s13;
	s6 =	sadd.s32 $0x12000, s6  }
0xb: {  	s16 =	sadd.s32 s13, s8;
	s0 =	sadd.s32 s23, s0;
	s26 =	sadd.s32 s13, s9  }
0xc: {  	s2 =	sadd.s32 s13, s10;
	s3 =	sadd.s32 s13, s11;
	s22 =	sadd.s32 s13, s12  }
0xd: {  	s23 =	sadd.s32 s13, s14;
	s28 =	sadd.s32 s14, s1;
	s14 =	simm.s32 $0x1280  }
0xe: {  	s15 =	sshrl.u32 s15, $0x3;
	[dreg:$0x17] =	wrdreg s0;
	s25 =	sshrl.u32 s16, $0x3  }
0xf: {  	s21 =	sshrl.u32 s3, $0x3;
	s3 =	smul.u32 $0x50000, s19;
	s24 =	sadd.s32 s7, s15  }
0x10: {  	s0 =	sadd.s32 s7, s25;
	s15 =	sshrl.u32 s2, $0x3;
	[dreg:$0x3] =	wrdreg s24  }
0x11: {  	s2 =	sadd.s32 s13, s18;
	[dreg:$0x4] =	wrdreg s0;
	s0 =	sshrl.u32 s26, $0x3  }
0x12: {  	s20 =	sadd.s32 s7, s15;
	s15 =	sshrl.u32 s23, $0x3;
	s24 =	sadd.s32 s13, s17  }
0x13: {  	s13 =	sadd.s32 s13, s6;
	s19 =	sshrl.u32 s3, $0x2;
	s23 =	sadd.s32 s17, s1  }
0x14: {  	s3 =	sadd.s32 s6, s1;
	s0 =	sadd.s32 s7, s0;
	[dreg:$0x6] =	wrdreg s20  }
0x15: {  	s6 =	simm.s32 $0x1100;
	[dreg:$0x5] =	wrdreg s0;
	s0 =	sadd.s32 s7, s21  }
0x16: {  	s25 =	sadd.s32 s7, s15;
	[dreg:$0x7] =	wrdreg s0;
	s0 =	sshrl.u32 s22, $0x3  }
0x17: {  	s26 =	sshrl.u32 s24, $0x3;
	[dreg:$0x9] =	wrdreg s25;
	s0 =	sadd.s32 s7, s0  }
0x18: {  	s13 =	sshrl.u32 s13, $0x3;
	[dreg:$0x8] =	wrdreg s0;
	s0 =	sadd.s32 s7, s26  }
0x19: {  	s16 =	sadd.s32 s7, s13;
	[dreg:$0xa] =	wrdreg s0;
	s0 =	sshrl.u32 s2, $0x3  }
0x1a: {  	s15 =	sadd.s32 $0x2E00, s4;
	[dreg:$0xc] =	wrdreg s16;
	s0 =	sadd.s32 s7, s0  }
0x1b: {  	s16 =	sadd.s32 $0x53200, s4;
	s4 =	sadd.s32 $0x2A00, s4;
	[dreg:$0xb] =	wrdreg s0  }
0x1c: {  	s0 =	sadd.s32 s19, s1;
	_ =	strace $0x8000004D;
	[dreg:$0xd] =	wrdreg s4  }
0x1d: {  	s17 =	simm.s32 $0x3;
	s20 =	sadd.s32 s8, s1;
	[dreg:$0x1a] =	wrdreg s0  }
0x1e: {  	s24 =	sadd.s32 s18, s1;
	s21 =	sadd.s32 s9, s1;
	[dreg:$0x11] =	wrdreg s20  }
0x1f: {  	s8 =	simm.s32 $0x1;
	s22 =	smax.u32 s5, $0x1;
	[dreg:$0xf] =	wrdreg s21  }
0x20: {  	s18 =	simm.s32 $0x1380;
	s25 =	sadd.s32 s10, s1;
	[dreg:$0x18] =	wrdreg s22  }
0x21: {  	s9 =	simm.s32 $0x1200;
	s26 =	sadd.s32 s11, s1;
	[dreg:$0xe] =	wrdreg s25  }
0x22: {  	s10 =	simm.s32 $0x4;
	s2 =	sadd.s32 s12, s1;
	[dreg:$0x10] =	wrdreg s26  }
0x23: {  	s13 =	simm.s32 $0x2;
	s5 =	simm.s32 $0x3400;
	[dreg:$0x12] =	wrdreg s2  }
0x24: {  	s11 =	simm.s32 $0x1180;
	s12 =	simm.s32 $0x40;
	[dreg:$0x13] =	wrdreg s28  }
0x25: {  	s7 =	simm.s32 $0x5400;
	s19 =	simm.s32 $0x5;
	[dreg:$0x14] =	wrdreg s23  }
0x26: {  	s0 =	simm.s32 $0x1000;
	s4 =	simm.s32 $0x1080;
	[dreg:$0x15] =	wrdreg s24  }
0x27: {  	s20 =	simm.s32 $0x6;
	s22 =	simm.s32 $0x0;
	[dreg:$0x16] =	wrdreg s3  }
.LBB2_1:
0x28: {  	[dreg:$0x19] =	wrdreg s22  }
0x29: {  	s21 =	simm.s32 $0x0;
	s22 =	rddreg [dreg:$0xd]  }
0x2a: {  	[tilespmem:s30], [sflag:$0x7] =	stream.linear.gather [hbm4b:s22+s21], $0x2000, $0x38;
	[tilespmem:$0x1B400] =	vst v63  }
0x2b: {  	_ =	swait.ge [sflag:s31], $0x2000  }
0x2c: {  	[sflag:s31] =	ssyncset.done $0x0  }
0x2d: {  	s21 =	rddreg [dreg:$0x1a];
	[sflag:s31] =	ssyncadd.s32 $0xFFFFE000  }
0x2e: {  	[spmem:s21] =	stream.linear.scatter [tilespmem:s30], [sflag:$0x7], $0x2000, $0x38;
	[tilespmem:$0x1B400] =	vst v63  }
0x2f: {  	s22 =	rddreg [dreg:$0xf];
	_ =	swait.ge [sflag:s31], $0x2000  }
0x30: {  	[sflag:s31] =	ssyncset.done $0x0  }
0x31: {  	s21 =	rddreg [dreg:$0x11];
	[sflag:s31] =	ssyncadd.s32 $0xFFFFE000  }
0x32: {  	[spmem:s21] =	stream.linear.scatter [tilespmem:s30], [sflag:$0x7], $0x2000, $0x38;
	[tilespmem:$0x1B400] =	vst v63  }
0x33: {  	_ =	swait.ge [sflag:s31], $0x2000  }
0x34: {  	[sflag:s31] =	ssyncset.done $0x0  }
0x35: {  	[sflag:s31] =	ssyncadd.s32 $0xFFFFE000  }
0x36: {  	[spmem:s22] =	stream.linear.scatter [tilespmem:s30], [sflag:$0x7], $0x2000, $0x38;
	[tilespmem:$0x1B400] =	vst v63  }
0x37: {  	_ =	swait.ge [sflag:s31], $0x2000  }
0x38: {  	[sflag:s31] =	ssyncset.done $0x0  }
0x39: {  	[sflag:s31] =	ssyncadd.s32 $0xFFFFE000  }
0x3a: {  	[spmem:s25] =	stream.linear.scatter [tilespmem:s30], [sflag:$0x7], $0x2000, $0x38;
	[tilespmem:$0x1B400] =	vst v63  }
0x3b: {  	_ =	swait.ge [sflag:s31], $0x2000  }
0x3c: {  	[sflag:s31] =	ssyncset.done $0x0  }
0x3d: {  	[sflag:s31] =	ssyncadd.s32 $0xFFFFE000  }
0x3e: {  	[spmem:s26] =	stream.linear.scatter [tilespmem:s30], [sflag:$0x7], $0x2000, $0x38;
	[tilespmem:$0x1B400] =	vst v63  }
0x3f: {  	_ =	swait.ge [sflag:s31], $0x2000  }
0x40: {  	[sflag:s31] =	ssyncset.done $0x0  }
0x41: {  	[sflag:s31] =	ssyncadd.s32 $0xFFFFE000  }
0x42: {  	[spmem:s2] =	stream.linear.scatter [tilespmem:s30], [sflag:$0x7], $0x2000, $0x38;
	[tilespmem:$0x1B400] =	vst v63  }
0x43: {  	_ =	swait.ge [sflag:s31], $0x2000  }
0x44: {  	[sflag:s31] =	ssyncset.done $0x0  }
0x45: {  	[sflag:s31] =	ssyncadd.s32 $0xFFFFE000  }
0x46: {  	[spmem:s28] =	stream.linear.scatter [tilespmem:s30], [sflag:$0x7], $0x2000, $0x38;
	[tilespmem:$0x1B400] =	vst v63  }
0x47: {  	_ =	swait.ge [sflag:s31], $0x2000  }
0x48: {  	[sflag:s31] =	ssyncset.done $0x0  }
0x49: {  	[sflag:s31] =	ssyncadd.s32 $0xFFFFE000  }
0x4a: {  	[spmem:s23] =	stream.linear.scatter [tilespmem:s30], [sflag:$0x7], $0x2000, $0x38;
	[tilespmem:$0x1B400] =	vst v63  }
0x4b: {  	_ =	swait.ge [sflag:s31], $0x2000  }
0x4c: {  	[sflag:s31] =	ssyncset.done $0x0  }
0x4d: {  	[sflag:s31] =	ssyncadd.s32 $0xFFFFE000  }
0x4e: {  	[spmem:s24] =	stream.linear.scatter [tilespmem:s30], [sflag:$0x7], $0x2000, $0x38;
	[tilespmem:$0x1B400] =	vst v63  }
0x4f: {  	_ =	swait.ge [sflag:s31], $0x2000  }
0x50: {  	[sflag:s31] =	ssyncset.done $0x0  }
0x51: {  	[sflag:s31] =	ssyncadd.s32 $0xFFFFE000  }
0x52: {  	[spmem:s3] =	stream.linear.scatter [tilespmem:s30], [sflag:$0x7], $0x2000, $0x38;
	[tilespmem:$0x1B400] =	vst v63  }
0x53: {  	_ =	swait.ge [sflag:s31], $0x2000  }
0x54: {  	[sflag:s31] =	ssyncset.done $0x0  }
0x55: {  	[sflag:s31] =	ssyncadd.s32 $0xFFFFE000  }
0x56: {  	[bflag:$0x0] =	sbarrier.arrive $0xFFFF  }
0x57: {  	s22 =	simm.s32 $0x0;
	s2 =	rddreg [dreg:$0x17]  }
.LBB2_2:
0x58: {  	s23 =	sshll.u32 s22, $0xC  }
0x59: {  	s23 =	sadd.s32 s23, s2  }
0x5a: {  	s23 =	sshrl.u32 s23, $0x3  }
0x5b: {  	s24 =	simm.s32 $0x0;
	s23 =	sadd.s32 s16, s23  }
0x5c: {  	[tilespmem:s24], [sflag:$0x7] =	stream.linear.gather [hbm4b:s23+s24], $0x1000, $0x38;
	[tilespmem:$0x1B400] =	vst v63  }
0x5d: {  	_ =	swait.ge [sflag:s31], $0x1000  }
0x5e: {  	[sflag:s31] =	ssyncset.done $0x0  }
0x5f: {  	s28 =	simm.s32 $0x0;
	[sflag:s31] =	ssyncadd.s32 $0xFFFFF000  }
0x60: {  	v0 =	vld [tilespmem:s28+$0x0];
	_ =	sdelay $0x4  }
0x61: {  	v1 =	vand.u32 $0xFFFF, v0  }
0x62: {  	v0 =	vshra.s32 v0, $0x10;
	[tilespmem:$0x1000] =	vst v1  }
0x63: {  	[tilespmem:$0x1200] =	vst v0  }
0x64: {  	v0 =	vld [tilespmem:s28+$0x10];
	_ =	sdelay $0x4  }
0x65: {  	v49 =	vand.u32 $0xFFFF, v0  }
0x66: {  	v0 =	vshra.s32 v0, $0x10;
	[tilespmem:$0x1010] =	vst v49  }
0x67: {  	[tilespmem:$0x1210] =	vst v0  }
0x68: {  	v0 =	vld [tilespmem:s28+$0x20];
	_ =	sdelay $0x4  }
0x69: {  	v50 =	vand.u32 $0xFFFF, v0  }
0x6a: {  	v0 =	vshra.s32 v0, $0x10;
	[tilespmem:$0x1020] =	vst v50  }
0x6b: {  	[tilespmem:$0x1220] =	vst v0  }
0x6c: {  	v0 =	vld [tilespmem:s28+$0x30];
	_ =	sdelay $0x4  }
0x6d: {  	v51 =	vand.u32 $0xFFFF, v0  }
0x6e: {  	v0 =	vshra.s32 v0, $0x10;
	[tilespmem:$0x1030] =	vst v51  }
0x6f: {  	[tilespmem:$0x1230] =	vst v0  }
0x70: {  	v0 =	vld [tilespmem:s28+$0x80];
	_ =	sdelay $0x4  }
0x71: {  	v52 =	vand.u32 $0xFFFF, v0  }
0x72: {  	v0 =	vshra.s32 v0, $0x10;
	[tilespmem:$0x1080] =	vst v52  }
0x73: {  	[tilespmem:$0x1280] =	vst v0  }
0x74: {  	v0 =	vld [tilespmem:s28+$0x90];
	_ =	sdelay $0x4  }
0x75: {  	v53 =	vand.u32 $0xFFFF, v0  }
0x76: {  	v0 =	vshra.s32 v0, $0x10;
	[tilespmem:$0x1090] =	vst v53  }
0x77: {  	[tilespmem:$0x1290] =	vst v0  }
0x78: {  	v0 =	vld [tilespmem:s28+$0xA0];
	_ =	sdelay $0x4  }
0x79: {  	v54 =	vand.u32 $0xFFFF, v0  }
0x7a: {  	v0 =	vshra.s32 v0, $0x10;
	[tilespmem:$0x10A0] =	vst v54  }
0x7b: {  	[tilespmem:$0x12A0] =	vst v0  }
0x7c: {  	v0 =	vld [tilespmem:s28+$0xB0];
	_ =	sdelay $0x4  }
0x7d: {  	v55 =	vand.u32 $0xFFFF, v0  }
0x7e: {  	v0 =	vshra.s32 v0, $0x10;
	[tilespmem:$0x10B0] =	vst v55  }
0x7f: {  	[tilespmem:$0x12B0] =	vst v0  }
0x80: {  	v0 =	vld [tilespmem:s28+$0x100];
	_ =	sdelay $0x4  }
0x81: {  	v56 =	vand.u32 $0xFFFF, v0  }
0x82: {  	v0 =	vshra.s32 v0, $0x10;
	[tilespmem:$0x1100] =	vst v56  }
0x83: {  	[tilespmem:$0x1300] =	vst v0  }
0x84: {  	v0 =	vld [tilespmem:s28+$0x110];
	_ =	sdelay $0x4  }
0x85: {  	v57 =	vand.u32 $0xFFFF, v0  }
0x86: {  	v0 =	vshra.s32 v0, $0x10;
	[tilespmem:$0x1110] =	vst v57  }
0x87: {  	[tilespmem:$0x1310] =	vst v0  }
0x88: {  	v0 =	vld [tilespmem:s28+$0x120];
	_ =	sdelay $0x4  }
0x89: {  	v58 =	vand.u32 $0xFFFF, v0  }
0x8a: {  	v0 =	vshra.s32 v0, $0x10;
	[tilespmem:$0x1120] =	vst v58  }
0x8b: {  	[tilespmem:$0x1320] =	vst v0  }
0x8c: {  	v0 =	vld [tilespmem:s28+$0x130];
	_ =	sdelay $0x4  }
0x8d: {  	v59 =	vand.u32 $0xFFFF, v0  }
0x8e: {  	v0 =	vshra.s32 v0, $0x10;
	[tilespmem:$0x1130] =	vst v59  }
0x8f: {  	[tilespmem:$0x1330] =	vst v0  }
0x90: {  	v0 =	vld [tilespmem:s28+$0x180];
	_ =	sdelay $0x4  }
0x91: {  	v60 =	vand.u32 $0xFFFF, v0  }
0x92: {  	v0 =	vshra.s32 v0, $0x10;
	[tilespmem:$0x1180] =	vst v60  }
0x93: {  	[tilespmem:$0x1380] =	vst v0  }
0x94: {  	v0 =	vld [tilespmem:s28+$0x190];
	_ =	sdelay $0x4  }
0x95: {  	v61 =	vand.u32 $0xFFFF, v0  }
0x96: {  	v0 =	vshra.s32 v0, $0x10;
	[tilespmem:$0x1190] =	vst v61  }
0x97: {  	[tilespmem:$0x1390] =	vst v0  }
0x98: {  	v0 =	vld [tilespmem:s28+$0x1A0];
	_ =	sdelay $0x4  }
0x99: {  	v62 =	vand.u32 $0xFFFF, v0  }
0x9a: {  	v0 =	vshra.s32 v0, $0x10;
	[tilespmem:$0x11A0] =	vst v62  }
0x9b: {  	[tilespmem:$0x13A0] =	vst v0  }
0x9c: {  	v0 =	vld [tilespmem:s28+$0x1B0];
	_ =	sdelay $0x4  }
0x9d: {  	v63 =	vand.u32 $0xFFFF, v0  }
0x9e: {  	v0 =	vshra.s32 v0, $0x10;
	[tilespmem:$0x11B0] =	vst v63  }
0x9f: {  	[tilespmem:$0x13B0] =	vst v0  }
0xa0: {  	[tilespmem:s30], [sflag:$0x1] =	stream.indirect.gather [hbm4b:s15+s12], $0x80, s0, s12, $0xb8;
	[tilespmem:$0x1B400] =	vst v63  }
0xa1: {  	_ = 	snop  }
0xa2: {  	[tilespmem:s5], [sflag:$0x2] =	stream.indirect.gather [hbm4b:s15+s12], $0x80, s4, s12, $0xb8;
	[tilespmem:$0x1B400] =	vst v63  }
0xa3: {  	_ = 	snop  }
0xa4: {  	[tilespmem:s7], [sflag:$0x3] =	stream.indirect.gather [hbm4b:s15+s12], $0x80, s6, s12, $0xb8;
	[tilespmem:$0x1B400] =	vst v63  }
0xa5: {  	_ =	swait.ge [sflag:s8], $0x2000  }
0xa6: {  	[sflag:s8] =	ssyncset.done $0x0  }
0xa7: {  	[sflag:s8] =	ssyncadd.s32 $0xFFFFE000  }
0xa8: {  	[spmem:s1] =	stream.indirect.scatter.add.f32 [tilespmem:s30], [sflag:$0x4], $0x80, s9, s12, $0xb8;
	[tilespmem:$0x1B400] =	vst v63  }
0xa9: {  	_ =	swait.ge [sflag:s10], $0x2000  }
0xaa: {  	[sflag:s10] =	ssyncset.done $0x0  }
0xab: {  	[sflag:s10] =	ssyncadd.s32 $0xFFFFE000  }
0xac: {  	[tilespmem:s30], [sflag:$0x1] =	stream.indirect.gather [hbm4b:s15+s12], $0x80, s11, s12, $0xb8;
	[tilespmem:$0x1B400] =	vst v63  }
0xad: {  	_ =	swait.ge [sflag:s13], $0x2000  }
0xae: {  	[sflag:s13] =	ssyncset.done $0x0  }
0xaf: {  	s23 =	simm.s32 $0x800;
	[sflag:s13] =	ssyncadd.s32 $0xFFFFE000  }
0xb0: {  	[spmem:s1] =	stream.indirect.scatter.add.f32 [tilespmem:s5], [sflag:$0x5], $0x80, s14, s12, $0xb8;
	[tilespmem:$0x1B400] =	vst v63  }
.LBB2_3:
0xb1: {  	p0 =	sne.s32 s23, $0x3800  }
0xb2: {  	_ =	swait.ge [sflag:s17], $0x2000;
	s24 =	smov.u32 s23;
	s23 =	sadd.s32 $0x800, s23  }
0xb3: {  	[sflag:s17] =	ssyncset.done $0x0  }
0xb4: {  	[sflag:s17] =	ssyncadd.s32 $0xFFFFE000  }
0xb5: {  	[spmem:s1] =	stream.indirect.scatter.add.f32 [tilespmem:s7], [sflag:$0x6], $0x80, s29, s12, $0xb8;
	[tilespmem:$0x1B400] =	vst v63  }
0xb6: {  	_ =	swait.ge [sflag:s8], $0x2000  }
0xb7: {  	[sflag:s8] =	ssyncset.done $0x0  }
0xb8: {  	[sflag:s8] =	ssyncadd.s32 $0xFFFFE000  }
0xb9: {  	[spmem:s1] =	stream.indirect.scatter.add.f32 [tilespmem:s30], [sflag:$0x4], $0x80, s18, s12, $0xb8;
	[tilespmem:$0x1B400] =	vst v63  }
0xba: {  	_ =	swait.ge [sflag:s19], $0x2000  }
0xbb: {  	[sflag:s19] =	ssyncset.done $0x0  }
0xbc: {  	[sflag:s19] =	ssyncadd.s32 $0xFFFFE000  }
0xbd: {  	_ =	swait.ge [sflag:s20], $0x2000  }
0xbe: {  	[sflag:s20] =	ssyncset.done $0x0  }
0xbf: {  	[sflag:s20] =	ssyncadd.s32 $0xFFFFE000  }
0xc0: {  	_ =	swait.ge [sflag:s10], $0x2000  }
0xc1: {  	[sflag:s10] =	ssyncset.done $0x0  }
0xc2: {  	[sflag:s10] =	ssyncadd.s32 $0xFFFFE000  }
0xc3: {  	s24 =	sshra.s32 s24, $0x2  }
0xc4: {  	v0 =	vld [tilespmem:s24+$0x0];
	_ =	sdelay $0x4  }
0xc5: {  	v1 =	vand.u32 $0xFFFF, v0;
	v0 =	vshra.s32 v0, $0x10  }
0xc6: {  	[tilespmem:$0x1000] =	vst v1  }
0xc7: {  	[tilespmem:$0x1200] =	vst v0  }
0xc8: {  	v0 =	vld [tilespmem:s24+$0x10];
	_ =	sdelay $0x4  }
0xc9: {  	v1 =	vand.u32 $0xFFFF, v0;
	v0 =	vshra.s32 v0, $0x10  }
0xca: {  	[tilespmem:$0x1010] =	vst v1  }
0xcb: {  	[tilespmem:$0x1210] =	vst v0  }
0xcc: {  	v0 =	vld [tilespmem:s24+$0x20];
	_ =	sdelay $0x4  }
0xcd: {  	v1 =	vand.u32 $0xFFFF, v0;
	v0 =	vshra.s32 v0, $0x10  }
0xce: {  	[tilespmem:$0x1020] =	vst v1  }
0xcf: {  	[tilespmem:$0x1220] =	vst v0  }
0xd0: {  	v0 =	vld [tilespmem:s24+$0x30];
	_ =	sdelay $0x4  }
0xd1: {  	v1 =	vand.u32 $0xFFFF, v0;
	v0 =	vshra.s32 v0, $0x10  }
0xd2: {  	[tilespmem:$0x1030] =	vst v1  }
0xd3: {  	[tilespmem:$0x1230] =	vst v0  }
0xd4: {  	v0 =	vld [tilespmem:s24+$0x80];
	_ =	sdelay $0x4  }
0xd5: {  	v1 =	vand.u32 $0xFFFF, v0;
	v0 =	vshra.s32 v0, $0x10  }
0xd6: {  	[tilespmem:$0x1080] =	vst v1  }
0xd7: {  	[tilespmem:$0x1280] =	vst v0  }
0xd8: {  	v0 =	vld [tilespmem:s24+$0x90];
	_ =	sdelay $0x4  }
0xd9: {  	v1 =	vand.u32 $0xFFFF, v0;
	v0 =	vshra.s32 v0, $0x10  }
0xda: {  	[tilespmem:$0x1090] =	vst v1  }
0xdb: {  	[tilespmem:$0x1290] =	vst v0  }
0xdc: {  	v0 =	vld [tilespmem:s24+$0xA0];
	_ =	sdelay $0x4  }
0xdd: {  	v1 =	vand.u32 $0xFFFF, v0;
	v0 =	vshra.s32 v0, $0x10  }
0xde: {  	[tilespmem:$0x10A0] =	vst v1  }
0xdf: {  	[tilespmem:$0x12A0] =	vst v0  }
0xe0: {  	v0 =	vld [tilespmem:s24+$0xB0];
	_ =	sdelay $0x4  }
0xe1: {  	v1 =	vand.u32 $0xFFFF, v0;
	v0 =	vshra.s32 v0, $0x10  }
0xe2: {  	[tilespmem:$0x10B0] =	vst v1  }
0xe3: {  	[tilespmem:$0x12B0] =	vst v0  }
0xe4: {  	v0 =	vld [tilespmem:s24+$0x100];
	_ =	sdelay $0x4  }
0xe5: {  	v1 =	vand.u32 $0xFFFF, v0;
	v0 =	vshra.s32 v0, $0x10  }
0xe6: {  	[tilespmem:$0x1100] =	vst v1  }
0xe7: {  	[tilespmem:$0x1300] =	vst v0  }
0xe8: {  	v0 =	vld [tilespmem:s24+$0x110];
	_ =	sdelay $0x4  }
0xe9: {  	v1 =	vand.u32 $0xFFFF, v0;
	v0 =	vshra.s32 v0, $0x10  }
0xea: {  	[tilespmem:$0x1110] =	vst v1  }
0xeb: {  	[tilespmem:$0x1310] =	vst v0  }
0xec: {  	v0 =	vld [tilespmem:s24+$0x120];
	_ =	sdelay $0x4  }
0xed: {  	v1 =	vand.u32 $0xFFFF, v0;
	v0 =	vshra.s32 v0, $0x10  }
0xee: {  	[tilespmem:$0x1120] =	vst v1  }
0xef: {  	[tilespmem:$0x1320] =	vst v0  }
0xf0: {  	v0 =	vld [tilespmem:s24+$0x130];
	_ =	sdelay $0x4  }
0xf1: {  	v1 =	vand.u32 $0xFFFF, v0;
	v0 =	vshra.s32 v0, $0x10  }
0xf2: {  	[tilespmem:$0x1130] =	vst v1  }
0xf3: {  	[tilespmem:$0x1330] =	vst v0  }
0xf4: {  	v0 =	vld [tilespmem:s24+$0x180];
	_ =	sdelay $0x4  }
0xf5: {  	v1 =	vand.u32 $0xFFFF, v0;
	v0 =	vshra.s32 v0, $0x10  }
0xf6: {  	[tilespmem:$0x1180] =	vst v1  }
0xf7: {  	[tilespmem:$0x1380] =	vst v0  }
0xf8: {  	v0 =	vld [tilespmem:s24+$0x190];
	_ =	sdelay $0x4  }
0xf9: {  	v1 =	vand.u32 $0xFFFF, v0;
	v0 =	vshra.s32 v0, $0x10  }
0xfa: {  	[tilespmem:$0x1190] =	vst v1  }
0xfb: {  	[tilespmem:$0x1390] =	vst v0  }
0xfc: {  	v0 =	vld [tilespmem:s24+$0x1A0];
	_ =	sdelay $0x4  }
0xfd: {  	v1 =	vand.u32 $0xFFFF, v0;
	v0 =	vshra.s32 v0, $0x10  }
0xfe: {  	[tilespmem:$0x11A0] =	vst v1  }
0xff: {  	[tilespmem:$0x13A0] =	vst v0  }
0x100: {  	v0 =	vld [tilespmem:s24+$0x1B0];
	_ =	sdelay $0x4  }
0x101: {  	v1 =	vand.u32 $0xFFFF, v0;
	v0 =	vshra.s32 v0, $0x10  }
0x102: {  	[tilespmem:$0x11B0] =	vst v1  }
0x103: {  	[tilespmem:$0x13B0] =	vst v0  }
0x104: {  	[tilespmem:s30], [sflag:$0x1] =	stream.indirect.gather [hbm4b:s15+s12], $0x80, s0, s12, $0xb8;
	[tilespmem:$0x1B400] =	vst v63  }
0x105: {  	_ = 	snop  }
0x106: {  	[tilespmem:s5], [sflag:$0x2] =	stream.indirect.gather [hbm4b:s15+s12], $0x80, s4, s12, $0xb8;
	[tilespmem:$0x1B400] =	vst v63  }
0x107: {  	_ = 	snop  }
0x108: {  	[tilespmem:s7], [sflag:$0x3] =	stream.indirect.gather [hbm4b:s15+s12], $0x80, s6, s12, $0xb8;
	[tilespmem:$0x1B400] =	vst v63  }
0x109: {  	_ =	swait.ge [sflag:s8], $0x2000  }
0x10a: {  	[sflag:s8] =	ssyncset.done $0x0  }
0x10b: {  	[sflag:s8] =	ssyncadd.s32 $0xFFFFE000  }
0x10c: {  	[spmem:s1] =	stream.indirect.scatter.add.f32 [tilespmem:s30], [sflag:$0x4], $0x80, s9, s12, $0xb8;
	[tilespmem:$0x1B400] =	vst v63  }
0x10d: {  	_ =	swait.ge [sflag:s10], $0x2000  }
0x10e: {  	[sflag:s10] =	ssyncset.done $0x0  }
0x10f: {  	[sflag:s10] =	ssyncadd.s32 $0xFFFFE000  }
0x110: {  	[tilespmem:s30], [sflag:$0x1] =	stream.indirect.gather [hbm4b:s15+s12], $0x80, s11, s12, $0xb8;
	[tilespmem:$0x1B400] =	vst v63  }
.Ltmp0:
0x111: {  	_ = 	snop;
	(pc) =	sbr.rel @p0 .LBB2_3-.Ltmp0, $4  }
0x112: {  	_ =	swait.ge [sflag:s13], $0x2000  }
0x113: {  	[sflag:s13] =	ssyncset.done $0x0  }
0x114: {  	[sflag:s13] =	ssyncadd.s32 $0xFFFFE000  }
0x115: {  	[spmem:s1] =	stream.indirect.scatter.add.f32 [tilespmem:s5], [sflag:$0x5], $0x80, s14, s12, $0xb8;
	[tilespmem:$0x1B400] =	vst v63  }
0x116: {  	_ =	swait.ge [sflag:s17], $0x2000  }
0x117: {  	[sflag:s17] =	ssyncset.done $0x0  }
0x118: {  	[sflag:s17] =	ssyncadd.s32 $0xFFFFE000  }
0x119: {  	[spmem:s1] =	stream.indirect.scatter.add.f32 [tilespmem:s7], [sflag:$0x6], $0x80, s29, s12, $0xb8;
	[tilespmem:$0x1B400] =	vst v63  }
0x11a: {  	_ =	swait.ge [sflag:s8], $0x2000  }
0x11b: {  	[sflag:s8] =	ssyncset.done $0x0  }
0x11c: {  	[sflag:s8] =	ssyncadd.s32 $0xFFFFE000  }
0x11d: {  	[spmem:s1] =	stream.indirect.scatter.add.f32 [tilespmem:s30], [sflag:$0x4], $0x80, s18, s12, $0xb8;
	[tilespmem:$0x1B400] =	vst v63  }
0x11e: {  	_ =	swait.ge [sflag:s19], $0x2000  }
0x11f: {  	[sflag:s19] =	ssyncset.done $0x0  }
0x120: {  	s22 =	sadd.s32 $0x1, s22;
	[sflag:s19] =	ssyncadd.s32 $0xFFFFE000  }
0x121: {  	p0 =	sne.s32 s22, $0x5;
	_ =	swait.ge [sflag:s20], $0x2000  }
.Ltmp1:
0x122: {  	[sflag:s20] =	ssyncset.done $0x0;
	(pc) =	sbr.rel @p0 .LBB2_2-.Ltmp1, $4  }
0x123: {  	[sflag:s20] =	ssyncadd.s32 $0xFFFFE000  }
0x124: {  	_ =	swait.ge [sflag:s10], $0x2000  }
0x125: {  	[sflag:s10] =	ssyncset.done $0x0  }
0x126: {  	[sflag:s10] =	ssyncadd.s32 $0xFFFFE000  }
0x127: {  	[bflag:$0x0] =	sbarrier.arrive $0xFFFF  }
0x128: {  	s2 =	rddreg [dreg:$0x1a]  }
0x129: {  	[tilespmem:s30], [sflag:$0x7] =	stream.linear.gather [spmem:s2], $0x2000, $0x38;
	[tilespmem:$0x1B400] =	vst v63  }
0x12a: {  	_ =	swait.ge [sflag:s31], $0x2000  }
0x12b: {  	[sflag:s31] =	ssyncset.done $0x0  }
0x12c: {  	s21 =	simm.s32 $0x0;
	s22 =	rddreg [dreg:$0x3];
	[sflag:s31] =	ssyncadd.s32 $0xFFFFE000  }
0x12d: {  	[hbm4b:s22+s21] =	stream.linear.scatter [tilespmem:s30], [sflag:$0x7], $0x2000, $0x38;
	[tilespmem:$0x1B400] =	vst v63  }
0x12e: {  	_ =	swait.ge [sflag:s31], $0x2000  }
0x12f: {  	[sflag:s31] =	ssyncset.done $0x0  }
0x130: {  	s22 =	rddreg [dreg:$0x11];
	[sflag:s31] =	ssyncadd.s32 $0xFFFFE000  }
0x131: {  	[tilespmem:s30], [sflag:$0x7] =	stream.linear.gather [spmem:s22], $0x2000, $0x38;
	[tilespmem:$0x1B400] =	vst v63  }
0x132: {  	_ =	swait.ge [sflag:s31], $0x2000  }
0x133: {  	[sflag:s31] =	ssyncset.done $0x0  }
0x134: {  	s23 =	rddreg [dreg:$0x4];
	[sflag:s31] =	ssyncadd.s32 $0xFFFFE000  }
0x135: {  	[hbm4b:s23+s21] =	stream.linear.scatter [tilespmem:s30], [sflag:$0x7], $0x2000, $0x38;
	[tilespmem:$0x1B400] =	vst v63  }
0x136: {  	_ =	swait.ge [sflag:s31], $0x2000  }
0x137: {  	[sflag:s31] =	ssyncset.done $0x0  }
0x138: {  	s24 =	rddreg [dreg:$0xf];
	[sflag:s31] =	ssyncadd.s32 $0xFFFFE000  }
0x139: {  	[tilespmem:s30], [sflag:$0x7] =	stream.linear.gather [spmem:s24], $0x2000, $0x38;
	[tilespmem:$0x1B400] =	vst v63  }
0x13a: {  	_ =	swait.ge [sflag:s31], $0x2000  }
0x13b: {  	[sflag:s31] =	ssyncset.done $0x0  }
0x13c: {  	s25 =	rddreg [dreg:$0x5];
	[sflag:s31] =	ssyncadd.s32 $0xFFFFE000  }
0x13d: {  	[hbm4b:s25+s21] =	stream.linear.scatter [tilespmem:s30], [sflag:$0x7], $0x2000, $0x38;
	[tilespmem:$0x1B400] =	vst v63  }
0x13e: {  	_ =	swait.ge [sflag:s31], $0x2000  }
0x13f: {  	[sflag:s31] =	ssyncset.done $0x0  }
0x140: {  	s25 =	rddreg [dreg:$0xe];
	[sflag:s31] =	ssyncadd.s32 $0xFFFFE000  }
0x141: {  	[tilespmem:s30], [sflag:$0x7] =	stream.linear.gather [spmem:s25], $0x2000, $0x38;
	[tilespmem:$0x1B400] =	vst v63  }
0x142: {  	_ =	swait.ge [sflag:s31], $0x2000  }
0x143: {  	[sflag:s31] =	ssyncset.done $0x0  }
0x144: {  	s26 =	rddreg [dreg:$0x6];
	[sflag:s31] =	ssyncadd.s32 $0xFFFFE000  }
0x145: {  	[hbm4b:s26+s21] =	stream.linear.scatter [tilespmem:s30], [sflag:$0x7], $0x2000, $0x38;
	[tilespmem:$0x1B400] =	vst v63  }
0x146: {  	_ =	swait.ge [sflag:s31], $0x2000  }
0x147: {  	[sflag:s31] =	ssyncset.done $0x0  }
0x148: {  	s26 =	rddreg [dreg:$0x10];
	[sflag:s31] =	ssyncadd.s32 $0xFFFFE000  }
0x149: {  	[tilespmem:s30], [sflag:$0x7] =	stream.linear.gather [spmem:s26], $0x2000, $0x38;
	[tilespmem:$0x1B400] =	vst v63  }
0x14a: {  	_ =	swait.ge [sflag:s31], $0x2000  }
0x14b: {  	[sflag:s31] =	ssyncset.done $0x0  }
0x14c: {  	s2 =	rddreg [dreg:$0x7];
	[sflag:s31] =	ssyncadd.s32 $0xFFFFE000  }
0x14d: {  	[hbm4b:s2+s21] =	stream.linear.scatter [tilespmem:s30], [sflag:$0x7], $0x2000, $0x38;
	[tilespmem:$0x1B400] =	vst v63  }
0x14e: {  	_ =	swait.ge [sflag:s31], $0x2000  }
0x14f: {  	[sflag:s31] =	ssyncset.done $0x0  }
0x150: {  	s2 =	rddreg [dreg:$0x12];
	[sflag:s31] =	ssyncadd.s32 $0xFFFFE000  }
0x151: {  	[tilespmem:s30], [sflag:$0x7] =	stream.linear.gather [spmem:s2], $0x2000, $0x38;
	[tilespmem:$0x1B400] =	vst v63  }
0x152: {  	_ =	swait.ge [sflag:s31], $0x2000  }
0x153: {  	[sflag:s31] =	ssyncset.done $0x0  }
0x154: {  	s3 =	rddreg [dreg:$0x8];
	[sflag:s31] =	ssyncadd.s32 $0xFFFFE000  }
0x155: {  	[hbm4b:s3+s21] =	stream.linear.scatter [tilespmem:s30], [sflag:$0x7], $0x2000, $0x38;
	[tilespmem:$0x1B400] =	vst v63  }
0x156: {  	_ =	swait.ge [sflag:s31], $0x2000  }
0x157: {  	[sflag:s31] =	ssyncset.done $0x0  }
0x158: {  	s28 =	rddreg [dreg:$0x13];
	[sflag:s31] =	ssyncadd.s32 $0xFFFFE000  }
0x159: {  	[tilespmem:s30], [sflag:$0x7] =	stream.linear.gather [spmem:s28], $0x2000, $0x38;
	[tilespmem:$0x1B400] =	vst v63  }
0x15a: {  	_ =	swait.ge [sflag:s31], $0x2000  }
0x15b: {  	[sflag:s31] =	ssyncset.done $0x0  }
0x15c: {  	s23 =	rddreg [dreg:$0x9];
	[sflag:s31] =	ssyncadd.s32 $0xFFFFE000  }
0x15d: {  	[hbm4b:s23+s21] =	stream.linear.scatter [tilespmem:s30], [sflag:$0x7], $0x2000, $0x38;
	[tilespmem:$0x1B400] =	vst v63  }
0x15e: {  	_ =	swait.ge [sflag:s31], $0x2000  }
0x15f: {  	[sflag:s31] =	ssyncset.done $0x0  }
0x160: {  	s23 =	rddreg [dreg:$0x14];
	[sflag:s31] =	ssyncadd.s32 $0xFFFFE000  }
0x161: {  	[tilespmem:s30], [sflag:$0x7] =	stream.linear.gather [spmem:s23], $0x2000, $0x38;
	[tilespmem:$0x1B400] =	vst v63  }
0x162: {  	_ =	swait.ge [sflag:s31], $0x2000  }
0x163: {  	[sflag:s31] =	ssyncset.done $0x0  }
0x164: {  	s24 =	rddreg [dreg:$0xa];
	[sflag:s31] =	ssyncadd.s32 $0xFFFFE000  }
0x165: {  	[hbm4b:s24+s21] =	stream.linear.scatter [tilespmem:s30], [sflag:$0x7], $0x2000, $0x38;
	[tilespmem:$0x1B400] =	vst v63  }
0x166: {  	_ =	swait.ge [sflag:s31], $0x2000  }
0x167: {  	[sflag:s31] =	ssyncset.done $0x0  }
0x168: {  	s24 =	rddreg [dreg:$0x15];
	[sflag:s31] =	ssyncadd.s32 $0xFFFFE000  }
0x169: {  	[tilespmem:s30], [sflag:$0x7] =	stream.linear.gather [spmem:s24], $0x2000, $0x38;
	[tilespmem:$0x1B400] =	vst v63  }
0x16a: {  	_ =	swait.ge [sflag:s31], $0x2000  }
0x16b: {  	[sflag:s31] =	ssyncset.done $0x0  }
0x16c: {  	s3 =	rddreg [dreg:$0xb];
	[sflag:s31] =	ssyncadd.s32 $0xFFFFE000  }
0x16d: {  	[hbm4b:s3+s21] =	stream.linear.scatter [tilespmem:s30], [sflag:$0x7], $0x2000, $0x38;
	[tilespmem:$0x1B400] =	vst v63  }
0x16e: {  	_ =	swait.ge [sflag:s31], $0x2000  }
0x16f: {  	[sflag:s31] =	ssyncset.done $0x0  }
0x170: {  	s3 =	rddreg [dreg:$0x16];
	[sflag:s31] =	ssyncadd.s32 $0xFFFFE000  }
0x171: {  	[tilespmem:s30], [sflag:$0x7] =	stream.linear.gather [spmem:s3], $0x2000, $0x38;
	[tilespmem:$0x1B400] =	vst v63  }
0x172: {  	_ =	swait.ge [sflag:s31], $0x2000  }
0x173: {  	[sflag:s31] =	ssyncset.done $0x0  }
0x174: {  	s22 =	rddreg [dreg:$0xc];
	[sflag:s31] =	ssyncadd.s32 $0xFFFFE000  }
0x175: {  	[hbm4b:s22+s21] =	stream.linear.scatter [tilespmem:s30], [sflag:$0x7], $0x2000, $0x38;
	[tilespmem:$0x1B400] =	vst v63  }
0x176: {  	_ =	swait.ge [sflag:s31], $0x2000  }
0x177: {  	s21 =	rddreg [dreg:$0x19]  }
0x178: {  	s22 =	sadd.s32 $0x1, s21;
	s21 =	rddreg [dreg:$0x18]  }
0x179: {  	p0 =	sne.s32 s22, s21  }
.Ltmp2:
0x17a: {  	_ = 	snop;
	(pc) =	sbr.rel @p0 .LBB2_1-.Ltmp2, $3  }
0x17b: {  	_ =	sdelay $0x1  }
0x17c: {  	[sflag:s31] =	ssyncset.done $0x0  }
0x17d: {  	[sflag:s31] =	ssyncadd.s32 $0xFFFFE000  }
0x17e: {  	_ =	sfence.sel $0x180000  }
0x17f: {  	[bflag:$0x0] =	sbarrier.arrive $0xFFFF  }
0x180: {  	_ =	strace $0x9000004D  }
0x181: {  	s0 =	stileid.u32;
	[bflag:$0x2] =	sbarrier.arrive $0xFFFF  }
0x182: {  	p0 =	sne.s32 s0, $0x0;
	s0 =	rddreg [dreg:$0x2]  }
0x183: {  	s0 =	sadd.s32 @!p0 $0x100000, s0  }
0x184: {  	[sflag:s0] =	ssyncadd.tile.s32 @!p0 $0x1;
	_ =	shalt  }
.Lfunc_end2:
_tile_overlayer_lowered:
.L_overlay_start_2:
0x185: {  	(tag) =	ssettag $0x2  }
0x186: {  	s0 =	rddreg [dreg:$0x0];
	s2 =	stileid.u32  }
0x187: {  	s1 =	rddreg [dreg:$0x1];
	p0 =	sne.s32 s2, $0x0  }
0x188: {  	s3 =	rddreg [dreg:$0x2];
	[bflag:$0x3] =	sbarrier.arrive $0xFFFF;
	s2 =	simm.s32 @!p0 $0x1C07  }
0x189: {  	[timem:s3], [sflag:s2] =	dma.local @!p0 [hbm:s0], s1  }
0x18a: {  	s0 =	simm.s32 @!p0 $0x7  }
0x18b: {  	_ =	swait.ge @!p0 [sflag:s0], s1  }
0x18c: {  	s1 =	ssub.s32 @!p0 $0x0, s1;
	[sflag:s0] =	ssyncset.done @!p0 $0x0  }
0x18d: {  	[sflag:s0] =	ssyncadd.s32 @!p0 s1  }
0x18e: {  	[bflag:$0x3] =	sbarrier.arrive $0xFFFF  }
0x18f: {  	_ =	shalt  }

// kernel: kernel.8.cloned.1.call-start
scs
__scs_entry_jumppad:
0x0: {  	(pc) =	sbr.rel $0x88, $3  }
0x1: {  	(tag) =	ssettag $0x0;
	lr =	simm.s32 $0x1  }
0x2: {  	[smem:$0x3F9B] =	sst lr;
	_ =	strace $0xD0000000  }
0x3: {  	_ = 	snop  }
0x4: {  	_ = 	snop  }
0x5: {  	_ = 	snop  }
0x6: {  	_ = 	snop  }
0x7: {  	_ = 	snop  }
__scs_overlays_trampoline_lowered:
0x8: {  	[smem:$0x3FAA] =	sst s0  }
0x9: {  	[smem:$0x3FAB] =	sst s1  }
0xa: {  	[smem:$0x3FAC] =	sst s2  }
0xb: {  	[smem:$0x3FAD] =	sst s3  }
0xc: {  	[smem:$0x3FAE] =	sst s4  }
0xd: {  	[smem:$0x3FAF] =	sst s5  }
0xe: {  	[smem:$0x3FB0] =	sst s6  }
0xf: {  	[smem:$0x3FB1] =	sst s7  }
0x10: {  	[smem:$0x3FB2] =	sst s8  }
0x11: {  	[smem:$0x3FB3] =	sst s9;
	s0 =	simm.s32 @!p0 $0x0  }
0x12: {  	s1 =	sld [smem:$0x3F99];
	s0 =	simm.s32 @p0 $0x1  }
0x13: {  	[smem:$0x3FB4] =	sst s0;
	s0 =	simm.s32 @!p1 $0x0  }
0x14: {  	s2 =	sld [smem:$0x3F98];
	s0 =	simm.s32 @p1 $0x1  }
0x15: {  	[smem:$0x3FB5] =	sst s0;
	s0 =	simm.s32 @!p2 $0x0  }
0x16: {  	s3 =	sld [smem:$0x3FDB];
	s0 =	simm.s32 @p2 $0x1  }
0x17: {  	s4 =	simm.s32 $0x1BF5;
	[smem:$0x3FB7] =	sst s0  }
0x18: {  	s0 =	sld [smem:$0x3F9A];
	_ =	swait.ge [sflag:s4], $0x0  }
0x19: {  	s7 =	sld [smem:$0x3F9B]  }
0x1a: {  	s8 =	sadd.s32 $0xFFFFE003, lr  }
0x1b: {  	s9 =	sadd.s32 $0xFFFFFEF7, lr;
	s5 =	simm.s32 $0xFFFFFFFF;
	p2 =	slt.u32 s8, $0xFFFFF086  }
0x1c: {  	p1 =	slt.u32 s9, $0xF7A;
	s5 =	simm.s32 @!p2 $0x0  }
0x1d: {  	s5 =	simm.s32 @p1 $0x1;
	p0 =	seq.s32 s7, s2  }
0x1e: {  	s7 =	smul.u32 @!p0 $0xF7A, s2;
	p2 =	seq.s32 @!p0 s5, $0x0  }
0x1f: {  	s9 =	smul.u32 $0xF7A, s1;
	s8 =	simm.s32 @!p0 $0x1BF5;
	p2 =	por !p2, p0  }
0x20: {  	[sflag:s8] =	ssyncset.s32 @!p0 $0xFFFFF086;
	s6 =	sadd.s32 @!p0 s3, s7;
	s7 =	simm.s32 @!p0 $0x108  }
0x21: {  	s3 =	sadd.s32 s3, s9;
	s6 =	sadd.s32 @!p0 $0x88, s6;
	s7 =	simm.s32 @p2 $0x1082  }
0x22: {  	[simem:s7], [sflag:s8] =	dma.local @!p0 [hbm:s6], $0xF7A  }
0x23: {  	s9 =	sor.u32 $0xD0000000, s2;
	s6 =	simm.s32 $0x108;
	_ =	swait.ge @!p0 [sflag:s8], $0x0  }
0x24: {  	s3 =	sadd.s32 $0x88, s3;
	s6 =	simm.s32 @!p1 $0x1082;
	[sflag:s4] =	ssyncset.s32 $0xFFFFF086  }
0x25: {  	[simem:s6], [sflag:s4] =	dma.local [hbm:s3], $0xF7A  }
0x26: {  	[smem:$0x3F9B] =	sst s1;
	(tag) =	ssettag s2;
	_ =	strace s9  }
0x27: {  	s1 =	sld [smem:$0x3FAB]  }
0x28: {  	s2 =	sld [smem:$0x3FAC]  }
0x29: {  	s4 =	sld [smem:$0x3FAE]  }
0x2a: {  	p0 =	seq.s32 s5, $0x0;
	s5 =	sld [smem:$0x3FAF]  }
0x2b: {  	s6 =	sld [smem:$0x3FB0]  }
0x2c: {  	s7 =	sld [smem:$0x3FB1]  }
0x2d: {  	s3 =	simm.s32 $0x108;
	s8 =	sld [smem:$0x3FB2]  }
0x2e: {  	s3 =	simm.s32 @!p0 $0x1082;
	s9 =	sld [smem:$0x3FB3]  }
0x2f: {  	lr =	sadd.s32 s0, s3;
	s0 =	sld [smem:$0x3FAA]  }
0x30: {  	s3 =	sld [smem:$0x3FAD]  }
0x31: {  	[smem:$0x3FB6] =	sst s10  }
0x32: {  	s10 =	sld [smem:$0x3FB4];
	_ =	sdelay $0x3  }
0x33: {  	p0 =	seq.s32 s10, $0x1;
	s10 =	sld [smem:$0x3FB6];
	_ =	sdelay $0x3  }
0x34: {  	[smem:$0x3FB6] =	sst s10  }
0x35: {  	s10 =	sld [smem:$0x3FB5];
	_ =	sdelay $0x3  }
0x36: {  	p1 =	seq.s32 s10, $0x1;
	s10 =	sld [smem:$0x3FB6];
	_ =	sdelay $0x3  }
0x37: {  	[smem:$0x3FB6] =	sst s10  }
0x38: {  	s10 =	sld [smem:$0x3FB7]  }
0x39: {  	_ = 	snop;
	(pc) =	sbr.ind lr, $3  }
0x3a: {  	_ = 	snop  }
0x3b: {  	_ = 	snop  }
0x3c: {  	p2 =	seq.s32 s10, $0x1;
	s10 =	sld [smem:$0x3FB6]  }
0x3d: {  	_ =	shalt  }
0x3e: {  	_ =	shalt  }
0x3f: {  	_ =	shalt  }
0x40: {  	_ =	shalt  }
0x41: {  	_ =	shalt  }
0x42: {  	_ =	shalt  }
0x43: {  	_ =	shalt  }
0x44: {  	_ =	shalt  }
0x45: {  	_ =	shalt  }
0x46: {  	_ =	shalt  }
0x47: {  	_ =	shalt  }
0x48: {  	_ =	shalt  }
0x49: {  	_ =	shalt  }
0x4a: {  	_ =	shalt  }
0x4b: {  	_ =	shalt  }
0x4c: {  	_ =	shalt  }
0x4d: {  	_ =	shalt  }
0x4e: {  	_ =	shalt  }
0x4f: {  	_ =	shalt  }
0x50: {  	_ =	shalt  }
0x51: {  	_ =	shalt  }
0x52: {  	_ =	shalt  }
0x53: {  	_ =	shalt  }
0x54: {  	_ =	shalt  }
0x55: {  	_ =	shalt  }
0x56: {  	_ =	shalt  }
0x57: {  	_ =	shalt  }
0x58: {  	_ =	shalt  }
0x59: {  	_ =	shalt  }
0x5a: {  	_ =	shalt  }
0x5b: {  	_ =	shalt  }
0x5c: {  	_ =	shalt  }
0x5d: {  	_ =	shalt  }
0x5e: {  	_ =	shalt  }
0x5f: {  	_ =	shalt  }
0x60: {  	_ =	shalt  }
0x61: {  	_ =	shalt  }
0x62: {  	_ =	shalt  }
0x63: {  	_ =	shalt  }
0x64: {  	_ =	shalt  }
0x65: {  	_ =	shalt  }
0x66: {  	_ =	shalt  }
0x67: {  	_ =	shalt  }
0x68: {  	_ =	shalt  }
0x69: {  	_ =	shalt  }
0x6a: {  	_ =	shalt  }
0x6b: {  	_ =	shalt  }
0x6c: {  	_ =	shalt  }
0x6d: {  	_ =	shalt  }
0x6e: {  	_ =	shalt  }
0x6f: {  	_ =	shalt  }
0x70: {  	_ =	shalt  }
0x71: {  	_ =	shalt  }
0x72: {  	_ =	shalt  }
0x73: {  	_ =	shalt  }
0x74: {  	_ =	shalt  }
0x75: {  	_ =	shalt  }
0x76: {  	_ =	shalt  }
0x77: {  	_ =	shalt  }
0x78: {  	_ =	shalt  }
0x79: {  	_ =	shalt  }
0x7a: {  	_ =	shalt  }
0x7b: {  	_ =	shalt  }
0x7c: {  	_ =	shalt  }
0x7d: {  	_ =	shalt  }
0x7e: {  	_ =	shalt  }
0x7f: {  	_ =	shalt  }
0x80: {  	_ =	shalt  }
0x81: {  	_ =	shalt  }
0x82: {  	_ =	shalt  }
0x83: {  	_ =	shalt  }
0x84: {  	_ =	shalt  }
0x85: {  	_ =	shalt  }
0x86: {  	_ =	shalt  }
0x87: {  	_ =	shalt  }
.Lfunc_end0:
.L_simem_size_0:
called_computation_lowered:
.L_overlay_start_0:
0x88: {  	s2 =	sld [smem:$0x3FD9]  }
0x89: {  	s3 =	sld [smem:$0x3FFE];
	_ =	sdelay $0x1  }
0x8a: {  	s1 =	srdreg.scid  }
0x8b: {  	s0 =	sand.u32 $0x1, s1  }
0x8c: {  	s17 =	sshll.u32 s0, $0xA;
	s2 =	sadd.s32 s3, s2  }
0x8d: {  	s2 =	sadd.s32 s2, s17  }
0x8e: {  	[smem:$0x3FC2] =	sst s2  }
0x8f: {  	_ = 	snop  }
0x90: {  	s2 =	sld [smem:$0x3FD0];
	(tm) =	ssettm $0x1  }
0x91: {  	s18 =	sld [smem:$0x3FFB];
	_ =	sdelay $0x3  }
0x92: {  	_ =	strace s18  }
0x93: {  	s3 =	sld [smem:$0x3FFC];
	_ =	sdelay $0x3  }
0x94: {  	_ =	strace s3  }
0x95: {  	s3 =	sld [smem:$0x3FFD];
	_ =	sdelay $0x3  }
0x96: {  	_ =	strace s3  }
0x97: {  	_ =	strace $0x8FFFFFFF  }
0x98: {  	s19 =	sld [smem:$0x3FDB];
	_ =	sdelay $0x1  }
0x99: {  	s4 =	simm.s32 $_scs_section_size  }
0x9a: {  	s5 =	simm.s32 $_size__tile_overlayer_lowered;
	s6 =	simm.s32 $_tile_overlayer_lowered  }
0x9b: {  	s22 =	simm.s32 $0x1BFF;
	s21 =	sshll.u32 s6, $0x1;
	s3 =	sadd.s32 s4, s19  }
0x9c: {  	s7 =	simm.s32 $0x0;
	s20 =	sshll.u32 s5, $0x1;
	s5 =	sadd.s32 s21, s3  }
0x9d: {  	[timem:s7], [sflag:s22] =	dma.local [hbm:s5], s20  }
0x9e: {  	_ =	swait.ge [sflag:s22], s20  }
0x9f: {  	s4 =	ssub.s32 $0x0, s20;
	[sflag:s22] =	ssyncset.done $0x0  }
0xa0: {  	[sflag:s22] =	ssyncadd.s32 s4;
	_ =	sdelay $0x1  }
0xa1: {  	s23 =	simm.s32 $0x1B8B  }
0xa2: {  	_ =	swait.ge [sflag:s23], $0x1  }
0xa3: {  	[sflag:s23] =	ssyncset.done $0x0  }
0xa4: {  	s25 =	simm.s32 $0x1B8E;
	s24 =	sld [smem:$0x3FFE];
	[sflag:s23] =	ssyncadd.s32 $0xFFFFFFFF  }
0xa5: {  	s26 =	simm.s32 $execute0_lowered;
	[smem:$0x3FD2] =	sst s25  }
0xa6: {  	s5 =	sshll.u32 s26, $0x1;
	_ =	strace $0x80000046;
	[dreg:$0x1] =	wrdreg $0xFFFFFFFF  }
0xa7: {  	s28 =	simm.s32 $_size_execute0_lowered;
	s3 =	sadd.s32 s3, s5;
	[dreg:$0x0] =	wrdreg $0x0  }
0xa8: {  	s5 =	sshll.u32 s28, $0x1;
	[dreg:$0x2] =	wrdreg s3  }
0xa9: {  	[dreg:$0x3] =	wrdreg s5  }
0xaa: {  	[dreg:$0x4] =	wrdreg $0xC0  }
0xab: {  	_ =	task [dreg:s7], $0x5FFFF  }
0xac: {  	[dreg:$0x1] =	wrdreg $0xFFFFFFFF  }
0xad: {  	[dreg:$0x0] =	wrdreg $0x60  }
0xae: {  	[dreg:$0x2] =	wrdreg s2  }
0xaf: {  	[dreg:$0x3] =	wrdreg s24  }
0xb0: {  	[dreg:$0x4] =	wrdreg $0x70000  }
0xb1: {  	[dreg:$0x5] =	wrdreg $0x9  }
0xb2: {  	_ =	task.clear_ibuf [dreg:s7], $0x6FFFF;
	_ =	strace $0x90000046  }
0xb3: {  	s29 =	simm.s32 $0x9;
	_ =	strace $0x80000048  }
0xb4: {  	_ =	swait.ge [sflag:s29], $0x1  }
0xb5: {  	[sflag:s29] =	ssyncadd.s32 $0xFFFFFFFF  }
0xb6: {  	_ =	strace $0x90000048  }
0xb7: {  	_ =	sfence  }
0xb8: {  	s30 =	sld [smem:$0x0];
	_ =	sdelay $0x2  }
0xb9: {  	s31 =	sshll.u32 s1, $0xD;
	s1 =	sshrl.u32 s1, $0x2  }
0xba: {  	s3 =	sand.u32 $0x4000, s31;
	s1 =	sadd.s32 s1, s30  }
0xbb: {  	s0 =	sor.u32 s3, s0;
	s1 =	sshll.u32 s1, $0x11  }
0xbc: {  	s0 =	sor.u32 s1, s0  }
0xbd: {  	s0 =	sadd.s32 $0x8F2B, s0  }
0xbe: {  	[sflag:s0] =	ssyncadd.remote.s32 $0x1  }
0xbf: {  	_ =	sfence.sel $0xFFFF  }
0xc0: {  	[dreg:$0x0] =	wrdreg $0xFFFFFFFF;
	(pc) =	sbr.abs _section_cstart, $3  }
0xc1: {  	[dreg:$0x1] =	wrdreg $0xFFFFFFFF  }
0xc2: {  	_ =	task.clear_ibuf [dreg:s7], $0x2FFFF;
	_ =	strace $0x9FFFFFFF  }
0xc3: {  	(tm) =	ssettm $0x7FFFFFFF  }
tec
execute0_lowered:
.L_overlay_start_1:
0x0: {  	(tag) =	ssettag $0x1  }
0x1: {  	s0 =	rddreg [dreg:$0x0];
	s1 =	srdreg.scid  }
0x2: {  	s3 =	rddreg [dreg:$0x1];
	s18 =	stileid.u32  }
0x3: {  	s2 =	simm.s32 $0x0;
	s30 =	simm.s32 $0x9;
	s6 =	smul.u32 $0x5000, s18  }
0x4: {  	s4 =	sand.u32 $0x1, s1;
	s1 =	rddreg [dreg:$0x2];
	s20 =	smul.u32 $0x14000, s18  }
0x5: {  	s31 =	simm.s32 $0x1;
	[smem:$0x7FF] =	sst s2;
	s5 =	smul.u32 $0x50000, s4  }
0x6: {  	s9 =	sadd.s32 $0x3200, s3;
	s7 =	ssub.s32 $0x2, s4;
	s4 =	smul.u32 $0x140000, s4  }
0x7: {  	s8 =	sshrl.u32 s7, $0x1;
	s10 =	sadd.s32 $0x8000, s20;
	s11 =	sadd.s32 $0xA000, s20  }
0x8: {  	s12 =	sadd.s32 $0xC000, s20;
	s13 =	sadd.s32 $0xE000, s20;
	s14 =	sadd.s32 $0x10000, s20  }
0x9: {  	s5 =	sadd.s32 s6, s5;
	s7 =	ssub.s32 s7, s8;
	s8 =	sadd.s32 $0x6000, s20  }
0xa: {  	s15 =	sadd.s32 s20, s4;
	s6 =	sadd.s32 $0x12000, s20;
	s17 =	sadd.s32 s4, s10  }
0xb: {  	s19 =	sadd.s32 s4, s13;
	s5 =	sshrl.u32 s5, $0x3;
	s15 =	sshrl.u32 s15, $0x3  }
0xc: {  	s23 =	sadd.s32 s4, s8;
	s25 =	sshrl.u32 s17, $0x3;
	s17 =	sadd.s32 s4, s12  }
0xd: {  	s28 =	smax.u32 s7, $0x1;
	s7 =	simm.s32 $0x6;
	s29 =	sadd.s32 s0, s5  }
0xe: {  	s0 =	sor.u32 $0x2000, s20;
	s5 =	sadd.s32 $0x4000, s20;
	s15 =	sadd.s32 s9, s15  }
0xf: {  	s24 =	sshrl.u32 s23, $0x3;
	s26 =	sadd.s32 s9, s25;
	s20 =	sshrl.u32 s17, $0x3  }
0x10: {  	s23 =	sadd.s32 s4, s14;
	s16 =	sadd.s32 s4, s0;
	[dreg:$0x4] =	wrdreg s15  }
0x11: {  	s22 =	sadd.s32 s4, s5;
	[dreg:$0x8] =	wrdreg s26;
	s16 =	sshrl.u32 s16, $0x3  }
0x12: {  	s26 =	sadd.s32 $0x2A00, s3;
	s15 =	sshrl.u32 s22, $0x3;
	s21 =	sadd.s32 s9, s16  }
0x13: {  	s3 =	sadd.s32 $0x2E00, s3;
	s15 =	sadd.s32 s9, s15;
	[dreg:$0x5] =	wrdreg s21  }
0x14: {  	s16 =	sadd.s32 s4, s11;
	s4 =	sadd.s32 s4, s6;
	[dreg:$0x6] =	wrdreg s15  }
0x15: {  	s15 =	sadd.s32 s9, s24;
	s21 =	sshrl.u32 s19, $0x3;
	s24 =	smul.u32 $0x50000, s18  }
0x16: {  	s4 =	sshrl.u32 s4, $0x3;
	s18 =	sadd.s32 s0, s1;
	s19 =	sadd.s32 s5, s1  }
0x17: {  	s0 =	simm.s32 $0x40;
	s5 =	simm.s32 $0x4;
	[dreg:$0x7] =	wrdreg s15  }
0x18: {  	s15 =	sshrl.u32 s16, $0x3;
	s22 =	sadd.s32 s9, s21;
	s4 =	sadd.s32 s9, s4  }
0x19: {  	s21 =	sadd.s32 s10, s1;
	s16 =	smov.u32 s29;
	s29 =	sadd.s32 $0x500, s29  }
0x1a: {  	s10 =	simm.s32 $0x0;
	s15 =	sadd.s32 s9, s15;
	[dreg:$0xb] =	wrdreg s22  }
0x1b: {  	[dreg:$0xd] =	wrdreg s4;
	s25 =	sshrl.u32 s24, $0x2;
	s22 =	sadd.s32 s11, s1  }
0x1c: {  	s24 =	sadd.s32 s13, s1;
	[dreg:$0x9] =	wrdreg s15;
	s15 =	sadd.s32 s9, s20  }
0x1d: {  	s4 =	simm.s32 $0x3;
	[dreg:$0xa] =	wrdreg s15;
	s15 =	sshrl.u32 s23, $0x3  }
0x1e: {  	s17 =	sadd.s32 s25, s1;
	s20 =	sadd.s32 s8, s1;
	s15 =	sadd.s32 s9, s15  }
0x1f: {  	s25 =	sadd.s32 s14, s1;
	s8 =	simm.s32 $0x7;
	[dreg:$0xc] =	wrdreg s15  }
0x20: {  	s23 =	sadd.s32 s12, s1;
	_ =	strace $0x80000047;
	[dreg:$0xe] =	wrdreg s26  }
0x21: {  	s12 =	simm.s32 $0x5000;
	s9 =	simm.s32 $0x8;
	[dreg:$0xf] =	wrdreg s3  }
0x22: {  	s26 =	sadd.s32 s6, s1;
	s3 =	simm.s32 $0x2;
	s6 =	simm.s32 $0x5  }
.LBB2_1:
0x23: {  	[tilespmem:s2], [sflag:$0x9] =	stream.linear.gather [hbm4b:s16+s2], $0x2800, $0x38;
	[tilespmem:$0x1B000] =	vst v63  }
0x24: {  	_ =	swait.ge [sflag:s30], $0x2800  }
0x25: {  	[sflag:s30] =	ssyncset.done $0x0  }
0x26: {  	s11 =	simm.s32 $0x2800;
	[sflag:s30] =	ssyncadd.s32 $0xFFFFD800  }
0x27: {  	[tilespmem:s11], [sflag:$0x9] =	stream.linear.gather [hbm4b:s29+s2], $0x2800, $0x38;
	[tilespmem:$0x1B000] =	vst v63  }
0x28: {  	_ =	swait.ge [sflag:s30], $0x2800  }
0x29: {  	[sflag:s30] =	ssyncset.done $0x0  }
0x2a: {  	s15 =	rddreg [dreg:$0xe];
	[sflag:s30] =	ssyncadd.s32 $0xFFFFD800  }
0x2b: {  	[tilespmem:s12], [sflag:$0x9] =	stream.linear.gather [hbm4b:s15+s2], $0x2000, $0x38;
	[tilespmem:$0x1B000] =	vst v63  }
0x2c: {  	_ =	swait.ge [sflag:s30], $0x2000  }
0x2d: {  	[sflag:s30] =	ssyncset.done $0x0  }
0x2e: {  	[sflag:s30] =	ssyncadd.s32 $0xFFFFE000  }
0x2f: {  	[spmem:s17] =	stream.linear.scatter [tilespmem:s12], [sflag:$0x9], $0x2000, $0x38;
	[tilespmem:$0x1B000] =	vst v63  }
0x30: {  	_ =	swait.ge [sflag:s30], $0x2000  }
0x31: {  	[sflag:s30] =	ssyncset.done $0x0  }
0x32: {  	[sflag:s30] =	ssyncadd.s32 $0xFFFFE000  }
0x33: {  	[spmem:s18] =	stream.linear.scatter [tilespmem:s12], [sflag:$0x9], $0x2000, $0x38;
	[tilespmem:$0x1B000] =	vst v63  }
0x34: {  	_ =	swait.ge [sflag:s30], $0x2000  }
0x35: {  	[sflag:s30] =	ssyncset.done $0x0  }
0x36: {  	[sflag:s30] =	ssyncadd.s32 $0xFFFFE000  }
0x37: {  	[spmem:s19] =	stream.linear.scatter [tilespmem:s12], [sflag:$0x9], $0x2000, $0x38;
	[tilespmem:$0x1B000] =	vst v63  }
0x38: {  	_ =	swait.ge [sflag:s30], $0x2000  }
0x39: {  	[sflag:s30] =	ssyncset.done $0x0  }
0x3a: {  	[sflag:s30] =	ssyncadd.s32 $0xFFFFE000  }
0x3b: {  	[spmem:s20] =	stream.linear.scatter [tilespmem:s12], [sflag:$0x9], $0x2000, $0x38;
	[tilespmem:$0x1B000] =	vst v63  }
0x3c: {  	_ =	swait.ge [sflag:s30], $0x2000  }
0x3d: {  	[sflag:s30] =	ssyncset.done $0x0  }
0x3e: {  	[sflag:s30] =	ssyncadd.s32 $0xFFFFE000  }
0x3f: {  	[spmem:s21] =	stream.linear.scatter [tilespmem:s12], [sflag:$0x9], $0x2000, $0x38;
	[tilespmem:$0x1B000] =	vst v63  }
0x40: {  	_ =	swait.ge [sflag:s30], $0x2000  }
0x41: {  	[sflag:s30] =	ssyncset.done $0x0  }
0x42: {  	[sflag:s30] =	ssyncadd.s32 $0xFFFFE000  }
0x43: {  	[spmem:s22] =	stream.linear.scatter [tilespmem:s12], [sflag:$0x9], $0x2000, $0x38;
	[tilespmem:$0x1B000] =	vst v63  }
0x44: {  	_ =	swait.ge [sflag:s30], $0x2000  }
0x45: {  	[sflag:s30] =	ssyncset.done $0x0  }
0x46: {  	[sflag:s30] =	ssyncadd.s32 $0xFFFFE000  }
0x47: {  	[spmem:s23] =	stream.linear.scatter [tilespmem:s12], [sflag:$0x9], $0x2000, $0x38;
	[tilespmem:$0x1B000] =	vst v63  }
0x48: {  	_ =	swait.ge [sflag:s30], $0x2000  }
0x49: {  	[sflag:s30] =	ssyncset.done $0x0  }
0x4a: {  	[sflag:s30] =	ssyncadd.s32 $0xFFFFE000  }
0x4b: {  	[spmem:s24] =	stream.linear.scatter [tilespmem:s12], [sflag:$0x9], $0x2000, $0x38;
	[tilespmem:$0x1B000] =	vst v63  }
0x4c: {  	_ =	swait.ge [sflag:s30], $0x2000  }
0x4d: {  	[sflag:s30] =	ssyncset.done $0x0  }
0x4e: {  	[sflag:s30] =	ssyncadd.s32 $0xFFFFE000  }
0x4f: {  	[spmem:s25] =	stream.linear.scatter [tilespmem:s12], [sflag:$0x9], $0x2000, $0x38;
	[tilespmem:$0x1B000] =	vst v63  }
0x50: {  	_ =	swait.ge [sflag:s30], $0x2000  }
0x51: {  	[sflag:s30] =	ssyncset.done $0x0  }
0x52: {  	[sflag:s30] =	ssyncadd.s32 $0xFFFFE000  }
0x53: {  	[spmem:s26] =	stream.linear.scatter [tilespmem:s12], [sflag:$0x9], $0x2000, $0x38;
	[tilespmem:$0x1B000] =	vst v63  }
0x54: {  	_ =	swait.ge [sflag:s30], $0x2000  }
0x55: {  	[sflag:s30] =	ssyncset.done $0x0  }
0x56: {  	[sflag:s30] =	ssyncadd.s32 $0xFFFFE000  }
0x57: {  	[bflag:$0x0] =	sbarrier.arrive $0xFFFF  }
0x58: {  	s13 =	rddreg [dreg:$0xf]  }
0x59: {  	[tilespmem:s12], [sflag:$0x9] =	stream.linear.gather [hbm4b:s13+s2], $0x2000, $0x38;
	[tilespmem:$0x1B000] =	vst v63  }
0x5a: {  	_ =	swait.ge [sflag:s30], $0x2000  }
0x5b: {  	[sflag:s30] =	ssyncset.done $0x0  }
0x5c: {  	s14 =	simm.s32 $0x0;
	[sflag:s30] =	ssyncadd.s32 $0xFFFFE000  }
0x5d: {  	[spmem:s1] =	stream.indirect.scatter.add.f32 [tilespmem:s12], [sflag:$0x1], $0x80, s14, s0, $0xb8;
	[tilespmem:$0x1B000] =	vst v63  }
0x5e: {  	s15 =	simm.s32 $0x80  }
0x5f: {  	[spmem:s1] =	stream.indirect.scatter.add.f32 [tilespmem:s12], [sflag:$0x2], $0x80, s15, s0, $0xb8;
	[tilespmem:$0x1B000] =	vst v63  }
0x60: {  	s13 =	simm.s32 $0x100  }
0x61: {  	[spmem:s1] =	stream.indirect.scatter.add.f32 [tilespmem:s12], [sflag:$0x3], $0x80, s13, s0, $0xb8;
	[tilespmem:$0x1B000] =	vst v63  }
0x62: {  	s14 =	simm.s32 $0x180  }
0x63: {  	[spmem:s1] =	stream.indirect.scatter.add.f32 [tilespmem:s12], [sflag:$0x4], $0x80, s14, s0, $0xb8;
	[tilespmem:$0x1B000] =	vst v63  }
0x64: {  	s15 =	simm.s32 $0x200  }
0x65: {  	[spmem:s1] =	stream.indirect.scatter.add.f32 [tilespmem:s12], [sflag:$0x5], $0x80, s15, s0, $0xb8;
	[tilespmem:$0x1B000] =	vst v63  }
0x66: {  	s13 =	simm.s32 $0x280  }
0x67: {  	[spmem:s1] =	stream.indirect.scatter.add.f32 [tilespmem:s12], [sflag:$0x6], $0x80, s13, s0, $0xb8;
	[tilespmem:$0x1B000] =	vst v63  }
0x68: {  	s14 =	simm.s32 $0x300  }
0x69: {  	[spmem:s1] =	stream.indirect.scatter.add.f32 [tilespmem:s12], [sflag:$0x7], $0x80, s14, s0, $0xb8;
	[tilespmem:$0x1B000] =	vst v63  }
0x6a: {  	s15 =	simm.s32 $0x380  }
0x6b: {  	[spmem:s1] =	stream.indirect.scatter.add.f32 [tilespmem:s12], [sflag:$0x8], $0x80, s15, s0, $0xb8;
	[tilespmem:$0x1B000] =	vst v63  }
0x6c: {  	_ =	swait.ge [sflag:s31], $0x2000  }
0x6d: {  	[sflag:s31] =	ssyncset.done $0x0  }
0x6e: {  	[sflag:s31] =	ssyncadd.s32 $0xFFFFE000  }
0x6f: {  	_ =	swait.ge [sflag:s3], $0x2000  }
0x70: {  	[sflag:s3] =	ssyncset.done $0x0  }
0x71: {  	[sflag:s3] =	ssyncadd.s32 $0xFFFFE000  }
0x72: {  	_ =	swait.ge [sflag:s4], $0x2000  }
0x73: {  	[sflag:s4] =	ssyncset.done $0x0  }
0x74: {  	[sflag:s4] =	ssyncadd.s32 $0xFFFFE000  }
0x75: {  	_ =	swait.ge [sflag:s5], $0x2000  }
0x76: {  	[sflag:s5] =	ssyncset.done $0x0  }
0x77: {  	[sflag:s5] =	ssyncadd.s32 $0xFFFFE000  }
0x78: {  	_ =	swait.ge [sflag:s6], $0x2000  }
0x79: {  	[sflag:s6] =	ssyncset.done $0x0  }
0x7a: {  	[sflag:s6] =	ssyncadd.s32 $0xFFFFE000  }
0x7b: {  	_ =	swait.ge [sflag:s7], $0x2000  }
0x7c: {  	[sflag:s7] =	ssyncset.done $0x0  }
0x7d: {  	[sflag:s7] =	ssyncadd.s32 $0xFFFFE000  }
0x7e: {  	_ =	swait.ge [sflag:s8], $0x2000  }
0x7f: {  	[sflag:s8] =	ssyncset.done $0x0  }
0x80: {  	[sflag:s8] =	ssyncadd.s32 $0xFFFFE000  }
0x81: {  	_ =	swait.ge [sflag:s9], $0x2000  }
0x82: {  	s11 =	simm.s32 $0x1000;
	s13 =	simm.s32 $0x2000;
	[sflag:s9] =	ssyncset.done $0x0  }
.LBB2_2:
0x83: {  	s15 =	sshra.s32 s11, $0x2  }
0x84: {  	[sflag:s9] =	ssyncadd.s32 $0xFFFFE000;
	s11 =	smov.u32 s13;
	s14 =	sadd.s32 $0x1000, s13  }
0x85: {  	[spmem:s1] =	stream.indirect.scatter.add.f32 [tilespmem:s12], [sflag:$0x1], $0x80, s15, s0, $0xb8;
	[tilespmem:$0x1B000] =	vst v63  }
0x86: {  	p0 =	sne.s32 s13, $0x13000;
	s13 =	sadd.s32 $0x80, s15  }
0x87: {  	[spmem:s1] =	stream.indirect.scatter.add.f32 [tilespmem:s12], [sflag:$0x2], $0x80, s13, s0, $0xb8;
	[tilespmem:$0x1B000] =	vst v63  }
0x88: {  	s13 =	sadd.s32 $0x100, s15  }
0x89: {  	[spmem:s1] =	stream.indirect.scatter.add.f32 [tilespmem:s12], [sflag:$0x3], $0x80, s13, s0, $0xb8;
	[tilespmem:$0x1B000] =	vst v63  }
0x8a: {  	s13 =	sadd.s32 $0x180, s15  }
0x8b: {  	[spmem:s1] =	stream.indirect.scatter.add.f32 [tilespmem:s12], [sflag:$0x4], $0x80, s13, s0, $0xb8;
	[tilespmem:$0x1B000] =	vst v63  }
0x8c: {  	s13 =	sadd.s32 $0x200, s15  }
0x8d: {  	[spmem:s1] =	stream.indirect.scatter.add.f32 [tilespmem:s12], [sflag:$0x5], $0x80, s13, s0, $0xb8;
	[tilespmem:$0x1B000] =	vst v63  }
0x8e: {  	s13 =	sadd.s32 $0x280, s15  }
0x8f: {  	[spmem:s1] =	stream.indirect.scatter.add.f32 [tilespmem:s12], [sflag:$0x6], $0x80, s13, s0, $0xb8;
	[tilespmem:$0x1B000] =	vst v63  }
0x90: {  	s13 =	sadd.s32 $0x300, s15  }
0x91: {  	[spmem:s1] =	stream.indirect.scatter.add.f32 [tilespmem:s12], [sflag:$0x7], $0x80, s13, s0, $0xb8;
	[tilespmem:$0x1B000] =	vst v63  }
0x92: {  	s13 =	sadd.s32 $0x380, s15  }
0x93: {  	[spmem:s1] =	stream.indirect.scatter.add.f32 [tilespmem:s12], [sflag:$0x8], $0x80, s13, s0, $0xb8;
	[tilespmem:$0x1B000] =	vst v63  }
0x94: {  	_ =	swait.ge [sflag:s31], $0x2000  }
0x95: {  	[sflag:s31] =	ssyncset.done $0x0  }
0x96: {  	[sflag:s31] =	ssyncadd.s32 $0xFFFFE000  }
0x97: {  	_ =	swait.ge [sflag:s3], $0x2000  }
0x98: {  	[sflag:s3] =	ssyncset.done $0x0  }
0x99: {  	[sflag:s3] =	ssyncadd.s32 $0xFFFFE000  }
0x9a: {  	_ =	swait.ge [sflag:s4], $0x2000  }
0x9b: {  	[sflag:s4] =	ssyncset.done $0x0  }
0x9c: {  	[sflag:s4] =	ssyncadd.s32 $0xFFFFE000  }
0x9d: {  	_ =	swait.ge [sflag:s5], $0x2000  }
0x9e: {  	[sflag:s5] =	ssyncset.done $0x0  }
0x9f: {  	[sflag:s5] =	ssyncadd.s32 $0xFFFFE000  }
0xa0: {  	_ =	swait.ge [sflag:s6], $0x2000  }
0xa1: {  	[sflag:s6] =	ssyncset.done $0x0  }
0xa2: {  	[sflag:s6] =	ssyncadd.s32 $0xFFFFE000  }
0xa3: {  	_ =	swait.ge [sflag:s7], $0x2000  }
0xa4: {  	[sflag:s7] =	ssyncset.done $0x0  }
0xa5: {  	[sflag:s7] =	ssyncadd.s32 $0xFFFFE000  }
.Ltmp0:
0xa6: {  	_ =	swait.ge [sflag:s8], $0x2000;
	(pc) =	sbr.rel @p0 .LBB2_2-.Ltmp0, $4  }
0xa7: {  	[sflag:s8] =	ssyncset.done $0x0  }
0xa8: {  	[sflag:s8] =	ssyncadd.s32 $0xFFFFE000  }
0xa9: {  	_ =	swait.ge [sflag:s9], $0x2000  }
0xaa: {  	s13 =	smov.u32 s14;
	[sflag:s9] =	ssyncset.done $0x0  }
0xab: {  	s11 =	sshra.s32 s11, $0x2;
	[sflag:s9] =	ssyncadd.s32 $0xFFFFE000  }
0xac: {  	[spmem:s1] =	stream.indirect.scatter.add.f32 [tilespmem:s12], [sflag:$0x1], $0x80, s11, s0, $0xb8;
	[tilespmem:$0x1B000] =	vst v63  }
0xad: {  	s13 =	sadd.s32 $0x80, s11  }
0xae: {  	[spmem:s1] =	stream.indirect.scatter.add.f32 [tilespmem:s12], [sflag:$0x2], $0x80, s13, s0, $0xb8;
	[tilespmem:$0x1B000] =	vst v63  }
0xaf: {  	s14 =	sadd.s32 $0x100, s11  }
0xb0: {  	[spmem:s1] =	stream.indirect.scatter.add.f32 [tilespmem:s12], [sflag:$0x3], $0x80, s14, s0, $0xb8;
	[tilespmem:$0x1B000] =	vst v63  }
0xb1: {  	s15 =	sadd.s32 $0x180, s11  }
0xb2: {  	[spmem:s1] =	stream.indirect.scatter.add.f32 [tilespmem:s12], [sflag:$0x4], $0x80, s15, s0, $0xb8;
	[tilespmem:$0x1B000] =	vst v63  }
0xb3: {  	s14 =	sadd.s32 $0x200, s11  }
0xb4: {  	[spmem:s1] =	stream.indirect.scatter.add.f32 [tilespmem:s12], [sflag:$0x5], $0x80, s14, s0, $0xb8;
	[tilespmem:$0x1B000] =	vst v63  }
0xb5: {  	s15 =	sadd.s32 $0x280, s11  }
0xb6: {  	[spmem:s1] =	stream.indirect.scatter.add.f32 [tilespmem:s12], [sflag:$0x6], $0x80, s15, s0, $0xb8;
	[tilespmem:$0x1B000] =	vst v63  }
0xb7: {  	s14 =	sadd.s32 $0x300, s11  }
0xb8: {  	[spmem:s1] =	stream.indirect.scatter.add.f32 [tilespmem:s12], [sflag:$0x7], $0x80, s14, s0, $0xb8;
	[tilespmem:$0x1B000] =	vst v63  }
0xb9: {  	s11 =	sadd.s32 $0x380, s11  }
0xba: {  	[spmem:s1] =	stream.indirect.scatter.add.f32 [tilespmem:s12], [sflag:$0x8], $0x80, s11, s0, $0xb8;
	[tilespmem:$0x1B000] =	vst v63  }
0xbb: {  	_ =	swait.ge [sflag:s31], $0x2000  }
0xbc: {  	[sflag:s31] =	ssyncset.done $0x0  }
0xbd: {  	[sflag:s31] =	ssyncadd.s32 $0xFFFFE000  }
0xbe: {  	_ =	swait.ge [sflag:s3], $0x2000  }
0xbf: {  	[sflag:s3] =	ssyncset.done $0x0  }
0xc0: {  	[sflag:s3] =	ssyncadd.s32 $0xFFFFE000  }
0xc1: {  	_ =	swait.ge [sflag:s4], $0x2000  }
0xc2: {  	[sflag:s4] =	ssyncset.done $0x0  }
0xc3: {  	[sflag:s4] =	ssyncadd.s32 $0xFFFFE000  }
0xc4: {  	_ =	swait.ge [sflag:s5], $0x2000  }
0xc5: {  	[sflag:s5] =	ssyncset.done $0x0  }
0xc6: {  	[sflag:s5] =	ssyncadd.s32 $0xFFFFE000  }
0xc7: {  	_ =	swait.ge [sflag:s6], $0x2000  }
0xc8: {  	[sflag:s6] =	ssyncset.done $0x0  }
0xc9: {  	[sflag:s6] =	ssyncadd.s32 $0xFFFFE000  }
0xca: {  	_ =	swait.ge [sflag:s7], $0x2000  }
0xcb: {  	[sflag:s7] =	ssyncset.done $0x0  }
0xcc: {  	[sflag:s7] =	ssyncadd.s32 $0xFFFFE000  }
0xcd: {  	_ =	swait.ge [sflag:s8], $0x2000  }
0xce: {  	[sflag:s8] =	ssyncset.done $0x0  }
0xcf: {  	[sflag:s8] =	ssyncadd.s32 $0xFFFFE000  }
0xd0: {  	_ =	swait.ge [sflag:s9], $0x2000  }
0xd1: {  	[sflag:s9] =	ssyncset.done $0x0  }
0xd2: {  	[sflag:s9] =	ssyncadd.s32 $0xFFFFE000  }
0xd3: {  	[bflag:$0x0] =	sbarrier.arrive $0xFFFF  }
0xd4: {  	[tilespmem:s12], [sflag:$0x9] =	stream.linear.gather [spmem:s17], $0x2000, $0x38;
	[tilespmem:$0x1B000] =	vst v63  }
0xd5: {  	_ =	swait.ge [sflag:s30], $0x2000  }
0xd6: {  	[sflag:s30] =	ssyncset.done $0x0  }
0xd7: {  	s15 =	rddreg [dreg:$0x4];
	[sflag:s30] =	ssyncadd.s32 $0xFFFFE000  }
0xd8: {  	[hbm4b:s15+s2] =	stream.linear.scatter [tilespmem:s12], [sflag:$0x9], $0x2000, $0x38;
	[tilespmem:$0x1B000] =	vst v63  }
0xd9: {  	_ =	swait.ge [sflag:s30], $0x2000  }
0xda: {  	[sflag:s30] =	ssyncset.done $0x0  }
0xdb: {  	[sflag:s30] =	ssyncadd.s32 $0xFFFFE000  }
0xdc: {  	[tilespmem:s12], [sflag:$0x9] =	stream.linear.gather [spmem:s18], $0x2000, $0x38;
	[tilespmem:$0x1B000] =	vst v63  }
0xdd: {  	_ =	swait.ge [sflag:s30], $0x2000  }
0xde: {  	[sflag:s30] =	ssyncset.done $0x0  }
0xdf: {  	s13 =	rddreg [dreg:$0x5];
	[sflag:s30] =	ssyncadd.s32 $0xFFFFE000  }
0xe0: {  	[hbm4b:s13+s2] =	stream.linear.scatter [tilespmem:s12], [sflag:$0x9], $0x2000, $0x38;
	[tilespmem:$0x1B000] =	vst v63  }
0xe1: {  	_ =	swait.ge [sflag:s30], $0x2000  }
0xe2: {  	[sflag:s30] =	ssyncset.done $0x0  }
0xe3: {  	[sflag:s30] =	ssyncadd.s32 $0xFFFFE000  }
0xe4: {  	[tilespmem:s12], [sflag:$0x9] =	stream.linear.gather [spmem:s19], $0x2000, $0x38;
	[tilespmem:$0x1B000] =	vst v63  }
0xe5: {  	_ =	swait.ge [sflag:s30], $0x2000  }
0xe6: {  	[sflag:s30] =	ssyncset.done $0x0  }
0xe7: {  	s14 =	rddreg [dreg:$0x6];
	[sflag:s30] =	ssyncadd.s32 $0xFFFFE000  }
0xe8: {  	[hbm4b:s14+s2] =	stream.linear.scatter [tilespmem:s12], [sflag:$0x9], $0x2000, $0x38;
	[tilespmem:$0x1B000] =	vst v63  }
0xe9: {  	_ =	swait.ge [sflag:s30], $0x2000  }
0xea: {  	[sflag:s30] =	ssyncset.done $0x0  }
0xeb: {  	[sflag:s30] =	ssyncadd.s32 $0xFFFFE000  }
0xec: {  	[tilespmem:s12], [sflag:$0x9] =	stream.linear.gather [spmem:s20], $0x2000, $0x38;
	[tilespmem:$0x1B000] =	vst v63  }
0xed: {  	_ =	swait.ge [sflag:s30], $0x2000  }
0xee: {  	[sflag:s30] =	ssyncset.done $0x0  }
0xef: {  	s15 =	rddreg [dreg:$0x7];
	[sflag:s30] =	ssyncadd.s32 $0xFFFFE000  }
0xf0: {  	[hbm4b:s15+s2] =	stream.linear.scatter [tilespmem:s12], [sflag:$0x9], $0x2000, $0x38;
	[tilespmem:$0x1B000] =	vst v63  }
0xf1: {  	_ =	swait.ge [sflag:s30], $0x2000  }
0xf2: {  	[sflag:s30] =	ssyncset.done $0x0  }
0xf3: {  	[sflag:s30] =	ssyncadd.s32 $0xFFFFE000  }
0xf4: {  	[tilespmem:s12], [sflag:$0x9] =	stream.linear.gather [spmem:s21], $0x2000, $0x38;
	[tilespmem:$0x1B000] =	vst v63  }
0xf5: {  	_ =	swait.ge [sflag:s30], $0x2000  }
0xf6: {  	[sflag:s30] =	ssyncset.done $0x0  }
0xf7: {  	s13 =	rddreg [dreg:$0x8];
	[sflag:s30] =	ssyncadd.s32 $0xFFFFE000  }
0xf8: {  	[hbm4b:s13+s2] =	stream.linear.scatter [tilespmem:s12], [sflag:$0x9], $0x2000, $0x38;
	[tilespmem:$0x1B000] =	vst v63  }
0xf9: {  	_ =	swait.ge [sflag:s30], $0x2000  }
0xfa: {  	[sflag:s30] =	ssyncset.done $0x0  }
0xfb: {  	[sflag:s30] =	ssyncadd.s32 $0xFFFFE000  }
0xfc: {  	[tilespmem:s12], [sflag:$0x9] =	stream.linear.gather [spmem:s22], $0x2000, $0x38;
	[tilespmem:$0x1B000] =	vst v63  }
0xfd: {  	_ =	swait.ge [sflag:s30], $0x2000  }
0xfe: {  	[sflag:s30] =	ssyncset.done $0x0  }
0xff: {  	s14 =	rddreg [dreg:$0x9];
	[sflag:s30] =	ssyncadd.s32 $0xFFFFE000  }
0x100: {  	[hbm4b:s14+s2] =	stream.linear.scatter [tilespmem:s12], [sflag:$0x9], $0x2000, $0x38;
	[tilespmem:$0x1B000] =	vst v63  }
0x101: {  	_ =	swait.ge [sflag:s30], $0x2000  }
0x102: {  	[sflag:s30] =	ssyncset.done $0x0  }
0x103: {  	[sflag:s30] =	ssyncadd.s32 $0xFFFFE000  }
0x104: {  	[tilespmem:s12], [sflag:$0x9] =	stream.linear.gather [spmem:s23], $0x2000, $0x38;
	[tilespmem:$0x1B000] =	vst v63  }
0x105: {  	_ =	swait.ge [sflag:s30], $0x2000  }
0x106: {  	[sflag:s30] =	ssyncset.done $0x0  }
0x107: {  	s15 =	rddreg [dreg:$0xa];
	[sflag:s30] =	ssyncadd.s32 $0xFFFFE000  }
0x108: {  	[hbm4b:s15+s2] =	stream.linear.scatter [tilespmem:s12], [sflag:$0x9], $0x2000, $0x38;
	[tilespmem:$0x1B000] =	vst v63  }
0x109: {  	_ =	swait.ge [sflag:s30], $0x2000  }
0x10a: {  	[sflag:s30] =	ssyncset.done $0x0  }
0x10b: {  	[sflag:s30] =	ssyncadd.s32 $0xFFFFE000  }
0x10c: {  	[tilespmem:s12], [sflag:$0x9] =	stream.linear.gather [spmem:s24], $0x2000, $0x38;
	[tilespmem:$0x1B000] =	vst v63  }
0x10d: {  	_ =	swait.ge [sflag:s30], $0x2000  }
0x10e: {  	[sflag:s30] =	ssyncset.done $0x0  }
0x10f: {  	s13 =	rddreg [dreg:$0xb];
	[sflag:s30] =	ssyncadd.s32 $0xFFFFE000  }
0x110: {  	[hbm4b:s13+s2] =	stream.linear.scatter [tilespmem:s12], [sflag:$0x9], $0x2000, $0x38;
	[tilespmem:$0x1B000] =	vst v63  }
0x111: {  	_ =	swait.ge [sflag:s30], $0x2000  }
0x112: {  	[sflag:s30] =	ssyncset.done $0x0  }
0x113: {  	[sflag:s30] =	ssyncadd.s32 $0xFFFFE000  }
0x114: {  	[tilespmem:s12], [sflag:$0x9] =	stream.linear.gather [spmem:s25], $0x2000, $0x38;
	[tilespmem:$0x1B000] =	vst v63  }
0x115: {  	_ =	swait.ge [sflag:s30], $0x2000  }
0x116: {  	[sflag:s30] =	ssyncset.done $0x0  }
0x117: {  	s14 =	rddreg [dreg:$0xc];
	[sflag:s30] =	ssyncadd.s32 $0xFFFFE000  }
0x118: {  	[hbm4b:s14+s2] =	stream.linear.scatter [tilespmem:s12], [sflag:$0x9], $0x2000, $0x38;
	[tilespmem:$0x1B000] =	vst v63  }
0x119: {  	_ =	swait.ge [sflag:s30], $0x2000  }
0x11a: {  	[sflag:s30] =	ssyncset.done $0x0  }
0x11b: {  	[sflag:s30] =	ssyncadd.s32 $0xFFFFE000  }
0x11c: {  	[tilespmem:s12], [sflag:$0x9] =	stream.linear.gather [spmem:s26], $0x2000, $0x38;
	[tilespmem:$0x1B000] =	vst v63  }
0x11d: {  	s10 =	sadd.s32 $0x1, s10;
	_ =	swait.ge [sflag:s30], $0x2000  }
0x11e: {  	p0 =	sne.s32 s10, s28;
	[sflag:s30] =	ssyncset.done $0x0  }
.Ltmp1:
0x11f: {  	s15 =	rddreg [dreg:$0xd];
	[sflag:s30] =	ssyncadd.s32 $0xFFFFE000;
	(pc) =	sbr.rel @p0 .LBB2_1-.Ltmp1, $4  }
0x120: {  	[hbm4b:s15+s2] =	stream.linear.scatter [tilespmem:s12], [sflag:$0x9], $0x2000, $0x38;
	[tilespmem:$0x1B000] =	vst v63  }
0x121: {  	_ =	swait.ge [sflag:s30], $0x2000  }
0x122: {  	[sflag:s30] =	ssyncset.done $0x0  }
0x123: {  	[sflag:s30] =	ssyncadd.s32 $0xFFFFE000  }
0x124: {  	_ =	sfence.sel $0x180000  }
0x125: {  	[bflag:$0x0] =	sbarrier.arrive $0xFFFF  }
0x126: {  	_ =	strace $0x90000047  }
0x127: {  	s0 =	stileid.u32;
	[bflag:$0x2] =	sbarrier.arrive $0xFFFF  }
0x128: {  	p0 =	sne.s32 s0, $0x0;
	s0 =	rddreg [dreg:$0x3]  }
0x129: {  	s0 =	sadd.s32 @!p0 $0x100000, s0  }
0x12a: {  	[sflag:s0] =	ssyncadd.tile.s32 @!p0 $0x1;
	_ =	shalt  }
.Lfunc_end2:
_tile_overlayer_lowered:
.L_overlay_start_2:
0x12b: {  	(tag) =	ssettag $0x2  }
0x12c: {  	s0 =	rddreg [dreg:$0x0];
	s2 =	stileid.u32  }
0x12d: {  	s1 =	rddreg [dreg:$0x1];
	p0 =	sne.s32 s2, $0x0  }
0x12e: {  	s3 =	rddreg [dreg:$0x2];
	[bflag:$0x3] =	sbarrier.arrive $0xFFFF;
	s2 =	simm.s32 @!p0 $0x1C09  }
0x12f: {  	[timem:s3], [sflag:s2] =	dma.local @!p0 [hbm:s0], s1  }
0x130: {  	s0 =	simm.s32 @!p0 $0x9  }
0x131: {  	_ =	swait.ge @!p0 [sflag:s0], s1  }
0x132: {  	s1 =	ssub.s32 @!p0 $0x0, s1;
	[sflag:s0] =	ssyncset.done @!p0 $0x0  }
0x133: {  	[sflag:s0] =	ssyncadd.s32 @!p0 s1  }
0x134: {  	[bflag:$0x3] =	sbarrier.arrive $0xFFFF  }
0x135: {  	_ =	shalt  }

</sc_bundles>
